<compile_context>
chip_gen: v7x
topology: tpu7x:2x2x1
jax: 0.10.2.dev20260603
libtpu: 0.0.44.dev20260713+nightly
codegen_flags: <defaults>
</compile_context>

<pallas_src>
import functools

import jax
import jax.numpy as jnp
from jax import lax
from jax.experimental import pallas as pl
from jax.experimental.pallas import tpu as pltpu
from jax.experimental.pallas import tpu_sc as plsc

N_NODES = 10000
D = 256
HALF = 128
C = 128
DC = 128
NS = 16
NC = 2
EPT = 10240
NCHUNK = EPT // C
EPW = 5120
DCHUNK = EPW // DC
E_PAD = EPT * NS
N_PAD = 10112
RC = 128
RCHUNKS = N_PAD // RC
N_TRASH = N_PAD - N_NODES


def _scatter_body(g0, g1, idx3, o0, o1, acc, idxa, idxb, idxc, idxd,
                  bufa, bufb, sema, semb, semia, semib, semic, semid):
    c = lax.axis_index("c")
    s = lax.axis_index("s")

    def run(g_hbm, out_hbm):
        for j in range(5):
            k = s * 5 + j

            @pl.when(k < RCHUNKS)
            def _():
                rows = pl.ds(k * RC, RC)
                pltpu.async_copy(g_hbm.at[rows], acc.at[rows], sema)

        for j in range(5):
            k = s * 5 + j

            @pl.when(k < RCHUNKS)
            def _():
                rows = pl.ds(k * RC, RC)
                pltpu.make_async_copy(g_hbm.at[rows], acc.at[rows], sema).wait()

        plsc.subcore_barrier()

        def fetch_idx(k, ibuf, sem):
            pltpu.async_copy(idx3.at[s, k], ibuf, sem)

        def wait_idx(k, ibuf, sem):
            pltpu.make_async_copy(idx3.at[s, k], ibuf, sem).wait()

        def gather(ibuf, buf, sem):
            pltpu.async_copy(g_hbm.at[ibuf.at[0]], buf, sem)

        def wait_gather(ibuf, buf, sem):
            pltpu.make_async_copy(g_hbm.at[ibuf.at[0]], buf, sem).wait()

        def scatter(ibuf, buf):
            pltpu.sync_copy(buf, acc.at[ibuf.at[1]], add=True)

        ibufs = (idxa, idxb, idxc, idxd)
        isems = (semia, semib, semic, semid)
        for k in range(4):
            fetch_idx(k, ibufs[k], isems[k])
        wait_idx(0, idxa, semia)
        gather(idxa, bufa, sema)

        def body2(t, carry):
            k0 = 4 * t

            def half(kk, ia, sa, ib, sb, ja, jb, sja, sjb):
                wait_idx(kk + 1, ib, sb)
                gather(ib, bufb, semb)
                wait_gather(ia, bufa, sema)
                scatter(ia, bufa)

                @pl.when(kk + 2 < NCHUNK)
                def _():
                    wait_idx(kk + 2, ja, sja)
                    gather(ja, bufa, sema)

                @pl.when(kk + 4 < NCHUNK)
                def _():
                    fetch_idx(kk + 4, ia, sa)

                wait_gather(ib, bufb, semb)
                scatter(ib, bufb)

                @pl.when(kk + 5 < NCHUNK)
                def _():
                    fetch_idx(kk + 5, ib, sb)

            half(k0, idxa, semia, idxb, semib, idxc, idxd, semic, semid)
            half(k0 + 2, idxc, semic, idxd, semid, idxa, idxb, semia, semib)
            return carry

        lax.fori_loop(0, NCHUNK // 4, body2, 0)
        plsc.subcore_barrier()

        for j in range(5):
            k = s * 5 + j

            @pl.when(k < RCHUNKS)
            def _():
                rows = pl.ds(k * RC, RC)
                pltpu.async_copy(acc.at[rows], out_hbm.at[rows], sema)

        for j in range(5):
            k = s * 5 + j

            @pl.when(k < RCHUNKS)
            def _():
                rows = pl.ds(k * RC, RC)
                pltpu.make_async_copy(acc.at[rows], out_hbm.at[rows], sema).wait()

    @pl.when(c == 0)
    def _():
        run(g0, o0)

    @pl.when(c == 1)
    def _():
        run(g1, o1)


def _sc_scatter(g0, g1, idx3):
    mesh = plsc.VectorSubcoreMesh(core_axis_name="c", subcore_axis_name="s")
    f = pl.kernel(
        _scatter_body,
        out_type=(
            jax.ShapeDtypeStruct((N_PAD, HALF), jnp.float32),
            jax.ShapeDtypeStruct((N_PAD, HALF), jnp.float32),
        ),
        mesh=mesh,
        scratch_types=[
            pltpu.VMEM_SHARED((N_PAD, HALF), jnp.float32),
            pltpu.VMEM((2, C), jnp.int32),
            pltpu.VMEM((2, C), jnp.int32),
            pltpu.VMEM((2, C), jnp.int32),
            pltpu.VMEM((2, C), jnp.int32),
            pltpu.VMEM((C, HALF), jnp.float32),
            pltpu.VMEM((C, HALF), jnp.float32),
            pltpu.SemaphoreType.DMA,
            pltpu.SemaphoreType.DMA,
            pltpu.SemaphoreType.DMA,
            pltpu.SemaphoreType.DMA,
            pltpu.SemaphoreType.DMA,
            pltpu.SemaphoreType.DMA,
        ],
    )
    return f(g0, g1, idx3)


def _deg_body(dstd, cbuf, d0, d1, dacc, dstv, ones, zbuf, sem):
    c = lax.axis_index("c")
    s = lax.axis_index("s")
    w = s * NC + c

    pltpu.sync_copy(dstd.at[w], dstv)

    pltpu.sync_copy(cbuf.at[0], zbuf)
    pltpu.sync_copy(cbuf.at[1], ones)
    for j in range(5):
        k = s * 5 + j

        @pl.when(k < RCHUNKS)
        def _():
            pltpu.sync_copy(zbuf, dacc.at[pl.ds(k * RC, RC)])

    plsc.subcore_barrier()

    def body(k, carry):
        pltpu.async_copy(ones, dacc.at[dstv.at[k]], sem, add=True)
        return carry

    lax.fori_loop(0, DCHUNK, body, 0)

    def drain(k, carry):
        pltpu.make_async_copy(ones, dacc.at[dstv.at[k]], sem).wait()
        return carry

    lax.fori_loop(0, DCHUNK, drain, 0)
    plsc.subcore_barrier()

    for j in range(5):
        k = s * 5 + j

        @pl.when(k < RCHUNKS)
        def _():
            rows = pl.ds(k * RC, RC)

            @pl.when(c == 0)
            def _():
                pltpu.sync_copy(dacc.at[rows], d0.at[rows])

            @pl.when(c == 1)
            def _():
                pltpu.sync_copy(dacc.at[rows], d1.at[rows])


def _sc_deg(dstd, cbuf):
    mesh = plsc.VectorSubcoreMesh(core_axis_name="c", subcore_axis_name="s")
    f = pl.kernel(
        _deg_body,
        out_type=(
            jax.ShapeDtypeStruct((N_PAD,), jnp.float32),
            jax.ShapeDtypeStruct((N_PAD,), jnp.float32),
        ),
        mesh=mesh,
        scratch_types=[
            pltpu.VMEM_SHARED((N_PAD,), jnp.float32),
            pltpu.VMEM((DCHUNK, DC), jnp.int32),
            pltpu.VMEM((DC,), jnp.float32),
            pltpu.VMEM((RC,), jnp.float32),
            pltpu.SemaphoreType.DMA,
        ],
    )
    return f(dstd, cbuf)


ROWB = 632


def _tc1_body(x_ref, w_ref, d0_ref, d1_ref, g0_ref, g1_ref, dinv_ref):
    deg = 1.0 + d0_ref[...] + d1_ref[...]
    dinv = lax.rsqrt(deg)
    h = jnp.dot(x_ref[...], w_ref[...], preferred_element_type=jnp.float32)
    g = h * dinv
    g0_ref[...] = g[:, :HALF]
    g1_ref[...] = g[:, HALF:]
    dinv_ref[...] = dinv


def _tc1(x_pad, W1, d0, d1):
    grid = (N_PAD // ROWB,)
    return pl.pallas_call(
        _tc1_body,
        grid=grid,
        in_specs=[
            pl.BlockSpec((ROWB, D), lambda i: (i, 0)),
            pl.BlockSpec((D, D), lambda i: (0, 0)),
            pl.BlockSpec((ROWB, 1), lambda i: (i, 0)),
            pl.BlockSpec((ROWB, 1), lambda i: (i, 0)),
        ],
        out_specs=(
            pl.BlockSpec((ROWB, HALF), lambda i: (i, 0)),
            pl.BlockSpec((ROWB, HALF), lambda i: (i, 0)),
            pl.BlockSpec((ROWB, 1), lambda i: (i, 0)),
        ),
        out_shape=(
            jax.ShapeDtypeStruct((N_PAD, HALF), jnp.float32),
            jax.ShapeDtypeStruct((N_PAD, HALF), jnp.float32),
            jax.ShapeDtypeStruct((N_PAD, 1), jnp.float32),
        ),
    )(x_pad, W1, d0, d1)


def _tc2_body(s0_ref, s1_ref, dinv_ref, b1_ref, w_ref, g0_ref, g1_ref):
    dinv = dinv_ref[...]
    sfull = jnp.concatenate([s0_ref[...], s1_ref[...]], axis=1)
    t = jnp.maximum(sfull * dinv + b1_ref[...], 0.0)
    g = jnp.dot(t, w_ref[...], preferred_element_type=jnp.float32) * dinv
    g0_ref[...] = g[:, :HALF]
    g1_ref[...] = g[:, HALF:]


def _tc2(s0, s1, dinv, b1, W2):
    grid = (N_PAD // ROWB,)
    return pl.pallas_call(
        _tc2_body,
        grid=grid,
        in_specs=[
            pl.BlockSpec((ROWB, HALF), lambda i: (i, 0)),
            pl.BlockSpec((ROWB, HALF), lambda i: (i, 0)),
            pl.BlockSpec((ROWB, 1), lambda i: (i, 0)),
            pl.BlockSpec((1, D), lambda i: (0, 0)),
            pl.BlockSpec((D, D), lambda i: (0, 0)),
        ],
        out_specs=(
            pl.BlockSpec((ROWB, HALF), lambda i: (i, 0)),
            pl.BlockSpec((ROWB, HALF), lambda i: (i, 0)),
        ),
        out_shape=(
            jax.ShapeDtypeStruct((N_PAD, HALF), jnp.float32),
            jax.ShapeDtypeStruct((N_PAD, HALF), jnp.float32),
        ),
    )(s0, s1, dinv, b1, W2)


def _tc3_body(s0_ref, s1_ref, dinv_ref, b2_ref, o_ref):
    sfull = jnp.concatenate([s0_ref[...], s1_ref[...]], axis=1)
    o_ref[...] = sfull * dinv_ref[...] + b2_ref[...]


def _tc3(s0, s1, dinv, b2):
    grid = (N_PAD // ROWB,)
    return pl.pallas_call(
        _tc3_body,
        grid=grid,
        in_specs=[
            pl.BlockSpec((ROWB, HALF), lambda i: (i, 0)),
            pl.BlockSpec((ROWB, HALF), lambda i: (i, 0)),
            pl.BlockSpec((ROWB, 1), lambda i: (i, 0)),
            pl.BlockSpec((1, D), lambda i: (0, 0)),
        ],
        out_specs=pl.BlockSpec((ROWB, D), lambda i: (i, 0)),
        out_shape=jax.ShapeDtypeStruct((N_PAD, D), jnp.float32),
    )(s0, s1, dinv, b2)


@jax.jit
def _run(x, edge_index, W1, b1, W2, b2):
    src = edge_index[0].astype(jnp.int32)
    dst = edge_index[1].astype(jnp.int32)
    e = src.shape[0]
    npad = E_PAD - e
    pad_src = jnp.arange(npad, dtype=jnp.int32) % N_NODES
    pad_dst = N_NODES + jnp.arange(npad, dtype=jnp.int32) % N_TRASH
    src_p = jnp.concatenate([src, pad_src])
    dst_p = jnp.concatenate([dst, pad_dst])
    idx3 = jnp.stack(
        [src_p.reshape(NS, NCHUNK, C), dst_p.reshape(NS, NCHUNK, C)], axis=2
    )
    dstd = dst_p.reshape(NS * NC, DCHUNK, DC)

    x_pad = jnp.pad(x, ((0, N_PAD - N_NODES), (0, 0)))
    b1r = b1.reshape(1, D)
    b2r = b2.reshape(1, D)

    cbuf = jnp.stack(
        [jnp.zeros((DC,), jnp.float32), jnp.ones((DC,), jnp.float32)]
    )
    d0, d1 = _sc_deg(dstd, cbuf)
    g0, g1, dinv = _tc1(x_pad, W1, d0.reshape(N_PAD, 1), d1.reshape(N_PAD, 1))
    s0, s1 = _sc_scatter(g0, g1, idx3)
    g20, g21 = _tc2(s0, s1, dinv, b1r, W2)
    t0, t1 = _sc_scatter(g20, g21, idx3)
    out = _tc3(t0, t1, dinv, b2r)
    return out[:N_NODES]


def kernel(x, edge_index, W1, b1, W2, b2):
    return _run(x, edge_index, W1, b1, W2, b2)

# --- scband reference (transcript-rebuilt; emitter-appended) ---
"""Pipeline reference for scband-gcn-net-52123723104304 (READ-ONLY COPY).

The authoritative reference and input builder live on the scoring server;
editing this copy changes nothing except your own understanding.
"""

import jax, jax.numpy as jnp
import numpy as np

N_NODES = 10000
D_FEAT = 256
N_HID = 256
N_OUT = 256
N_EDGES = 160000


def _gcn_conv(x, src, dst, W, b):
    N = x.shape[0]
    # symmetric normalization with self-loops already appended to src/dst
    deg = jnp.zeros((N,), dtype=x.dtype).at[dst].add(1.0)
    dinv = jnp.where(deg > 0, deg ** -0.5, 0.0)
    norm = dinv[src] * dinv[dst]
    h = x @ W
    msg = h[src] * norm[:, None]
    out = jnp.zeros((N, W.shape[1]), dtype=x.dtype).at[dst].add(msg)
    return out + b


def setup_inputs(seed: int = 0) -> dict:
    key = jax.random.key(seed)
    k1, k2, k3, k4, k5, k6 = jax.random.split(key, 6)
    x = jax.random.normal(k1, (N_NODES, D_FEAT), dtype=jnp.float32)
    edge_index = jax.random.randint(k2, (2, N_EDGES), 0, N_NODES, dtype=jnp.int64)
    # glorot-style init for GCNConv weights
    W1 = jax.random.normal(k3, (D_FEAT, N_HID), dtype=jnp.float32) * (1.0 / np.sqrt(D_FEAT))
    b1 = jnp.zeros((N_HID,), dtype=jnp.float32)
    W2 = jax.random.normal(k4, (N_HID, N_OUT), dtype=jnp.float32) * (1.0 / np.sqrt(N_HID))
    b2 = jnp.zeros((N_OUT,), dtype=jnp.float32)
    return {"x": x, "edge_index": edge_index, "W1": W1, "b1": b1, "W2": W2, "b2": b2}


def reference(x, edge_index, W1, b1, W2, b2):
    N = x.shape[0]
    loop = jnp.arange(N, dtype=edge_index.dtype)
    src = jnp.concatenate([edge_index[0], loop])
    dst = jnp.concatenate([edge_index[1], loop])
    h = _gcn_conv(x, src, dst, W1, b1)
    h = jax.nn.relu(h)
    # dropout p=0.0 / eval mode -> identity
    out = _gcn_conv(h, src, dst, W2, b2)
    return out

if __name__ == "__main__":
    import jax
    _d = setup_inputs()
    print(jax.jit(kernel)(*tuple(_d.values())))

</pallas_src>

<mosaic_0001>
#map = affine_map<(d0, d1) -> (0, 0, 0)>
#map1 = affine_map<(d0, d1) -> (0, 0)>
#map2 = affine_map<(d0, d1) -> (0)>
module attributes {stable_mosaic.version = 14 : i64} {
  func.func @_deg_body(%arg0: i32, %arg1: i32, %arg2: memref<32x40x128xi32, #tpu.memory_space<hbm>>, %arg3: memref<2x128xf32, #tpu.memory_space<hbm>>, %arg4: memref<10112xf32, #tpu.memory_space<hbm>>, %arg5: memref<10112xf32, #tpu.memory_space<hbm>>, %arg6: memref<10112xf32, #tpu.memory_space<vmem_shared>>, %arg7: memref<40x128xi32, #tpu.memory_space<vmem>>, %arg8: memref<128xf32, #tpu.memory_space<vmem>>, %arg9: memref<128xf32, #tpu.memory_space<vmem>>, %arg10: memref<!tpu.dma_semaphore, #tpu.memory_space<semaphore_mem>>) attributes {dimension_semantics = [#tpu.dimension_semantics<core_parallel>, #tpu.dimension_semantics<subcore_parallel>], iteration_bounds = array<i64: 2, 16>, scalar_prefetch = 0 : i64, scratch_operands = 5 : i64, tpu.core_type = #tpu.core_type<sc_vector_subcore>, window_params = [{transform_indices = #map}, {transform_indices = #map1}, {transform_indices = #map2}, {transform_indices = #map2}]} {
    %mul3A = arith.constant 2 : i32
    %mul3A_0 = arith.muli %arg1, %mul3A : i32
    %add3A = arith.addi %mul3A_0, %arg0 : i32
    "tpu.region"() ({
      %run_scoped3A_101 = tpu.sem_alloc : memref<!tpu.dma_semaphore, #tpu.memory_space<semaphore_mem>>
      %dma_start3A = arith.constant 0 : i32
      %dma_start3A_102 = arith.constant 0 : i32
      %dma_start3A_103 = tpu.memref_slice %arg2[%add3A, %dma_start3A, %dma_start3A_102] : memref<32x40x128xi32, #tpu.memory_space<hbm>> -> memref<1x40x128xi32, #tpu.memory_space<hbm>>
      %dma_start3A_104 = tpu.memref_squeeze %dma_start3A_103 : memref<1x40x128xi32, #tpu.memory_space<hbm>> -> memref<40x128xi32, #tpu.memory_space<hbm>>
      %dma_start3A_105 = arith.constant 0 : i32
      %dma_start3A_106 = arith.constant 0 : i32
      %dma_start3A_107 = tpu.memref_slice %arg2[%add3A, %dma_start3A_105, %dma_start3A_106] : memref<32x40x128xi32, #tpu.memory_space<hbm>> -> memref<1x40x128xi32, #tpu.memory_space<hbm>>
      %dma_start3A_108 = tpu.memref_squeeze %dma_start3A_107 : memref<1x40x128xi32, #tpu.memory_space<hbm>> -> memref<40x128xi32, #tpu.memory_space<hbm>>
      tpu.enqueue_dma source(%dma_start3A_108 : memref<40x128xi32, #tpu.memory_space<hbm>>) target(%arg7 : memref<40x128xi32, #tpu.memory_space<vmem>>) target_semaphore(%run_scoped3A_101 : memref<!tpu.dma_semaphore, #tpu.memory_space<semaphore_mem>>)
      %dma_wait3A = arith.constant 0 : i32
      %dma_wait3A_109 = arith.constant 0 : i32
      %dma_wait3A_110 = tpu.memref_slice %arg2[%add3A, %dma_wait3A, %dma_wait3A_109] : memref<32x40x128xi32, #tpu.memory_space<hbm>> -> memref<1x40x128xi32, #tpu.memory_space<hbm>>
      %dma_wait3A_111 = tpu.memref_squeeze %dma_wait3A_110 : memref<1x40x128xi32, #tpu.memory_space<hbm>> -> memref<40x128xi32, #tpu.memory_space<hbm>>
      %dma_wait3A_112 = arith.constant 0 : i32
      %dma_wait3A_113 = arith.constant 0 : i32
      %dma_wait3A_114 = tpu.memref_slice %arg2[%add3A, %dma_wait3A_112, %dma_wait3A_113] : memref<32x40x128xi32, #tpu.memory_space<hbm>> -> memref<1x40x128xi32, #tpu.memory_space<hbm>>
      %dma_wait3A_115 = tpu.memref_squeeze %dma_wait3A_114 : memref<1x40x128xi32, #tpu.memory_space<hbm>> -> memref<40x128xi32, #tpu.memory_space<hbm>>
      tpu.wait_dma2 semaphore(%run_scoped3A_101 : memref<!tpu.dma_semaphore, #tpu.memory_space<semaphore_mem>>) src(%dma_wait3A_115 : memref<40x128xi32, #tpu.memory_space<hbm>>) dst(%arg7 : memref<40x128xi32, #tpu.memory_space<vmem>>)
      tpu.yield
    }) : () -> ()
    %run_scoped3A = arith.constant 0 : i32
    "tpu.region"() ({
      %run_scoped3A_101 = tpu.sem_alloc : memref<!tpu.dma_semaphore, #tpu.memory_space<semaphore_mem>>
      %dma_start3A = arith.constant 0 : i32
      %dma_start3A_102 = tpu.memref_slice %arg3[%run_scoped3A, %dma_start3A] : memref<2x128xf32, #tpu.memory_space<hbm>> -> memref<1x128xf32, #tpu.memory_space<hbm>>
      %dma_start3A_103 = tpu.memref_squeeze %dma_start3A_102 : memref<1x128xf32, #tpu.memory_space<hbm>> -> memref<128xf32, #tpu.memory_space<hbm>>
      %dma_start3A_104 = arith.constant 0 : i32
      %dma_start3A_105 = tpu.memref_slice %arg3[%run_scoped3A, %dma_start3A_104] : memref<2x128xf32, #tpu.memory_space<hbm>> -> memref<1x128xf32, #tpu.memory_space<hbm>>
      %dma_start3A_106 = tpu.memref_squeeze %dma_start3A_105 : memref<1x128xf32, #tpu.memory_space<hbm>> -> memref<128xf32, #tpu.memory_space<hbm>>
      tpu.enqueue_dma source(%dma_start3A_106 : memref<128xf32, #tpu.memory_space<hbm>>) target(%arg9 : memref<128xf32, #tpu.memory_space<vmem>>) target_semaphore(%run_scoped3A_101 : memref<!tpu.dma_semaphore, #tpu.memory_space<semaphore_mem>>)
      %dma_wait3A = arith.constant 0 : i32
      %dma_wait3A_107 = tpu.memref_slice %arg3[%run_scoped3A, %dma_wait3A] : memref<2x128xf32, #tpu.memory_space<hbm>> -> memref<1x128xf32, #tpu.memory_space<hbm>>
      %dma_wait3A_108 = tpu.memref_squeeze %dma_wait3A_107 : memref<1x128xf32, #tpu.memory_space<hbm>> -> memref<128xf32, #tpu.memory_space<hbm>>
      %dma_wait3A_109 = arith.constant 0 : i32
      %dma_wait3A_110 = tpu.memref_slice %arg3[%run_scoped3A, %dma_wait3A_109] : memref<2x128xf32, #tpu.memory_space<hbm>> -> memref<1x128xf32, #tpu.memory_space<hbm>>
      %dma_wait3A_111 = tpu.memref_squeeze %dma_wait3A_110 : memref<1x128xf32, #tpu.memory_space<hbm>> -> memref<128xf32, #tpu.memory_space<hbm>>
      tpu.wait_dma2 semaphore(%run_scoped3A_101 : memref<!tpu.dma_semaphore, #tpu.memory_space<semaphore_mem>>) src(%dma_wait3A_111 : memref<128xf32, #tpu.memory_space<hbm>>) dst(%arg9 : memref<128xf32, #tpu.memory_space<vmem>>)
      tpu.yield
    }) : () -> ()
    %run_scoped3A_1 = arith.constant 1 : i32
    "tpu.region"() ({
      %run_scoped3A_101 = tpu.sem_alloc : memref<!tpu.dma_semaphore, #tpu.memory_space<semaphore_mem>>
      %dma_start3A = arith.constant 0 : i32
      %dma_start3A_102 = tpu.memref_slice %arg3[%run_scoped3A_1, %dma_start3A] : memref<2x128xf32, #tpu.memory_space<hbm>> -> memref<1x128xf32, #tpu.memory_space<hbm>>
      %dma_start3A_103 = tpu.memref_squeeze %dma_start3A_102 : memref<1x128xf32, #tpu.memory_space<hbm>> -> memref<128xf32, #tpu.memory_space<hbm>>
      %dma_start3A_104 = arith.constant 0 : i32
      %dma_start3A_105 = tpu.memref_slice %arg3[%run_scoped3A_1, %dma_start3A_104] : memref<2x128xf32, #tpu.memory_space<hbm>> -> memref<1x128xf32, #tpu.memory_space<hbm>>
      %dma_start3A_106 = tpu.memref_squeeze %dma_start3A_105 : memref<1x128xf32, #tpu.memory_space<hbm>> -> memref<128xf32, #tpu.memory_space<hbm>>
      tpu.enqueue_dma source(%dma_start3A_106 : memref<128xf32, #tpu.memory_space<hbm>>) target(%arg8 : memref<128xf32, #tpu.memory_space<vmem>>) target_semaphore(%run_scoped3A_101 : memref<!tpu.dma_semaphore, #tpu.memory_space<semaphore_mem>>)
      %dma_wait3A = arith.constant 0 : i32
      %dma_wait3A_107 = tpu.memref_slice %arg3[%run_scoped3A_1, %dma_wait3A] : memref<2x128xf32, #tpu.memory_space<hbm>> -> memref<1x128xf32, #tpu.memory_space<hbm>>
      %dma_wait3A_108 = tpu.memref_squeeze %dma_wait3A_107 : memref<1x128xf32, #tpu.memory_space<hbm>> -> memref<128xf32, #tpu.memory_space<hbm>>
      %dma_wait3A_109 = arith.constant 0 : i32
      %dma_wait3A_110 = tpu.memref_slice %arg3[%run_scoped3A_1, %dma_wait3A_109] : memref<2x128xf32, #tpu.memory_space<hbm>> -> memref<1x128xf32, #tpu.memory_space<hbm>>
      %dma_wait3A_111 = tpu.memref_squeeze %dma_wait3A_110 : memref<1x128xf32, #tpu.memory_space<hbm>> -> memref<128xf32, #tpu.memory_space<hbm>>
      tpu.wait_dma2 semaphore(%run_scoped3A_101 : memref<!tpu.dma_semaphore, #tpu.memory_space<semaphore_mem>>) src(%dma_wait3A_111 : memref<128xf32, #tpu.memory_space<hbm>>) dst(%arg8 : memref<128xf32, #tpu.memory_space<vmem>>)
      tpu.yield
    }) : () -> ()
    %mul3A_2 = arith.constant 5 : i32
    %mul3A_3 = arith.muli %arg1, %mul3A_2 : i32
    %add3A_4 = arith.constant 0 : i32
    %add3A_5 = arith.addi %mul3A_3, %add3A_4 : i32
    %lt3A = arith.constant 79 : i32
    %lt3A_6 = arith.cmpi slt, %add3A_5, %lt3A : i32
    %convert_element_type3A = arith.extui %lt3A_6 : i1 to i32
    %cond3A = arith.constant 0 : i32
    %cond3A_7 = arith.cmpi ne, %convert_element_type3A, %cond3A : i32
    scf.if %cond3A_7 {
      %mul3A_101 = arith.constant 128 : i32
      %mul3A_102 = arith.muli %add3A_5, %mul3A_101 : i32
      "tpu.region"() ({
        %run_scoped3A_103 = tpu.sem_alloc : memref<!tpu.dma_semaphore, #tpu.memory_space<semaphore_mem>>
        %dma_start3A = tpu.memref_slice %arg6[%mul3A_102] : memref<10112xf32, #tpu.memory_space<vmem_shared>> -> memref<128xf32, #tpu.memory_space<vmem_shared>>
        %dma_start3A_104 = tpu.memref_slice %arg6[%mul3A_102] : memref<10112xf32, #tpu.memory_space<vmem_shared>> -> memref<128xf32, #tpu.memory_space<vmem_shared>>
        tpu.enqueue_dma source(%arg9 : memref<128xf32, #tpu.memory_space<vmem>>) target(%dma_start3A_104 : memref<128xf32, #tpu.memory_space<vmem_shared>>) target_semaphore(%run_scoped3A_103 : memref<!tpu.dma_semaphore, #tpu.memory_space<semaphore_mem>>)
        %dma_wait3A = tpu.memref_slice %arg6[%mul3A_102] : memref<10112xf32, #tpu.memory_space<vmem_shared>> -> memref<128xf32, #tpu.memory_space<vmem_shared>>
        %dma_wait3A_105 = tpu.memref_slice %arg6[%mul3A_102] : memref<10112xf32, #tpu.memory_space<vmem_shared>> -> memref<128xf32, #tpu.memory_space<vmem_shared>>
        tpu.wait_dma2 semaphore(%run_scoped3A_103 : memref<!tpu.dma_semaphore, #tpu.memory_space<semaphore_mem>>) src(%arg9 : memref<128xf32, #tpu.memory_space<vmem>>) dst(%dma_wait3A_105 : memref<128xf32, #tpu.memory_space<vmem_shared>>)
        tpu.yield
      }) : () -> ()
    } else {
    }
    %mul3A_8 = arith.constant 5 : i32
    %mul3A_9 = arith.muli %arg1, %mul3A_8 : i32
    %add3A_10 = arith.constant 1 : i32
    %add3A_11 = arith.addi %mul3A_9, %add3A_10 : i32
    %lt3A_12 = arith.constant 79 : i32
    %lt3A_13 = arith.cmpi slt, %add3A_11, %lt3A_12 : i32
    %convert_element_type3A_14 = arith.extui %lt3A_13 : i1 to i32
    %cond3A_15 = arith.constant 0 : i32
    %cond3A_16 = arith.cmpi ne, %convert_element_type3A_14, %cond3A_15 : i32
    scf.if %cond3A_16 {
      %mul3A_101 = arith.constant 128 : i32
      %mul3A_102 = arith.muli %add3A_11, %mul3A_101 : i32
      "tpu.region"() ({
        %run_scoped3A_103 = tpu.sem_alloc : memref<!tpu.dma_semaphore, #tpu.memory_space<semaphore_mem>>
        %dma_start3A = tpu.memref_slice %arg6[%mul3A_102] : memref<10112xf32, #tpu.memory_space<vmem_shared>> -> memref<128xf32, #tpu.memory_space<vmem_shared>>
        %dma_start3A_104 = tpu.memref_slice %arg6[%mul3A_102] : memref<10112xf32, #tpu.memory_space<vmem_shared>> -> memref<128xf32, #tpu.memory_space<vmem_shared>>
        tpu.enqueue_dma source(%arg9 : memref<128xf32, #tpu.memory_space<vmem>>) target(%dma_start3A_104 : memref<128xf32, #tpu.memory_space<vmem_shared>>) target_semaphore(%run_scoped3A_103 : memref<!tpu.dma_semaphore, #tpu.memory_space<semaphore_mem>>)
        %dma_wait3A = tpu.memref_slice %arg6[%mul3A_102] : memref<10112xf32, #tpu.memory_space<vmem_shared>> -> memref<128xf32, #tpu.memory_space<vmem_shared>>
        %dma_wait3A_105 = tpu.memref_slice %arg6[%mul3A_102] : memref<10112xf32, #tpu.memory_space<vmem_shared>> -> memref<128xf32, #tpu.memory_space<vmem_shared>>
        tpu.wait_dma2 semaphore(%run_scoped3A_103 : memref<!tpu.dma_semaphore, #tpu.memory_space<semaphore_mem>>) src(%arg9 : memref<128xf32, #tpu.memory_space<vmem>>) dst(%dma_wait3A_105 : memref<128xf32, #tpu.memory_space<vmem_shared>>)
        tpu.yield
      }) : () -> ()
    } else {
    }
    %mul3A_17 = arith.constant 5 : i32
    %mul3A_18 = arith.muli %arg1, %mul3A_17 : i32
    %add3A_19 = arith.constant 2 : i32
    %add3A_20 = arith.addi %mul3A_18, %add3A_19 : i32
    %lt3A_21 = arith.constant 79 : i32
    %lt3A_22 = arith.cmpi slt, %add3A_20, %lt3A_21 : i32
    %convert_element_type3A_23 = arith.extui %lt3A_22 : i1 to i32
    %cond3A_24 = arith.constant 0 : i32
    %cond3A_25 = arith.cmpi ne, %convert_element_type3A_23, %cond3A_24 : i32
    scf.if %cond3A_25 {
      %mul3A_101 = arith.constant 128 : i32
      %mul3A_102 = arith.muli %add3A_20, %mul3A_101 : i32
      "tpu.region"() ({
        %run_scoped3A_103 = tpu.sem_alloc : memref<!tpu.dma_semaphore, #tpu.memory_space<semaphore_mem>>
        %dma_start3A = tpu.memref_slice %arg6[%mul3A_102] : memref<10112xf32, #tpu.memory_space<vmem_shared>> -> memref<128xf32, #tpu.memory_space<vmem_shared>>
        %dma_start3A_104 = tpu.memref_slice %arg6[%mul3A_102] : memref<10112xf32, #tpu.memory_space<vmem_shared>> -> memref<128xf32, #tpu.memory_space<vmem_shared>>
        tpu.enqueue_dma source(%arg9 : memref<128xf32, #tpu.memory_space<vmem>>) target(%dma_start3A_104 : memref<128xf32, #tpu.memory_space<vmem_shared>>) target_semaphore(%run_scoped3A_103 : memref<!tpu.dma_semaphore, #tpu.memory_space<semaphore_mem>>)
        %dma_wait3A = tpu.memref_slice %arg6[%mul3A_102] : memref<10112xf32, #tpu.memory_space<vmem_shared>> -> memref<128xf32, #tpu.memory_space<vmem_shared>>
        %dma_wait3A_105 = tpu.memref_slice %arg6[%mul3A_102] : memref<10112xf32, #tpu.memory_space<vmem_shared>> -> memref<128xf32, #tpu.memory_space<vmem_shared>>
        tpu.wait_dma2 semaphore(%run_scoped3A_103 : memref<!tpu.dma_semaphore, #tpu.memory_space<semaphore_mem>>) src(%arg9 : memref<128xf32, #tpu.memory_space<vmem>>) dst(%dma_wait3A_105 : memref<128xf32, #tpu.memory_space<vmem_shared>>)
        tpu.yield
      }) : () -> ()
    } else {
    }
    %mul3A_26 = arith.constant 5 : i32
    %mul3A_27 = arith.muli %arg1, %mul3A_26 : i32
    %add3A_28 = arith.constant 3 : i32
    %add3A_29 = arith.addi %mul3A_27, %add3A_28 : i32
    %lt3A_30 = arith.constant 79 : i32
    %lt3A_31 = arith.cmpi slt, %add3A_29, %lt3A_30 : i32
    %convert_element_type3A_32 = arith.extui %lt3A_31 : i1 to i32
    %cond3A_33 = arith.constant 0 : i32
    %cond3A_34 = arith.cmpi ne, %convert_element_type3A_32, %cond3A_33 : i32
    scf.if %cond3A_34 {
      %mul3A_101 = arith.constant 128 : i32
      %mul3A_102 = arith.muli %add3A_29, %mul3A_101 : i32
      "tpu.region"() ({
        %run_scoped3A_103 = tpu.sem_alloc : memref<!tpu.dma_semaphore, #tpu.memory_space<semaphore_mem>>
        %dma_start3A = tpu.memref_slice %arg6[%mul3A_102] : memref<10112xf32, #tpu.memory_space<vmem_shared>> -> memref<128xf32, #tpu.memory_space<vmem_shared>>
        %dma_start3A_104 = tpu.memref_slice %arg6[%mul3A_102] : memref<10112xf32, #tpu.memory_space<vmem_shared>> -> memref<128xf32, #tpu.memory_space<vmem_shared>>
        tpu.enqueue_dma source(%arg9 : memref<128xf32, #tpu.memory_space<vmem>>) target(%dma_start3A_104 : memref<128xf32, #tpu.memory_space<vmem_shared>>) target_semaphore(%run_scoped3A_103 : memref<!tpu.dma_semaphore, #tpu.memory_space<semaphore_mem>>)
        %dma_wait3A = tpu.memref_slice %arg6[%mul3A_102] : memref<10112xf32, #tpu.memory_space<vmem_shared>> -> memref<128xf32, #tpu.memory_space<vmem_shared>>
        %dma_wait3A_105 = tpu.memref_slice %arg6[%mul3A_102] : memref<10112xf32, #tpu.memory_space<vmem_shared>> -> memref<128xf32, #tpu.memory_space<vmem_shared>>
        tpu.wait_dma2 semaphore(%run_scoped3A_103 : memref<!tpu.dma_semaphore, #tpu.memory_space<semaphore_mem>>) src(%arg9 : memref<128xf32, #tpu.memory_space<vmem>>) dst(%dma_wait3A_105 : memref<128xf32, #tpu.memory_space<vmem_shared>>)
        tpu.yield
      }) : () -> ()
    } else {
    }
    %mul3A_35 = arith.constant 5 : i32
    %mul3A_36 = arith.muli %arg1, %mul3A_35 : i32
    %add3A_37 = arith.constant 4 : i32
    %add3A_38 = arith.addi %mul3A_36, %add3A_37 : i32
    %lt3A_39 = arith.constant 79 : i32
    %lt3A_40 = arith.cmpi slt, %add3A_38, %lt3A_39 : i32
    %convert_element_type3A_41 = arith.extui %lt3A_40 : i1 to i32
    %cond3A_42 = arith.constant 0 : i32
    %cond3A_43 = arith.cmpi ne, %convert_element_type3A_41, %cond3A_42 : i32
    scf.if %cond3A_43 {
      %mul3A_101 = arith.constant 128 : i32
      %mul3A_102 = arith.muli %add3A_38, %mul3A_101 : i32
      "tpu.region"() ({
        %run_scoped3A_103 = tpu.sem_alloc : memref<!tpu.dma_semaphore, #tpu.memory_space<semaphore_mem>>
        %dma_start3A = tpu.memref_slice %arg6[%mul3A_102] : memref<10112xf32, #tpu.memory_space<vmem_shared>> -> memref<128xf32, #tpu.memory_space<vmem_shared>>
        %dma_start3A_104 = tpu.memref_slice %arg6[%mul3A_102] : memref<10112xf32, #tpu.memory_space<vmem_shared>> -> memref<128xf32, #tpu.memory_space<vmem_shared>>
        tpu.enqueue_dma source(%arg9 : memref<128xf32, #tpu.memory_space<vmem>>) target(%dma_start3A_104 : memref<128xf32, #tpu.memory_space<vmem_shared>>) target_semaphore(%run_scoped3A_103 : memref<!tpu.dma_semaphore, #tpu.memory_space<semaphore_mem>>)
        %dma_wait3A = tpu.memref_slice %arg6[%mul3A_102] : memref<10112xf32, #tpu.memory_space<vmem_shared>> -> memref<128xf32, #tpu.memory_space<vmem_shared>>
        %dma_wait3A_105 = tpu.memref_slice %arg6[%mul3A_102] : memref<10112xf32, #tpu.memory_space<vmem_shared>> -> memref<128xf32, #tpu.memory_space<vmem_shared>>
        tpu.wait_dma2 semaphore(%run_scoped3A_103 : memref<!tpu.dma_semaphore, #tpu.memory_space<semaphore_mem>>) src(%arg9 : memref<128xf32, #tpu.memory_space<vmem>>) dst(%dma_wait3A_105 : memref<128xf32, #tpu.memory_space<vmem_shared>>)
        tpu.yield
      }) : () -> ()
    } else {
    }
    %barrier3A = arith.constant 0 : index
    tpu.barrier barrier_id(%barrier3A)
    %scan3A = arith.constant 0 : i32
    %scan3A_44 = arith.constant 0 : i32
    %scan3A_45 = arith.constant 40 : i32
    %scan3A_46 = arith.addi %scan3A_44, %scan3A_45 : i32
    %scan3A_47 = arith.constant 1 : i32
    scf.for %scan3A_101 = %scan3A_44 to %scan3A_46 step %scan3A_47  : i32 {
      %dma_start3A = arith.constant 0 : i32
      %dma_start3A_102 = tpu.memref_slice %arg7[%scan3A_101, %dma_start3A] : memref<40x128xi32, #tpu.memory_space<vmem>> -> memref<1x128xi32, #tpu.memory_space<vmem>>
      %dma_start3A_103 = tpu.memref_squeeze %dma_start3A_102 : memref<1x128xi32, #tpu.memory_space<vmem>> -> memref<128xi32, #tpu.memory_space<vmem>>
      %dma_start3A_104 = arith.constant 0 : i32
      %dma_start3A_105 = tpu.memref_slice %arg6[%dma_start3A_104] : memref<10112xf32, #tpu.memory_space<vmem_shared>> -> memref<10112xf32, #tpu.memory_space<vmem_shared>>
      tpu.enqueue_indirect_dma source(%arg8 : memref<128xf32, #tpu.memory_space<vmem>>) target(%dma_start3A_105 : memref<10112xf32, #tpu.memory_space<vmem_shared>>) offsets(%dma_start3A_103 : memref<128xi32, #tpu.memory_space<vmem>>) semaphore(%arg10 : memref<!tpu.dma_semaphore, #tpu.memory_space<semaphore_mem>>) {add = true}
    }
    %scan3A_48 = arith.constant 40 : i32
    %scan3A_49 = arith.constant 0 : i32
    %scan3A_50 = arith.constant 0 : i32
    %scan3A_51 = arith.constant 40 : i32
    %scan3A_52 = arith.addi %scan3A_50, %scan3A_51 : i32
    %scan3A_53 = arith.constant 1 : i32
    scf.for %scan3A_101 = %scan3A_50 to %scan3A_52 step %scan3A_53  : i32 {
      %dma_wait3A = arith.constant 0 : i32
      %dma_wait3A_102 = tpu.memref_slice %arg7[%scan3A_101, %dma_wait3A] : memref<40x128xi32, #tpu.memory_space<vmem>> -> memref<1x128xi32, #tpu.memory_space<vmem>>
      %dma_wait3A_103 = tpu.memref_squeeze %dma_wait3A_102 : memref<1x128xi32, #tpu.memory_space<vmem>> -> memref<128xi32, #tpu.memory_space<vmem>>
      %dma_wait3A_104 = arith.constant 0 : i32
      %dma_wait3A_105 = tpu.memref_slice %arg6[%dma_wait3A_104] : memref<10112xf32, #tpu.memory_space<vmem_shared>> -> memref<10112xf32, #tpu.memory_space<vmem_shared>>
      tpu.wait_indirect_dma semaphore(%arg10 : memref<!tpu.dma_semaphore, #tpu.memory_space<semaphore_mem>>) src(%arg8 : memref<128xf32, #tpu.memory_space<vmem>>) dst(%dma_wait3A_105 : memref<10112xf32, #tpu.memory_space<vmem_shared>>)
    }
    %scan3A_54 = arith.constant 40 : i32
    %barrier3A_55 = arith.constant 0 : index
    tpu.barrier barrier_id(%barrier3A_55)
    %mul3A_56 = arith.constant 5 : i32
    %mul3A_57 = arith.muli %arg1, %mul3A_56 : i32
    %add3A_58 = arith.constant 0 : i32
    %add3A_59 = arith.addi %mul3A_57, %add3A_58 : i32
    %lt3A_60 = arith.constant 79 : i32
    %lt3A_61 = arith.cmpi slt, %add3A_59, %lt3A_60 : i32
    %convert_element_type3A_62 = arith.extui %lt3A_61 : i1 to i32
    %cond3A_63 = arith.constant 0 : i32
    %cond3A_64 = arith.cmpi ne, %convert_element_type3A_62, %cond3A_63 : i32
    scf.if %cond3A_64 {
      %mul3A_101 = arith.constant 128 : i32
      %mul3A_102 = arith.muli %add3A_59, %mul3A_101 : i32
      %eq3A = arith.constant 0 : i32
      %eq3A_103 = arith.cmpi eq, %arg0, %eq3A : i32
      %convert_element_type3A_104 = arith.extui %eq3A_103 : i1 to i32
      %cond3A_105 = arith.constant 0 : i32
      %cond3A_106 = arith.cmpi ne, %convert_element_type3A_104, %cond3A_105 : i32
      scf.if %cond3A_106 {
        "tpu.region"() ({
          %run_scoped3A_112 = tpu.sem_alloc : memref<!tpu.dma_semaphore, #tpu.memory_space<semaphore_mem>>
          %dma_start3A = tpu.memref_slice %arg4[%mul3A_102] : memref<10112xf32, #tpu.memory_space<hbm>> -> memref<128xf32, #tpu.memory_space<hbm>>
          %dma_start3A_113 = tpu.memref_slice %arg6[%mul3A_102] : memref<10112xf32, #tpu.memory_space<vmem_shared>> -> memref<128xf32, #tpu.memory_space<vmem_shared>>
          tpu.enqueue_dma source(%dma_start3A_113 : memref<128xf32, #tpu.memory_space<vmem_shared>>) target(%dma_start3A : memref<128xf32, #tpu.memory_space<hbm>>) target_semaphore(%run_scoped3A_112 : memref<!tpu.dma_semaphore, #tpu.memory_space<semaphore_mem>>)
          %dma_wait3A = tpu.memref_slice %arg4[%mul3A_102] : memref<10112xf32, #tpu.memory_space<hbm>> -> memref<128xf32, #tpu.memory_space<hbm>>
          %dma_wait3A_114 = tpu.memref_slice %arg6[%mul3A_102] : memref<10112xf32, #tpu.memory_space<vmem_shared>> -> memref<128xf32, #tpu.memory_space<vmem_shared>>
          tpu.wait_dma2 semaphore(%run_scoped3A_112 : memref<!tpu.dma_semaphore, #tpu.memory_space<semaphore_mem>>) src(%dma_wait3A_114 : memref<128xf32, #tpu.memory_space<vmem_shared>>) dst(%dma_wait3A : memref<128xf32, #tpu.memory_space<hbm>>)
          tpu.yield
        }) : () -> ()
      } else {
      }
      %eq3A_107 = arith.constant 1 : i32
      %eq3A_108 = arith.cmpi eq, %arg0, %eq3A_107 : i32
      %convert_element_type3A_109 = arith.extui %eq3A_108 : i1 to i32
      %cond3A_110 = arith.constant 0 : i32
      %cond3A_111 = arith.cmpi ne, %convert_element_type3A_109, %cond3A_110 : i32
      scf.if %cond3A_111 {
        "tpu.region"() ({
          %run_scoped3A_112 = tpu.sem_alloc : memref<!tpu.dma_semaphore, #tpu.memory_space<semaphore_mem>>
          %dma_start3A = tpu.memref_slice %arg5[%mul3A_102] : memref<10112xf32, #tpu.memory_space<hbm>> -> memref<128xf32, #tpu.memory_space<hbm>>
          %dma_start3A_113 = tpu.memref_slice %arg6[%mul3A_102] : memref<10112xf32, #tpu.memory_space<vmem_shared>> -> memref<128xf32, #tpu.memory_space<vmem_shared>>
          tpu.enqueue_dma source(%dma_start3A_113 : memref<128xf32, #tpu.memory_space<vmem_shared>>) target(%dma_start3A : memref<128xf32, #tpu.memory_space<hbm>>) target_semaphore(%run_scoped3A_112 : memref<!tpu.dma_semaphore, #tpu.memory_space<semaphore_mem>>)
          %dma_wait3A = tpu.memref_slice %arg5[%mul3A_102] : memref<10112xf32, #tpu.memory_space<hbm>> -> memref<128xf32, #tpu.memory_space<hbm>>
          %dma_wait3A_114 = tpu.memref_slice %arg6[%mul3A_102] : memref<10112xf32, #tpu.memory_space<vmem_shared>> -> memref<128xf32, #tpu.memory_space<vmem_shared>>
          tpu.wait_dma2 semaphore(%run_scoped3A_112 : memref<!tpu.dma_semaphore, #tpu.memory_space<semaphore_mem>>) src(%dma_wait3A_114 : memref<128xf32, #tpu.memory_space<vmem_shared>>) dst(%dma_wait3A : memref<128xf32, #tpu.memory_space<hbm>>)
          tpu.yield
        }) : () -> ()
      } else {
      }
    } else {
    }
    %mul3A_65 = arith.constant 5 : i32
    %mul3A_66 = arith.muli %arg1, %mul3A_65 : i32
    %add3A_67 = arith.constant 1 : i32
    %add3A_68 = arith.addi %mul3A_66, %add3A_67 : i32
    %lt3A_69 = arith.constant 79 : i32
    %lt3A_70 = arith.cmpi slt, %add3A_68, %lt3A_69 : i32
    %convert_element_type3A_71 = arith.extui %lt3A_70 : i1 to i32
    %cond3A_72 = arith.constant 0 : i32
    %cond3A_73 = arith.cmpi ne, %convert_element_type3A_71, %cond3A_72 : i32
    scf.if %cond3A_73 {
      %mul3A_101 = arith.constant 128 : i32
      %mul3A_102 = arith.muli %add3A_68, %mul3A_101 : i32
      %eq3A = arith.constant 0 : i32
      %eq3A_103 = arith.cmpi eq, %arg0, %eq3A : i32
      %convert_element_type3A_104 = arith.extui %eq3A_103 : i1 to i32
      %cond3A_105 = arith.constant 0 : i32
      %cond3A_106 = arith.cmpi ne, %convert_element_type3A_104, %cond3A_105 : i32
      scf.if %cond3A_106 {
        "tpu.region"() ({
          %run_scoped3A_112 = tpu.sem_alloc : memref<!tpu.dma_semaphore, #tpu.memory_space<semaphore_mem>>
          %dma_start3A = tpu.memref_slice %arg4[%mul3A_102] : memref<10112xf32, #tpu.memory_space<hbm>> -> memref<128xf32, #tpu.memory_space<hbm>>
          %dma_start3A_113 = tpu.memref_slice %arg6[%mul3A_102] : memref<10112xf32, #tpu.memory_space<vmem_shared>> -> memref<128xf32, #tpu.memory_space<vmem_shared>>
          tpu.enqueue_dma source(%dma_start3A_113 : memref<128xf32, #tpu.memory_space<vmem_shared>>) target(%dma_start3A : memref<128xf32, #tpu.memory_space<hbm>>) target_semaphore(%run_scoped3A_112 : memref<!tpu.dma_semaphore, #tpu.memory_space<semaphore_mem>>)
          %dma_wait3A = tpu.memref_slice %arg4[%mul3A_102] : memref<10112xf32, #tpu.memory_space<hbm>> -> memref<128xf32, #tpu.memory_space<hbm>>
          %dma_wait3A_114 = tpu.memref_slice %arg6[%mul3A_102] : memref<10112xf32, #tpu.memory_space<vmem_shared>> -> memref<128xf32, #tpu.memory_space<vmem_shared>>
          tpu.wait_dma2 semaphore(%run_scoped3A_112 : memref<!tpu.dma_semaphore, #tpu.memory_space<semaphore_mem>>) src(%dma_wait3A_114 : memref<128xf32, #tpu.memory_space<vmem_shared>>) dst(%dma_wait3A : memref<128xf32, #tpu.memory_space<hbm>>)
          tpu.yield
        }) : () -> ()
      } else {
      }
      %eq3A_107 = arith.constant 1 : i32
      %eq3A_108 = arith.cmpi eq, %arg0, %eq3A_107 : i32
      %convert_element_type3A_109 = arith.extui %eq3A_108 : i1 to i32
      %cond3A_110 = arith.constant 0 : i32
      %cond3A_111 = arith.cmpi ne, %convert_element_type3A_109, %cond3A_110 : i32
      scf.if %cond3A_111 {
        "tpu.region"() ({
          %run_scoped3A_112 = tpu.sem_alloc : memref<!tpu.dma_semaphore, #tpu.memory_space<semaphore_mem>>
          %dma_start3A = tpu.memref_slice %arg5[%mul3A_102] : memref<10112xf32, #tpu.memory_space<hbm>> -> memref<128xf32, #tpu.memory_space<hbm>>
          %dma_start3A_113 = tpu.memref_slice %arg6[%mul3A_102] : memref<10112xf32, #tpu.memory_space<vmem_shared>> -> memref<128xf32, #tpu.memory_space<vmem_shared>>
          tpu.enqueue_dma source(%dma_start3A_113 : memref<128xf32, #tpu.memory_space<vmem_shared>>) target(%dma_start3A : memref<128xf32, #tpu.memory_space<hbm>>) target_semaphore(%run_scoped3A_112 : memref<!tpu.dma_semaphore, #tpu.memory_space<semaphore_mem>>)
          %dma_wait3A = tpu.memref_slice %arg5[%mul3A_102] : memref<10112xf32, #tpu.memory_space<hbm>> -> memref<128xf32, #tpu.memory_space<hbm>>
          %dma_wait3A_114 = tpu.memref_slice %arg6[%mul3A_102] : memref<10112xf32, #tpu.memory_space<vmem_shared>> -> memref<128xf32, #tpu.memory_space<vmem_shared>>
          tpu.wait_dma2 semaphore(%run_scoped3A_112 : memref<!tpu.dma_semaphore, #tpu.memory_space<semaphore_mem>>) src(%dma_wait3A_114 : memref<128xf32, #tpu.memory_space<vmem_shared>>) dst(%dma_wait3A : memref<128xf32, #tpu.memory_space<hbm>>)
          tpu.yield
        }) : () -> ()
      } else {
      }
    } else {
    }
    %mul3A_74 = arith.constant 5 : i32
    %mul3A_75 = arith.muli %arg1, %mul3A_74 : i32
    %add3A_76 = arith.constant 2 : i32
    %add3A_77 = arith.addi %mul3A_75, %add3A_76 : i32
    %lt3A_78 = arith.constant 79 : i32
    %lt3A_79 = arith.cmpi slt, %add3A_77, %lt3A_78 : i32
    %convert_element_type3A_80 = arith.extui %lt3A_79 : i1 to i32
    %cond3A_81 = arith.constant 0 : i32
    %cond3A_82 = arith.cmpi ne, %convert_element_type3A_80, %cond3A_81 : i32
    scf.if %cond3A_82 {
      %mul3A_101 = arith.constant 128 : i32
      %mul3A_102 = arith.muli %add3A_77, %mul3A_101 : i32
      %eq3A = arith.constant 0 : i32
      %eq3A_103 = arith.cmpi eq, %arg0, %eq3A : i32
      %convert_element_type3A_104 = arith.extui %eq3A_103 : i1 to i32
      %cond3A_105 = arith.constant 0 : i32
      %cond3A_106 = arith.cmpi ne, %convert_element_type3A_104, %cond3A_105 : i32
      scf.if %cond3A_106 {
        "tpu.region"() ({
          %run_scoped3A_112 = tpu.sem_alloc : memref<!tpu.dma_semaphore, #tpu.memory_space<semaphore_mem>>
          %dma_start3A = tpu.memref_slice %arg4[%mul3A_102] : memref<10112xf32, #tpu.memory_space<hbm>> -> memref<128xf32, #tpu.memory_space<hbm>>
          %dma_start3A_113 = tpu.memref_slice %arg6[%mul3A_102] : memref<10112xf32, #tpu.memory_space<vmem_shared>> -> memref<128xf32, #tpu.memory_space<vmem_shared>>
          tpu.enqueue_dma source(%dma_start3A_113 : memref<128xf32, #tpu.memory_space<vmem_shared>>) target(%dma_start3A : memref<128xf32, #tpu.memory_space<hbm>>) target_semaphore(%run_scoped3A_112 : memref<!tpu.dma_semaphore, #tpu.memory_space<semaphore_mem>>)
          %dma_wait3A = tpu.memref_slice %arg4[%mul3A_102] : memref<10112xf32, #tpu.memory_space<hbm>> -> memref<128xf32, #tpu.memory_space<hbm>>
          %dma_wait3A_114 = tpu.memref_slice %arg6[%mul3A_102] : memref<10112xf32, #tpu.memory_space<vmem_shared>> -> memref<128xf32, #tpu.memory_space<vmem_shared>>
          tpu.wait_dma2 semaphore(%run_scoped3A_112 : memref<!tpu.dma_semaphore, #tpu.memory_space<semaphore_mem>>) src(%dma_wait3A_114 : memref<128xf32, #tpu.memory_space<vmem_shared>>) dst(%dma_wait3A : memref<128xf32, #tpu.memory_space<hbm>>)
          tpu.yield
        }) : () -> ()
      } else {
      }
      %eq3A_107 = arith.constant 1 : i32
      %eq3A_108 = arith.cmpi eq, %arg0, %eq3A_107 : i32
      %convert_element_type3A_109 = arith.extui %eq3A_108 : i1 to i32
      %cond3A_110 = arith.constant 0 : i32
      %cond3A_111 = arith.cmpi ne, %convert_element_type3A_109, %cond3A_110 : i32
      scf.if %cond3A_111 {
        "tpu.region"() ({
          %run_scoped3A_112 = tpu.sem_alloc : memref<!tpu.dma_semaphore, #tpu.memory_space<semaphore_mem>>
          %dma_start3A = tpu.memref_slice %arg5[%mul3A_102] : memref<10112xf32, #tpu.memory_space<hbm>> -> memref<128xf32, #tpu.memory_space<hbm>>
          %dma_start3A_113 = tpu.memref_slice %arg6[%mul3A_102] : memref<10112xf32, #tpu.memory_space<vmem_shared>> -> memref<128xf32, #tpu.memory_space<vmem_shared>>
          tpu.enqueue_dma source(%dma_start3A_113 : memref<128xf32, #tpu.memory_space<vmem_shared>>) target(%dma_start3A : memref<128xf32, #tpu.memory_space<hbm>>) target_semaphore(%run_scoped3A_112 : memref<!tpu.dma_semaphore, #tpu.memory_space<semaphore_mem>>)
          %dma_wait3A = tpu.memref_slice %arg5[%mul3A_102] : memref<10112xf32, #tpu.memory_space<hbm>> -> memref<128xf32, #tpu.memory_space<hbm>>
          %dma_wait3A_114 = tpu.memref_slice %arg6[%mul3A_102] : memref<10112xf32, #tpu.memory_space<vmem_shared>> -> memref<128xf32, #tpu.memory_space<vmem_shared>>
          tpu.wait_dma2 semaphore(%run_scoped3A_112 : memref<!tpu.dma_semaphore, #tpu.memory_space<semaphore_mem>>) src(%dma_wait3A_114 : memref<128xf32, #tpu.memory_space<vmem_shared>>) dst(%dma_wait3A : memref<128xf32, #tpu.memory_space<hbm>>)
          tpu.yield
        }) : () -> ()
      } else {
      }
    } else {
    }
    %mul3A_83 = arith.constant 5 : i32
    %mul3A_84 = arith.muli %arg1, %mul3A_83 : i32
    %add3A_85 = arith.constant 3 : i32
    %add3A_86 = arith.addi %mul3A_84, %add3A_85 : i32
    %lt3A_87 = arith.constant 79 : i32
    %lt3A_88 = arith.cmpi slt, %add3A_86, %lt3A_87 : i32
    %convert_element_type3A_89 = arith.extui %lt3A_88 : i1 to i32
    %cond3A_90 = arith.constant 0 : i32
    %cond3A_91 = arith.cmpi ne, %convert_element_type3A_89, %cond3A_90 : i32
    scf.if %cond3A_91 {
      %mul3A_101 = arith.constant 128 : i32
      %mul3A_102 = arith.muli %add3A_86, %mul3A_101 : i32
      %eq3A = arith.constant 0 : i32
      %eq3A_103 = arith.cmpi eq, %arg0, %eq3A : i32
      %convert_element_type3A_104 = arith.extui %eq3A_103 : i1 to i32
      %cond3A_105 = arith.constant 0 : i32
      %cond3A_106 = arith.cmpi ne, %convert_element_type3A_104, %cond3A_105 : i32
      scf.if %cond3A_106 {
        "tpu.region"() ({
          %run_scoped3A_112 = tpu.sem_alloc : memref<!tpu.dma_semaphore, #tpu.memory_space<semaphore_mem>>
          %dma_start3A = tpu.memref_slice %arg4[%mul3A_102] : memref<10112xf32, #tpu.memory_space<hbm>> -> memref<128xf32, #tpu.memory_space<hbm>>
          %dma_start3A_113 = tpu.memref_slice %arg6[%mul3A_102] : memref<10112xf32, #tpu.memory_space<vmem_shared>> -> memref<128xf32, #tpu.memory_space<vmem_shared>>
          tpu.enqueue_dma source(%dma_start3A_113 : memref<128xf32, #tpu.memory_space<vmem_shared>>) target(%dma_start3A : memref<128xf32, #tpu.memory_space<hbm>>) target_semaphore(%run_scoped3A_112 : memref<!tpu.dma_semaphore, #tpu.memory_space<semaphore_mem>>)
          %dma_wait3A = tpu.memref_slice %arg4[%mul3A_102] : memref<10112xf32, #tpu.memory_space<hbm>> -> memref<128xf32, #tpu.memory_space<hbm>>
          %dma_wait3A_114 = tpu.memref_slice %arg6[%mul3A_102] : memref<10112xf32, #tpu.memory_space<vmem_shared>> -> memref<128xf32, #tpu.memory_space<vmem_shared>>
          tpu.wait_dma2 semaphore(%run_scoped3A_112 : memref<!tpu.dma_semaphore, #tpu.memory_space<semaphore_mem>>) src(%dma_wait3A_114 : memref<128xf32, #tpu.memory_space<vmem_shared>>) dst(%dma_wait3A : memref<128xf32, #tpu.memory_space<hbm>>)
          tpu.yield
        }) : () -> ()
      } else {
      }
      %eq3A_107 = arith.constant 1 : i32
      %eq3A_108 = arith.cmpi eq, %arg0, %eq3A_107 : i32
      %convert_element_type3A_109 = arith.extui %eq3A_108 : i1 to i32
      %cond3A_110 = arith.constant 0 : i32
      %cond3A_111 = arith.cmpi ne, %convert_element_type3A_109, %cond3A_110 : i32
      scf.if %cond3A_111 {
        "tpu.region"() ({
          %run_scoped3A_112 = tpu.sem_alloc : memref<!tpu.dma_semaphore, #tpu.memory_space<semaphore_mem>>
          %dma_start3A = tpu.memref_slice %arg5[%mul3A_102] : memref<10112xf32, #tpu.memory_space<hbm>> -> memref<128xf32, #tpu.memory_space<hbm>>
          %dma_start3A_113 = tpu.memref_slice %arg6[%mul3A_102] : memref<10112xf32, #tpu.memory_space<vmem_shared>> -> memref<128xf32, #tpu.memory_space<vmem_shared>>
          tpu.enqueue_dma source(%dma_start3A_113 : memref<128xf32, #tpu.memory_space<vmem_shared>>) target(%dma_start3A : memref<128xf32, #tpu.memory_space<hbm>>) target_semaphore(%run_scoped3A_112 : memref<!tpu.dma_semaphore, #tpu.memory_space<semaphore_mem>>)
          %dma_wait3A = tpu.memref_slice %arg5[%mul3A_102] : memref<10112xf32, #tpu.memory_space<hbm>> -> memref<128xf32, #tpu.memory_space<hbm>>
          %dma_wait3A_114 = tpu.memref_slice %arg6[%mul3A_102] : memref<10112xf32, #tpu.memory_space<vmem_shared>> -> memref<128xf32, #tpu.memory_space<vmem_shared>>
          tpu.wait_dma2 semaphore(%run_scoped3A_112 : memref<!tpu.dma_semaphore, #tpu.memory_space<semaphore_mem>>) src(%dma_wait3A_114 : memref<128xf32, #tpu.memory_space<vmem_shared>>) dst(%dma_wait3A : memref<128xf32, #tpu.memory_space<hbm>>)
          tpu.yield
        }) : () -> ()
      } else {
      }
    } else {
    }
    %mul3A_92 = arith.constant 5 : i32
    %mul3A_93 = arith.muli %arg1, %mul3A_92 : i32
    %add3A_94 = arith.constant 4 : i32
    %add3A_95 = arith.addi %mul3A_93, %add3A_94 : i32
    %lt3A_96 = arith.constant 79 : i32
    %lt3A_97 = arith.cmpi slt, %add3A_95, %lt3A_96 : i32
    %convert_element_type3A_98 = arith.extui %lt3A_97 : i1 to i32
    %cond3A_99 = arith.constant 0 : i32
    %cond3A_100 = arith.cmpi ne, %convert_element_type3A_98, %cond3A_99 : i32
    scf.if %cond3A_100 {
      %mul3A_101 = arith.constant 128 : i32
      %mul3A_102 = arith.muli %add3A_95, %mul3A_101 : i32
      %eq3A = arith.constant 0 : i32
      %eq3A_103 = arith.cmpi eq, %arg0, %eq3A : i32
      %convert_element_type3A_104 = arith.extui %eq3A_103 : i1 to i32
      %cond3A_105 = arith.constant 0 : i32
      %cond3A_106 = arith.cmpi ne, %convert_element_type3A_104, %cond3A_105 : i32
      scf.if %cond3A_106 {
        "tpu.region"() ({
          %run_scoped3A_112 = tpu.sem_alloc : memref<!tpu.dma_semaphore, #tpu.memory_space<semaphore_mem>>
          %dma_start3A = tpu.memref_slice %arg4[%mul3A_102] : memref<10112xf32, #tpu.memory_space<hbm>> -> memref<128xf32, #tpu.memory_space<hbm>>
          %dma_start3A_113 = tpu.memref_slice %arg6[%mul3A_102] : memref<10112xf32, #tpu.memory_space<vmem_shared>> -> memref<128xf32, #tpu.memory_space<vmem_shared>>
          tpu.enqueue_dma source(%dma_start3A_113 : memref<128xf32, #tpu.memory_space<vmem_shared>>) target(%dma_start3A : memref<128xf32, #tpu.memory_space<hbm>>) target_semaphore(%run_scoped3A_112 : memref<!tpu.dma_semaphore, #tpu.memory_space<semaphore_mem>>)
          %dma_wait3A = tpu.memref_slice %arg4[%mul3A_102] : memref<10112xf32, #tpu.memory_space<hbm>> -> memref<128xf32, #tpu.memory_space<hbm>>
          %dma_wait3A_114 = tpu.memref_slice %arg6[%mul3A_102] : memref<10112xf32, #tpu.memory_space<vmem_shared>> -> memref<128xf32, #tpu.memory_space<vmem_shared>>
          tpu.wait_dma2 semaphore(%run_scoped3A_112 : memref<!tpu.dma_semaphore, #tpu.memory_space<semaphore_mem>>) src(%dma_wait3A_114 : memref<128xf32, #tpu.memory_space<vmem_shared>>) dst(%dma_wait3A : memref<128xf32, #tpu.memory_space<hbm>>)
          tpu.yield
        }) : () -> ()
      } else {
      }
      %eq3A_107 = arith.constant 1 : i32
      %eq3A_108 = arith.cmpi eq, %arg0, %eq3A_107 : i32
      %convert_element_type3A_109 = arith.extui %eq3A_108 : i1 to i32
      %cond3A_110 = arith.constant 0 : i32
      %cond3A_111 = arith.cmpi ne, %convert_element_type3A_109, %cond3A_110 : i32
      scf.if %cond3A_111 {
        "tpu.region"() ({
          %run_scoped3A_112 = tpu.sem_alloc : memref<!tpu.dma_semaphore, #tpu.memory_space<semaphore_mem>>
          %dma_start3A = tpu.memref_slice %arg5[%mul3A_102] : memref<10112xf32, #tpu.memory_space<hbm>> -> memref<128xf32, #tpu.memory_space<hbm>>
          %dma_start3A_113 = tpu.memref_slice %arg6[%mul3A_102] : memref<10112xf32, #tpu.memory_space<vmem_shared>> -> memref<128xf32, #tpu.memory_space<vmem_shared>>
          tpu.enqueue_dma source(%dma_start3A_113 : memref<128xf32, #tpu.memory_space<vmem_shared>>) target(%dma_start3A : memref<128xf32, #tpu.memory_space<hbm>>) target_semaphore(%run_scoped3A_112 : memref<!tpu.dma_semaphore, #tpu.memory_space<semaphore_mem>>)
          %dma_wait3A = tpu.memref_slice %arg5[%mul3A_102] : memref<10112xf32, #tpu.memory_space<hbm>> -> memref<128xf32, #tpu.memory_space<hbm>>
          %dma_wait3A_114 = tpu.memref_slice %arg6[%mul3A_102] : memref<10112xf32, #tpu.memory_space<vmem_shared>> -> memref<128xf32, #tpu.memory_space<vmem_shared>>
          tpu.wait_dma2 semaphore(%run_scoped3A_112 : memref<!tpu.dma_semaphore, #tpu.memory_space<semaphore_mem>>) src(%dma_wait3A_114 : memref<128xf32, #tpu.memory_space<vmem_shared>>) dst(%dma_wait3A : memref<128xf32, #tpu.memory_space<hbm>>)
          tpu.yield
        }) : () -> ()
      } else {
      }
    } else {
    }
    return
  }
}

#map = affine_map<(d0, d1) -> (0, 0)>
#map1 = affine_map<(d0, d1) -> (0, 0, 0, 0)>
module attributes {stable_mosaic.version = 14 : i64} {
  func.func @_scatter_body(%arg0: i32, %arg1: i32, %arg2: memref<10112x128xf32, #tpu.memory_space<hbm>>, %arg3: memref<10112x128xf32, #tpu.memory_space<hbm>>, %arg4: memref<16x80x2x128xi32, #tpu.memory_space<hbm>>, %arg5: memref<10112x128xf32, #tpu.memory_space<hbm>>, %arg6: memref<10112x128xf32, #tpu.memory_space<hbm>>, %arg7: memref<10112x128xf32, #tpu.memory_space<vmem_shared>>, %arg8: memref<2x128xi32, #tpu.memory_space<vmem>>, %arg9: memref<2x128xi32, #tpu.memory_space<vmem>>, %arg10: memref<2x128xi32, #tpu.memory_space<vmem>>, %arg11: memref<2x128xi32, #tpu.memory_space<vmem>>, %arg12: memref<128x128xf32, #tpu.memory_space<vmem>>, %arg13: memref<128x128xf32, #tpu.memory_space<vmem>>, %arg14: memref<!tpu.dma_semaphore, #tpu.memory_space<semaphore_mem>>, %arg15: memref<!tpu.dma_semaphore, #tpu.memory_space<semaphore_mem>>, %arg16: memref<!tpu.dma_semaphore, #tpu.memory_space<semaphore_mem>>, %arg17: memref<!tpu.dma_semaphore, #tpu.memory_space<semaphore_mem>>, %arg18: memref<!tpu.dma_semaphore, #tpu.memory_space<semaphore_mem>>, %arg19: memref<!tpu.dma_semaphore, #tpu.memory_space<semaphore_mem>>) attributes {dimension_semantics = [#tpu.dimension_semantics<core_parallel>, #tpu.dimension_semantics<subcore_parallel>], iteration_bounds = array<i64: 2, 16>, scalar_prefetch = 0 : i64, scratch_operands = 13 : i64, tpu.core_type = #tpu.core_type<sc_vector_subcore>, window_params = [{transform_indices = #map}, {transform_indices = #map}, {transform_indices = #map1}, {transform_indices = #map}, {transform_indices = #map}]} {
    %eq3A = arith.constant 0 : i32
    %eq3A_0 = arith.cmpi eq, %arg0, %eq3A : i32
    %convert_element_type3A = arith.extui %eq3A_0 : i1 to i32
    %cond3A = arith.constant 0 : i32
    %cond3A_1 = arith.cmpi ne, %convert_element_type3A, %cond3A : i32
    scf.if %cond3A_1 {
      %mul3A = arith.constant 5 : i32
      %mul3A_7 = arith.muli %arg1, %mul3A : i32
      %add3A = arith.constant 0 : i32
      %add3A_8 = arith.addi %mul3A_7, %add3A : i32
      %lt3A = arith.constant 79 : i32
      %lt3A_9 = arith.cmpi slt, %add3A_8, %lt3A : i32
      %convert_element_type3A_10 = arith.extui %lt3A_9 : i1 to i32
      %cond3A_11 = arith.constant 0 : i32
      %cond3A_12 = arith.cmpi ne, %convert_element_type3A_10, %cond3A_11 : i32
      scf.if %cond3A_12 {
        %mul3A_240 = arith.constant 128 : i32
        %mul3A_241 = arith.muli %add3A_8, %mul3A_240 : i32
        %dma_start3A_242 = arith.constant 0 : i32
        %dma_start3A_243 = tpu.memref_slice %arg7[%mul3A_241, %dma_start3A_242] : memref<10112x128xf32, #tpu.memory_space<vmem_shared>> -> memref<128x128xf32, #tpu.memory_space<vmem_shared>>
        %dma_start3A_244 = arith.constant 0 : i32
        %dma_start3A_245 = tpu.memref_slice %arg2[%mul3A_241, %dma_start3A_244] : memref<10112x128xf32, #tpu.memory_space<hbm>> -> memref<128x128xf32, #tpu.memory_space<hbm>>
        tpu.enqueue_dma source(%dma_start3A_245 : memref<128x128xf32, #tpu.memory_space<hbm>>) target(%dma_start3A_243 : memref<128x128xf32, #tpu.memory_space<vmem_shared>>) target_semaphore(%arg14 : memref<!tpu.dma_semaphore, #tpu.memory_space<semaphore_mem>>)
      } else {
      }
      %mul3A_13 = arith.constant 5 : i32
      %mul3A_14 = arith.muli %arg1, %mul3A_13 : i32
      %add3A_15 = arith.constant 1 : i32
      %add3A_16 = arith.addi %mul3A_14, %add3A_15 : i32
      %lt3A_17 = arith.constant 79 : i32
      %lt3A_18 = arith.cmpi slt, %add3A_16, %lt3A_17 : i32
      %convert_element_type3A_19 = arith.extui %lt3A_18 : i1 to i32
      %cond3A_20 = arith.constant 0 : i32
      %cond3A_21 = arith.cmpi ne, %convert_element_type3A_19, %cond3A_20 : i32
      scf.if %cond3A_21 {
        %mul3A_240 = arith.constant 128 : i32
        %mul3A_241 = arith.muli %add3A_16, %mul3A_240 : i32
        %dma_start3A_242 = arith.constant 0 : i32
        %dma_start3A_243 = tpu.memref_slice %arg7[%mul3A_241, %dma_start3A_242] : memref<10112x128xf32, #tpu.memory_space<vmem_shared>> -> memref<128x128xf32, #tpu.memory_space<vmem_shared>>
        %dma_start3A_244 = arith.constant 0 : i32
        %dma_start3A_245 = tpu.memref_slice %arg2[%mul3A_241, %dma_start3A_244] : memref<10112x128xf32, #tpu.memory_space<hbm>> -> memref<128x128xf32, #tpu.memory_space<hbm>>
        tpu.enqueue_dma source(%dma_start3A_245 : memref<128x128xf32, #tpu.memory_space<hbm>>) target(%dma_start3A_243 : memref<128x128xf32, #tpu.memory_space<vmem_shared>>) target_semaphore(%arg14 : memref<!tpu.dma_semaphore, #tpu.memory_space<semaphore_mem>>)
      } else {
      }
      %mul3A_22 = arith.constant 5 : i32
      %mul3A_23 = arith.muli %arg1, %mul3A_22 : i32
      %add3A_24 = arith.constant 2 : i32
      %add3A_25 = arith.addi %mul3A_23, %add3A_24 : i32
      %lt3A_26 = arith.constant 79 : i32
      %lt3A_27 = arith.cmpi slt, %add3A_25, %lt3A_26 : i32
      %convert_element_type3A_28 = arith.extui %lt3A_27 : i1 to i32
      %cond3A_29 = arith.constant 0 : i32
      %cond3A_30 = arith.cmpi ne, %convert_element_type3A_28, %cond3A_29 : i32
      scf.if %cond3A_30 {
        %mul3A_240 = arith.constant 128 : i32
        %mul3A_241 = arith.muli %add3A_25, %mul3A_240 : i32
        %dma_start3A_242 = arith.constant 0 : i32
        %dma_start3A_243 = tpu.memref_slice %arg7[%mul3A_241, %dma_start3A_242] : memref<10112x128xf32, #tpu.memory_space<vmem_shared>> -> memref<128x128xf32, #tpu.memory_space<vmem_shared>>
        %dma_start3A_244 = arith.constant 0 : i32
        %dma_start3A_245 = tpu.memref_slice %arg2[%mul3A_241, %dma_start3A_244] : memref<10112x128xf32, #tpu.memory_space<hbm>> -> memref<128x128xf32, #tpu.memory_space<hbm>>
        tpu.enqueue_dma source(%dma_start3A_245 : memref<128x128xf32, #tpu.memory_space<hbm>>) target(%dma_start3A_243 : memref<128x128xf32, #tpu.memory_space<vmem_shared>>) target_semaphore(%arg14 : memref<!tpu.dma_semaphore, #tpu.memory_space<semaphore_mem>>)
      } else {
      }
      %mul3A_31 = arith.constant 5 : i32
      %mul3A_32 = arith.muli %arg1, %mul3A_31 : i32
      %add3A_33 = arith.constant 3 : i32
      %add3A_34 = arith.addi %mul3A_32, %add3A_33 : i32
      %lt3A_35 = arith.constant 79 : i32
      %lt3A_36 = arith.cmpi slt, %add3A_34, %lt3A_35 : i32
      %convert_element_type3A_37 = arith.extui %lt3A_36 : i1 to i32
      %cond3A_38 = arith.constant 0 : i32
      %cond3A_39 = arith.cmpi ne, %convert_element_type3A_37, %cond3A_38 : i32
      scf.if %cond3A_39 {
        %mul3A_240 = arith.constant 128 : i32
        %mul3A_241 = arith.muli %add3A_34, %mul3A_240 : i32
        %dma_start3A_242 = arith.constant 0 : i32
        %dma_start3A_243 = tpu.memref_slice %arg7[%mul3A_241, %dma_start3A_242] : memref<10112x128xf32, #tpu.memory_space<vmem_shared>> -> memref<128x128xf32, #tpu.memory_space<vmem_shared>>
        %dma_start3A_244 = arith.constant 0 : i32
        %dma_start3A_245 = tpu.memref_slice %arg2[%mul3A_241, %dma_start3A_244] : memref<10112x128xf32, #tpu.memory_space<hbm>> -> memref<128x128xf32, #tpu.memory_space<hbm>>
        tpu.enqueue_dma source(%dma_start3A_245 : memref<128x128xf32, #tpu.memory_space<hbm>>) target(%dma_start3A_243 : memref<128x128xf32, #tpu.memory_space<vmem_shared>>) target_semaphore(%arg14 : memref<!tpu.dma_semaphore, #tpu.memory_space<semaphore_mem>>)
      } else {
      }
      %mul3A_40 = arith.constant 5 : i32
      %mul3A_41 = arith.muli %arg1, %mul3A_40 : i32
      %add3A_42 = arith.constant 4 : i32
      %add3A_43 = arith.addi %mul3A_41, %add3A_42 : i32
      %lt3A_44 = arith.constant 79 : i32
      %lt3A_45 = arith.cmpi slt, %add3A_43, %lt3A_44 : i32
      %convert_element_type3A_46 = arith.extui %lt3A_45 : i1 to i32
      %cond3A_47 = arith.constant 0 : i32
      %cond3A_48 = arith.cmpi ne, %convert_element_type3A_46, %cond3A_47 : i32
      scf.if %cond3A_48 {
        %mul3A_240 = arith.constant 128 : i32
        %mul3A_241 = arith.muli %add3A_43, %mul3A_240 : i32
        %dma_start3A_242 = arith.constant 0 : i32
        %dma_start3A_243 = tpu.memref_slice %arg7[%mul3A_241, %dma_start3A_242] : memref<10112x128xf32, #tpu.memory_space<vmem_shared>> -> memref<128x128xf32, #tpu.memory_space<vmem_shared>>
        %dma_start3A_244 = arith.constant 0 : i32
        %dma_start3A_245 = tpu.memref_slice %arg2[%mul3A_241, %dma_start3A_244] : memref<10112x128xf32, #tpu.memory_space<hbm>> -> memref<128x128xf32, #tpu.memory_space<hbm>>
        tpu.enqueue_dma source(%dma_start3A_245 : memref<128x128xf32, #tpu.memory_space<hbm>>) target(%dma_start3A_243 : memref<128x128xf32, #tpu.memory_space<vmem_shared>>) target_semaphore(%arg14 : memref<!tpu.dma_semaphore, #tpu.memory_space<semaphore_mem>>)
      } else {
      }
      %mul3A_49 = arith.constant 5 : i32
      %mul3A_50 = arith.muli %arg1, %mul3A_49 : i32
      %add3A_51 = arith.constant 0 : i32
      %add3A_52 = arith.addi %mul3A_50, %add3A_51 : i32
      %lt3A_53 = arith.constant 79 : i32
      %lt3A_54 = arith.cmpi slt, %add3A_52, %lt3A_53 : i32
      %convert_element_type3A_55 = arith.extui %lt3A_54 : i1 to i32
      %cond3A_56 = arith.constant 0 : i32
      %cond3A_57 = arith.cmpi ne, %convert_element_type3A_55, %cond3A_56 : i32
      scf.if %cond3A_57 {
        %mul3A_240 = arith.constant 128 : i32
        %mul3A_241 = arith.muli %add3A_52, %mul3A_240 : i32
        %dma_wait3A_242 = arith.constant 0 : i32
        %dma_wait3A_243 = tpu.memref_slice %arg7[%mul3A_241, %dma_wait3A_242] : memref<10112x128xf32, #tpu.memory_space<vmem_shared>> -> memref<128x128xf32, #tpu.memory_space<vmem_shared>>
        %dma_wait3A_244 = arith.constant 0 : i32
        %dma_wait3A_245 = tpu.memref_slice %arg2[%mul3A_241, %dma_wait3A_244] : memref<10112x128xf32, #tpu.memory_space<hbm>> -> memref<128x128xf32, #tpu.memory_space<hbm>>
        tpu.wait_dma2 semaphore(%arg14 : memref<!tpu.dma_semaphore, #tpu.memory_space<semaphore_mem>>) src(%dma_wait3A_245 : memref<128x128xf32, #tpu.memory_space<hbm>>) dst(%dma_wait3A_243 : memref<128x128xf32, #tpu.memory_space<vmem_shared>>)
      } else {
      }
      %mul3A_58 = arith.constant 5 : i32
      %mul3A_59 = arith.muli %arg1, %mul3A_58 : i32
      %add3A_60 = arith.constant 1 : i32
      %add3A_61 = arith.addi %mul3A_59, %add3A_60 : i32
      %lt3A_62 = arith.constant 79 : i32
      %lt3A_63 = arith.cmpi slt, %add3A_61, %lt3A_62 : i32
      %convert_element_type3A_64 = arith.extui %lt3A_63 : i1 to i32
      %cond3A_65 = arith.constant 0 : i32
      %cond3A_66 = arith.cmpi ne, %convert_element_type3A_64, %cond3A_65 : i32
      scf.if %cond3A_66 {
        %mul3A_240 = arith.constant 128 : i32
        %mul3A_241 = arith.muli %add3A_61, %mul3A_240 : i32
        %dma_wait3A_242 = arith.constant 0 : i32
        %dma_wait3A_243 = tpu.memref_slice %arg7[%mul3A_241, %dma_wait3A_242] : memref<10112x128xf32, #tpu.memory_space<vmem_shared>> -> memref<128x128xf32, #tpu.memory_space<vmem_shared>>
        %dma_wait3A_244 = arith.constant 0 : i32
        %dma_wait3A_245 = tpu.memref_slice %arg2[%mul3A_241, %dma_wait3A_244] : memref<10112x128xf32, #tpu.memory_space<hbm>> -> memref<128x128xf32, #tpu.memory_space<hbm>>
        tpu.wait_dma2 semaphore(%arg14 : memref<!tpu.dma_semaphore, #tpu.memory_space<semaphore_mem>>) src(%dma_wait3A_245 : memref<128x128xf32, #tpu.memory_space<hbm>>) dst(%dma_wait3A_243 : memref<128x128xf32, #tpu.memory_space<vmem_shared>>)
      } else {
      }
      %mul3A_67 = arith.constant 5 : i32
      %mul3A_68 = arith.muli %arg1, %mul3A_67 : i32
      %add3A_69 = arith.constant 2 : i32
      %add3A_70 = arith.addi %mul3A_68, %add3A_69 : i32
      %lt3A_71 = arith.constant 79 : i32
      %lt3A_72 = arith.cmpi slt, %add3A_70, %lt3A_71 : i32
      %convert_element_type3A_73 = arith.extui %lt3A_72 : i1 to i32
      %cond3A_74 = arith.constant 0 : i32
      %cond3A_75 = arith.cmpi ne, %convert_element_type3A_73, %cond3A_74 : i32
      scf.if %cond3A_75 {
        %mul3A_240 = arith.constant 128 : i32
        %mul3A_241 = arith.muli %add3A_70, %mul3A_240 : i32
        %dma_wait3A_242 = arith.constant 0 : i32
        %dma_wait3A_243 = tpu.memref_slice %arg7[%mul3A_241, %dma_wait3A_242] : memref<10112x128xf32, #tpu.memory_space<vmem_shared>> -> memref<128x128xf32, #tpu.memory_space<vmem_shared>>
        %dma_wait3A_244 = arith.constant 0 : i32
        %dma_wait3A_245 = tpu.memref_slice %arg2[%mul3A_241, %dma_wait3A_244] : memref<10112x128xf32, #tpu.memory_space<hbm>> -> memref<128x128xf32, #tpu.memory_space<hbm>>
        tpu.wait_dma2 semaphore(%arg14 : memref<!tpu.dma_semaphore, #tpu.memory_space<semaphore_mem>>) src(%dma_wait3A_245 : memref<128x128xf32, #tpu.memory_space<hbm>>) dst(%dma_wait3A_243 : memref<128x128xf32, #tpu.memory_space<vmem_shared>>)
      } else {
      }
      %mul3A_76 = arith.constant 5 : i32
      %mul3A_77 = arith.muli %arg1, %mul3A_76 : i32
      %add3A_78 = arith.constant 3 : i32
      %add3A_79 = arith.addi %mul3A_77, %add3A_78 : i32
      %lt3A_80 = arith.constant 79 : i32
      %lt3A_81 = arith.cmpi slt, %add3A_79, %lt3A_80 : i32
      %convert_element_type3A_82 = arith.extui %lt3A_81 : i1 to i32
      %cond3A_83 = arith.constant 0 : i32
      %cond3A_84 = arith.cmpi ne, %convert_element_type3A_82, %cond3A_83 : i32
      scf.if %cond3A_84 {
        %mul3A_240 = arith.constant 128 : i32
        %mul3A_241 = arith.muli %add3A_79, %mul3A_240 : i32
        %dma_wait3A_242 = arith.constant 0 : i32
        %dma_wait3A_243 = tpu.memref_slice %arg7[%mul3A_241, %dma_wait3A_242] : memref<10112x128xf32, #tpu.memory_space<vmem_shared>> -> memref<128x128xf32, #tpu.memory_space<vmem_shared>>
        %dma_wait3A_244 = arith.constant 0 : i32
        %dma_wait3A_245 = tpu.memref_slice %arg2[%mul3A_241, %dma_wait3A_244] : memref<10112x128xf32, #tpu.memory_space<hbm>> -> memref<128x128xf32, #tpu.memory_space<hbm>>
        tpu.wait_dma2 semaphore(%arg14 : memref<!tpu.dma_semaphore, #tpu.memory_space<semaphore_mem>>) src(%dma_wait3A_245 : memref<128x128xf32, #tpu.memory_space<hbm>>) dst(%dma_wait3A_243 : memref<128x128xf32, #tpu.memory_space<vmem_shared>>)
      } else {
      }
      %mul3A_85 = arith.constant 5 : i32
      %mul3A_86 = arith.muli %arg1, %mul3A_85 : i32
      %add3A_87 = arith.constant 4 : i32
      %add3A_88 = arith.addi %mul3A_86, %add3A_87 : i32
      %lt3A_89 = arith.constant 79 : i32
      %lt3A_90 = arith.cmpi slt, %add3A_88, %lt3A_89 : i32
      %convert_element_type3A_91 = arith.extui %lt3A_90 : i1 to i32
      %cond3A_92 = arith.constant 0 : i32
      %cond3A_93 = arith.cmpi ne, %convert_element_type3A_91, %cond3A_92 : i32
      scf.if %cond3A_93 {
        %mul3A_240 = arith.constant 128 : i32
        %mul3A_241 = arith.muli %add3A_88, %mul3A_240 : i32
        %dma_wait3A_242 = arith.constant 0 : i32
        %dma_wait3A_243 = tpu.memref_slice %arg7[%mul3A_241, %dma_wait3A_242] : memref<10112x128xf32, #tpu.memory_space<vmem_shared>> -> memref<128x128xf32, #tpu.memory_space<vmem_shared>>
        %dma_wait3A_244 = arith.constant 0 : i32
        %dma_wait3A_245 = tpu.memref_slice %arg2[%mul3A_241, %dma_wait3A_244] : memref<10112x128xf32, #tpu.memory_space<hbm>> -> memref<128x128xf32, #tpu.memory_space<hbm>>
        tpu.wait_dma2 semaphore(%arg14 : memref<!tpu.dma_semaphore, #tpu.memory_space<semaphore_mem>>) src(%dma_wait3A_245 : memref<128x128xf32, #tpu.memory_space<hbm>>) dst(%dma_wait3A_243 : memref<128x128xf32, #tpu.memory_space<vmem_shared>>)
      } else {
      }
      %barrier3A = arith.constant 0 : index
      tpu.barrier barrier_id(%barrier3A)
      %dma_start3A = arith.constant 0 : i32
      %dma_start3A_94 = arith.constant 0 : i32
      %dma_start3A_95 = arith.constant 0 : i32
      %dma_start3A_96 = tpu.memref_slice %arg4[%arg1, %dma_start3A, %dma_start3A_94, %dma_start3A_95] : memref<16x80x2x128xi32, #tpu.memory_space<hbm>> -> memref<1x1x2x128xi32, #tpu.memory_space<hbm>>
      %dma_start3A_97 = tpu.memref_squeeze %dma_start3A_96 : memref<1x1x2x128xi32, #tpu.memory_space<hbm>> -> memref<2x128xi32, #tpu.memory_space<hbm>>
      %dma_start3A_98 = arith.constant 0 : i32
      %dma_start3A_99 = arith.constant 0 : i32
      %dma_start3A_100 = tpu.memref_slice %arg4[%arg1, %dma_start3A, %dma_start3A_98, %dma_start3A_99] : memref<16x80x2x128xi32, #tpu.memory_space<hbm>> -> memref<1x1x2x128xi32, #tpu.memory_space<hbm>>
      %dma_start3A_101 = tpu.memref_squeeze %dma_start3A_100 : memref<1x1x2x128xi32, #tpu.memory_space<hbm>> -> memref<2x128xi32, #tpu.memory_space<hbm>>
      tpu.enqueue_dma source(%dma_start3A_101 : memref<2x128xi32, #tpu.memory_space<hbm>>) target(%arg8 : memref<2x128xi32, #tpu.memory_space<vmem>>) target_semaphore(%arg16 : memref<!tpu.dma_semaphore, #tpu.memory_space<semaphore_mem>>)
      %dma_start3A_102 = arith.constant 1 : i32
      %dma_start3A_103 = arith.constant 0 : i32
      %dma_start3A_104 = arith.constant 0 : i32
      %dma_start3A_105 = tpu.memref_slice %arg4[%arg1, %dma_start3A_102, %dma_start3A_103, %dma_start3A_104] : memref<16x80x2x128xi32, #tpu.memory_space<hbm>> -> memref<1x1x2x128xi32, #tpu.memory_space<hbm>>
      %dma_start3A_106 = tpu.memref_squeeze %dma_start3A_105 : memref<1x1x2x128xi32, #tpu.memory_space<hbm>> -> memref<2x128xi32, #tpu.memory_space<hbm>>
      %dma_start3A_107 = arith.constant 0 : i32
      %dma_start3A_108 = arith.constant 0 : i32
      %dma_start3A_109 = tpu.memref_slice %arg4[%arg1, %dma_start3A_102, %dma_start3A_107, %dma_start3A_108] : memref<16x80x2x128xi32, #tpu.memory_space<hbm>> -> memref<1x1x2x128xi32, #tpu.memory_space<hbm>>
      %dma_start3A_110 = tpu.memref_squeeze %dma_start3A_109 : memref<1x1x2x128xi32, #tpu.memory_space<hbm>> -> memref<2x128xi32, #tpu.memory_space<hbm>>
      tpu.enqueue_dma source(%dma_start3A_110 : memref<2x128xi32, #tpu.memory_space<hbm>>) target(%arg9 : memref<2x128xi32, #tpu.memory_space<vmem>>) target_semaphore(%arg17 : memref<!tpu.dma_semaphore, #tpu.memory_space<semaphore_mem>>)
      %dma_start3A_111 = arith.constant 2 : i32
      %dma_start3A_112 = arith.constant 0 : i32
      %dma_start3A_113 = arith.constant 0 : i32
      %dma_start3A_114 = tpu.memref_slice %arg4[%arg1, %dma_start3A_111, %dma_start3A_112, %dma_start3A_113] : memref<16x80x2x128xi32, #tpu.memory_space<hbm>> -> memref<1x1x2x128xi32, #tpu.memory_space<hbm>>
      %dma_start3A_115 = tpu.memref_squeeze %dma_start3A_114 : memref<1x1x2x128xi32, #tpu.memory_space<hbm>> -> memref<2x128xi32, #tpu.memory_space<hbm>>
      %dma_start3A_116 = arith.constant 0 : i32
      %dma_start3A_117 = arith.constant 0 : i32
      %dma_start3A_118 = tpu.memref_slice %arg4[%arg1, %dma_start3A_111, %dma_start3A_116, %dma_start3A_117] : memref<16x80x2x128xi32, #tpu.memory_space<hbm>> -> memref<1x1x2x128xi32, #tpu.memory_space<hbm>>
      %dma_start3A_119 = tpu.memref_squeeze %dma_start3A_118 : memref<1x1x2x128xi32, #tpu.memory_space<hbm>> -> memref<2x128xi32, #tpu.memory_space<hbm>>
      tpu.enqueue_dma source(%dma_start3A_119 : memref<2x128xi32, #tpu.memory_space<hbm>>) target(%arg10 : memref<2x128xi32, #tpu.memory_space<vmem>>) target_semaphore(%arg18 : memref<!tpu.dma_semaphore, #tpu.memory_space<semaphore_mem>>)
      %dma_start3A_120 = arith.constant 3 : i32
      %dma_start3A_121 = arith.constant 0 : i32
      %dma_start3A_122 = arith.constant 0 : i32
      %dma_start3A_123 = tpu.memref_slice %arg4[%arg1, %dma_start3A_120, %dma_start3A_121, %dma_start3A_122] : memref<16x80x2x128xi32, #tpu.memory_space<hbm>> -> memref<1x1x2x128xi32, #tpu.memory_space<hbm>>
      %dma_start3A_124 = tpu.memref_squeeze %dma_start3A_123 : memref<1x1x2x128xi32, #tpu.memory_space<hbm>> -> memref<2x128xi32, #tpu.memory_space<hbm>>
      %dma_start3A_125 = arith.constant 0 : i32
      %dma_start3A_126 = arith.constant 0 : i32
      %dma_start3A_127 = tpu.memref_slice %arg4[%arg1, %dma_start3A_120, %dma_start3A_125, %dma_start3A_126] : memref<16x80x2x128xi32, #tpu.memory_space<hbm>> -> memref<1x1x2x128xi32, #tpu.memory_space<hbm>>
      %dma_start3A_128 = tpu.memref_squeeze %dma_start3A_127 : memref<1x1x2x128xi32, #tpu.memory_space<hbm>> -> memref<2x128xi32, #tpu.memory_space<hbm>>
      tpu.enqueue_dma source(%dma_start3A_128 : memref<2x128xi32, #tpu.memory_space<hbm>>) target(%arg11 : memref<2x128xi32, #tpu.memory_space<vmem>>) target_semaphore(%arg19 : memref<!tpu.dma_semaphore, #tpu.memory_space<semaphore_mem>>)
      %dma_wait3A = arith.constant 0 : i32
      %dma_wait3A_129 = arith.constant 0 : i32
      %dma_wait3A_130 = arith.constant 0 : i32
      %dma_wait3A_131 = tpu.memref_slice %arg4[%arg1, %dma_wait3A, %dma_wait3A_129, %dma_wait3A_130] : memref<16x80x2x128xi32, #tpu.memory_space<hbm>> -> memref<1x1x2x128xi32, #tpu.memory_space<hbm>>
      %dma_wait3A_132 = tpu.memref_squeeze %dma_wait3A_131 : memref<1x1x2x128xi32, #tpu.memory_space<hbm>> -> memref<2x128xi32, #tpu.memory_space<hbm>>
      %dma_wait3A_133 = arith.constant 0 : i32
      %dma_wait3A_134 = arith.constant 0 : i32
      %dma_wait3A_135 = tpu.memref_slice %arg4[%arg1, %dma_wait3A, %dma_wait3A_133, %dma_wait3A_134] : memref<16x80x2x128xi32, #tpu.memory_space<hbm>> -> memref<1x1x2x128xi32, #tpu.memory_space<hbm>>
      %dma_wait3A_136 = tpu.memref_squeeze %dma_wait3A_135 : memref<1x1x2x128xi32, #tpu.memory_space<hbm>> -> memref<2x128xi32, #tpu.memory_space<hbm>>
      tpu.wait_dma2 semaphore(%arg16 : memref<!tpu.dma_semaphore, #tpu.memory_space<semaphore_mem>>) src(%dma_wait3A_136 : memref<2x128xi32, #tpu.memory_space<hbm>>) dst(%arg8 : memref<2x128xi32, #tpu.memory_space<vmem>>)
      %dma_start3A_137 = arith.constant 0 : i32
      %dma_start3A_138 = arith.constant 0 : i32
      %dma_start3A_139 = tpu.memref_slice %arg8[%dma_start3A_137, %dma_start3A_138] : memref<2x128xi32, #tpu.memory_space<vmem>> -> memref<1x128xi32, #tpu.memory_space<vmem>>
      %dma_start3A_140 = tpu.memref_squeeze %dma_start3A_139 : memref<1x128xi32, #tpu.memory_space<vmem>> -> memref<128xi32, #tpu.memory_space<vmem>>
      %dma_start3A_141 = arith.constant 0 : i32
      %dma_start3A_142 = arith.constant 0 : i32
      %dma_start3A_143 = tpu.memref_slice %arg2[%dma_start3A_141, %dma_start3A_142] : memref<10112x128xf32, #tpu.memory_space<hbm>> -> memref<10112x128xf32, #tpu.memory_space<hbm>>
      tpu.enqueue_indirect_dma source(%dma_start3A_143 : memref<10112x128xf32, #tpu.memory_space<hbm>>) target(%arg12 : memref<128x128xf32, #tpu.memory_space<vmem>>) offsets(%dma_start3A_140 : memref<128xi32, #tpu.memory_space<vmem>>) semaphore(%arg14 : memref<!tpu.dma_semaphore, #tpu.memory_space<semaphore_mem>>)
      %scan3A = arith.constant 0 : i32
      %scan3A_144 = arith.constant 0 : i32
      %scan3A_145 = arith.constant 20 : i32
      %scan3A_146 = arith.addi %scan3A_144, %scan3A_145 : i32
      %scan3A_147 = arith.constant 1 : i32
      scf.for %scan3A_240 = %scan3A_144 to %scan3A_146 step %scan3A_147  : i32 {
        %mul3A_241 = arith.constant 4 : i32
        %mul3A_242 = arith.muli %mul3A_241, %scan3A_240 : i32
        %add3A_243 = arith.constant 1 : i32
        %add3A_244 = arith.addi %mul3A_242, %add3A_243 : i32
        %dma_wait3A_245 = arith.constant 0 : i32
        %dma_wait3A_246 = arith.constant 0 : i32
        %dma_wait3A_247 = tpu.memref_slice %arg4[%arg1, %add3A_244, %dma_wait3A_245, %dma_wait3A_246] : memref<16x80x2x128xi32, #tpu.memory_space<hbm>> -> memref<1x1x2x128xi32, #tpu.memory_space<hbm>>
        %dma_wait3A_248 = tpu.memref_squeeze %dma_wait3A_247 : memref<1x1x2x128xi32, #tpu.memory_space<hbm>> -> memref<2x128xi32, #tpu.memory_space<hbm>>
        %dma_wait3A_249 = arith.constant 0 : i32
        %dma_wait3A_250 = arith.constant 0 : i32
        %dma_wait3A_251 = tpu.memref_slice %arg4[%arg1, %add3A_244, %dma_wait3A_249, %dma_wait3A_250] : memref<16x80x2x128xi32, #tpu.memory_space<hbm>> -> memref<1x1x2x128xi32, #tpu.memory_space<hbm>>
        %dma_wait3A_252 = tpu.memref_squeeze %dma_wait3A_251 : memref<1x1x2x128xi32, #tpu.memory_space<hbm>> -> memref<2x128xi32, #tpu.memory_space<hbm>>
        tpu.wait_dma2 semaphore(%arg17 : memref<!tpu.dma_semaphore, #tpu.memory_space<semaphore_mem>>) src(%dma_wait3A_252 : memref<2x128xi32, #tpu.memory_space<hbm>>) dst(%arg9 : memref<2x128xi32, #tpu.memory_space<vmem>>)
        %dma_start3A_253 = arith.constant 0 : i32
        %dma_start3A_254 = arith.constant 0 : i32
        %dma_start3A_255 = tpu.memref_slice %arg9[%dma_start3A_253, %dma_start3A_254] : memref<2x128xi32, #tpu.memory_space<vmem>> -> memref<1x128xi32, #tpu.memory_space<vmem>>
        %dma_start3A_256 = tpu.memref_squeeze %dma_start3A_255 : memref<1x128xi32, #tpu.memory_space<vmem>> -> memref<128xi32, #tpu.memory_space<vmem>>
        %dma_start3A_257 = arith.constant 0 : i32
        %dma_start3A_258 = arith.constant 0 : i32
        %dma_start3A_259 = tpu.memref_slice %arg2[%dma_start3A_257, %dma_start3A_258] : memref<10112x128xf32, #tpu.memory_space<hbm>> -> memref<10112x128xf32, #tpu.memory_space<hbm>>
        tpu.enqueue_indirect_dma source(%dma_start3A_259 : memref<10112x128xf32, #tpu.memory_space<hbm>>) target(%arg13 : memref<128x128xf32, #tpu.memory_space<vmem>>) offsets(%dma_start3A_256 : memref<128xi32, #tpu.memory_space<vmem>>) semaphore(%arg15 : memref<!tpu.dma_semaphore, #tpu.memory_space<semaphore_mem>>)
        %dma_wait3A_260 = arith.constant 0 : i32
        %dma_wait3A_261 = arith.constant 0 : i32
        %dma_wait3A_262 = tpu.memref_slice %arg8[%dma_wait3A_260, %dma_wait3A_261] : memref<2x128xi32, #tpu.memory_space<vmem>> -> memref<1x128xi32, #tpu.memory_space<vmem>>
        %dma_wait3A_263 = tpu.memref_squeeze %dma_wait3A_262 : memref<1x128xi32, #tpu.memory_space<vmem>> -> memref<128xi32, #tpu.memory_space<vmem>>
        %dma_wait3A_264 = arith.constant 0 : i32
        %dma_wait3A_265 = arith.constant 0 : i32
        %dma_wait3A_266 = tpu.memref_slice %arg2[%dma_wait3A_264, %dma_wait3A_265] : memref<10112x128xf32, #tpu.memory_space<hbm>> -> memref<10112x128xf32, #tpu.memory_space<hbm>>
        tpu.wait_indirect_dma semaphore(%arg14 : memref<!tpu.dma_semaphore, #tpu.memory_space<semaphore_mem>>) src(%dma_wait3A_266 : memref<10112x128xf32, #tpu.memory_space<hbm>>) dst(%arg12 : memref<128x128xf32, #tpu.memory_space<vmem>>)
        %run_scoped3A = arith.constant 1 : i32
        "tpu.region"() ({
          %run_scoped3A_352 = tpu.sem_alloc : memref<!tpu.dma_semaphore, #tpu.memory_space<semaphore_mem>>
          %dma_start3A_353 = arith.constant 0 : i32
          %dma_start3A_354 = tpu.memref_slice %arg8[%run_scoped3A, %dma_start3A_353] : memref<2x128xi32, #tpu.memory_space<vmem>> -> memref<1x128xi32, #tpu.memory_space<vmem>>
          %dma_start3A_355 = tpu.memref_squeeze %dma_start3A_354 : memref<1x128xi32, #tpu.memory_space<vmem>> -> memref<128xi32, #tpu.memory_space<vmem>>
          %dma_start3A_356 = arith.constant 0 : i32
          %dma_start3A_357 = arith.constant 0 : i32
          %dma_start3A_358 = tpu.memref_slice %arg7[%dma_start3A_356, %dma_start3A_357] : memref<10112x128xf32, #tpu.memory_space<vmem_shared>> -> memref<10112x128xf32, #tpu.memory_space<vmem_shared>>
          tpu.enqueue_indirect_dma source(%arg12 : memref<128x128xf32, #tpu.memory_space<vmem>>) target(%dma_start3A_358 : memref<10112x128xf32, #tpu.memory_space<vmem_shared>>) offsets(%dma_start3A_355 : memref<128xi32, #tpu.memory_space<vmem>>) semaphore(%run_scoped3A_352 : memref<!tpu.dma_semaphore, #tpu.memory_space<semaphore_mem>>) {add = true}
          %dma_wait3A_359 = arith.constant 0 : i32
          %dma_wait3A_360 = tpu.memref_slice %arg8[%run_scoped3A, %dma_wait3A_359] : memref<2x128xi32, #tpu.memory_space<vmem>> -> memref<1x128xi32, #tpu.memory_space<vmem>>
          %dma_wait3A_361 = tpu.memref_squeeze %dma_wait3A_360 : memref<1x128xi32, #tpu.memory_space<vmem>> -> memref<128xi32, #tpu.memory_space<vmem>>
          %dma_wait3A_362 = arith.constant 0 : i32
          %dma_wait3A_363 = arith.constant 0 : i32
          %dma_wait3A_364 = tpu.memref_slice %arg7[%dma_wait3A_362, %dma_wait3A_363] : memref<10112x128xf32, #tpu.memory_space<vmem_shared>> -> memref<10112x128xf32, #tpu.memory_space<vmem_shared>>
          tpu.wait_indirect_dma semaphore(%run_scoped3A_352 : memref<!tpu.dma_semaphore, #tpu.memory_space<semaphore_mem>>) src(%arg12 : memref<128x128xf32, #tpu.memory_space<vmem>>) dst(%dma_wait3A_364 : memref<10112x128xf32, #tpu.memory_space<vmem_shared>>)
          tpu.yield
        }) : () -> ()
        %add3A_267 = arith.constant 2 : i32
        %add3A_268 = arith.addi %mul3A_242, %add3A_267 : i32
        %lt3A_269 = arith.constant 80 : i32
        %lt3A_270 = arith.cmpi slt, %add3A_268, %lt3A_269 : i32
        %convert_element_type3A_271 = arith.extui %lt3A_270 : i1 to i32
        %cond3A_272 = arith.constant 0 : i32
        %cond3A_273 = arith.cmpi ne, %convert_element_type3A_271, %cond3A_272 : i32
        scf.if %cond3A_273 {
          %add3A_352 = arith.constant 2 : i32
          %add3A_353 = arith.addi %mul3A_242, %add3A_352 : i32
          %dma_wait3A_354 = arith.constant 0 : i32
          %dma_wait3A_355 = arith.constant 0 : i32
          %dma_wait3A_356 = tpu.memref_slice %arg4[%arg1, %add3A_353, %dma_wait3A_354, %dma_wait3A_355] : memref<16x80x2x128xi32, #tpu.memory_space<hbm>> -> memref<1x1x2x128xi32, #tpu.memory_space<hbm>>
          %dma_wait3A_357 = tpu.memref_squeeze %dma_wait3A_356 : memref<1x1x2x128xi32, #tpu.memory_space<hbm>> -> memref<2x128xi32, #tpu.memory_space<hbm>>
          %dma_wait3A_358 = arith.constant 0 : i32
          %dma_wait3A_359 = arith.constant 0 : i32
          %dma_wait3A_360 = tpu.memref_slice %arg4[%arg1, %add3A_353, %dma_wait3A_358, %dma_wait3A_359] : memref<16x80x2x128xi32, #tpu.memory_space<hbm>> -> memref<1x1x2x128xi32, #tpu.memory_space<hbm>>
          %dma_wait3A_361 = tpu.memref_squeeze %dma_wait3A_360 : memref<1x1x2x128xi32, #tpu.memory_space<hbm>> -> memref<2x128xi32, #tpu.memory_space<hbm>>
          tpu.wait_dma2 semaphore(%arg18 : memref<!tpu.dma_semaphore, #tpu.memory_space<semaphore_mem>>) src(%dma_wait3A_361 : memref<2x128xi32, #tpu.memory_space<hbm>>) dst(%arg10 : memref<2x128xi32, #tpu.memory_space<vmem>>)
          %dma_start3A_362 = arith.constant 0 : i32
          %dma_start3A_363 = arith.constant 0 : i32
          %dma_start3A_364 = tpu.memref_slice %arg10[%dma_start3A_362, %dma_start3A_363] : memref<2x128xi32, #tpu.memory_space<vmem>> -> memref<1x128xi32, #tpu.memory_space<vmem>>
          %dma_start3A_365 = tpu.memref_squeeze %dma_start3A_364 : memref<1x128xi32, #tpu.memory_space<vmem>> -> memref<128xi32, #tpu.memory_space<vmem>>
          %dma_start3A_366 = arith.constant 0 : i32
          %dma_start3A_367 = arith.constant 0 : i32
          %dma_start3A_368 = tpu.memref_slice %arg2[%dma_start3A_366, %dma_start3A_367] : memref<10112x128xf32, #tpu.memory_space<hbm>> -> memref<10112x128xf32, #tpu.memory_space<hbm>>
          tpu.enqueue_indirect_dma source(%dma_start3A_368 : memref<10112x128xf32, #tpu.memory_space<hbm>>) target(%arg12 : memref<128x128xf32, #tpu.memory_space<vmem>>) offsets(%dma_start3A_365 : memref<128xi32, #tpu.memory_space<vmem>>) semaphore(%arg14 : memref<!tpu.dma_semaphore, #tpu.memory_space<semaphore_mem>>)
        } else {
        }
        %add3A_274 = arith.constant 4 : i32
        %add3A_275 = arith.addi %mul3A_242, %add3A_274 : i32
        %lt3A_276 = arith.constant 80 : i32
        %lt3A_277 = arith.cmpi slt, %add3A_275, %lt3A_276 : i32
        %convert_element_type3A_278 = arith.extui %lt3A_277 : i1 to i32
        %cond3A_279 = arith.constant 0 : i32
        %cond3A_280 = arith.cmpi ne, %convert_element_type3A_278, %cond3A_279 : i32
        scf.if %cond3A_280 {
          %add3A_352 = arith.constant 4 : i32
          %add3A_353 = arith.addi %mul3A_242, %add3A_352 : i32
          %dma_start3A_354 = arith.constant 0 : i32
          %dma_start3A_355 = arith.constant 0 : i32
          %dma_start3A_356 = tpu.memref_slice %arg4[%arg1, %add3A_353, %dma_start3A_354, %dma_start3A_355] : memref<16x80x2x128xi32, #tpu.memory_space<hbm>> -> memref<1x1x2x128xi32, #tpu.memory_space<hbm>>
          %dma_start3A_357 = tpu.memref_squeeze %dma_start3A_356 : memref<1x1x2x128xi32, #tpu.memory_space<hbm>> -> memref<2x128xi32, #tpu.memory_space<hbm>>
          %dma_start3A_358 = arith.constant 0 : i32
          %dma_start3A_359 = arith.constant 0 : i32
          %dma_start3A_360 = tpu.memref_slice %arg4[%arg1, %add3A_353, %dma_start3A_358, %dma_start3A_359] : memref<16x80x2x128xi32, #tpu.memory_space<hbm>> -> memref<1x1x2x128xi32, #tpu.memory_space<hbm>>
          %dma_start3A_361 = tpu.memref_squeeze %dma_start3A_360 : memref<1x1x2x128xi32, #tpu.memory_space<hbm>> -> memref<2x128xi32, #tpu.memory_space<hbm>>
          tpu.enqueue_dma source(%dma_start3A_361 : memref<2x128xi32, #tpu.memory_space<hbm>>) target(%arg8 : memref<2x128xi32, #tpu.memory_space<vmem>>) target_semaphore(%arg16 : memref<!tpu.dma_semaphore, #tpu.memory_space<semaphore_mem>>)
        } else {
        }
        %dma_wait3A_281 = arith.constant 0 : i32
        %dma_wait3A_282 = arith.constant 0 : i32
        %dma_wait3A_283 = tpu.memref_slice %arg9[%dma_wait3A_281, %dma_wait3A_282] : memref<2x128xi32, #tpu.memory_space<vmem>> -> memref<1x128xi32, #tpu.memory_space<vmem>>
        %dma_wait3A_284 = tpu.memref_squeeze %dma_wait3A_283 : memref<1x128xi32, #tpu.memory_space<vmem>> -> memref<128xi32, #tpu.memory_space<vmem>>
        %dma_wait3A_285 = arith.constant 0 : i32
        %dma_wait3A_286 = arith.constant 0 : i32
        %dma_wait3A_287 = tpu.memref_slice %arg2[%dma_wait3A_285, %dma_wait3A_286] : memref<10112x128xf32, #tpu.memory_space<hbm>> -> memref<10112x128xf32, #tpu.memory_space<hbm>>
        tpu.wait_indirect_dma semaphore(%arg15 : memref<!tpu.dma_semaphore, #tpu.memory_space<semaphore_mem>>) src(%dma_wait3A_287 : memref<10112x128xf32, #tpu.memory_space<hbm>>) dst(%arg13 : memref<128x128xf32, #tpu.memory_space<vmem>>)
        %run_scoped3A_288 = arith.constant 1 : i32
        "tpu.region"() ({
          %run_scoped3A_352 = tpu.sem_alloc : memref<!tpu.dma_semaphore, #tpu.memory_space<semaphore_mem>>
          %dma_start3A_353 = arith.constant 0 : i32
          %dma_start3A_354 = tpu.memref_slice %arg9[%run_scoped3A_288, %dma_start3A_353] : memref<2x128xi32, #tpu.memory_space<vmem>> -> memref<1x128xi32, #tpu.memory_space<vmem>>
          %dma_start3A_355 = tpu.memref_squeeze %dma_start3A_354 : memref<1x128xi32, #tpu.memory_space<vmem>> -> memref<128xi32, #tpu.memory_space<vmem>>
          %dma_start3A_356 = arith.constant 0 : i32
          %dma_start3A_357 = arith.constant 0 : i32
          %dma_start3A_358 = tpu.memref_slice %arg7[%dma_start3A_356, %dma_start3A_357] : memref<10112x128xf32, #tpu.memory_space<vmem_shared>> -> memref<10112x128xf32, #tpu.memory_space<vmem_shared>>
          tpu.enqueue_indirect_dma source(%arg13 : memref<128x128xf32, #tpu.memory_space<vmem>>) target(%dma_start3A_358 : memref<10112x128xf32, #tpu.memory_space<vmem_shared>>) offsets(%dma_start3A_355 : memref<128xi32, #tpu.memory_space<vmem>>) semaphore(%run_scoped3A_352 : memref<!tpu.dma_semaphore, #tpu.memory_space<semaphore_mem>>) {add = true}
          %dma_wait3A_359 = arith.constant 0 : i32
          %dma_wait3A_360 = tpu.memref_slice %arg9[%run_scoped3A_288, %dma_wait3A_359] : memref<2x128xi32, #tpu.memory_space<vmem>> -> memref<1x128xi32, #tpu.memory_space<vmem>>
          %dma_wait3A_361 = tpu.memref_squeeze %dma_wait3A_360 : memref<1x128xi32, #tpu.memory_space<vmem>> -> memref<128xi32, #tpu.memory_space<vmem>>
          %dma_wait3A_362 = arith.constant 0 : i32
          %dma_wait3A_363 = arith.constant 0 : i32
          %dma_wait3A_364 = tpu.memref_slice %arg7[%dma_wait3A_362, %dma_wait3A_363] : memref<10112x128xf32, #tpu.memory_space<vmem_shared>> -> memref<10112x128xf32, #tpu.memory_space<vmem_shared>>
          tpu.wait_indirect_dma semaphore(%run_scoped3A_352 : memref<!tpu.dma_semaphore, #tpu.memory_space<semaphore_mem>>) src(%arg13 : memref<128x128xf32, #tpu.memory_space<vmem>>) dst(%dma_wait3A_364 : memref<10112x128xf32, #tpu.memory_space<vmem_shared>>)
          tpu.yield
        }) : () -> ()
        %add3A_289 = arith.constant 5 : i32
        %add3A_290 = arith.addi %mul3A_242, %add3A_289 : i32
        %lt3A_291 = arith.constant 80 : i32
        %lt3A_292 = arith.cmpi slt, %add3A_290, %lt3A_291 : i32
        %convert_element_type3A_293 = arith.extui %lt3A_292 : i1 to i32
        %cond3A_294 = arith.constant 0 : i32
        %cond3A_295 = arith.cmpi ne, %convert_element_type3A_293, %cond3A_294 : i32
        scf.if %cond3A_295 {
          %add3A_352 = arith.constant 5 : i32
          %add3A_353 = arith.addi %mul3A_242, %add3A_352 : i32
          %dma_start3A_354 = arith.constant 0 : i32
          %dma_start3A_355 = arith.constant 0 : i32
          %dma_start3A_356 = tpu.memref_slice %arg4[%arg1, %add3A_353, %dma_start3A_354, %dma_start3A_355] : memref<16x80x2x128xi32, #tpu.memory_space<hbm>> -> memref<1x1x2x128xi32, #tpu.memory_space<hbm>>
          %dma_start3A_357 = tpu.memref_squeeze %dma_start3A_356 : memref<1x1x2x128xi32, #tpu.memory_space<hbm>> -> memref<2x128xi32, #tpu.memory_space<hbm>>
          %dma_start3A_358 = arith.constant 0 : i32
          %dma_start3A_359 = arith.constant 0 : i32
          %dma_start3A_360 = tpu.memref_slice %arg4[%arg1, %add3A_353, %dma_start3A_358, %dma_start3A_359] : memref<16x80x2x128xi32, #tpu.memory_space<hbm>> -> memref<1x1x2x128xi32, #tpu.memory_space<hbm>>
          %dma_start3A_361 = tpu.memref_squeeze %dma_start3A_360 : memref<1x1x2x128xi32, #tpu.memory_space<hbm>> -> memref<2x128xi32, #tpu.memory_space<hbm>>
          tpu.enqueue_dma source(%dma_start3A_361 : memref<2x128xi32, #tpu.memory_space<hbm>>) target(%arg9 : memref<2x128xi32, #tpu.memory_space<vmem>>) target_semaphore(%arg17 : memref<!tpu.dma_semaphore, #tpu.memory_space<semaphore_mem>>)
        } else {
        }
        %add3A_296 = arith.constant 2 : i32
        %add3A_297 = arith.addi %mul3A_242, %add3A_296 : i32
        %add3A_298 = arith.constant 1 : i32
        %add3A_299 = arith.addi %add3A_297, %add3A_298 : i32
        %dma_wait3A_300 = arith.constant 0 : i32
        %dma_wait3A_301 = arith.constant 0 : i32
        %dma_wait3A_302 = tpu.memref_slice %arg4[%arg1, %add3A_299, %dma_wait3A_300, %dma_wait3A_301] : memref<16x80x2x128xi32, #tpu.memory_space<hbm>> -> memref<1x1x2x128xi32, #tpu.memory_space<hbm>>
        %dma_wait3A_303 = tpu.memref_squeeze %dma_wait3A_302 : memref<1x1x2x128xi32, #tpu.memory_space<hbm>> -> memref<2x128xi32, #tpu.memory_space<hbm>>
        %dma_wait3A_304 = arith.constant 0 : i32
        %dma_wait3A_305 = arith.constant 0 : i32
        %dma_wait3A_306 = tpu.memref_slice %arg4[%arg1, %add3A_299, %dma_wait3A_304, %dma_wait3A_305] : memref<16x80x2x128xi32, #tpu.memory_space<hbm>> -> memref<1x1x2x128xi32, #tpu.memory_space<hbm>>
        %dma_wait3A_307 = tpu.memref_squeeze %dma_wait3A_306 : memref<1x1x2x128xi32, #tpu.memory_space<hbm>> -> memref<2x128xi32, #tpu.memory_space<hbm>>
        tpu.wait_dma2 semaphore(%arg19 : memref<!tpu.dma_semaphore, #tpu.memory_space<semaphore_mem>>) src(%dma_wait3A_307 : memref<2x128xi32, #tpu.memory_space<hbm>>) dst(%arg11 : memref<2x128xi32, #tpu.memory_space<vmem>>)
        %dma_start3A_308 = arith.constant 0 : i32
        %dma_start3A_309 = arith.constant 0 : i32
        %dma_start3A_310 = tpu.memref_slice %arg11[%dma_start3A_308, %dma_start3A_309] : memref<2x128xi32, #tpu.memory_space<vmem>> -> memref<1x128xi32, #tpu.memory_space<vmem>>
        %dma_start3A_311 = tpu.memref_squeeze %dma_start3A_310 : memref<1x128xi32, #tpu.memory_space<vmem>> -> memref<128xi32, #tpu.memory_space<vmem>>
        %dma_start3A_312 = arith.constant 0 : i32
        %dma_start3A_313 = arith.constant 0 : i32
        %dma_start3A_314 = tpu.memref_slice %arg2[%dma_start3A_312, %dma_start3A_313] : memref<10112x128xf32, #tpu.memory_space<hbm>> -> memref<10112x128xf32, #tpu.memory_space<hbm>>
        tpu.enqueue_indirect_dma source(%dma_start3A_314 : memref<10112x128xf32, #tpu.memory_space<hbm>>) target(%arg13 : memref<128x128xf32, #tpu.memory_space<vmem>>) offsets(%dma_start3A_311 : memref<128xi32, #tpu.memory_space<vmem>>) semaphore(%arg15 : memref<!tpu.dma_semaphore, #tpu.memory_space<semaphore_mem>>)
        %dma_wait3A_315 = arith.constant 0 : i32
        %dma_wait3A_316 = arith.constant 0 : i32
        %dma_wait3A_317 = tpu.memref_slice %arg10[%dma_wait3A_315, %dma_wait3A_316] : memref<2x128xi32, #tpu.memory_space<vmem>> -> memref<1x128xi32, #tpu.memory_space<vmem>>
        %dma_wait3A_318 = tpu.memref_squeeze %dma_wait3A_317 : memref<1x128xi32, #tpu.memory_space<vmem>> -> memref<128xi32, #tpu.memory_space<vmem>>
        %dma_wait3A_319 = arith.constant 0 : i32
        %dma_wait3A_320 = arith.constant 0 : i32
        %dma_wait3A_321 = tpu.memref_slice %arg2[%dma_wait3A_319, %dma_wait3A_320] : memref<10112x128xf32, #tpu.memory_space<hbm>> -> memref<10112x128xf32, #tpu.memory_space<hbm>>
        tpu.wait_indirect_dma semaphore(%arg14 : memref<!tpu.dma_semaphore, #tpu.memory_space<semaphore_mem>>) src(%dma_wait3A_321 : memref<10112x128xf32, #tpu.memory_space<hbm>>) dst(%arg12 : memref<128x128xf32, #tpu.memory_space<vmem>>)
        %run_scoped3A_322 = arith.constant 1 : i32
        "tpu.region"() ({
          %run_scoped3A_352 = tpu.sem_alloc : memref<!tpu.dma_semaphore, #tpu.memory_space<semaphore_mem>>
          %dma_start3A_353 = arith.constant 0 : i32
          %dma_start3A_354 = tpu.memref_slice %arg10[%run_scoped3A_322, %dma_start3A_353] : memref<2x128xi32, #tpu.memory_space<vmem>> -> memref<1x128xi32, #tpu.memory_space<vmem>>
          %dma_start3A_355 = tpu.memref_squeeze %dma_start3A_354 : memref<1x128xi32, #tpu.memory_space<vmem>> -> memref<128xi32, #tpu.memory_space<vmem>>
          %dma_start3A_356 = arith.constant 0 : i32
          %dma_start3A_357 = arith.constant 0 : i32
          %dma_start3A_358 = tpu.memref_slice %arg7[%dma_start3A_356, %dma_start3A_357] : memref<10112x128xf32, #tpu.memory_space<vmem_shared>> -> memref<10112x128xf32, #tpu.memory_space<vmem_shared>>
          tpu.enqueue_indirect_dma source(%arg12 : memref<128x128xf32, #tpu.memory_space<vmem>>) target(%dma_start3A_358 : memref<10112x128xf32, #tpu.memory_space<vmem_shared>>) offsets(%dma_start3A_355 : memref<128xi32, #tpu.memory_space<vmem>>) semaphore(%run_scoped3A_352 : memref<!tpu.dma_semaphore, #tpu.memory_space<semaphore_mem>>) {add = true}
          %dma_wait3A_359 = arith.constant 0 : i32
          %dma_wait3A_360 = tpu.memref_slice %arg10[%run_scoped3A_322, %dma_wait3A_359] : memref<2x128xi32, #tpu.memory_space<vmem>> -> memref<1x128xi32, #tpu.memory_space<vmem>>
          %dma_wait3A_361 = tpu.memref_squeeze %dma_wait3A_360 : memref<1x128xi32, #tpu.memory_space<vmem>> -> memref<128xi32, #tpu.memory_space<vmem>>
          %dma_wait3A_362 = arith.constant 0 : i32
          %dma_wait3A_363 = arith.constant 0 : i32
          %dma_wait3A_364 = tpu.memref_slice %arg7[%dma_wait3A_362, %dma_wait3A_363] : memref<10112x128xf32, #tpu.memory_space<vmem_shared>> -> memref<10112x128xf32, #tpu.memory_space<vmem_shared>>
          tpu.wait_indirect_dma semaphore(%run_scoped3A_352 : memref<!tpu.dma_semaphore, #tpu.memory_space<semaphore_mem>>) src(%arg12 : memref<128x128xf32, #tpu.memory_space<vmem>>) dst(%dma_wait3A_364 : memref<10112x128xf32, #tpu.memory_space<vmem_shared>>)
          tpu.yield
        }) : () -> ()
        %add3A_323 = arith.constant 2 : i32
        %add3A_324 = arith.addi %add3A_297, %add3A_323 : i32
        %lt3A_325 = arith.constant 80 : i32
        %lt3A_326 = arith.cmpi slt, %add3A_324, %lt3A_325 : i32
        %convert_element_type3A_327 = arith.extui %lt3A_326 : i1 to i32
        %cond3A_328 = arith.constant 0 : i32
        %cond3A_329 = arith.cmpi ne, %convert_element_type3A_327, %cond3A_328 : i32
        scf.if %cond3A_329 {
          %add3A_352 = arith.constant 2 : i32
          %add3A_353 = arith.addi %add3A_297, %add3A_352 : i32
          %dma_wait3A_354 = arith.constant 0 : i32
          %dma_wait3A_355 = arith.constant 0 : i32
          %dma_wait3A_356 = tpu.memref_slice %arg4[%arg1, %add3A_353, %dma_wait3A_354, %dma_wait3A_355] : memref<16x80x2x128xi32, #tpu.memory_space<hbm>> -> memref<1x1x2x128xi32, #tpu.memory_space<hbm>>
          %dma_wait3A_357 = tpu.memref_squeeze %dma_wait3A_356 : memref<1x1x2x128xi32, #tpu.memory_space<hbm>> -> memref<2x128xi32, #tpu.memory_space<hbm>>
          %dma_wait3A_358 = arith.constant 0 : i32
          %dma_wait3A_359 = arith.constant 0 : i32
          %dma_wait3A_360 = tpu.memref_slice %arg4[%arg1, %add3A_353, %dma_wait3A_358, %dma_wait3A_359] : memref<16x80x2x128xi32, #tpu.memory_space<hbm>> -> memref<1x1x2x128xi32, #tpu.memory_space<hbm>>
          %dma_wait3A_361 = tpu.memref_squeeze %dma_wait3A_360 : memref<1x1x2x128xi32, #tpu.memory_space<hbm>> -> memref<2x128xi32, #tpu.memory_space<hbm>>
          tpu.wait_dma2 semaphore(%arg16 : memref<!tpu.dma_semaphore, #tpu.memory_space<semaphore_mem>>) src(%dma_wait3A_361 : memref<2x128xi32, #tpu.memory_space<hbm>>) dst(%arg8 : memref<2x128xi32, #tpu.memory_space<vmem>>)
          %dma_start3A_362 = arith.constant 0 : i32
          %dma_start3A_363 = arith.constant 0 : i32
          %dma_start3A_364 = tpu.memref_slice %arg8[%dma_start3A_362, %dma_start3A_363] : memref<2x128xi32, #tpu.memory_space<vmem>> -> memref<1x128xi32, #tpu.memory_space<vmem>>
          %dma_start3A_365 = tpu.memref_squeeze %dma_start3A_364 : memref<1x128xi32, #tpu.memory_space<vmem>> -> memref<128xi32, #tpu.memory_space<vmem>>
          %dma_start3A_366 = arith.constant 0 : i32
          %dma_start3A_367 = arith.constant 0 : i32
          %dma_start3A_368 = tpu.memref_slice %arg2[%dma_start3A_366, %dma_start3A_367] : memref<10112x128xf32, #tpu.memory_space<hbm>> -> memref<10112x128xf32, #tpu.memory_space<hbm>>
          tpu.enqueue_indirect_dma source(%dma_start3A_368 : memref<10112x128xf32, #tpu.memory_space<hbm>>) target(%arg12 : memref<128x128xf32, #tpu.memory_space<vmem>>) offsets(%dma_start3A_365 : memref<128xi32, #tpu.memory_space<vmem>>) semaphore(%arg14 : memref<!tpu.dma_semaphore, #tpu.memory_space<semaphore_mem>>)
        } else {
        }
        %add3A_330 = arith.constant 4 : i32
        %add3A_331 = arith.addi %add3A_297, %add3A_330 : i32
        %lt3A_332 = arith.constant 80 : i32
        %lt3A_333 = arith.cmpi slt, %add3A_331, %lt3A_332 : i32
        %convert_element_type3A_334 = arith.extui %lt3A_333 : i1 to i32
        %cond3A_335 = arith.constant 0 : i32
        %cond3A_336 = arith.cmpi ne, %convert_element_type3A_334, %cond3A_335 : i32
        scf.if %cond3A_336 {
          %add3A_352 = arith.constant 4 : i32
          %add3A_353 = arith.addi %add3A_297, %add3A_352 : i32
          %dma_start3A_354 = arith.constant 0 : i32
          %dma_start3A_355 = arith.constant 0 : i32
          %dma_start3A_356 = tpu.memref_slice %arg4[%arg1, %add3A_353, %dma_start3A_354, %dma_start3A_355] : memref<16x80x2x128xi32, #tpu.memory_space<hbm>> -> memref<1x1x2x128xi32, #tpu.memory_space<hbm>>
          %dma_start3A_357 = tpu.memref_squeeze %dma_start3A_356 : memref<1x1x2x128xi32, #tpu.memory_space<hbm>> -> memref<2x128xi32, #tpu.memory_space<hbm>>
          %dma_start3A_358 = arith.constant 0 : i32
          %dma_start3A_359 = arith.constant 0 : i32
          %dma_start3A_360 = tpu.memref_slice %arg4[%arg1, %add3A_353, %dma_start3A_358, %dma_start3A_359] : memref<16x80x2x128xi32, #tpu.memory_space<hbm>> -> memref<1x1x2x128xi32, #tpu.memory_space<hbm>>
          %dma_start3A_361 = tpu.memref_squeeze %dma_start3A_360 : memref<1x1x2x128xi32, #tpu.memory_space<hbm>> -> memref<2x128xi32, #tpu.memory_space<hbm>>
          tpu.enqueue_dma source(%dma_start3A_361 : memref<2x128xi32, #tpu.memory_space<hbm>>) target(%arg10 : memref<2x128xi32, #tpu.memory_space<vmem>>) target_semaphore(%arg18 : memref<!tpu.dma_semaphore, #tpu.memory_space<semaphore_mem>>)
        } else {
        }
        %dma_wait3A_337 = arith.constant 0 : i32
        %dma_wait3A_338 = arith.constant 0 : i32
        %dma_wait3A_339 = tpu.memref_slice %arg11[%dma_wait3A_337, %dma_wait3A_338] : memref<2x128xi32, #tpu.memory_space<vmem>> -> memref<1x128xi32, #tpu.memory_space<vmem>>
        %dma_wait3A_340 = tpu.memref_squeeze %dma_wait3A_339 : memref<1x128xi32, #tpu.memory_space<vmem>> -> memref<128xi32, #tpu.memory_space<vmem>>
        %dma_wait3A_341 = arith.constant 0 : i32
        %dma_wait3A_342 = arith.constant 0 : i32
        %dma_wait3A_343 = tpu.memref_slice %arg2[%dma_wait3A_341, %dma_wait3A_342] : memref<10112x128xf32, #tpu.memory_space<hbm>> -> memref<10112x128xf32, #tpu.memory_space<hbm>>
        tpu.wait_indirect_dma semaphore(%arg15 : memref<!tpu.dma_semaphore, #tpu.memory_space<semaphore_mem>>) src(%dma_wait3A_343 : memref<10112x128xf32, #tpu.memory_space<hbm>>) dst(%arg13 : memref<128x128xf32, #tpu.memory_space<vmem>>)
        %run_scoped3A_344 = arith.constant 1 : i32
        "tpu.region"() ({
          %run_scoped3A_352 = tpu.sem_alloc : memref<!tpu.dma_semaphore, #tpu.memory_space<semaphore_mem>>
          %dma_start3A_353 = arith.constant 0 : i32
          %dma_start3A_354 = tpu.memref_slice %arg11[%run_scoped3A_344, %dma_start3A_353] : memref<2x128xi32, #tpu.memory_space<vmem>> -> memref<1x128xi32, #tpu.memory_space<vmem>>
          %dma_start3A_355 = tpu.memref_squeeze %dma_start3A_354 : memref<1x128xi32, #tpu.memory_space<vmem>> -> memref<128xi32, #tpu.memory_space<vmem>>
          %dma_start3A_356 = arith.constant 0 : i32
          %dma_start3A_357 = arith.constant 0 : i32
          %dma_start3A_358 = tpu.memref_slice %arg7[%dma_start3A_356, %dma_start3A_357] : memref<10112x128xf32, #tpu.memory_space<vmem_shared>> -> memref<10112x128xf32, #tpu.memory_space<vmem_shared>>
          tpu.enqueue_indirect_dma source(%arg13 : memref<128x128xf32, #tpu.memory_space<vmem>>) target(%dma_start3A_358 : memref<10112x128xf32, #tpu.memory_space<vmem_shared>>) offsets(%dma_start3A_355 : memref<128xi32, #tpu.memory_space<vmem>>) semaphore(%run_scoped3A_352 : memref<!tpu.dma_semaphore, #tpu.memory_space<semaphore_mem>>) {add = true}
          %dma_wait3A_359 = arith.constant 0 : i32
          %dma_wait3A_360 = tpu.memref_slice %arg11[%run_scoped3A_344, %dma_wait3A_359] : memref<2x128xi32, #tpu.memory_space<vmem>> -> memref<1x128xi32, #tpu.memory_space<vmem>>
          %dma_wait3A_361 = tpu.memref_squeeze %dma_wait3A_360 : memref<1x128xi32, #tpu.memory_space<vmem>> -> memref<128xi32, #tpu.memory_space<vmem>>
          %dma_wait3A_362 = arith.constant 0 : i32
          %dma_wait3A_363 = arith.constant 0 : i32
          %dma_wait3A_364 = tpu.memref_slice %arg7[%dma_wait3A_362, %dma_wait3A_363] : memref<10112x128xf32, #tpu.memory_space<vmem_shared>> -> memref<10112x128xf32, #tpu.memory_space<vmem_shared>>
          tpu.wait_indirect_dma semaphore(%run_scoped3A_352 : memref<!tpu.dma_semaphore, #tpu.memory_space<semaphore_mem>>) src(%arg13 : memref<128x128xf32, #tpu.memory_space<vmem>>) dst(%dma_wait3A_364 : memref<10112x128xf32, #tpu.memory_space<vmem_shared>>)
          tpu.yield
        }) : () -> ()
        %add3A_345 = arith.constant 5 : i32
        %add3A_346 = arith.addi %add3A_297, %add3A_345 : i32
        %lt3A_347 = arith.constant 80 : i32
        %lt3A_348 = arith.cmpi slt, %add3A_346, %lt3A_347 : i32
        %convert_element_type3A_349 = arith.extui %lt3A_348 : i1 to i32
        %cond3A_350 = arith.constant 0 : i32
        %cond3A_351 = arith.cmpi ne, %convert_element_type3A_349, %cond3A_350 : i32
        scf.if %cond3A_351 {
          %add3A_352 = arith.constant 5 : i32
          %add3A_353 = arith.addi %add3A_297, %add3A_352 : i32
          %dma_start3A_354 = arith.constant 0 : i32
          %dma_start3A_355 = arith.constant 0 : i32
          %dma_start3A_356 = tpu.memref_slice %arg4[%arg1, %add3A_353, %dma_start3A_354, %dma_start3A_355] : memref<16x80x2x128xi32, #tpu.memory_space<hbm>> -> memref<1x1x2x128xi32, #tpu.memory_space<hbm>>
          %dma_start3A_357 = tpu.memref_squeeze %dma_start3A_356 : memref<1x1x2x128xi32, #tpu.memory_space<hbm>> -> memref<2x128xi32, #tpu.memory_space<hbm>>
          %dma_start3A_358 = arith.constant 0 : i32
          %dma_start3A_359 = arith.constant 0 : i32
          %dma_start3A_360 = tpu.memref_slice %arg4[%arg1, %add3A_353, %dma_start3A_358, %dma_start3A_359] : memref<16x80x2x128xi32, #tpu.memory_space<hbm>> -> memref<1x1x2x128xi32, #tpu.memory_space<hbm>>
          %dma_start3A_361 = tpu.memref_squeeze %dma_start3A_360 : memref<1x1x2x128xi32, #tpu.memory_space<hbm>> -> memref<2x128xi32, #tpu.memory_space<hbm>>
          tpu.enqueue_dma source(%dma_start3A_361 : memref<2x128xi32, #tpu.memory_space<hbm>>) target(%arg11 : memref<2x128xi32, #tpu.memory_space<vmem>>) target_semaphore(%arg19 : memref<!tpu.dma_semaphore, #tpu.memory_space<semaphore_mem>>)
        } else {
        }
      }
      %scan3A_148 = arith.constant 20 : i32
      %barrier3A_149 = arith.constant 0 : index
      tpu.barrier barrier_id(%barrier3A_149)
      %mul3A_150 = arith.constant 5 : i32
      %mul3A_151 = arith.muli %arg1, %mul3A_150 : i32
      %add3A_152 = arith.constant 0 : i32
      %add3A_153 = arith.addi %mul3A_151, %add3A_152 : i32
      %lt3A_154 = arith.constant 79 : i32
      %lt3A_155 = arith.cmpi slt, %add3A_153, %lt3A_154 : i32
      %convert_element_type3A_156 = arith.extui %lt3A_155 : i1 to i32
      %cond3A_157 = arith.constant 0 : i32
      %cond3A_158 = arith.cmpi ne, %convert_element_type3A_156, %cond3A_157 : i32
      scf.if %cond3A_158 {
        %mul3A_240 = arith.constant 128 : i32
        %mul3A_241 = arith.muli %add3A_153, %mul3A_240 : i32
        %dma_start3A_242 = arith.constant 0 : i32
        %dma_start3A_243 = tpu.memref_slice %arg5[%mul3A_241, %dma_start3A_242] : memref<10112x128xf32, #tpu.memory_space<hbm>> -> memref<128x128xf32, #tpu.memory_space<hbm>>
        %dma_start3A_244 = arith.constant 0 : i32
        %dma_start3A_245 = tpu.memref_slice %arg7[%mul3A_241, %dma_start3A_244] : memref<10112x128xf32, #tpu.memory_space<vmem_shared>> -> memref<128x128xf32, #tpu.memory_space<vmem_shared>>
        tpu.enqueue_dma source(%dma_start3A_245 : memref<128x128xf32, #tpu.memory_space<vmem_shared>>) target(%dma_start3A_243 : memref<128x128xf32, #tpu.memory_space<hbm>>) target_semaphore(%arg14 : memref<!tpu.dma_semaphore, #tpu.memory_space<semaphore_mem>>)
      } else {
      }
      %mul3A_159 = arith.constant 5 : i32
      %mul3A_160 = arith.muli %arg1, %mul3A_159 : i32
      %add3A_161 = arith.constant 1 : i32
      %add3A_162 = arith.addi %mul3A_160, %add3A_161 : i32
      %lt3A_163 = arith.constant 79 : i32
      %lt3A_164 = arith.cmpi slt, %add3A_162, %lt3A_163 : i32
      %convert_element_type3A_165 = arith.extui %lt3A_164 : i1 to i32
      %cond3A_166 = arith.constant 0 : i32
      %cond3A_167 = arith.cmpi ne, %convert_element_type3A_165, %cond3A_166 : i32
      scf.if %cond3A_167 {
        %mul3A_240 = arith.constant 128 : i32
        %mul3A_241 = arith.muli %add3A_162, %mul3A_240 : i32
        %dma_start3A_242 = arith.constant 0 : i32
        %dma_start3A_243 = tpu.memref_slice %arg5[%mul3A_241, %dma_start3A_242] : memref<10112x128xf32, #tpu.memory_space<hbm>> -> memref<128x128xf32, #tpu.memory_space<hbm>>
        %dma_start3A_244 = arith.constant 0 : i32
        %dma_start3A_245 = tpu.memref_slice %arg7[%mul3A_241, %dma_start3A_244] : memref<10112x128xf32, #tpu.memory_space<vmem_shared>> -> memref<128x128xf32, #tpu.memory_space<vmem_shared>>
        tpu.enqueue_dma source(%dma_start3A_245 : memref<128x128xf32, #tpu.memory_space<vmem_shared>>) target(%dma_start3A_243 : memref<128x128xf32, #tpu.memory_space<hbm>>) target_semaphore(%arg14 : memref<!tpu.dma_semaphore, #tpu.memory_space<semaphore_mem>>)
      } else {
      }
      %mul3A_168 = arith.constant 5 : i32
      %mul3A_169 = arith.muli %arg1, %mul3A_168 : i32
      %add3A_170 = arith.constant 2 : i32
      %add3A_171 = arith.addi %mul3A_169, %add3A_170 : i32
      %lt3A_172 = arith.constant 79 : i32
      %lt3A_173 = arith.cmpi slt, %add3A_171, %lt3A_172 : i32
      %convert_element_type3A_174 = arith.extui %lt3A_173 : i1 to i32
      %cond3A_175 = arith.constant 0 : i32
      %cond3A_176 = arith.cmpi ne, %convert_element_type3A_174, %cond3A_175 : i32
      scf.if %cond3A_176 {
        %mul3A_240 = arith.constant 128 : i32
        %mul3A_241 = arith.muli %add3A_171, %mul3A_240 : i32
        %dma_start3A_242 = arith.constant 0 : i32
        %dma_start3A_243 = tpu.memref_slice %arg5[%mul3A_241, %dma_start3A_242] : memref<10112x128xf32, #tpu.memory_space<hbm>> -> memref<128x128xf32, #tpu.memory_space<hbm>>
        %dma_start3A_244 = arith.constant 0 : i32
        %dma_start3A_245 = tpu.memref_slice %arg7[%mul3A_241, %dma_start3A_244] : memref<10112x128xf32, #tpu.memory_space<vmem_shared>> -> memref<128x128xf32, #tpu.memory_space<vmem_shared>>
        tpu.enqueue_dma source(%dma_start3A_245 : memref<128x128xf32, #tpu.memory_space<vmem_shared>>) target(%dma_start3A_243 : memref<128x128xf32, #tpu.memory_space<hbm>>) target_semaphore(%arg14 : memref<!tpu.dma_semaphore, #tpu.memory_space<semaphore_mem>>)
      } else {
      }
      %mul3A_177 = arith.constant 5 : i32
      %mul3A_178 = arith.muli %arg1, %mul3A_177 : i32
      %add3A_179 = arith.constant 3 : i32
      %add3A_180 = arith.addi %mul3A_178, %add3A_179 : i32
      %lt3A_181 = arith.constant 79 : i32
      %lt3A_182 = arith.cmpi slt, %add3A_180, %lt3A_181 : i32
      %convert_element_type3A_183 = arith.extui %lt3A_182 : i1 to i32
      %cond3A_184 = arith.constant 0 : i32
      %cond3A_185 = arith.cmpi ne, %convert_element_type3A_183, %cond3A_184 : i32
      scf.if %cond3A_185 {
        %mul3A_240 = arith.constant 128 : i32
        %mul3A_241 = arith.muli %add3A_180, %mul3A_240 : i32
        %dma_start3A_242 = arith.constant 0 : i32
        %dma_start3A_243 = tpu.memref_slice %arg5[%mul3A_241, %dma_start3A_242] : memref<10112x128xf32, #tpu.memory_space<hbm>> -> memref<128x128xf32, #tpu.memory_space<hbm>>
        %dma_start3A_244 = arith.constant 0 : i32
        %dma_start3A_245 = tpu.memref_slice %arg7[%mul3A_241, %dma_start3A_244] : memref<10112x128xf32, #tpu.memory_space<vmem_shared>> -> memref<128x128xf32, #tpu.memory_space<vmem_shared>>
        tpu.enqueue_dma source(%dma_start3A_245 : memref<128x128xf32, #tpu.memory_space<vmem_shared>>) target(%dma_start3A_243 : memref<128x128xf32, #tpu.memory_space<hbm>>) target_semaphore(%arg14 : memref<!tpu.dma_semaphore, #tpu.memory_space<semaphore_mem>>)
      } else {
      }
      %mul3A_186 = arith.constant 5 : i32
      %mul3A_187 = arith.muli %arg1, %mul3A_186 : i32
      %add3A_188 = arith.constant 4 : i32
      %add3A_189 = arith.addi %mul3A_187, %add3A_188 : i32
      %lt3A_190 = arith.constant 79 : i32
      %lt3A_191 = arith.cmpi slt, %add3A_189, %lt3A_190 : i32
      %convert_element_type3A_192 = arith.extui %lt3A_191 : i1 to i32
      %cond3A_193 = arith.constant 0 : i32
      %cond3A_194 = arith.cmpi ne, %convert_element_type3A_192, %cond3A_193 : i32
      scf.if %cond3A_194 {
        %mul3A_240 = arith.constant 128 : i32
        %mul3A_241 = arith.muli %add3A_189, %mul3A_240 : i32
        %dma_start3A_242 = arith.constant 0 : i32
        %dma_start3A_243 = tpu.memref_slice %arg5[%mul3A_241, %dma_start3A_242] : memref<10112x128xf32, #tpu.memory_space<hbm>> -> memref<128x128xf32, #tpu.memory_space<hbm>>
        %dma_start3A_244 = arith.constant 0 : i32
        %dma_start3A_245 = tpu.memref_slice %arg7[%mul3A_241, %dma_start3A_244] : memref<10112x128xf32, #tpu.memory_space<vmem_shared>> -> memref<128x128xf32, #tpu.memory_space<vmem_shared>>
        tpu.enqueue_dma source(%dma_start3A_245 : memref<128x128xf32, #tpu.memory_space<vmem_shared>>) target(%dma_start3A_243 : memref<128x128xf32, #tpu.memory_space<hbm>>) target_semaphore(%arg14 : memref<!tpu.dma_semaphore, #tpu.memory_space<semaphore_mem>>)
      } else {
      }
      %mul3A_195 = arith.constant 5 : i32
      %mul3A_196 = arith.muli %arg1, %mul3A_195 : i32
      %add3A_197 = arith.constant 0 : i32
      %add3A_198 = arith.addi %mul3A_196, %add3A_197 : i32
      %lt3A_199 = arith.constant 79 : i32
      %lt3A_200 = arith.cmpi slt, %add3A_198, %lt3A_199 : i32
      %convert_element_type3A_201 = arith.extui %lt3A_200 : i1 to i32
      %cond3A_202 = arith.constant 0 : i32
      %cond3A_203 = arith.cmpi ne, %convert_element_type3A_201, %cond3A_202 : i32
      scf.if %cond3A_203 {
        %mul3A_240 = arith.constant 128 : i32
        %mul3A_241 = arith.muli %add3A_198, %mul3A_240 : i32
        %dma_wait3A_242 = arith.constant 0 : i32
        %dma_wait3A_243 = tpu.memref_slice %arg5[%mul3A_241, %dma_wait3A_242] : memref<10112x128xf32, #tpu.memory_space<hbm>> -> memref<128x128xf32, #tpu.memory_space<hbm>>
        %dma_wait3A_244 = arith.constant 0 : i32
        %dma_wait3A_245 = tpu.memref_slice %arg7[%mul3A_241, %dma_wait3A_244] : memref<10112x128xf32, #tpu.memory_space<vmem_shared>> -> memref<128x128xf32, #tpu.memory_space<vmem_shared>>
        tpu.wait_dma2 semaphore(%arg14 : memref<!tpu.dma_semaphore, #tpu.memory_space<semaphore_mem>>) src(%dma_wait3A_245 : memref<128x128xf32, #tpu.memory_space<vmem_shared>>) dst(%dma_wait3A_243 : memref<128x128xf32, #tpu.memory_space<hbm>>)
      } else {
      }
      %mul3A_204 = arith.constant 5 : i32
      %mul3A_205 = arith.muli %arg1, %mul3A_204 : i32
      %add3A_206 = arith.constant 1 : i32
      %add3A_207 = arith.addi %mul3A_205, %add3A_206 : i32
      %lt3A_208 = arith.constant 79 : i32
      %lt3A_209 = arith.cmpi slt, %add3A_207, %lt3A_208 : i32
      %convert_element_type3A_210 = arith.extui %lt3A_209 : i1 to i32
      %cond3A_211 = arith.constant 0 : i32
      %cond3A_212 = arith.cmpi ne, %convert_element_type3A_210, %cond3A_211 : i32
      scf.if %cond3A_212 {
        %mul3A_240 = arith.constant 128 : i32
        %mul3A_241 = arith.muli %add3A_207, %mul3A_240 : i32
        %dma_wait3A_242 = arith.constant 0 : i32
        %dma_wait3A_243 = tpu.memref_slice %arg5[%mul3A_241, %dma_wait3A_242] : memref<10112x128xf32, #tpu.memory_space<hbm>> -> memref<128x128xf32, #tpu.memory_space<hbm>>
        %dma_wait3A_244 = arith.constant 0 : i32
        %dma_wait3A_245 = tpu.memref_slice %arg7[%mul3A_241, %dma_wait3A_244] : memref<10112x128xf32, #tpu.memory_space<vmem_shared>> -> memref<128x128xf32, #tpu.memory_space<vmem_shared>>
        tpu.wait_dma2 semaphore(%arg14 : memref<!tpu.dma_semaphore, #tpu.memory_space<semaphore_mem>>) src(%dma_wait3A_245 : memref<128x128xf32, #tpu.memory_space<vmem_shared>>) dst(%dma_wait3A_243 : memref<128x128xf32, #tpu.memory_space<hbm>>)
      } else {
      }
      %mul3A_213 = arith.constant 5 : i32
      %mul3A_214 = arith.muli %arg1, %mul3A_213 : i32
      %add3A_215 = arith.constant 2 : i32
      %add3A_216 = arith.addi %mul3A_214, %add3A_215 : i32
      %lt3A_217 = arith.constant 79 : i32
      %lt3A_218 = arith.cmpi slt, %add3A_216, %lt3A_217 : i32
      %convert_element_type3A_219 = arith.extui %lt3A_218 : i1 to i32
      %cond3A_220 = arith.constant 0 : i32
      %cond3A_221 = arith.cmpi ne, %convert_element_type3A_219, %cond3A_220 : i32
      scf.if %cond3A_221 {
        %mul3A_240 = arith.constant 128 : i32
        %mul3A_241 = arith.muli %add3A_216, %mul3A_240 : i32
        %dma_wait3A_242 = arith.constant 0 : i32
        %dma_wait3A_243 = tpu.memref_slice %arg5[%mul3A_241, %dma_wait3A_242] : memref<10112x128xf32, #tpu.memory_space<hbm>> -> memref<128x128xf32, #tpu.memory_space<hbm>>
        %dma_wait3A_244 = arith.constant 0 : i32
        %dma_wait3A_245 = tpu.memref_slice %arg7[%mul3A_241, %dma_wait3A_244] : memref<10112x128xf32, #tpu.memory_space<vmem_shared>> -> memref<128x128xf32, #tpu.memory_space<vmem_shared>>
        tpu.wait_dma2 semaphore(%arg14 : memref<!tpu.dma_semaphore, #tpu.memory_space<semaphore_mem>>) src(%dma_wait3A_245 : memref<128x128xf32, #tpu.memory_space<vmem_shared>>) dst(%dma_wait3A_243 : memref<128x128xf32, #tpu.memory_space<hbm>>)
      } else {
      }
      %mul3A_222 = arith.constant 5 : i32
      %mul3A_223 = arith.muli %arg1, %mul3A_222 : i32
      %add3A_224 = arith.constant 3 : i32
      %add3A_225 = arith.addi %mul3A_223, %add3A_224 : i32
      %lt3A_226 = arith.constant 79 : i32
      %lt3A_227 = arith.cmpi slt, %add3A_225, %lt3A_226 : i32
      %convert_element_type3A_228 = arith.extui %lt3A_227 : i1 to i32
      %cond3A_229 = arith.constant 0 : i32
      %cond3A_230 = arith.cmpi ne, %convert_element_type3A_228, %cond3A_229 : i32
      scf.if %cond3A_230 {
        %mul3A_240 = arith.constant 128 : i32
        %mul3A_241 = arith.muli %add3A_225, %mul3A_240 : i32
        %dma_wait3A_242 = arith.constant 0 : i32
        %dma_wait3A_243 = tpu.memref_slice %arg5[%mul3A_241, %dma_wait3A_242] : memref<10112x128xf32, #tpu.memory_space<hbm>> -> memref<128x128xf32, #tpu.memory_space<hbm>>
        %dma_wait3A_244 = arith.constant 0 : i32
        %dma_wait3A_245 = tpu.memref_slice %arg7[%mul3A_241, %dma_wait3A_244] : memref<10112x128xf32, #tpu.memory_space<vmem_shared>> -> memref<128x128xf32, #tpu.memory_space<vmem_shared>>
        tpu.wait_dma2 semaphore(%arg14 : memref<!tpu.dma_semaphore, #tpu.memory_space<semaphore_mem>>) src(%dma_wait3A_245 : memref<128x128xf32, #tpu.memory_space<vmem_shared>>) dst(%dma_wait3A_243 : memref<128x128xf32, #tpu.memory_space<hbm>>)
      } else {
      }
      %mul3A_231 = arith.constant 5 : i32
      %mul3A_232 = arith.muli %arg1, %mul3A_231 : i32
      %add3A_233 = arith.constant 4 : i32
      %add3A_234 = arith.addi %mul3A_232, %add3A_233 : i32
      %lt3A_235 = arith.constant 79 : i32
      %lt3A_236 = arith.cmpi slt, %add3A_234, %lt3A_235 : i32
      %convert_element_type3A_237 = arith.extui %lt3A_236 : i1 to i32
      %cond3A_238 = arith.constant 0 : i32
      %cond3A_239 = arith.cmpi ne, %convert_element_type3A_237, %cond3A_238 : i32
      scf.if %cond3A_239 {
        %mul3A_240 = arith.constant 128 : i32
        %mul3A_241 = arith.muli %add3A_234, %mul3A_240 : i32
        %dma_wait3A_242 = arith.constant 0 : i32
        %dma_wait3A_243 = tpu.memref_slice %arg5[%mul3A_241, %dma_wait3A_242] : memref<10112x128xf32, #tpu.memory_space<hbm>> -> memref<128x128xf32, #tpu.memory_space<hbm>>
        %dma_wait3A_244 = arith.constant 0 : i32
        %dma_wait3A_245 = tpu.memref_slice %arg7[%mul3A_241, %dma_wait3A_244] : memref<10112x128xf32, #tpu.memory_space<vmem_shared>> -> memref<128x128xf32, #tpu.memory_space<vmem_shared>>
        tpu.wait_dma2 semaphore(%arg14 : memref<!tpu.dma_semaphore, #tpu.memory_space<semaphore_mem>>) src(%dma_wait3A_245 : memref<128x128xf32, #tpu.memory_space<vmem_shared>>) dst(%dma_wait3A_243 : memref<128x128xf32, #tpu.memory_space<hbm>>)
      } else {
      }
    } else {
    }
    %eq3A_2 = arith.constant 1 : i32
    %eq3A_3 = arith.cmpi eq, %arg0, %eq3A_2 : i32
    %convert_element_type3A_4 = arith.extui %eq3A_3 : i1 to i32
    %cond3A_5 = arith.constant 0 : i32
    %cond3A_6 = arith.cmpi ne, %convert_element_type3A_4, %cond3A_5 : i32
    scf.if %cond3A_6 {
      %mul3A = arith.constant 5 : i32
      %mul3A_7 = arith.muli %arg1, %mul3A : i32
      %add3A = arith.constant 0 : i32
      %add3A_8 = arith.addi %mul3A_7, %add3A : i32
      %lt3A = arith.constant 79 : i32
      %lt3A_9 = arith.cmpi slt, %add3A_8, %lt3A : i32
      %convert_element_type3A_10 = arith.extui %lt3A_9 : i1 to i32
      %cond3A_11 = arith.constant 0 : i32
      %cond3A_12 = arith.cmpi ne, %convert_element_type3A_10, %cond3A_11 : i32
      scf.if %cond3A_12 {
        %mul3A_240 = arith.constant 128 : i32
        %mul3A_241 = arith.muli %add3A_8, %mul3A_240 : i32
        %dma_start3A_242 = arith.constant 0 : i32
        %dma_start3A_243 = tpu.memref_slice %arg7[%mul3A_241, %dma_start3A_242] : memref<10112x128xf32, #tpu.memory_space<vmem_shared>> -> memref<128x128xf32, #tpu.memory_space<vmem_shared>>
        %dma_start3A_244 = arith.constant 0 : i32
        %dma_start3A_245 = tpu.memref_slice %arg3[%mul3A_241, %dma_start3A_244] : memref<10112x128xf32, #tpu.memory_space<hbm>> -> memref<128x128xf32, #tpu.memory_space<hbm>>
        tpu.enqueue_dma source(%dma_start3A_245 : memref<128x128xf32, #tpu.memory_space<hbm>>) target(%dma_start3A_243 : memref<128x128xf32, #tpu.memory_space<vmem_shared>>) target_semaphore(%arg14 : memref<!tpu.dma_semaphore, #tpu.memory_space<semaphore_mem>>)
      } else {
      }
      %mul3A_13 = arith.constant 5 : i32
      %mul3A_14 = arith.muli %arg1, %mul3A_13 : i32
      %add3A_15 = arith.constant 1 : i32
      %add3A_16 = arith.addi %mul3A_14, %add3A_15 : i32
      %lt3A_17 = arith.constant 79 : i32
      %lt3A_18 = arith.cmpi slt, %add3A_16, %lt3A_17 : i32
      %convert_element_type3A_19 = arith.extui %lt3A_18 : i1 to i32
      %cond3A_20 = arith.constant 0 : i32
      %cond3A_21 = arith.cmpi ne, %convert_element_type3A_19, %cond3A_20 : i32
      scf.if %cond3A_21 {
        %mul3A_240 = arith.constant 128 : i32
        %mul3A_241 = arith.muli %add3A_16, %mul3A_240 : i32
        %dma_start3A_242 = arith.constant 0 : i32
        %dma_start3A_243 = tpu.memref_slice %arg7[%mul3A_241, %dma_start3A_242] : memref<10112x128xf32, #tpu.memory_space<vmem_shared>> -> memref<128x128xf32, #tpu.memory_space<vmem_shared>>
        %dma_start3A_244 = arith.constant 0 : i32
        %dma_start3A_245 = tpu.memref_slice %arg3[%mul3A_241, %dma_start3A_244] : memref<10112x128xf32, #tpu.memory_space<hbm>> -> memref<128x128xf32, #tpu.memory_space<hbm>>
        tpu.enqueue_dma source(%dma_start3A_245 : memref<128x128xf32, #tpu.memory_space<hbm>>) target(%dma_start3A_243 : memref<128x128xf32, #tpu.memory_space<vmem_shared>>) target_semaphore(%arg14 : memref<!tpu.dma_semaphore, #tpu.memory_space<semaphore_mem>>)
      } else {
      }
      %mul3A_22 = arith.constant 5 : i32
      %mul3A_23 = arith.muli %arg1, %mul3A_22 : i32
      %add3A_24 = arith.constant 2 : i32
      %add3A_25 = arith.addi %mul3A_23, %add3A_24 : i32
      %lt3A_26 = arith.constant 79 : i32
      %lt3A_27 = arith.cmpi slt, %add3A_25, %lt3A_26 : i32
      %convert_element_type3A_28 = arith.extui %lt3A_27 : i1 to i32
      %cond3A_29 = arith.constant 0 : i32
      %cond3A_30 = arith.cmpi ne, %convert_element_type3A_28, %cond3A_29 : i32
      scf.if %cond3A_30 {
        %mul3A_240 = arith.constant 128 : i32
        %mul3A_241 = arith.muli %add3A_25, %mul3A_240 : i32
        %dma_start3A_242 = arith.constant 0 : i32
        %dma_start3A_243 = tpu.memref_slice %arg7[%mul3A_241, %dma_start3A_242] : memref<10112x128xf32, #tpu.memory_space<vmem_shared>> -> memref<128x128xf32, #tpu.memory_space<vmem_shared>>
        %dma_start3A_244 = arith.constant 0 : i32
        %dma_start3A_245 = tpu.memref_slice %arg3[%mul3A_241, %dma_start3A_244] : memref<10112x128xf32, #tpu.memory_space<hbm>> -> memref<128x128xf32, #tpu.memory_space<hbm>>
        tpu.enqueue_dma source(%dma_start3A_245 : memref<128x128xf32, #tpu.memory_space<hbm>>) target(%dma_start3A_243 : memref<128x128xf32, #tpu.memory_space<vmem_shared>>) target_semaphore(%arg14 : memref<!tpu.dma_semaphore, #tpu.memory_space<semaphore_mem>>)
      } else {
      }
      %mul3A_31 = arith.constant 5 : i32
      %mul3A_32 = arith.muli %arg1, %mul3A_31 : i32
      %add3A_33 = arith.constant 3 : i32
      %add3A_34 = arith.addi %mul3A_32, %add3A_33 : i32
      %lt3A_35 = arith.constant 79 : i32
      %lt3A_36 = arith.cmpi slt, %add3A_34, %lt3A_35 : i32
      %convert_element_type3A_37 = arith.extui %lt3A_36 : i1 to i32
      %cond3A_38 = arith.constant 0 : i32
      %cond3A_39 = arith.cmpi ne, %convert_element_type3A_37, %cond3A_38 : i32
      scf.if %cond3A_39 {
        %mul3A_240 = arith.constant 128 : i32
        %mul3A_241 = arith.muli %add3A_34, %mul3A_240 : i32
        %dma_start3A_242 = arith.constant 0 : i32
        %dma_start3A_243 = tpu.memref_slice %arg7[%mul3A_241, %dma_start3A_242] : memref<10112x128xf32, #tpu.memory_space<vmem_shared>> -> memref<128x128xf32, #tpu.memory_space<vmem_shared>>
        %dma_start3A_244 = arith.constant 0 : i32
        %dma_start3A_245 = tpu.memref_slice %arg3[%mul3A_241, %dma_start3A_244] : memref<10112x128xf32, #tpu.memory_space<hbm>> -> memref<128x128xf32, #tpu.memory_space<hbm>>
        tpu.enqueue_dma source(%dma_start3A_245 : memref<128x128xf32, #tpu.memory_space<hbm>>) target(%dma_start3A_243 : memref<128x128xf32, #tpu.memory_space<vmem_shared>>) target_semaphore(%arg14 : memref<!tpu.dma_semaphore, #tpu.memory_space<semaphore_mem>>)
      } else {
      }
      %mul3A_40 = arith.constant 5 : i32
      %mul3A_41 = arith.muli %arg1, %mul3A_40 : i32
      %add3A_42 = arith.constant 4 : i32
      %add3A_43 = arith.addi %mul3A_41, %add3A_42 : i32
      %lt3A_44 = arith.constant 79 : i32
      %lt3A_45 = arith.cmpi slt, %add3A_43, %lt3A_44 : i32
      %convert_element_type3A_46 = arith.extui %lt3A_45 : i1 to i32
      %cond3A_47 = arith.constant 0 : i32
      %cond3A_48 = arith.cmpi ne, %convert_element_type3A_46, %cond3A_47 : i32
      scf.if %cond3A_48 {
        %mul3A_240 = arith.constant 128 : i32
        %mul3A_241 = arith.muli %add3A_43, %mul3A_240 : i32
        %dma_start3A_242 = arith.constant 0 : i32
        %dma_start3A_243 = tpu.memref_slice %arg7[%mul3A_241, %dma_start3A_242] : memref<10112x128xf32, #tpu.memory_space<vmem_shared>> -> memref<128x128xf32, #tpu.memory_space<vmem_shared>>
        %dma_start3A_244 = arith.constant 0 : i32
        %dma_start3A_245 = tpu.memref_slice %arg3[%mul3A_241, %dma_start3A_244] : memref<10112x128xf32, #tpu.memory_space<hbm>> -> memref<128x128xf32, #tpu.memory_space<hbm>>
        tpu.enqueue_dma source(%dma_start3A_245 : memref<128x128xf32, #tpu.memory_space<hbm>>) target(%dma_start3A_243 : memref<128x128xf32, #tpu.memory_space<vmem_shared>>) target_semaphore(%arg14 : memref<!tpu.dma_semaphore, #tpu.memory_space<semaphore_mem>>)
      } else {
      }
      %mul3A_49 = arith.constant 5 : i32
      %mul3A_50 = arith.muli %arg1, %mul3A_49 : i32
      %add3A_51 = arith.constant 0 : i32
      %add3A_52 = arith.addi %mul3A_50, %add3A_51 : i32
      %lt3A_53 = arith.constant 79 : i32
      %lt3A_54 = arith.cmpi slt, %add3A_52, %lt3A_53 : i32
      %convert_element_type3A_55 = arith.extui %lt3A_54 : i1 to i32
      %cond3A_56 = arith.constant 0 : i32
      %cond3A_57 = arith.cmpi ne, %convert_element_type3A_55, %cond3A_56 : i32
      scf.if %cond3A_57 {
        %mul3A_240 = arith.constant 128 : i32
        %mul3A_241 = arith.muli %add3A_52, %mul3A_240 : i32
        %dma_wait3A_242 = arith.constant 0 : i32
        %dma_wait3A_243 = tpu.memref_slice %arg7[%mul3A_241, %dma_wait3A_242] : memref<10112x128xf32, #tpu.memory_space<vmem_shared>> -> memref<128x128xf32, #tpu.memory_space<vmem_shared>>
        %dma_wait3A_244 = arith.constant 0 : i32
        %dma_wait3A_245 = tpu.memref_slice %arg3[%mul3A_241, %dma_wait3A_244] : memref<10112x128xf32, #tpu.memory_space<hbm>> -> memref<128x128xf32, #tpu.memory_space<hbm>>
        tpu.wait_dma2 semaphore(%arg14 : memref<!tpu.dma_semaphore, #tpu.memory_space<semaphore_mem>>) src(%dma_wait3A_245 : memref<128x128xf32, #tpu.memory_space<hbm>>) dst(%dma_wait3A_243 : memref<128x128xf32, #tpu.memory_space<vmem_shared>>)
      } else {
      }
      %mul3A_58 = arith.constant 5 : i32
      %mul3A_59 = arith.muli %arg1, %mul3A_58 : i32
      %add3A_60 = arith.constant 1 : i32
      %add3A_61 = arith.addi %mul3A_59, %add3A_60 : i32
      %lt3A_62 = arith.constant 79 : i32
      %lt3A_63 = arith.cmpi slt, %add3A_61, %lt3A_62 : i32
      %convert_element_type3A_64 = arith.extui %lt3A_63 : i1 to i32
      %cond3A_65 = arith.constant 0 : i32
      %cond3A_66 = arith.cmpi ne, %convert_element_type3A_64, %cond3A_65 : i32
      scf.if %cond3A_66 {
        %mul3A_240 = arith.constant 128 : i32
        %mul3A_241 = arith.muli %add3A_61, %mul3A_240 : i32
        %dma_wait3A_242 = arith.constant 0 : i32
        %dma_wait3A_243 = tpu.memref_slice %arg7[%mul3A_241, %dma_wait3A_242] : memref<10112x128xf32, #tpu.memory_space<vmem_shared>> -> memref<128x128xf32, #tpu.memory_space<vmem_shared>>
        %dma_wait3A_244 = arith.constant 0 : i32
        %dma_wait3A_245 = tpu.memref_slice %arg3[%mul3A_241, %dma_wait3A_244] : memref<10112x128xf32, #tpu.memory_space<hbm>> -> memref<128x128xf32, #tpu.memory_space<hbm>>
        tpu.wait_dma2 semaphore(%arg14 : memref<!tpu.dma_semaphore, #tpu.memory_space<semaphore_mem>>) src(%dma_wait3A_245 : memref<128x128xf32, #tpu.memory_space<hbm>>) dst(%dma_wait3A_243 : memref<128x128xf32, #tpu.memory_space<vmem_shared>>)
      } else {
      }
      %mul3A_67 = arith.constant 5 : i32
      %mul3A_68 = arith.muli %arg1, %mul3A_67 : i32
      %add3A_69 = arith.constant 2 : i32
      %add3A_70 = arith.addi %mul3A_68, %add3A_69 : i32
      %lt3A_71 = arith.constant 79 : i32
      %lt3A_72 = arith.cmpi slt, %add3A_70, %lt3A_71 : i32
      %convert_element_type3A_73 = arith.extui %lt3A_72 : i1 to i32
      %cond3A_74 = arith.constant 0 : i32
      %cond3A_75 = arith.cmpi ne, %convert_element_type3A_73, %cond3A_74 : i32
      scf.if %cond3A_75 {
        %mul3A_240 = arith.constant 128 : i32
        %mul3A_241 = arith.muli %add3A_70, %mul3A_240 : i32
        %dma_wait3A_242 = arith.constant 0 : i32
        %dma_wait3A_243 = tpu.memref_slice %arg7[%mul3A_241, %dma_wait3A_242] : memref<10112x128xf32, #tpu.memory_space<vmem_shared>> -> memref<128x128xf32, #tpu.memory_space<vmem_shared>>
        %dma_wait3A_244 = arith.constant 0 : i32
        %dma_wait3A_245 = tpu.memref_slice %arg3[%mul3A_241, %dma_wait3A_244] : memref<10112x128xf32, #tpu.memory_space<hbm>> -> memref<128x128xf32, #tpu.memory_space<hbm>>
        tpu.wait_dma2 semaphore(%arg14 : memref<!tpu.dma_semaphore, #tpu.memory_space<semaphore_mem>>) src(%dma_wait3A_245 : memref<128x128xf32, #tpu.memory_space<hbm>>) dst(%dma_wait3A_243 : memref<128x128xf32, #tpu.memory_space<vmem_shared>>)
      } else {
      }
      %mul3A_76 = arith.constant 5 : i32
      %mul3A_77 = arith.muli %arg1, %mul3A_76 : i32
      %add3A_78 = arith.constant 3 : i32
      %add3A_79 = arith.addi %mul3A_77, %add3A_78 : i32
      %lt3A_80 = arith.constant 79 : i32
      %lt3A_81 = arith.cmpi slt, %add3A_79, %lt3A_80 : i32
      %convert_element_type3A_82 = arith.extui %lt3A_81 : i1 to i32
      %cond3A_83 = arith.constant 0 : i32
      %cond3A_84 = arith.cmpi ne, %convert_element_type3A_82, %cond3A_83 : i32
      scf.if %cond3A_84 {
        %mul3A_240 = arith.constant 128 : i32
        %mul3A_241 = arith.muli %add3A_79, %mul3A_240 : i32
        %dma_wait3A_242 = arith.constant 0 : i32
        %dma_wait3A_243 = tpu.memref_slice %arg7[%mul3A_241, %dma_wait3A_242] : memref<10112x128xf32, #tpu.memory_space<vmem_shared>> -> memref<128x128xf32, #tpu.memory_space<vmem_shared>>
        %dma_wait3A_244 = arith.constant 0 : i32
        %dma_wait3A_245 = tpu.memref_slice %arg3[%mul3A_241, %dma_wait3A_244] : memref<10112x128xf32, #tpu.memory_space<hbm>> -> memref<128x128xf32, #tpu.memory_space<hbm>>
        tpu.wait_dma2 semaphore(%arg14 : memref<!tpu.dma_semaphore, #tpu.memory_space<semaphore_mem>>) src(%dma_wait3A_245 : memref<128x128xf32, #tpu.memory_space<hbm>>) dst(%dma_wait3A_243 : memref<128x128xf32, #tpu.memory_space<vmem_shared>>)
      } else {
      }
      %mul3A_85 = arith.constant 5 : i32
      %mul3A_86 = arith.muli %arg1, %mul3A_85 : i32
      %add3A_87 = arith.constant 4 : i32
      %add3A_88 = arith.addi %mul3A_86, %add3A_87 : i32
      %lt3A_89 = arith.constant 79 : i32
      %lt3A_90 = arith.cmpi slt, %add3A_88, %lt3A_89 : i32
      %convert_element_type3A_91 = arith.extui %lt3A_90 : i1 to i32
      %cond3A_92 = arith.constant 0 : i32
      %cond3A_93 = arith.cmpi ne, %convert_element_type3A_91, %cond3A_92 : i32
      scf.if %cond3A_93 {
        %mul3A_240 = arith.constant 128 : i32
        %mul3A_241 = arith.muli %add3A_88, %mul3A_240 : i32
        %dma_wait3A_242 = arith.constant 0 : i32
        %dma_wait3A_243 = tpu.memref_slice %arg7[%mul3A_241, %dma_wait3A_242] : memref<10112x128xf32, #tpu.memory_space<vmem_shared>> -> memref<128x128xf32, #tpu.memory_space<vmem_shared>>
        %dma_wait3A_244 = arith.constant 0 : i32
        %dma_wait3A_245 = tpu.memref_slice %arg3[%mul3A_241, %dma_wait3A_244] : memref<10112x128xf32, #tpu.memory_space<hbm>> -> memref<128x128xf32, #tpu.memory_space<hbm>>
        tpu.wait_dma2 semaphore(%arg14 : memref<!tpu.dma_semaphore, #tpu.memory_space<semaphore_mem>>) src(%dma_wait3A_245 : memref<128x128xf32, #tpu.memory_space<hbm>>) dst(%dma_wait3A_243 : memref<128x128xf32, #tpu.memory_space<vmem_shared>>)
      } else {
      }
      %barrier3A = arith.constant 0 : index
      tpu.barrier barrier_id(%barrier3A)
      %dma_start3A = arith.constant 0 : i32
      %dma_start3A_94 = arith.constant 0 : i32
      %dma_start3A_95 = arith.constant 0 : i32
      %dma_start3A_96 = tpu.memref_slice %arg4[%arg1, %dma_start3A, %dma_start3A_94, %dma_start3A_95] : memref<16x80x2x128xi32, #tpu.memory_space<hbm>> -> memref<1x1x2x128xi32, #tpu.memory_space<hbm>>
      %dma_start3A_97 = tpu.memref_squeeze %dma_start3A_96 : memref<1x1x2x128xi32, #tpu.memory_space<hbm>> -> memref<2x128xi32, #tpu.memory_space<hbm>>
      %dma_start3A_98 = arith.constant 0 : i32
      %dma_start3A_99 = arith.constant 0 : i32
      %dma_start3A_100 = tpu.memref_slice %arg4[%arg1, %dma_start3A, %dma_start3A_98, %dma_start3A_99] : memref<16x80x2x128xi32, #tpu.memory_space<hbm>> -> memref<1x1x2x128xi32, #tpu.memory_space<hbm>>
      %dma_start3A_101 = tpu.memref_squeeze %dma_start3A_100 : memref<1x1x2x128xi32, #tpu.memory_space<hbm>> -> memref<2x128xi32, #tpu.memory_space<hbm>>
      tpu.enqueue_dma source(%dma_start3A_101 : memref<2x128xi32, #tpu.memory_space<hbm>>) target(%arg8 : memref<2x128xi32, #tpu.memory_space<vmem>>) target_semaphore(%arg16 : memref<!tpu.dma_semaphore, #tpu.memory_space<semaphore_mem>>)
      %dma_start3A_102 = arith.constant 1 : i32
      %dma_start3A_103 = arith.constant 0 : i32
      %dma_start3A_104 = arith.constant 0 : i32
      %dma_start3A_105 = tpu.memref_slice %arg4[%arg1, %dma_start3A_102, %dma_start3A_103, %dma_start3A_104] : memref<16x80x2x128xi32, #tpu.memory_space<hbm>> -> memref<1x1x2x128xi32, #tpu.memory_space<hbm>>
      %dma_start3A_106 = tpu.memref_squeeze %dma_start3A_105 : memref<1x1x2x128xi32, #tpu.memory_space<hbm>> -> memref<2x128xi32, #tpu.memory_space<hbm>>
      %dma_start3A_107 = arith.constant 0 : i32
      %dma_start3A_108 = arith.constant 0 : i32
      %dma_start3A_109 = tpu.memref_slice %arg4[%arg1, %dma_start3A_102, %dma_start3A_107, %dma_start3A_108] : memref<16x80x2x128xi32, #tpu.memory_space<hbm>> -> memref<1x1x2x128xi32, #tpu.memory_space<hbm>>
      %dma_start3A_110 = tpu.memref_squeeze %dma_start3A_109 : memref<1x1x2x128xi32, #tpu.memory_space<hbm>> -> memref<2x128xi32, #tpu.memory_space<hbm>>
      tpu.enqueue_dma source(%dma_start3A_110 : memref<2x128xi32, #tpu.memory_space<hbm>>) target(%arg9 : memref<2x128xi32, #tpu.memory_space<vmem>>) target_semaphore(%arg17 : memref<!tpu.dma_semaphore, #tpu.memory_space<semaphore_mem>>)
      %dma_start3A_111 = arith.constant 2 : i32
      %dma_start3A_112 = arith.constant 0 : i32
      %dma_start3A_113 = arith.constant 0 : i32
      %dma_start3A_114 = tpu.memref_slice %arg4[%arg1, %dma_start3A_111, %dma_start3A_112, %dma_start3A_113] : memref<16x80x2x128xi32, #tpu.memory_space<hbm>> -> memref<1x1x2x128xi32, #tpu.memory_space<hbm>>
      %dma_start3A_115 = tpu.memref_squeeze %dma_start3A_114 : memref<1x1x2x128xi32, #tpu.memory_space<hbm>> -> memref<2x128xi32, #tpu.memory_space<hbm>>
      %dma_start3A_116 = arith.constant 0 : i32
      %dma_start3A_117 = arith.constant 0 : i32
      %dma_start3A_118 = tpu.memref_slice %arg4[%arg1, %dma_start3A_111, %dma_start3A_116, %dma_start3A_117] : memref<16x80x2x128xi32, #tpu.memory_space<hbm>> -> memref<1x1x2x128xi32, #tpu.memory_space<hbm>>
      %dma_start3A_119 = tpu.memref_squeeze %dma_start3A_118 : memref<1x1x2x128xi32, #tpu.memory_space<hbm>> -> memref<2x128xi32, #tpu.memory_space<hbm>>
      tpu.enqueue_dma source(%dma_start3A_119 : memref<2x128xi32, #tpu.memory_space<hbm>>) target(%arg10 : memref<2x128xi32, #tpu.memory_space<vmem>>) target_semaphore(%arg18 : memref<!tpu.dma_semaphore, #tpu.memory_space<semaphore_mem>>)
      %dma_start3A_120 = arith.constant 3 : i32
      %dma_start3A_121 = arith.constant 0 : i32
      %dma_start3A_122 = arith.constant 0 : i32
      %dma_start3A_123 = tpu.memref_slice %arg4[%arg1, %dma_start3A_120, %dma_start3A_121, %dma_start3A_122] : memref<16x80x2x128xi32, #tpu.memory_space<hbm>> -> memref<1x1x2x128xi32, #tpu.memory_space<hbm>>
      %dma_start3A_124 = tpu.memref_squeeze %dma_start3A_123 : memref<1x1x2x128xi32, #tpu.memory_space<hbm>> -> memref<2x128xi32, #tpu.memory_space<hbm>>
      %dma_start3A_125 = arith.constant 0 : i32
      %dma_start3A_126 = arith.constant 0 : i32
      %dma_start3A_127 = tpu.memref_slice %arg4[%arg1, %dma_start3A_120, %dma_start3A_125, %dma_start3A_126] : memref<16x80x2x128xi32, #tpu.memory_space<hbm>> -> memref<1x1x2x128xi32, #tpu.memory_space<hbm>>
      %dma_start3A_128 = tpu.memref_squeeze %dma_start3A_127 : memref<1x1x2x128xi32, #tpu.memory_space<hbm>> -> memref<2x128xi32, #tpu.memory_space<hbm>>
      tpu.enqueue_dma source(%dma_start3A_128 : memref<2x128xi32, #tpu.memory_space<hbm>>) target(%arg11 : memref<2x128xi32, #tpu.memory_space<vmem>>) target_semaphore(%arg19 : memref<!tpu.dma_semaphore, #tpu.memory_space<semaphore_mem>>)
      %dma_wait3A = arith.constant 0 : i32
      %dma_wait3A_129 = arith.constant 0 : i32
      %dma_wait3A_130 = arith.constant 0 : i32
      %dma_wait3A_131 = tpu.memref_slice %arg4[%arg1, %dma_wait3A, %dma_wait3A_129, %dma_wait3A_130] : memref<16x80x2x128xi32, #tpu.memory_space<hbm>> -> memref<1x1x2x128xi32, #tpu.memory_space<hbm>>
      %dma_wait3A_132 = tpu.memref_squeeze %dma_wait3A_131 : memref<1x1x2x128xi32, #tpu.memory_space<hbm>> -> memref<2x128xi32, #tpu.memory_space<hbm>>
      %dma_wait3A_133 = arith.constant 0 : i32
      %dma_wait3A_134 = arith.constant 0 : i32
      %dma_wait3A_135 = tpu.memref_slice %arg4[%arg1, %dma_wait3A, %dma_wait3A_133, %dma_wait3A_134] : memref<16x80x2x128xi32, #tpu.memory_space<hbm>> -> memref<1x1x2x128xi32, #tpu.memory_space<hbm>>
      %dma_wait3A_136 = tpu.memref_squeeze %dma_wait3A_135 : memref<1x1x2x128xi32, #tpu.memory_space<hbm>> -> memref<2x128xi32, #tpu.memory_space<hbm>>
      tpu.wait_dma2 semaphore(%arg16 : memref<!tpu.dma_semaphore, #tpu.memory_space<semaphore_mem>>) src(%dma_wait3A_136 : memref<2x128xi32, #tpu.memory_space<hbm>>) dst(%arg8 : memref<2x128xi32, #tpu.memory_space<vmem>>)
      %dma_start3A_137 = arith.constant 0 : i32
      %dma_start3A_138 = arith.constant 0 : i32
      %dma_start3A_139 = tpu.memref_slice %arg8[%dma_start3A_137, %dma_start3A_138] : memref<2x128xi32, #tpu.memory_space<vmem>> -> memref<1x128xi32, #tpu.memory_space<vmem>>
      %dma_start3A_140 = tpu.memref_squeeze %dma_start3A_139 : memref<1x128xi32, #tpu.memory_space<vmem>> -> memref<128xi32, #tpu.memory_space<vmem>>
      %dma_start3A_141 = arith.constant 0 : i32
      %dma_start3A_142 = arith.constant 0 : i32
      %dma_start3A_143 = tpu.memref_slice %arg3[%dma_start3A_141, %dma_start3A_142] : memref<10112x128xf32, #tpu.memory_space<hbm>> -> memref<10112x128xf32, #tpu.memory_space<hbm>>
      tpu.enqueue_indirect_dma source(%dma_start3A_143 : memref<10112x128xf32, #tpu.memory_space<hbm>>) target(%arg12 : memref<128x128xf32, #tpu.memory_space<vmem>>) offsets(%dma_start3A_140 : memref<128xi32, #tpu.memory_space<vmem>>) semaphore(%arg14 : memref<!tpu.dma_semaphore, #tpu.memory_space<semaphore_mem>>)
      %scan3A = arith.constant 0 : i32
      %scan3A_144 = arith.constant 0 : i32
      %scan3A_145 = arith.constant 20 : i32
      %scan3A_146 = arith.addi %scan3A_144, %scan3A_145 : i32
      %scan3A_147 = arith.constant 1 : i32
      scf.for %scan3A_240 = %scan3A_144 to %scan3A_146 step %scan3A_147  : i32 {
        %mul3A_241 = arith.constant 4 : i32
        %mul3A_242 = arith.muli %mul3A_241, %scan3A_240 : i32
        %add3A_243 = arith.constant 1 : i32
        %add3A_244 = arith.addi %mul3A_242, %add3A_243 : i32
        %dma_wait3A_245 = arith.constant 0 : i32
        %dma_wait3A_246 = arith.constant 0 : i32
        %dma_wait3A_247 = tpu.memref_slice %arg4[%arg1, %add3A_244, %dma_wait3A_245, %dma_wait3A_246] : memref<16x80x2x128xi32, #tpu.memory_space<hbm>> -> memref<1x1x2x128xi32, #tpu.memory_space<hbm>>
        %dma_wait3A_248 = tpu.memref_squeeze %dma_wait3A_247 : memref<1x1x2x128xi32, #tpu.memory_space<hbm>> -> memref<2x128xi32, #tpu.memory_space<hbm>>
        %dma_wait3A_249 = arith.constant 0 : i32
        %dma_wait3A_250 = arith.constant 0 : i32
        %dma_wait3A_251 = tpu.memref_slice %arg4[%arg1, %add3A_244, %dma_wait3A_249, %dma_wait3A_250] : memref<16x80x2x128xi32, #tpu.memory_space<hbm>> -> memref<1x1x2x128xi32, #tpu.memory_space<hbm>>
        %dma_wait3A_252 = tpu.memref_squeeze %dma_wait3A_251 : memref<1x1x2x128xi32, #tpu.memory_space<hbm>> -> memref<2x128xi32, #tpu.memory_space<hbm>>
        tpu.wait_dma2 semaphore(%arg17 : memref<!tpu.dma_semaphore, #tpu.memory_space<semaphore_mem>>) src(%dma_wait3A_252 : memref<2x128xi32, #tpu.memory_space<hbm>>) dst(%arg9 : memref<2x128xi32, #tpu.memory_space<vmem>>)
        %dma_start3A_253 = arith.constant 0 : i32
        %dma_start3A_254 = arith.constant 0 : i32
        %dma_start3A_255 = tpu.memref_slice %arg9[%dma_start3A_253, %dma_start3A_254] : memref<2x128xi32, #tpu.memory_space<vmem>> -> memref<1x128xi32, #tpu.memory_space<vmem>>
        %dma_start3A_256 = tpu.memref_squeeze %dma_start3A_255 : memref<1x128xi32, #tpu.memory_space<vmem>> -> memref<128xi32, #tpu.memory_space<vmem>>
        %dma_start3A_257 = arith.constant 0 : i32
        %dma_start3A_258 = arith.constant 0 : i32
        %dma_start3A_259 = tpu.memref_slice %arg3[%dma_start3A_257, %dma_start3A_258] : memref<10112x128xf32, #tpu.memory_space<hbm>> -> memref<10112x128xf32, #tpu.memory_space<hbm>>
        tpu.enqueue_indirect_dma source(%dma_start3A_259 : memref<10112x128xf32, #tpu.memory_space<hbm>>) target(%arg13 : memref<128x128xf32, #tpu.memory_space<vmem>>) offsets(%dma_start3A_256 : memref<128xi32, #tpu.memory_space<vmem>>) semaphore(%arg15 : memref<!tpu.dma_semaphore, #tpu.memory_space<semaphore_mem>>)
        %dma_wait3A_260 = arith.constant 0 : i32
        %dma_wait3A_261 = arith.constant 0 : i32
        %dma_wait3A_262 = tpu.memref_slice %arg8[%dma_wait3A_260, %dma_wait3A_261] : memref<2x128xi32, #tpu.memory_space<vmem>> -> memref<1x128xi32, #tpu.memory_space<vmem>>
        %dma_wait3A_263 = tpu.memref_squeeze %dma_wait3A_262 : memref<1x128xi32, #tpu.memory_space<vmem>> -> memref<128xi32, #tpu.memory_space<vmem>>
        %dma_wait3A_264 = arith.constant 0 : i32
        %dma_wait3A_265 = arith.constant 0 : i32
        %dma_wait3A_266 = tpu.memref_slice %arg3[%dma_wait3A_264, %dma_wait3A_265] : memref<10112x128xf32, #tpu.memory_space<hbm>> -> memref<10112x128xf32, #tpu.memory_space<hbm>>
        tpu.wait_indirect_dma semaphore(%arg14 : memref<!tpu.dma_semaphore, #tpu.memory_space<semaphore_mem>>) src(%dma_wait3A_266 : memref<10112x128xf32, #tpu.memory_space<hbm>>) dst(%arg12 : memref<128x128xf32, #tpu.memory_space<vmem>>)
        %run_scoped3A = arith.constant 1 : i32
        "tpu.region"() ({
          %run_scoped3A_352 = tpu.sem_alloc : memref<!tpu.dma_semaphore, #tpu.memory_space<semaphore_mem>>
          %dma_start3A_353 = arith.constant 0 : i32
          %dma_start3A_354 = tpu.memref_slice %arg8[%run_scoped3A, %dma_start3A_353] : memref<2x128xi32, #tpu.memory_space<vmem>> -> memref<1x128xi32, #tpu.memory_space<vmem>>
          %dma_start3A_355 = tpu.memref_squeeze %dma_start3A_354 : memref<1x128xi32, #tpu.memory_space<vmem>> -> memref<128xi32, #tpu.memory_space<vmem>>
          %dma_start3A_356 = arith.constant 0 : i32
          %dma_start3A_357 = arith.constant 0 : i32
          %dma_start3A_358 = tpu.memref_slice %arg7[%dma_start3A_356, %dma_start3A_357] : memref<10112x128xf32, #tpu.memory_space<vmem_shared>> -> memref<10112x128xf32, #tpu.memory_space<vmem_shared>>
          tpu.enqueue_indirect_dma source(%arg12 : memref<128x128xf32, #tpu.memory_space<vmem>>) target(%dma_start3A_358 : memref<10112x128xf32, #tpu.memory_space<vmem_shared>>) offsets(%dma_start3A_355 : memref<128xi32, #tpu.memory_space<vmem>>) semaphore(%run_scoped3A_352 : memref<!tpu.dma_semaphore, #tpu.memory_space<semaphore_mem>>) {add = true}
          %dma_wait3A_359 = arith.constant 0 : i32
          %dma_wait3A_360 = tpu.memref_slice %arg8[%run_scoped3A, %dma_wait3A_359] : memref<2x128xi32, #tpu.memory_space<vmem>> -> memref<1x128xi32, #tpu.memory_space<vmem>>
          %dma_wait3A_361 = tpu.memref_squeeze %dma_wait3A_360 : memref<1x128xi32, #tpu.memory_space<vmem>> -> memref<128xi32, #tpu.memory_space<vmem>>
          %dma_wait3A_362 = arith.constant 0 : i32
          %dma_wait3A_363 = arith.constant 0 : i32
          %dma_wait3A_364 = tpu.memref_slice %arg7[%dma_wait3A_362, %dma_wait3A_363] : memref<10112x128xf32, #tpu.memory_space<vmem_shared>> -> memref<10112x128xf32, #tpu.memory_space<vmem_shared>>
          tpu.wait_indirect_dma semaphore(%run_scoped3A_352 : memref<!tpu.dma_semaphore, #tpu.memory_space<semaphore_mem>>) src(%arg12 : memref<128x128xf32, #tpu.memory_space<vmem>>) dst(%dma_wait3A_364 : memref<10112x128xf32, #tpu.memory_space<vmem_shared>>)
          tpu.yield
        }) : () -> ()
        %add3A_267 = arith.constant 2 : i32
        %add3A_268 = arith.addi %mul3A_242, %add3A_267 : i32
        %lt3A_269 = arith.constant 80 : i32
        %lt3A_270 = arith.cmpi slt, %add3A_268, %lt3A_269 : i32
        %convert_element_type3A_271 = arith.extui %lt3A_270 : i1 to i32
        %cond3A_272 = arith.constant 0 : i32
        %cond3A_273 = arith.cmpi ne, %convert_element_type3A_271, %cond3A_272 : i32
        scf.if %cond3A_273 {
          %add3A_352 = arith.constant 2 : i32
          %add3A_353 = arith.addi %mul3A_242, %add3A_352 : i32
          %dma_wait3A_354 = arith.constant 0 : i32
          %dma_wait3A_355 = arith.constant 0 : i32
          %dma_wait3A_356 = tpu.memref_slice %arg4[%arg1, %add3A_353, %dma_wait3A_354, %dma_wait3A_355] : memref<16x80x2x128xi32, #tpu.memory_space<hbm>> -> memref<1x1x2x128xi32, #tpu.memory_space<hbm>>
          %dma_wait3A_357 = tpu.memref_squeeze %dma_wait3A_356 : memref<1x1x2x128xi32, #tpu.memory_space<hbm>> -> memref<2x128xi32, #tpu.memory_space<hbm>>
          %dma_wait3A_358 = arith.constant 0 : i32
          %dma_wait3A_359 = arith.constant 0 : i32
          %dma_wait3A_360 = tpu.memref_slice %arg4[%arg1, %add3A_353, %dma_wait3A_358, %dma_wait3A_359] : memref<16x80x2x128xi32, #tpu.memory_space<hbm>> -> memref<1x1x2x128xi32, #tpu.memory_space<hbm>>
          %dma_wait3A_361 = tpu.memref_squeeze %dma_wait3A_360 : memref<1x1x2x128xi32, #tpu.memory_space<hbm>> -> memref<2x128xi32, #tpu.memory_space<hbm>>
          tpu.wait_dma2 semaphore(%arg18 : memref<!tpu.dma_semaphore, #tpu.memory_space<semaphore_mem>>) src(%dma_wait3A_361 : memref<2x128xi32, #tpu.memory_space<hbm>>) dst(%arg10 : memref<2x128xi32, #tpu.memory_space<vmem>>)
          %dma_start3A_362 = arith.constant 0 : i32
          %dma_start3A_363 = arith.constant 0 : i32
          %dma_start3A_364 = tpu.memref_slice %arg10[%dma_start3A_362, %dma_start3A_363] : memref<2x128xi32, #tpu.memory_space<vmem>> -> memref<1x128xi32, #tpu.memory_space<vmem>>
          %dma_start3A_365 = tpu.memref_squeeze %dma_start3A_364 : memref<1x128xi32, #tpu.memory_space<vmem>> -> memref<128xi32, #tpu.memory_space<vmem>>
          %dma_start3A_366 = arith.constant 0 : i32
          %dma_start3A_367 = arith.constant 0 : i32
          %dma_start3A_368 = tpu.memref_slice %arg3[%dma_start3A_366, %dma_start3A_367] : memref<10112x128xf32, #tpu.memory_space<hbm>> -> memref<10112x128xf32, #tpu.memory_space<hbm>>
          tpu.enqueue_indirect_dma source(%dma_start3A_368 : memref<10112x128xf32, #tpu.memory_space<hbm>>) target(%arg12 : memref<128x128xf32, #tpu.memory_space<vmem>>) offsets(%dma_start3A_365 : memref<128xi32, #tpu.memory_space<vmem>>) semaphore(%arg14 : memref<!tpu.dma_semaphore, #tpu.memory_space<semaphore_mem>>)
        } else {
        }
        %add3A_274 = arith.constant 4 : i32
        %add3A_275 = arith.addi %mul3A_242, %add3A_274 : i32
        %lt3A_276 = arith.constant 80 : i32
        %lt3A_277 = arith.cmpi slt, %add3A_275, %lt3A_276 : i32
        %convert_element_type3A_278 = arith.extui %lt3A_277 : i1 to i32
        %cond3A_279 = arith.constant 0 : i32
        %cond3A_280 = arith.cmpi ne, %convert_element_type3A_278, %cond3A_279 : i32
        scf.if %cond3A_280 {
          %add3A_352 = arith.constant 4 : i32
          %add3A_353 = arith.addi %mul3A_242, %add3A_352 : i32
          %dma_start3A_354 = arith.constant 0 : i32
          %dma_start3A_355 = arith.constant 0 : i32
          %dma_start3A_356 = tpu.memref_slice %arg4[%arg1, %add3A_353, %dma_start3A_354, %dma_start3A_355] : memref<16x80x2x128xi32, #tpu.memory_space<hbm>> -> memref<1x1x2x128xi32, #tpu.memory_space<hbm>>
          %dma_start3A_357 = tpu.memref_squeeze %dma_start3A_356 : memref<1x1x2x128xi32, #tpu.memory_space<hbm>> -> memref<2x128xi32, #tpu.memory_space<hbm>>
          %dma_start3A_358 = arith.constant 0 : i32
          %dma_start3A_359 = arith.constant 0 : i32
          %dma_start3A_360 = tpu.memref_slice %arg4[%arg1, %add3A_353, %dma_start3A_358, %dma_start3A_359] : memref<16x80x2x128xi32, #tpu.memory_space<hbm>> -> memref<1x1x2x128xi32, #tpu.memory_space<hbm>>
          %dma_start3A_361 = tpu.memref_squeeze %dma_start3A_360 : memref<1x1x2x128xi32, #tpu.memory_space<hbm>> -> memref<2x128xi32, #tpu.memory_space<hbm>>
          tpu.enqueue_dma source(%dma_start3A_361 : memref<2x128xi32, #tpu.memory_space<hbm>>) target(%arg8 : memref<2x128xi32, #tpu.memory_space<vmem>>) target_semaphore(%arg16 : memref<!tpu.dma_semaphore, #tpu.memory_space<semaphore_mem>>)
        } else {
        }
        %dma_wait3A_281 = arith.constant 0 : i32
        %dma_wait3A_282 = arith.constant 0 : i32
        %dma_wait3A_283 = tpu.memref_slice %arg9[%dma_wait3A_281, %dma_wait3A_282] : memref<2x128xi32, #tpu.memory_space<vmem>> -> memref<1x128xi32, #tpu.memory_space<vmem>>
        %dma_wait3A_284 = tpu.memref_squeeze %dma_wait3A_283 : memref<1x128xi32, #tpu.memory_space<vmem>> -> memref<128xi32, #tpu.memory_space<vmem>>
        %dma_wait3A_285 = arith.constant 0 : i32
        %dma_wait3A_286 = arith.constant 0 : i32
        %dma_wait3A_287 = tpu.memref_slice %arg3[%dma_wait3A_285, %dma_wait3A_286] : memref<10112x128xf32, #tpu.memory_space<hbm>> -> memref<10112x128xf32, #tpu.memory_space<hbm>>
        tpu.wait_indirect_dma semaphore(%arg15 : memref<!tpu.dma_semaphore, #tpu.memory_space<semaphore_mem>>) src(%dma_wait3A_287 : memref<10112x128xf32, #tpu.memory_space<hbm>>) dst(%arg13 : memref<128x128xf32, #tpu.memory_space<vmem>>)
        %run_scoped3A_288 = arith.constant 1 : i32
        "tpu.region"() ({
          %run_scoped3A_352 = tpu.sem_alloc : memref<!tpu.dma_semaphore, #tpu.memory_space<semaphore_mem>>
          %dma_start3A_353 = arith.constant 0 : i32
          %dma_start3A_354 = tpu.memref_slice %arg9[%run_scoped3A_288, %dma_start3A_353] : memref<2x128xi32, #tpu.memory_space<vmem>> -> memref<1x128xi32, #tpu.memory_space<vmem>>
          %dma_start3A_355 = tpu.memref_squeeze %dma_start3A_354 : memref<1x128xi32, #tpu.memory_space<vmem>> -> memref<128xi32, #tpu.memory_space<vmem>>
          %dma_start3A_356 = arith.constant 0 : i32
          %dma_start3A_357 = arith.constant 0 : i32
          %dma_start3A_358 = tpu.memref_slice %arg7[%dma_start3A_356, %dma_start3A_357] : memref<10112x128xf32, #tpu.memory_space<vmem_shared>> -> memref<10112x128xf32, #tpu.memory_space<vmem_shared>>
          tpu.enqueue_indirect_dma source(%arg13 : memref<128x128xf32, #tpu.memory_space<vmem>>) target(%dma_start3A_358 : memref<10112x128xf32, #tpu.memory_space<vmem_shared>>) offsets(%dma_start3A_355 : memref<128xi32, #tpu.memory_space<vmem>>) semaphore(%run_scoped3A_352 : memref<!tpu.dma_semaphore, #tpu.memory_space<semaphore_mem>>) {add = true}
          %dma_wait3A_359 = arith.constant 0 : i32
          %dma_wait3A_360 = tpu.memref_slice %arg9[%run_scoped3A_288, %dma_wait3A_359] : memref<2x128xi32, #tpu.memory_space<vmem>> -> memref<1x128xi32, #tpu.memory_space<vmem>>
          %dma_wait3A_361 = tpu.memref_squeeze %dma_wait3A_360 : memref<1x128xi32, #tpu.memory_space<vmem>> -> memref<128xi32, #tpu.memory_space<vmem>>
          %dma_wait3A_362 = arith.constant 0 : i32
          %dma_wait3A_363 = arith.constant 0 : i32
          %dma_wait3A_364 = tpu.memref_slice %arg7[%dma_wait3A_362, %dma_wait3A_363] : memref<10112x128xf32, #tpu.memory_space<vmem_shared>> -> memref<10112x128xf32, #tpu.memory_space<vmem_shared>>
          tpu.wait_indirect_dma semaphore(%run_scoped3A_352 : memref<!tpu.dma_semaphore, #tpu.memory_space<semaphore_mem>>) src(%arg13 : memref<128x128xf32, #tpu.memory_space<vmem>>) dst(%dma_wait3A_364 : memref<10112x128xf32, #tpu.memory_space<vmem_shared>>)
          tpu.yield
        }) : () -> ()
        %add3A_289 = arith.constant 5 : i32
        %add3A_290 = arith.addi %mul3A_242, %add3A_289 : i32
        %lt3A_291 = arith.constant 80 : i32
        %lt3A_292 = arith.cmpi slt, %add3A_290, %lt3A_291 : i32
        %convert_element_type3A_293 = arith.extui %lt3A_292 : i1 to i32
        %cond3A_294 = arith.constant 0 : i32
        %cond3A_295 = arith.cmpi ne, %convert_element_type3A_293, %cond3A_294 : i32
        scf.if %cond3A_295 {
          %add3A_352 = arith.constant 5 : i32
          %add3A_353 = arith.addi %mul3A_242, %add3A_352 : i32
          %dma_start3A_354 = arith.constant 0 : i32
          %dma_start3A_355 = arith.constant 0 : i32
          %dma_start3A_356 = tpu.memref_slice %arg4[%arg1, %add3A_353, %dma_start3A_354, %dma_start3A_355] : memref<16x80x2x128xi32, #tpu.memory_space<hbm>> -> memref<1x1x2x128xi32, #tpu.memory_space<hbm>>
          %dma_start3A_357 = tpu.memref_squeeze %dma_start3A_356 : memref<1x1x2x128xi32, #tpu.memory_space<hbm>> -> memref<2x128xi32, #tpu.memory_space<hbm>>
          %dma_start3A_358 = arith.constant 0 : i32
          %dma_start3A_359 = arith.constant 0 : i32
          %dma_start3A_360 = tpu.memref_slice %arg4[%arg1, %add3A_353, %dma_start3A_358, %dma_start3A_359] : memref<16x80x2x128xi32, #tpu.memory_space<hbm>> -> memref<1x1x2x128xi32, #tpu.memory_space<hbm>>
          %dma_start3A_361 = tpu.memref_squeeze %dma_start3A_360 : memref<1x1x2x128xi32, #tpu.memory_space<hbm>> -> memref<2x128xi32, #tpu.memory_space<hbm>>
          tpu.enqueue_dma source(%dma_start3A_361 : memref<2x128xi32, #tpu.memory_space<hbm>>) target(%arg9 : memref<2x128xi32, #tpu.memory_space<vmem>>) target_semaphore(%arg17 : memref<!tpu.dma_semaphore, #tpu.memory_space<semaphore_mem>>)
        } else {
        }
        %add3A_296 = arith.constant 2 : i32
        %add3A_297 = arith.addi %mul3A_242, %add3A_296 : i32
        %add3A_298 = arith.constant 1 : i32
        %add3A_299 = arith.addi %add3A_297, %add3A_298 : i32
        %dma_wait3A_300 = arith.constant 0 : i32
        %dma_wait3A_301 = arith.constant 0 : i32
        %dma_wait3A_302 = tpu.memref_slice %arg4[%arg1, %add3A_299, %dma_wait3A_300, %dma_wait3A_301] : memref<16x80x2x128xi32, #tpu.memory_space<hbm>> -> memref<1x1x2x128xi32, #tpu.memory_space<hbm>>
        %dma_wait3A_303 = tpu.memref_squeeze %dma_wait3A_302 : memref<1x1x2x128xi32, #tpu.memory_space<hbm>> -> memref<2x128xi32, #tpu.memory_space<hbm>>
        %dma_wait3A_304 = arith.constant 0 : i32
        %dma_wait3A_305 = arith.constant 0 : i32
        %dma_wait3A_306 = tpu.memref_slice %arg4[%arg1, %add3A_299, %dma_wait3A_304, %dma_wait3A_305] : memref<16x80x2x128xi32, #tpu.memory_space<hbm>> -> memref<1x1x2x128xi32, #tpu.memory_space<hbm>>
        %dma_wait3A_307 = tpu.memref_squeeze %dma_wait3A_306 : memref<1x1x2x128xi32, #tpu.memory_space<hbm>> -> memref<2x128xi32, #tpu.memory_space<hbm>>
        tpu.wait_dma2 semaphore(%arg19 : memref<!tpu.dma_semaphore, #tpu.memory_space<semaphore_mem>>) src(%dma_wait3A_307 : memref<2x128xi32, #tpu.memory_space<hbm>>) dst(%arg11 : memref<2x128xi32, #tpu.memory_space<vmem>>)
        %dma_start3A_308 = arith.constant 0 : i32
        %dma_start3A_309 = arith.constant 0 : i32
        %dma_start3A_310 = tpu.memref_slice %arg11[%dma_start3A_308, %dma_start3A_309] : memref<2x128xi32, #tpu.memory_space<vmem>> -> memref<1x128xi32, #tpu.memory_space<vmem>>
        %dma_start3A_311 = tpu.memref_squeeze %dma_start3A_310 : memref<1x128xi32, #tpu.memory_space<vmem>> -> memref<128xi32, #tpu.memory_space<vmem>>
        %dma_start3A_312 = arith.constant 0 : i32
        %dma_start3A_313 = arith.constant 0 : i32
        %dma_start3A_314 = tpu.memref_slice %arg3[%dma_start3A_312, %dma_start3A_313] : memref<10112x128xf32, #tpu.memory_space<hbm>> -> memref<10112x128xf32, #tpu.memory_space<hbm>>
        tpu.enqueue_indirect_dma source(%dma_start3A_314 : memref<10112x128xf32, #tpu.memory_space<hbm>>) target(%arg13 : memref<128x128xf32, #tpu.memory_space<vmem>>) offsets(%dma_start3A_311 : memref<128xi32, #tpu.memory_space<vmem>>) semaphore(%arg15 : memref<!tpu.dma_semaphore, #tpu.memory_space<semaphore_mem>>)
        %dma_wait3A_315 = arith.constant 0 : i32
        %dma_wait3A_316 = arith.constant 0 : i32
        %dma_wait3A_317 = tpu.memref_slice %arg10[%dma_wait3A_315, %dma_wait3A_316] : memref<2x128xi32, #tpu.memory_space<vmem>> -> memref<1x128xi32, #tpu.memory_space<vmem>>
        %dma_wait3A_318 = tpu.memref_squeeze %dma_wait3A_317 : memref<1x128xi32, #tpu.memory_space<vmem>> -> memref<128xi32, #tpu.memory_space<vmem>>
        %dma_wait3A_319 = arith.constant 0 : i32
        %dma_wait3A_320 = arith.constant 0 : i32
        %dma_wait3A_321 = tpu.memref_slice %arg3[%dma_wait3A_319, %dma_wait3A_320] : memref<10112x128xf32, #tpu.memory_space<hbm>> -> memref<10112x128xf32, #tpu.memory_space<hbm>>
        tpu.wait_indirect_dma semaphore(%arg14 : memref<!tpu.dma_semaphore, #tpu.memory_space<semaphore_mem>>) src(%dma_wait3A_321 : memref<10112x128xf32, #tpu.memory_space<hbm>>) dst(%arg12 : memref<128x128xf32, #tpu.memory_space<vmem>>)
        %run_scoped3A_322 = arith.constant 1 : i32
        "tpu.region"() ({
          %run_scoped3A_352 = tpu.sem_alloc : memref<!tpu.dma_semaphore, #tpu.memory_space<semaphore_mem>>
          %dma_start3A_353 = arith.constant 0 : i32
          %dma_start3A_354 = tpu.memref_slice %arg10[%run_scoped3A_322, %dma_start3A_353] : memref<2x128xi32, #tpu.memory_space<vmem>> -> memref<1x128xi32, #tpu.memory_space<vmem>>
          %dma_start3A_355 = tpu.memref_squeeze %dma_start3A_354 : memref<1x128xi32, #tpu.memory_space<vmem>> -> memref<128xi32, #tpu.memory_space<vmem>>
          %dma_start3A_356 = arith.constant 0 : i32
          %dma_start3A_357 = arith.constant 0 : i32
          %dma_start3A_358 = tpu.memref_slice %arg7[%dma_start3A_356, %dma_start3A_357] : memref<10112x128xf32, #tpu.memory_space<vmem_shared>> -> memref<10112x128xf32, #tpu.memory_space<vmem_shared>>
          tpu.enqueue_indirect_dma source(%arg12 : memref<128x128xf32, #tpu.memory_space<vmem>>) target(%dma_start3A_358 : memref<10112x128xf32, #tpu.memory_space<vmem_shared>>) offsets(%dma_start3A_355 : memref<128xi32, #tpu.memory_space<vmem>>) semaphore(%run_scoped3A_352 : memref<!tpu.dma_semaphore, #tpu.memory_space<semaphore_mem>>) {add = true}
          %dma_wait3A_359 = arith.constant 0 : i32
          %dma_wait3A_360 = tpu.memref_slice %arg10[%run_scoped3A_322, %dma_wait3A_359] : memref<2x128xi32, #tpu.memory_space<vmem>> -> memref<1x128xi32, #tpu.memory_space<vmem>>
          %dma_wait3A_361 = tpu.memref_squeeze %dma_wait3A_360 : memref<1x128xi32, #tpu.memory_space<vmem>> -> memref<128xi32, #tpu.memory_space<vmem>>
          %dma_wait3A_362 = arith.constant 0 : i32
          %dma_wait3A_363 = arith.constant 0 : i32
          %dma_wait3A_364 = tpu.memref_slice %arg7[%dma_wait3A_362, %dma_wait3A_363] : memref<10112x128xf32, #tpu.memory_space<vmem_shared>> -> memref<10112x128xf32, #tpu.memory_space<vmem_shared>>
          tpu.wait_indirect_dma semaphore(%run_scoped3A_352 : memref<!tpu.dma_semaphore, #tpu.memory_space<semaphore_mem>>) src(%arg12 : memref<128x128xf32, #tpu.memory_space<vmem>>) dst(%dma_wait3A_364 : memref<10112x128xf32, #tpu.memory_space<vmem_shared>>)
          tpu.yield
        }) : () -> ()
        %add3A_323 = arith.constant 2 : i32
        %add3A_324 = arith.addi %add3A_297, %add3A_323 : i32
        %lt3A_325 = arith.constant 80 : i32
        %lt3A_326 = arith.cmpi slt, %add3A_324, %lt3A_325 : i32
        %convert_element_type3A_327 = arith.extui %lt3A_326 : i1 to i32
        %cond3A_328 = arith.constant 0 : i32
        %cond3A_329 = arith.cmpi ne, %convert_element_type3A_327, %cond3A_328 : i32
        scf.if %cond3A_329 {
          %add3A_352 = arith.constant 2 : i32
          %add3A_353 = arith.addi %add3A_297, %add3A_352 : i32
          %dma_wait3A_354 = arith.constant 0 : i32
          %dma_wait3A_355 = arith.constant 0 : i32
          %dma_wait3A_356 = tpu.memref_slice %arg4[%arg1, %add3A_353, %dma_wait3A_354, %dma_wait3A_355] : memref<16x80x2x128xi32, #tpu.memory_space<hbm>> -> memref<1x1x2x128xi32, #tpu.memory_space<hbm>>
          %dma_wait3A_357 = tpu.memref_squeeze %dma_wait3A_356 : memref<1x1x2x128xi32, #tpu.memory_space<hbm>> -> memref<2x128xi32, #tpu.memory_space<hbm>>
          %dma_wait3A_358 = arith.constant 0 : i32
          %dma_wait3A_359 = arith.constant 0 : i32
          %dma_wait3A_360 = tpu.memref_slice %arg4[%arg1, %add3A_353, %dma_wait3A_358, %dma_wait3A_359] : memref<16x80x2x128xi32, #tpu.memory_space<hbm>> -> memref<1x1x2x128xi32, #tpu.memory_space<hbm>>
          %dma_wait3A_361 = tpu.memref_squeeze %dma_wait3A_360 : memref<1x1x2x128xi32, #tpu.memory_space<hbm>> -> memref<2x128xi32, #tpu.memory_space<hbm>>
          tpu.wait_dma2 semaphore(%arg16 : memref<!tpu.dma_semaphore, #tpu.memory_space<semaphore_mem>>) src(%dma_wait3A_361 : memref<2x128xi32, #tpu.memory_space<hbm>>) dst(%arg8 : memref<2x128xi32, #tpu.memory_space<vmem>>)
          %dma_start3A_362 = arith.constant 0 : i32
          %dma_start3A_363 = arith.constant 0 : i32
          %dma_start3A_364 = tpu.memref_slice %arg8[%dma_start3A_362, %dma_start3A_363] : memref<2x128xi32, #tpu.memory_space<vmem>> -> memref<1x128xi32, #tpu.memory_space<vmem>>
          %dma_start3A_365 = tpu.memref_squeeze %dma_start3A_364 : memref<1x128xi32, #tpu.memory_space<vmem>> -> memref<128xi32, #tpu.memory_space<vmem>>
          %dma_start3A_366 = arith.constant 0 : i32
          %dma_start3A_367 = arith.constant 0 : i32
          %dma_start3A_368 = tpu.memref_slice %arg3[%dma_start3A_366, %dma_start3A_367] : memref<10112x128xf32, #tpu.memory_space<hbm>> -> memref<10112x128xf32, #tpu.memory_space<hbm>>
          tpu.enqueue_indirect_dma source(%dma_start3A_368 : memref<10112x128xf32, #tpu.memory_space<hbm>>) target(%arg12 : memref<128x128xf32, #tpu.memory_space<vmem>>) offsets(%dma_start3A_365 : memref<128xi32, #tpu.memory_space<vmem>>) semaphore(%arg14 : memref<!tpu.dma_semaphore, #tpu.memory_space<semaphore_mem>>)
        } else {
        }
        %add3A_330 = arith.constant 4 : i32
        %add3A_331 = arith.addi %add3A_297, %add3A_330 : i32
        %lt3A_332 = arith.constant 80 : i32
        %lt3A_333 = arith.cmpi slt, %add3A_331, %lt3A_332 : i32
        %convert_element_type3A_334 = arith.extui %lt3A_333 : i1 to i32
        %cond3A_335 = arith.constant 0 : i32
        %cond3A_336 = arith.cmpi ne, %convert_element_type3A_334, %cond3A_335 : i32
        scf.if %cond3A_336 {
          %add3A_352 = arith.constant 4 : i32
          %add3A_353 = arith.addi %add3A_297, %add3A_352 : i32
          %dma_start3A_354 = arith.constant 0 : i32
          %dma_start3A_355 = arith.constant 0 : i32
          %dma_start3A_356 = tpu.memref_slice %arg4[%arg1, %add3A_353, %dma_start3A_354, %dma_start3A_355] : memref<16x80x2x128xi32, #tpu.memory_space<hbm>> -> memref<1x1x2x128xi32, #tpu.memory_space<hbm>>
          %dma_start3A_357 = tpu.memref_squeeze %dma_start3A_356 : memref<1x1x2x128xi32, #tpu.memory_space<hbm>> -> memref<2x128xi32, #tpu.memory_space<hbm>>
          %dma_start3A_358 = arith.constant 0 : i32
          %dma_start3A_359 = arith.constant 0 : i32
          %dma_start3A_360 = tpu.memref_slice %arg4[%arg1, %add3A_353, %dma_start3A_358, %dma_start3A_359] : memref<16x80x2x128xi32, #tpu.memory_space<hbm>> -> memref<1x1x2x128xi32, #tpu.memory_space<hbm>>
          %dma_start3A_361 = tpu.memref_squeeze %dma_start3A_360 : memref<1x1x2x128xi32, #tpu.memory_space<hbm>> -> memref<2x128xi32, #tpu.memory_space<hbm>>
          tpu.enqueue_dma source(%dma_start3A_361 : memref<2x128xi32, #tpu.memory_space<hbm>>) target(%arg10 : memref<2x128xi32, #tpu.memory_space<vmem>>) target_semaphore(%arg18 : memref<!tpu.dma_semaphore, #tpu.memory_space<semaphore_mem>>)
        } else {
        }
        %dma_wait3A_337 = arith.constant 0 : i32
        %dma_wait3A_338 = arith.constant 0 : i32
        %dma_wait3A_339 = tpu.memref_slice %arg11[%dma_wait3A_337, %dma_wait3A_338] : memref<2x128xi32, #tpu.memory_space<vmem>> -> memref<1x128xi32, #tpu.memory_space<vmem>>
        %dma_wait3A_340 = tpu.memref_squeeze %dma_wait3A_339 : memref<1x128xi32, #tpu.memory_space<vmem>> -> memref<128xi32, #tpu.memory_space<vmem>>
        %dma_wait3A_341 = arith.constant 0 : i32
        %dma_wait3A_342 = arith.constant 0 : i32
        %dma_wait3A_343 = tpu.memref_slice %arg3[%dma_wait3A_341, %dma_wait3A_342] : memref<10112x128xf32, #tpu.memory_space<hbm>> -> memref<10112x128xf32, #tpu.memory_space<hbm>>
        tpu.wait_indirect_dma semaphore(%arg15 : memref<!tpu.dma_semaphore, #tpu.memory_space<semaphore_mem>>) src(%dma_wait3A_343 : memref<10112x128xf32, #tpu.memory_space<hbm>>) dst(%arg13 : memref<128x128xf32, #tpu.memory_space<vmem>>)
        %run_scoped3A_344 = arith.constant 1 : i32
        "tpu.region"() ({
          %run_scoped3A_352 = tpu.sem_alloc : memref<!tpu.dma_semaphore, #tpu.memory_space<semaphore_mem>>
          %dma_start3A_353 = arith.constant 0 : i32
          %dma_start3A_354 = tpu.memref_slice %arg11[%run_scoped3A_344, %dma_start3A_353] : memref<2x128xi32, #tpu.memory_space<vmem>> -> memref<1x128xi32, #tpu.memory_space<vmem>>
          %dma_start3A_355 = tpu.memref_squeeze %dma_start3A_354 : memref<1x128xi32, #tpu.memory_space<vmem>> -> memref<128xi32, #tpu.memory_space<vmem>>
          %dma_start3A_356 = arith.constant 0 : i32
          %dma_start3A_357 = arith.constant 0 : i32
          %dma_start3A_358 = tpu.memref_slice %arg7[%dma_start3A_356, %dma_start3A_357] : memref<10112x128xf32, #tpu.memory_space<vmem_shared>> -> memref<10112x128xf32, #tpu.memory_space<vmem_shared>>
          tpu.enqueue_indirect_dma source(%arg13 : memref<128x128xf32, #tpu.memory_space<vmem>>) target(%dma_start3A_358 : memref<10112x128xf32, #tpu.memory_space<vmem_shared>>) offsets(%dma_start3A_355 : memref<128xi32, #tpu.memory_space<vmem>>) semaphore(%run_scoped3A_352 : memref<!tpu.dma_semaphore, #tpu.memory_space<semaphore_mem>>) {add = true}
          %dma_wait3A_359 = arith.constant 0 : i32
          %dma_wait3A_360 = tpu.memref_slice %arg11[%run_scoped3A_344, %dma_wait3A_359] : memref<2x128xi32, #tpu.memory_space<vmem>> -> memref<1x128xi32, #tpu.memory_space<vmem>>
          %dma_wait3A_361 = tpu.memref_squeeze %dma_wait3A_360 : memref<1x128xi32, #tpu.memory_space<vmem>> -> memref<128xi32, #tpu.memory_space<vmem>>
          %dma_wait3A_362 = arith.constant 0 : i32
          %dma_wait3A_363 = arith.constant 0 : i32
          %dma_wait3A_364 = tpu.memref_slice %arg7[%dma_wait3A_362, %dma_wait3A_363] : memref<10112x128xf32, #tpu.memory_space<vmem_shared>> -> memref<10112x128xf32, #tpu.memory_space<vmem_shared>>
          tpu.wait_indirect_dma semaphore(%run_scoped3A_352 : memref<!tpu.dma_semaphore, #tpu.memory_space<semaphore_mem>>) src(%arg13 : memref<128x128xf32, #tpu.memory_space<vmem>>) dst(%dma_wait3A_364 : memref<10112x128xf32, #tpu.memory_space<vmem_shared>>)
          tpu.yield
        }) : () -> ()
        %add3A_345 = arith.constant 5 : i32
        %add3A_346 = arith.addi %add3A_297, %add3A_345 : i32
        %lt3A_347 = arith.constant 80 : i32
        %lt3A_348 = arith.cmpi slt, %add3A_346, %lt3A_347 : i32
        %convert_element_type3A_349 = arith.extui %lt3A_348 : i1 to i32
        %cond3A_350 = arith.constant 0 : i32
        %cond3A_351 = arith.cmpi ne, %convert_element_type3A_349, %cond3A_350 : i32
        scf.if %cond3A_351 {
          %add3A_352 = arith.constant 5 : i32
          %add3A_353 = arith.addi %add3A_297, %add3A_352 : i32
          %dma_start3A_354 = arith.constant 0 : i32
          %dma_start3A_355 = arith.constant 0 : i32
          %dma_start3A_356 = tpu.memref_slice %arg4[%arg1, %add3A_353, %dma_start3A_354, %dma_start3A_355] : memref<16x80x2x128xi32, #tpu.memory_space<hbm>> -> memref<1x1x2x128xi32, #tpu.memory_space<hbm>>
          %dma_start3A_357 = tpu.memref_squeeze %dma_start3A_356 : memref<1x1x2x128xi32, #tpu.memory_space<hbm>> -> memref<2x128xi32, #tpu.memory_space<hbm>>
          %dma_start3A_358 = arith.constant 0 : i32
          %dma_start3A_359 = arith.constant 0 : i32
          %dma_start3A_360 = tpu.memref_slice %arg4[%arg1, %add3A_353, %dma_start3A_358, %dma_start3A_359] : memref<16x80x2x128xi32, #tpu.memory_space<hbm>> -> memref<1x1x2x128xi32, #tpu.memory_space<hbm>>
          %dma_start3A_361 = tpu.memref_squeeze %dma_start3A_360 : memref<1x1x2x128xi32, #tpu.memory_space<hbm>> -> memref<2x128xi32, #tpu.memory_space<hbm>>
          tpu.enqueue_dma source(%dma_start3A_361 : memref<2x128xi32, #tpu.memory_space<hbm>>) target(%arg11 : memref<2x128xi32, #tpu.memory_space<vmem>>) target_semaphore(%arg19 : memref<!tpu.dma_semaphore, #tpu.memory_space<semaphore_mem>>)
        } else {
        }
      }
      %scan3A_148 = arith.constant 20 : i32
      %barrier3A_149 = arith.constant 0 : index
      tpu.barrier barrier_id(%barrier3A_149)
      %mul3A_150 = arith.constant 5 : i32
      %mul3A_151 = arith.muli %arg1, %mul3A_150 : i32
      %add3A_152 = arith.constant 0 : i32
      %add3A_153 = arith.addi %mul3A_151, %add3A_152 : i32
      %lt3A_154 = arith.constant 79 : i32
      %lt3A_155 = arith.cmpi slt, %add3A_153, %lt3A_154 : i32
      %convert_element_type3A_156 = arith.extui %lt3A_155 : i1 to i32
      %cond3A_157 = arith.constant 0 : i32
      %cond3A_158 = arith.cmpi ne, %convert_element_type3A_156, %cond3A_157 : i32
      scf.if %cond3A_158 {
        %mul3A_240 = arith.constant 128 : i32
        %mul3A_241 = arith.muli %add3A_153, %mul3A_240 : i32
        %dma_start3A_242 = arith.constant 0 : i32
        %dma_start3A_243 = tpu.memref_slice %arg6[%mul3A_241, %dma_start3A_242] : memref<10112x128xf32, #tpu.memory_space<hbm>> -> memref<128x128xf32, #tpu.memory_space<hbm>>
        %dma_start3A_244 = arith.constant 0 : i32
        %dma_start3A_245 = tpu.memref_slice %arg7[%mul3A_241, %dma_start3A_244] : memref<10112x128xf32, #tpu.memory_space<vmem_shared>> -> memref<128x128xf32, #tpu.memory_space<vmem_shared>>
        tpu.enqueue_dma source(%dma_start3A_245 : memref<128x128xf32, #tpu.memory_space<vmem_shared>>) target(%dma_start3A_243 : memref<128x128xf32, #tpu.memory_space<hbm>>) target_semaphore(%arg14 : memref<!tpu.dma_semaphore, #tpu.memory_space<semaphore_mem>>)
      } else {
      }
      %mul3A_159 = arith.constant 5 : i32
      %mul3A_160 = arith.muli %arg1, %mul3A_159 : i32
      %add3A_161 = arith.constant 1 : i32
      %add3A_162 = arith.addi %mul3A_160, %add3A_161 : i32
      %lt3A_163 = arith.constant 79 : i32
      %lt3A_164 = arith.cmpi slt, %add3A_162, %lt3A_163 : i32
      %convert_element_type3A_165 = arith.extui %lt3A_164 : i1 to i32
      %cond3A_166 = arith.constant 0 : i32
      %cond3A_167 = arith.cmpi ne, %convert_element_type3A_165, %cond3A_166 : i32
      scf.if %cond3A_167 {
        %mul3A_240 = arith.constant 128 : i32
        %mul3A_241 = arith.muli %add3A_162, %mul3A_240 : i32
        %dma_start3A_242 = arith.constant 0 : i32
        %dma_start3A_243 = tpu.memref_slice %arg6[%mul3A_241, %dma_start3A_242] : memref<10112x128xf32, #tpu.memory_space<hbm>> -> memref<128x128xf32, #tpu.memory_space<hbm>>
        %dma_start3A_244 = arith.constant 0 : i32
        %dma_start3A_245 = tpu.memref_slice %arg7[%mul3A_241, %dma_start3A_244] : memref<10112x128xf32, #tpu.memory_space<vmem_shared>> -> memref<128x128xf32, #tpu.memory_space<vmem_shared>>
        tpu.enqueue_dma source(%dma_start3A_245 : memref<128x128xf32, #tpu.memory_space<vmem_shared>>) target(%dma_start3A_243 : memref<128x128xf32, #tpu.memory_space<hbm>>) target_semaphore(%arg14 : memref<!tpu.dma_semaphore, #tpu.memory_space<semaphore_mem>>)
      } else {
      }
      %mul3A_168 = arith.constant 5 : i32
      %mul3A_169 = arith.muli %arg1, %mul3A_168 : i32
      %add3A_170 = arith.constant 2 : i32
      %add3A_171 = arith.addi %mul3A_169, %add3A_170 : i32
      %lt3A_172 = arith.constant 79 : i32
      %lt3A_173 = arith.cmpi slt, %add3A_171, %lt3A_172 : i32
      %convert_element_type3A_174 = arith.extui %lt3A_173 : i1 to i32
      %cond3A_175 = arith.constant 0 : i32
      %cond3A_176 = arith.cmpi ne, %convert_element_type3A_174, %cond3A_175 : i32
      scf.if %cond3A_176 {
        %mul3A_240 = arith.constant 128 : i32
        %mul3A_241 = arith.muli %add3A_171, %mul3A_240 : i32
        %dma_start3A_242 = arith.constant 0 : i32
        %dma_start3A_243 = tpu.memref_slice %arg6[%mul3A_241, %dma_start3A_242] : memref<10112x128xf32, #tpu.memory_space<hbm>> -> memref<128x128xf32, #tpu.memory_space<hbm>>
        %dma_start3A_244 = arith.constant 0 : i32
        %dma_start3A_245 = tpu.memref_slice %arg7[%mul3A_241, %dma_start3A_244] : memref<10112x128xf32, #tpu.memory_space<vmem_shared>> -> memref<128x128xf32, #tpu.memory_space<vmem_shared>>
        tpu.enqueue_dma source(%dma_start3A_245 : memref<128x128xf32, #tpu.memory_space<vmem_shared>>) target(%dma_start3A_243 : memref<128x128xf32, #tpu.memory_space<hbm>>) target_semaphore(%arg14 : memref<!tpu.dma_semaphore, #tpu.memory_space<semaphore_mem>>)
      } else {
      }
      %mul3A_177 = arith.constant 5 : i32
      %mul3A_178 = arith.muli %arg1, %mul3A_177 : i32
      %add3A_179 = arith.constant 3 : i32
      %add3A_180 = arith.addi %mul3A_178, %add3A_179 : i32
      %lt3A_181 = arith.constant 79 : i32
      %lt3A_182 = arith.cmpi slt, %add3A_180, %lt3A_181 : i32
      %convert_element_type3A_183 = arith.extui %lt3A_182 : i1 to i32
      %cond3A_184 = arith.constant 0 : i32
      %cond3A_185 = arith.cmpi ne, %convert_element_type3A_183, %cond3A_184 : i32
      scf.if %cond3A_185 {
        %mul3A_240 = arith.constant 128 : i32
        %mul3A_241 = arith.muli %add3A_180, %mul3A_240 : i32
        %dma_start3A_242 = arith.constant 0 : i32
        %dma_start3A_243 = tpu.memref_slice %arg6[%mul3A_241, %dma_start3A_242] : memref<10112x128xf32, #tpu.memory_space<hbm>> -> memref<128x128xf32, #tpu.memory_space<hbm>>
        %dma_start3A_244 = arith.constant 0 : i32
        %dma_start3A_245 = tpu.memref_slice %arg7[%mul3A_241, %dma_start3A_244] : memref<10112x128xf32, #tpu.memory_space<vmem_shared>> -> memref<128x128xf32, #tpu.memory_space<vmem_shared>>
        tpu.enqueue_dma source(%dma_start3A_245 : memref<128x128xf32, #tpu.memory_space<vmem_shared>>) target(%dma_start3A_243 : memref<128x128xf32, #tpu.memory_space<hbm>>) target_semaphore(%arg14 : memref<!tpu.dma_semaphore, #tpu.memory_space<semaphore_mem>>)
      } else {
      }
      %mul3A_186 = arith.constant 5 : i32
      %mul3A_187 = arith.muli %arg1, %mul3A_186 : i32
      %add3A_188 = arith.constant 4 : i32
      %add3A_189 = arith.addi %mul3A_187, %add3A_188 : i32
      %lt3A_190 = arith.constant 79 : i32
      %lt3A_191 = arith.cmpi slt, %add3A_189, %lt3A_190 : i32
      %convert_element_type3A_192 = arith.extui %lt3A_191 : i1 to i32
      %cond3A_193 = arith.constant 0 : i32
      %cond3A_194 = arith.cmpi ne, %convert_element_type3A_192, %cond3A_193 : i32
      scf.if %cond3A_194 {
        %mul3A_240 = arith.constant 128 : i32
        %mul3A_241 = arith.muli %add3A_189, %mul3A_240 : i32
        %dma_start3A_242 = arith.constant 0 : i32
        %dma_start3A_243 = tpu.memref_slice %arg6[%mul3A_241, %dma_start3A_242] : memref<10112x128xf32, #tpu.memory_space<hbm>> -> memref<128x128xf32, #tpu.memory_space<hbm>>
        %dma_start3A_244 = arith.constant 0 : i32
        %dma_start3A_245 = tpu.memref_slice %arg7[%mul3A_241, %dma_start3A_244] : memref<10112x128xf32, #tpu.memory_space<vmem_shared>> -> memref<128x128xf32, #tpu.memory_space<vmem_shared>>
        tpu.enqueue_dma source(%dma_start3A_245 : memref<128x128xf32, #tpu.memory_space<vmem_shared>>) target(%dma_start3A_243 : memref<128x128xf32, #tpu.memory_space<hbm>>) target_semaphore(%arg14 : memref<!tpu.dma_semaphore, #tpu.memory_space<semaphore_mem>>)
      } else {
      }
      %mul3A_195 = arith.constant 5 : i32
      %mul3A_196 = arith.muli %arg1, %mul3A_195 : i32
      %add3A_197 = arith.constant 0 : i32
      %add3A_198 = arith.addi %mul3A_196, %add3A_197 : i32
      %lt3A_199 = arith.constant 79 : i32
      %lt3A_200 = arith.cmpi slt, %add3A_198, %lt3A_199 : i32
      %convert_element_type3A_201 = arith.extui %lt3A_200 : i1 to i32
      %cond3A_202 = arith.constant 0 : i32
      %cond3A_203 = arith.cmpi ne, %convert_element_type3A_201, %cond3A_202 : i32
      scf.if %cond3A_203 {
        %mul3A_240 = arith.constant 128 : i32
        %mul3A_241 = arith.muli %add3A_198, %mul3A_240 : i32
        %dma_wait3A_242 = arith.constant 0 : i32
        %dma_wait3A_243 = tpu.memref_slice %arg6[%mul3A_241, %dma_wait3A_242] : memref<10112x128xf32, #tpu.memory_space<hbm>> -> memref<128x128xf32, #tpu.memory_space<hbm>>
        %dma_wait3A_244 = arith.constant 0 : i32
        %dma_wait3A_245 = tpu.memref_slice %arg7[%mul3A_241, %dma_wait3A_244] : memref<10112x128xf32, #tpu.memory_space<vmem_shared>> -> memref<128x128xf32, #tpu.memory_space<vmem_shared>>
        tpu.wait_dma2 semaphore(%arg14 : memref<!tpu.dma_semaphore, #tpu.memory_space<semaphore_mem>>) src(%dma_wait3A_245 : memref<128x128xf32, #tpu.memory_space<vmem_shared>>) dst(%dma_wait3A_243 : memref<128x128xf32, #tpu.memory_space<hbm>>)
      } else {
      }
      %mul3A_204 = arith.constant 5 : i32
      %mul3A_205 = arith.muli %arg1, %mul3A_204 : i32
      %add3A_206 = arith.constant 1 : i32
      %add3A_207 = arith.addi %mul3A_205, %add3A_206 : i32
      %lt3A_208 = arith.constant 79 : i32
      %lt3A_209 = arith.cmpi slt, %add3A_207, %lt3A_208 : i32
      %convert_element_type3A_210 = arith.extui %lt3A_209 : i1 to i32
      %cond3A_211 = arith.constant 0 : i32
      %cond3A_212 = arith.cmpi ne, %convert_element_type3A_210, %cond3A_211 : i32
      scf.if %cond3A_212 {
        %mul3A_240 = arith.constant 128 : i32
        %mul3A_241 = arith.muli %add3A_207, %mul3A_240 : i32
        %dma_wait3A_242 = arith.constant 0 : i32
        %dma_wait3A_243 = tpu.memref_slice %arg6[%mul3A_241, %dma_wait3A_242] : memref<10112x128xf32, #tpu.memory_space<hbm>> -> memref<128x128xf32, #tpu.memory_space<hbm>>
        %dma_wait3A_244 = arith.constant 0 : i32
        %dma_wait3A_245 = tpu.memref_slice %arg7[%mul3A_241, %dma_wait3A_244] : memref<10112x128xf32, #tpu.memory_space<vmem_shared>> -> memref<128x128xf32, #tpu.memory_space<vmem_shared>>
        tpu.wait_dma2 semaphore(%arg14 : memref<!tpu.dma_semaphore, #tpu.memory_space<semaphore_mem>>) src(%dma_wait3A_245 : memref<128x128xf32, #tpu.memory_space<vmem_shared>>) dst(%dma_wait3A_243 : memref<128x128xf32, #tpu.memory_space<hbm>>)
      } else {
      }
      %mul3A_213 = arith.constant 5 : i32
      %mul3A_214 = arith.muli %arg1, %mul3A_213 : i32
      %add3A_215 = arith.constant 2 : i32
      %add3A_216 = arith.addi %mul3A_214, %add3A_215 : i32
      %lt3A_217 = arith.constant 79 : i32
      %lt3A_218 = arith.cmpi slt, %add3A_216, %lt3A_217 : i32
      %convert_element_type3A_219 = arith.extui %lt3A_218 : i1 to i32
      %cond3A_220 = arith.constant 0 : i32
      %cond3A_221 = arith.cmpi ne, %convert_element_type3A_219, %cond3A_220 : i32
      scf.if %cond3A_221 {
        %mul3A_240 = arith.constant 128 : i32
        %mul3A_241 = arith.muli %add3A_216, %mul3A_240 : i32
        %dma_wait3A_242 = arith.constant 0 : i32
        %dma_wait3A_243 = tpu.memref_slice %arg6[%mul3A_241, %dma_wait3A_242] : memref<10112x128xf32, #tpu.memory_space<hbm>> -> memref<128x128xf32, #tpu.memory_space<hbm>>
        %dma_wait3A_244 = arith.constant 0 : i32
        %dma_wait3A_245 = tpu.memref_slice %arg7[%mul3A_241, %dma_wait3A_244] : memref<10112x128xf32, #tpu.memory_space<vmem_shared>> -> memref<128x128xf32, #tpu.memory_space<vmem_shared>>
        tpu.wait_dma2 semaphore(%arg14 : memref<!tpu.dma_semaphore, #tpu.memory_space<semaphore_mem>>) src(%dma_wait3A_245 : memref<128x128xf32, #tpu.memory_space<vmem_shared>>) dst(%dma_wait3A_243 : memref<128x128xf32, #tpu.memory_space<hbm>>)
      } else {
      }
      %mul3A_222 = arith.constant 5 : i32
      %mul3A_223 = arith.muli %arg1, %mul3A_222 : i32
      %add3A_224 = arith.constant 3 : i32
      %add3A_225 = arith.addi %mul3A_223, %add3A_224 : i32
      %lt3A_226 = arith.constant 79 : i32
      %lt3A_227 = arith.cmpi slt, %add3A_225, %lt3A_226 : i32
      %convert_element_type3A_228 = arith.extui %lt3A_227 : i1 to i32
      %cond3A_229 = arith.constant 0 : i32
      %cond3A_230 = arith.cmpi ne, %convert_element_type3A_228, %cond3A_229 : i32
      scf.if %cond3A_230 {
        %mul3A_240 = arith.constant 128 : i32
        %mul3A_241 = arith.muli %add3A_225, %mul3A_240 : i32
        %dma_wait3A_242 = arith.constant 0 : i32
        %dma_wait3A_243 = tpu.memref_slice %arg6[%mul3A_241, %dma_wait3A_242] : memref<10112x128xf32, #tpu.memory_space<hbm>> -> memref<128x128xf32, #tpu.memory_space<hbm>>
        %dma_wait3A_244 = arith.constant 0 : i32
        %dma_wait3A_245 = tpu.memref_slice %arg7[%mul3A_241, %dma_wait3A_244] : memref<10112x128xf32, #tpu.memory_space<vmem_shared>> -> memref<128x128xf32, #tpu.memory_space<vmem_shared>>
        tpu.wait_dma2 semaphore(%arg14 : memref<!tpu.dma_semaphore, #tpu.memory_space<semaphore_mem>>) src(%dma_wait3A_245 : memref<128x128xf32, #tpu.memory_space<vmem_shared>>) dst(%dma_wait3A_243 : memref<128x128xf32, #tpu.memory_space<hbm>>)
      } else {
      }
      %mul3A_231 = arith.constant 5 : i32
      %mul3A_232 = arith.muli %arg1, %mul3A_231 : i32
      %add3A_233 = arith.constant 4 : i32
      %add3A_234 = arith.addi %mul3A_232, %add3A_233 : i32
      %lt3A_235 = arith.constant 79 : i32
      %lt3A_236 = arith.cmpi slt, %add3A_234, %lt3A_235 : i32
      %convert_element_type3A_237 = arith.extui %lt3A_236 : i1 to i32
      %cond3A_238 = arith.constant 0 : i32
      %cond3A_239 = arith.cmpi ne, %convert_element_type3A_237, %cond3A_238 : i32
      scf.if %cond3A_239 {
        %mul3A_240 = arith.constant 128 : i32
        %mul3A_241 = arith.muli %add3A_234, %mul3A_240 : i32
        %dma_wait3A_242 = arith.constant 0 : i32
        %dma_wait3A_243 = tpu.memref_slice %arg6[%mul3A_241, %dma_wait3A_242] : memref<10112x128xf32, #tpu.memory_space<hbm>> -> memref<128x128xf32, #tpu.memory_space<hbm>>
        %dma_wait3A_244 = arith.constant 0 : i32
        %dma_wait3A_245 = tpu.memref_slice %arg7[%mul3A_241, %dma_wait3A_244] : memref<10112x128xf32, #tpu.memory_space<vmem_shared>> -> memref<128x128xf32, #tpu.memory_space<vmem_shared>>
        tpu.wait_dma2 semaphore(%arg14 : memref<!tpu.dma_semaphore, #tpu.memory_space<semaphore_mem>>) src(%dma_wait3A_245 : memref<128x128xf32, #tpu.memory_space<vmem_shared>>) dst(%dma_wait3A_243 : memref<128x128xf32, #tpu.memory_space<hbm>>)
      } else {
      }
    } else {
    }
    return
  }
}

#map = affine_map<(d0, d1) -> (0, 0)>
#map1 = affine_map<(d0, d1) -> (0, 0, 0, 0)>
module attributes {stable_mosaic.version = 14 : i64} {
  func.func @_scatter_body(%arg0: i32, %arg1: i32, %arg2: memref<10112x128xf32, #tpu.memory_space<hbm>>, %arg3: memref<10112x128xf32, #tpu.memory_space<hbm>>, %arg4: memref<16x80x2x128xi32, #tpu.memory_space<hbm>>, %arg5: memref<10112x128xf32, #tpu.memory_space<hbm>>, %arg6: memref<10112x128xf32, #tpu.memory_space<hbm>>, %arg7: memref<10112x128xf32, #tpu.memory_space<vmem_shared>>, %arg8: memref<2x128xi32, #tpu.memory_space<vmem>>, %arg9: memref<2x128xi32, #tpu.memory_space<vmem>>, %arg10: memref<2x128xi32, #tpu.memory_space<vmem>>, %arg11: memref<2x128xi32, #tpu.memory_space<vmem>>, %arg12: memref<128x128xf32, #tpu.memory_space<vmem>>, %arg13: memref<128x128xf32, #tpu.memory_space<vmem>>, %arg14: memref<!tpu.dma_semaphore, #tpu.memory_space<semaphore_mem>>, %arg15: memref<!tpu.dma_semaphore, #tpu.memory_space<semaphore_mem>>, %arg16: memref<!tpu.dma_semaphore, #tpu.memory_space<semaphore_mem>>, %arg17: memref<!tpu.dma_semaphore, #tpu.memory_space<semaphore_mem>>, %arg18: memref<!tpu.dma_semaphore, #tpu.memory_space<semaphore_mem>>, %arg19: memref<!tpu.dma_semaphore, #tpu.memory_space<semaphore_mem>>) attributes {dimension_semantics = [#tpu.dimension_semantics<core_parallel>, #tpu.dimension_semantics<subcore_parallel>], iteration_bounds = array<i64: 2, 16>, scalar_prefetch = 0 : i64, scratch_operands = 13 : i64, tpu.core_type = #tpu.core_type<sc_vector_subcore>, window_params = [{transform_indices = #map}, {transform_indices = #map}, {transform_indices = #map1}, {transform_indices = #map}, {transform_indices = #map}]} {
    %eq3A = arith.constant 0 : i32
    %eq3A_0 = arith.cmpi eq, %arg0, %eq3A : i32
    %convert_element_type3A = arith.extui %eq3A_0 : i1 to i32
    %cond3A = arith.constant 0 : i32
    %cond3A_1 = arith.cmpi ne, %convert_element_type3A, %cond3A : i32
    scf.if %cond3A_1 {
      %mul3A = arith.constant 5 : i32
      %mul3A_7 = arith.muli %arg1, %mul3A : i32
      %add3A = arith.constant 0 : i32
      %add3A_8 = arith.addi %mul3A_7, %add3A : i32
      %lt3A = arith.constant 79 : i32
      %lt3A_9 = arith.cmpi slt, %add3A_8, %lt3A : i32
      %convert_element_type3A_10 = arith.extui %lt3A_9 : i1 to i32
      %cond3A_11 = arith.constant 0 : i32
      %cond3A_12 = arith.cmpi ne, %convert_element_type3A_10, %cond3A_11 : i32
      scf.if %cond3A_12 {
        %mul3A_240 = arith.constant 128 : i32
        %mul3A_241 = arith.muli %add3A_8, %mul3A_240 : i32
        %dma_start3A_242 = arith.constant 0 : i32
        %dma_start3A_243 = tpu.memref_slice %arg7[%mul3A_241, %dma_start3A_242] : memref<10112x128xf32, #tpu.memory_space<vmem_shared>> -> memref<128x128xf32, #tpu.memory_space<vmem_shared>>
        %dma_start3A_244 = arith.constant 0 : i32
        %dma_start3A_245 = tpu.memref_slice %arg2[%mul3A_241, %dma_start3A_244] : memref<10112x128xf32, #tpu.memory_space<hbm>> -> memref<128x128xf32, #tpu.memory_space<hbm>>
        tpu.enqueue_dma source(%dma_start3A_245 : memref<128x128xf32, #tpu.memory_space<hbm>>) target(%dma_start3A_243 : memref<128x128xf32, #tpu.memory_space<vmem_shared>>) target_semaphore(%arg14 : memref<!tpu.dma_semaphore, #tpu.memory_space<semaphore_mem>>)
      } else {
      }
      %mul3A_13 = arith.constant 5 : i32
      %mul3A_14 = arith.muli %arg1, %mul3A_13 : i32
      %add3A_15 = arith.constant 1 : i32
      %add3A_16 = arith.addi %mul3A_14, %add3A_15 : i32
      %lt3A_17 = arith.constant 79 : i32
      %lt3A_18 = arith.cmpi slt, %add3A_16, %lt3A_17 : i32
      %convert_element_type3A_19 = arith.extui %lt3A_18 : i1 to i32
      %cond3A_20 = arith.constant 0 : i32
      %cond3A_21 = arith.cmpi ne, %convert_element_type3A_19, %cond3A_20 : i32
      scf.if %cond3A_21 {
        %mul3A_240 = arith.constant 128 : i32
        %mul3A_241 = arith.muli %add3A_16, %mul3A_240 : i32
        %dma_start3A_242 = arith.constant 0 : i32
        %dma_start3A_243 = tpu.memref_slice %arg7[%mul3A_241, %dma_start3A_242] : memref<10112x128xf32, #tpu.memory_space<vmem_shared>> -> memref<128x128xf32, #tpu.memory_space<vmem_shared>>
        %dma_start3A_244 = arith.constant 0 : i32
        %dma_start3A_245 = tpu.memref_slice %arg2[%mul3A_241, %dma_start3A_244] : memref<10112x128xf32, #tpu.memory_space<hbm>> -> memref<128x128xf32, #tpu.memory_space<hbm>>
        tpu.enqueue_dma source(%dma_start3A_245 : memref<128x128xf32, #tpu.memory_space<hbm>>) target(%dma_start3A_243 : memref<128x128xf32, #tpu.memory_space<vmem_shared>>) target_semaphore(%arg14 : memref<!tpu.dma_semaphore, #tpu.memory_space<semaphore_mem>>)
      } else {
      }
      %mul3A_22 = arith.constant 5 : i32
      %mul3A_23 = arith.muli %arg1, %mul3A_22 : i32
      %add3A_24 = arith.constant 2 : i32
      %add3A_25 = arith.addi %mul3A_23, %add3A_24 : i32
      %lt3A_26 = arith.constant 79 : i32
      %lt3A_27 = arith.cmpi slt, %add3A_25, %lt3A_26 : i32
      %convert_element_type3A_28 = arith.extui %lt3A_27 : i1 to i32
      %cond3A_29 = arith.constant 0 : i32
      %cond3A_30 = arith.cmpi ne, %convert_element_type3A_28, %cond3A_29 : i32
      scf.if %cond3A_30 {
        %mul3A_240 = arith.constant 128 : i32
        %mul3A_241 = arith.muli %add3A_25, %mul3A_240 : i32
        %dma_start3A_242 = arith.constant 0 : i32
        %dma_start3A_243 = tpu.memref_slice %arg7[%mul3A_241, %dma_start3A_242] : memref<10112x128xf32, #tpu.memory_space<vmem_shared>> -> memref<128x128xf32, #tpu.memory_space<vmem_shared>>
        %dma_start3A_244 = arith.constant 0 : i32
        %dma_start3A_245 = tpu.memref_slice %arg2[%mul3A_241, %dma_start3A_244] : memref<10112x128xf32, #tpu.memory_space<hbm>> -> memref<128x128xf32, #tpu.memory_space<hbm>>
        tpu.enqueue_dma source(%dma_start3A_245 : memref<128x128xf32, #tpu.memory_space<hbm>>) target(%dma_start3A_243 : memref<128x128xf32, #tpu.memory_space<vmem_shared>>) target_semaphore(%arg14 : memref<!tpu.dma_semaphore, #tpu.memory_space<semaphore_mem>>)
      } else {
      }
      %mul3A_31 = arith.constant 5 : i32
      %mul3A_32 = arith.muli %arg1, %mul3A_31 : i32
      %add3A_33 = arith.constant 3 : i32
      %add3A_34 = arith.addi %mul3A_32, %add3A_33 : i32
      %lt3A_35 = arith.constant 79 : i32
      %lt3A_36 = arith.cmpi slt, %add3A_34, %lt3A_35 : i32
      %convert_element_type3A_37 = arith.extui %lt3A_36 : i1 to i32
      %cond3A_38 = arith.constant 0 : i32
      %cond3A_39 = arith.cmpi ne, %convert_element_type3A_37, %cond3A_38 : i32
      scf.if %cond3A_39 {
        %mul3A_240 = arith.constant 128 : i32
        %mul3A_241 = arith.muli %add3A_34, %mul3A_240 : i32
        %dma_start3A_242 = arith.constant 0 : i32
        %dma_start3A_243 = tpu.memref_slice %arg7[%mul3A_241, %dma_start3A_242] : memref<10112x128xf32, #tpu.memory_space<vmem_shared>> -> memref<128x128xf32, #tpu.memory_space<vmem_shared>>
        %dma_start3A_244 = arith.constant 0 : i32
        %dma_start3A_245 = tpu.memref_slice %arg2[%mul3A_241, %dma_start3A_244] : memref<10112x128xf32, #tpu.memory_space<hbm>> -> memref<128x128xf32, #tpu.memory_space<hbm>>
        tpu.enqueue_dma source(%dma_start3A_245 : memref<128x128xf32, #tpu.memory_space<hbm>>) target(%dma_start3A_243 : memref<128x128xf32, #tpu.memory_space<vmem_shared>>) target_semaphore(%arg14 : memref<!tpu.dma_semaphore, #tpu.memory_space<semaphore_mem>>)
      } else {
      }
      %mul3A_40 = arith.constant 5 : i32
      %mul3A_41 = arith.muli %arg1, %mul3A_40 : i32
      %add3A_42 = arith.constant 4 : i32
      %add3A_43 = arith.addi %mul3A_41, %add3A_42 : i32
      %lt3A_44 = arith.constant 79 : i32
      %lt3A_45 = arith.cmpi slt, %add3A_43, %lt3A_44 : i32
      %convert_element_type3A_46 = arith.extui %lt3A_45 : i1 to i32
      %cond3A_47 = arith.constant 0 : i32
      %cond3A_48 = arith.cmpi ne, %convert_element_type3A_46, %cond3A_47 : i32
      scf.if %cond3A_48 {
        %mul3A_240 = arith.constant 128 : i32
        %mul3A_241 = arith.muli %add3A_43, %mul3A_240 : i32
        %dma_start3A_242 = arith.constant 0 : i32
        %dma_start3A_243 = tpu.memref_slice %arg7[%mul3A_241, %dma_start3A_242] : memref<10112x128xf32, #tpu.memory_space<vmem_shared>> -> memref<128x128xf32, #tpu.memory_space<vmem_shared>>
        %dma_start3A_244 = arith.constant 0 : i32
        %dma_start3A_245 = tpu.memref_slice %arg2[%mul3A_241, %dma_start3A_244] : memref<10112x128xf32, #tpu.memory_space<hbm>> -> memref<128x128xf32, #tpu.memory_space<hbm>>
        tpu.enqueue_dma source(%dma_start3A_245 : memref<128x128xf32, #tpu.memory_space<hbm>>) target(%dma_start3A_243 : memref<128x128xf32, #tpu.memory_space<vmem_shared>>) target_semaphore(%arg14 : memref<!tpu.dma_semaphore, #tpu.memory_space<semaphore_mem>>)
      } else {
      }
      %mul3A_49 = arith.constant 5 : i32
      %mul3A_50 = arith.muli %arg1, %mul3A_49 : i32
      %add3A_51 = arith.constant 0 : i32
      %add3A_52 = arith.addi %mul3A_50, %add3A_51 : i32
      %lt3A_53 = arith.constant 79 : i32
      %lt3A_54 = arith.cmpi slt, %add3A_52, %lt3A_53 : i32
      %convert_element_type3A_55 = arith.extui %lt3A_54 : i1 to i32
      %cond3A_56 = arith.constant 0 : i32
      %cond3A_57 = arith.cmpi ne, %convert_element_type3A_55, %cond3A_56 : i32
      scf.if %cond3A_57 {
        %mul3A_240 = arith.constant 128 : i32
        %mul3A_241 = arith.muli %add3A_52, %mul3A_240 : i32
        %dma_wait3A_242 = arith.constant 0 : i32
        %dma_wait3A_243 = tpu.memref_slice %arg7[%mul3A_241, %dma_wait3A_242] : memref<10112x128xf32, #tpu.memory_space<vmem_shared>> -> memref<128x128xf32, #tpu.memory_space<vmem_shared>>
        %dma_wait3A_244 = arith.constant 0 : i32
        %dma_wait3A_245 = tpu.memref_slice %arg2[%mul3A_241, %dma_wait3A_244] : memref<10112x128xf32, #tpu.memory_space<hbm>> -> memref<128x128xf32, #tpu.memory_space<hbm>>
        tpu.wait_dma2 semaphore(%arg14 : memref<!tpu.dma_semaphore, #tpu.memory_space<semaphore_mem>>) src(%dma_wait3A_245 : memref<128x128xf32, #tpu.memory_space<hbm>>) dst(%dma_wait3A_243 : memref<128x128xf32, #tpu.memory_space<vmem_shared>>)
      } else {
      }
      %mul3A_58 = arith.constant 5 : i32
      %mul3A_59 = arith.muli %arg1, %mul3A_58 : i32
      %add3A_60 = arith.constant 1 : i32
      %add3A_61 = arith.addi %mul3A_59, %add3A_60 : i32
      %lt3A_62 = arith.constant 79 : i32
      %lt3A_63 = arith.cmpi slt, %add3A_61, %lt3A_62 : i32
      %convert_element_type3A_64 = arith.extui %lt3A_63 : i1 to i32
      %cond3A_65 = arith.constant 0 : i32
      %cond3A_66 = arith.cmpi ne, %convert_element_type3A_64, %cond3A_65 : i32
      scf.if %cond3A_66 {
        %mul3A_240 = arith.constant 128 : i32
        %mul3A_241 = arith.muli %add3A_61, %mul3A_240 : i32
        %dma_wait3A_242 = arith.constant 0 : i32
        %dma_wait3A_243 = tpu.memref_slice %arg7[%mul3A_241, %dma_wait3A_242] : memref<10112x128xf32, #tpu.memory_space<vmem_shared>> -> memref<128x128xf32, #tpu.memory_space<vmem_shared>>
        %dma_wait3A_244 = arith.constant 0 : i32
        %dma_wait3A_245 = tpu.memref_slice %arg2[%mul3A_241, %dma_wait3A_244] : memref<10112x128xf32, #tpu.memory_space<hbm>> -> memref<128x128xf32, #tpu.memory_space<hbm>>
        tpu.wait_dma2 semaphore(%arg14 : memref<!tpu.dma_semaphore, #tpu.memory_space<semaphore_mem>>) src(%dma_wait3A_245 : memref<128x128xf32, #tpu.memory_space<hbm>>) dst(%dma_wait3A_243 : memref<128x128xf32, #tpu.memory_space<vmem_shared>>)
      } else {
      }
      %mul3A_67 = arith.constant 5 : i32
      %mul3A_68 = arith.muli %arg1, %mul3A_67 : i32
      %add3A_69 = arith.constant 2 : i32
      %add3A_70 = arith.addi %mul3A_68, %add3A_69 : i32
      %lt3A_71 = arith.constant 79 : i32
      %lt3A_72 = arith.cmpi slt, %add3A_70, %lt3A_71 : i32
      %convert_element_type3A_73 = arith.extui %lt3A_72 : i1 to i32
      %cond3A_74 = arith.constant 0 : i32
      %cond3A_75 = arith.cmpi ne, %convert_element_type3A_73, %cond3A_74 : i32
      scf.if %cond3A_75 {
        %mul3A_240 = arith.constant 128 : i32
        %mul3A_241 = arith.muli %add3A_70, %mul3A_240 : i32
        %dma_wait3A_242 = arith.constant 0 : i32
        %dma_wait3A_243 = tpu.memref_slice %arg7[%mul3A_241, %dma_wait3A_242] : memref<10112x128xf32, #tpu.memory_space<vmem_shared>> -> memref<128x128xf32, #tpu.memory_space<vmem_shared>>
        %dma_wait3A_244 = arith.constant 0 : i32
        %dma_wait3A_245 = tpu.memref_slice %arg2[%mul3A_241, %dma_wait3A_244] : memref<10112x128xf32, #tpu.memory_space<hbm>> -> memref<128x128xf32, #tpu.memory_space<hbm>>
        tpu.wait_dma2 semaphore(%arg14 : memref<!tpu.dma_semaphore, #tpu.memory_space<semaphore_mem>>) src(%dma_wait3A_245 : memref<128x128xf32, #tpu.memory_space<hbm>>) dst(%dma_wait3A_243 : memref<128x128xf32, #tpu.memory_space<vmem_shared>>)
      } else {
      }
      %mul3A_76 = arith.constant 5 : i32
      %mul3A_77 = arith.muli %arg1, %mul3A_76 : i32
      %add3A_78 = arith.constant 3 : i32
      %add3A_79 = arith.addi %mul3A_77, %add3A_78 : i32
      %lt3A_80 = arith.constant 79 : i32
      %lt3A_81 = arith.cmpi slt, %add3A_79, %lt3A_80 : i32
      %convert_element_type3A_82 = arith.extui %lt3A_81 : i1 to i32
      %cond3A_83 = arith.constant 0 : i32
      %cond3A_84 = arith.cmpi ne, %convert_element_type3A_82, %cond3A_83 : i32
      scf.if %cond3A_84 {
        %mul3A_240 = arith.constant 128 : i32
        %mul3A_241 = arith.muli %add3A_79, %mul3A_240 : i32
        %dma_wait3A_242 = arith.constant 0 : i32
        %dma_wait3A_243 = tpu.memref_slice %arg7[%mul3A_241, %dma_wait3A_242] : memref<10112x128xf32, #tpu.memory_space<vmem_shared>> -> memref<128x128xf32, #tpu.memory_space<vmem_shared>>
        %dma_wait3A_244 = arith.constant 0 : i32
        %dma_wait3A_245 = tpu.memref_slice %arg2[%mul3A_241, %dma_wait3A_244] : memref<10112x128xf32, #tpu.memory_space<hbm>> -> memref<128x128xf32, #tpu.memory_space<hbm>>
        tpu.wait_dma2 semaphore(%arg14 : memref<!tpu.dma_semaphore, #tpu.memory_space<semaphore_mem>>) src(%dma_wait3A_245 : memref<128x128xf32, #tpu.memory_space<hbm>>) dst(%dma_wait3A_243 : memref<128x128xf32, #tpu.memory_space<vmem_shared>>)
      } else {
      }
      %mul3A_85 = arith.constant 5 : i32
      %mul3A_86 = arith.muli %arg1, %mul3A_85 : i32
      %add3A_87 = arith.constant 4 : i32
      %add3A_88 = arith.addi %mul3A_86, %add3A_87 : i32
      %lt3A_89 = arith.constant 79 : i32
      %lt3A_90 = arith.cmpi slt, %add3A_88, %lt3A_89 : i32
      %convert_element_type3A_91 = arith.extui %lt3A_90 : i1 to i32
      %cond3A_92 = arith.constant 0 : i32
      %cond3A_93 = arith.cmpi ne, %convert_element_type3A_91, %cond3A_92 : i32
      scf.if %cond3A_93 {
        %mul3A_240 = arith.constant 128 : i32
        %mul3A_241 = arith.muli %add3A_88, %mul3A_240 : i32
        %dma_wait3A_242 = arith.constant 0 : i32
        %dma_wait3A_243 = tpu.memref_slice %arg7[%mul3A_241, %dma_wait3A_242] : memref<10112x128xf32, #tpu.memory_space<vmem_shared>> -> memref<128x128xf32, #tpu.memory_space<vmem_shared>>
        %dma_wait3A_244 = arith.constant 0 : i32
        %dma_wait3A_245 = tpu.memref_slice %arg2[%mul3A_241, %dma_wait3A_244] : memref<10112x128xf32, #tpu.memory_space<hbm>> -> memref<128x128xf32, #tpu.memory_space<hbm>>
        tpu.wait_dma2 semaphore(%arg14 : memref<!tpu.dma_semaphore, #tpu.memory_space<semaphore_mem>>) src(%dma_wait3A_245 : memref<128x128xf32, #tpu.memory_space<hbm>>) dst(%dma_wait3A_243 : memref<128x128xf32, #tpu.memory_space<vmem_shared>>)
      } else {
      }
      %barrier3A = arith.constant 0 : index
      tpu.barrier barrier_id(%barrier3A)
      %dma_start3A = arith.constant 0 : i32
      %dma_start3A_94 = arith.constant 0 : i32
      %dma_start3A_95 = arith.constant 0 : i32
      %dma_start3A_96 = tpu.memref_slice %arg4[%arg1, %dma_start3A, %dma_start3A_94, %dma_start3A_95] : memref<16x80x2x128xi32, #tpu.memory_space<hbm>> -> memref<1x1x2x128xi32, #tpu.memory_space<hbm>>
      %dma_start3A_97 = tpu.memref_squeeze %dma_start3A_96 : memref<1x1x2x128xi32, #tpu.memory_space<hbm>> -> memref<2x128xi32, #tpu.memory_space<hbm>>
      %dma_start3A_98 = arith.constant 0 : i32
      %dma_start3A_99 = arith.constant 0 : i32
      %dma_start3A_100 = tpu.memref_slice %arg4[%arg1, %dma_start3A, %dma_start3A_98, %dma_start3A_99] : memref<16x80x2x128xi32, #tpu.memory_space<hbm>> -> memref<1x1x2x128xi32, #tpu.memory_space<hbm>>
      %dma_start3A_101 = tpu.memref_squeeze %dma_start3A_100 : memref<1x1x2x128xi32, #tpu.memory_space<hbm>> -> memref<2x128xi32, #tpu.memory_space<hbm>>
      tpu.enqueue_dma source(%dma_start3A_101 : memref<2x128xi32, #tpu.memory_space<hbm>>) target(%arg8 : memref<2x128xi32, #tpu.memory_space<vmem>>) target_semaphore(%arg16 : memref<!tpu.dma_semaphore, #tpu.memory_space<semaphore_mem>>)
      %dma_start3A_102 = arith.constant 1 : i32
      %dma_start3A_103 = arith.constant 0 : i32
      %dma_start3A_104 = arith.constant 0 : i32
      %dma_start3A_105 = tpu.memref_slice %arg4[%arg1, %dma_start3A_102, %dma_start3A_103, %dma_start3A_104] : memref<16x80x2x128xi32, #tpu.memory_space<hbm>> -> memref<1x1x2x128xi32, #tpu.memory_space<hbm>>
      %dma_start3A_106 = tpu.memref_squeeze %dma_start3A_105 : memref<1x1x2x128xi32, #tpu.memory_space<hbm>> -> memref<2x128xi32, #tpu.memory_space<hbm>>
      %dma_start3A_107 = arith.constant 0 : i32
      %dma_start3A_108 = arith.constant 0 : i32
      %dma_start3A_109 = tpu.memref_slice %arg4[%arg1, %dma_start3A_102, %dma_start3A_107, %dma_start3A_108] : memref<16x80x2x128xi32, #tpu.memory_space<hbm>> -> memref<1x1x2x128xi32, #tpu.memory_space<hbm>>
      %dma_start3A_110 = tpu.memref_squeeze %dma_start3A_109 : memref<1x1x2x128xi32, #tpu.memory_space<hbm>> -> memref<2x128xi32, #tpu.memory_space<hbm>>
      tpu.enqueue_dma source(%dma_start3A_110 : memref<2x128xi32, #tpu.memory_space<hbm>>) target(%arg9 : memref<2x128xi32, #tpu.memory_space<vmem>>) target_semaphore(%arg17 : memref<!tpu.dma_semaphore, #tpu.memory_space<semaphore_mem>>)
      %dma_start3A_111 = arith.constant 2 : i32
      %dma_start3A_112 = arith.constant 0 : i32
      %dma_start3A_113 = arith.constant 0 : i32
      %dma_start3A_114 = tpu.memref_slice %arg4[%arg1, %dma_start3A_111, %dma_start3A_112, %dma_start3A_113] : memref<16x80x2x128xi32, #tpu.memory_space<hbm>> -> memref<1x1x2x128xi32, #tpu.memory_space<hbm>>
      %dma_start3A_115 = tpu.memref_squeeze %dma_start3A_114 : memref<1x1x2x128xi32, #tpu.memory_space<hbm>> -> memref<2x128xi32, #tpu.memory_space<hbm>>
      %dma_start3A_116 = arith.constant 0 : i32
      %dma_start3A_117 = arith.constant 0 : i32
      %dma_start3A_118 = tpu.memref_slice %arg4[%arg1, %dma_start3A_111, %dma_start3A_116, %dma_start3A_117] : memref<16x80x2x128xi32, #tpu.memory_space<hbm>> -> memref<1x1x2x128xi32, #tpu.memory_space<hbm>>
      %dma_start3A_119 = tpu.memref_squeeze %dma_start3A_118 : memref<1x1x2x128xi32, #tpu.memory_space<hbm>> -> memref<2x128xi32, #tpu.memory_space<hbm>>
      tpu.enqueue_dma source(%dma_start3A_119 : memref<2x128xi32, #tpu.memory_space<hbm>>) target(%arg10 : memref<2x128xi32, #tpu.memory_space<vmem>>) target_semaphore(%arg18 : memref<!tpu.dma_semaphore, #tpu.memory_space<semaphore_mem>>)
      %dma_start3A_120 = arith.constant 3 : i32
      %dma_start3A_121 = arith.constant 0 : i32
      %dma_start3A_122 = arith.constant 0 : i32
      %dma_start3A_123 = tpu.memref_slice %arg4[%arg1, %dma_start3A_120, %dma_start3A_121, %dma_start3A_122] : memref<16x80x2x128xi32, #tpu.memory_space<hbm>> -> memref<1x1x2x128xi32, #tpu.memory_space<hbm>>
      %dma_start3A_124 = tpu.memref_squeeze %dma_start3A_123 : memref<1x1x2x128xi32, #tpu.memory_space<hbm>> -> memref<2x128xi32, #tpu.memory_space<hbm>>
      %dma_start3A_125 = arith.constant 0 : i32
      %dma_start3A_126 = arith.constant 0 : i32
      %dma_start3A_127 = tpu.memref_slice %arg4[%arg1, %dma_start3A_120, %dma_start3A_125, %dma_start3A_126] : memref<16x80x2x128xi32, #tpu.memory_space<hbm>> -> memref<1x1x2x128xi32, #tpu.memory_space<hbm>>
      %dma_start3A_128 = tpu.memref_squeeze %dma_start3A_127 : memref<1x1x2x128xi32, #tpu.memory_space<hbm>> -> memref<2x128xi32, #tpu.memory_space<hbm>>
      tpu.enqueue_dma source(%dma_start3A_128 : memref<2x128xi32, #tpu.memory_space<hbm>>) target(%arg11 : memref<2x128xi32, #tpu.memory_space<vmem>>) target_semaphore(%arg19 : memref<!tpu.dma_semaphore, #tpu.memory_space<semaphore_mem>>)
      %dma_wait3A = arith.constant 0 : i32
      %dma_wait3A_129 = arith.constant 0 : i32
      %dma_wait3A_130 = arith.constant 0 : i32
      %dma_wait3A_131 = tpu.memref_slice %arg4[%arg1, %dma_wait3A, %dma_wait3A_129, %dma_wait3A_130] : memref<16x80x2x128xi32, #tpu.memory_space<hbm>> -> memref<1x1x2x128xi32, #tpu.memory_space<hbm>>
      %dma_wait3A_132 = tpu.memref_squeeze %dma_wait3A_131 : memref<1x1x2x128xi32, #tpu.memory_space<hbm>> -> memref<2x128xi32, #tpu.memory_space<hbm>>
      %dma_wait3A_133 = arith.constant 0 : i32
      %dma_wait3A_134 = arith.constant 0 : i32
      %dma_wait3A_135 = tpu.memref_slice %arg4[%arg1, %dma_wait3A, %dma_wait3A_133, %dma_wait3A_134] : memref<16x80x2x128xi32, #tpu.memory_space<hbm>> -> memref<1x1x2x128xi32, #tpu.memory_space<hbm>>
      %dma_wait3A_136 = tpu.memref_squeeze %dma_wait3A_135 : memref<1x1x2x128xi32, #tpu.memory_space<hbm>> -> memref<2x128xi32, #tpu.memory_space<hbm>>
      tpu.wait_dma2 semaphore(%arg16 : memref<!tpu.dma_semaphore, #tpu.memory_space<semaphore_mem>>) src(%dma_wait3A_136 : memref<2x128xi32, #tpu.memory_space<hbm>>) dst(%arg8 : memref<2x128xi32, #tpu.memory_space<vmem>>)
      %dma_start3A_137 = arith.constant 0 : i32
      %dma_start3A_138 = arith.constant 0 : i32
      %dma_start3A_139 = tpu.memref_slice %arg8[%dma_start3A_137, %dma_start3A_138] : memref<2x128xi32, #tpu.memory_space<vmem>> -> memref<1x128xi32, #tpu.memory_space<vmem>>
      %dma_start3A_140 = tpu.memref_squeeze %dma_start3A_139 : memref<1x128xi32, #tpu.memory_space<vmem>> -> memref<128xi32, #tpu.memory_space<vmem>>
      %dma_start3A_141 = arith.constant 0 : i32
      %dma_start3A_142 = arith.constant 0 : i32
      %dma_start3A_143 = tpu.memref_slice %arg2[%dma_start3A_141, %dma_start3A_142] : memref<10112x128xf32, #tpu.memory_space<hbm>> -> memref<10112x128xf32, #tpu.memory_space<hbm>>
      tpu.enqueue_indirect_dma source(%dma_start3A_143 : memref<10112x128xf32, #tpu.memory_space<hbm>>) target(%arg12 : memref<128x128xf32, #tpu.memory_space<vmem>>) offsets(%dma_start3A_140 : memref<128xi32, #tpu.memory_space<vmem>>) semaphore(%arg14 : memref<!tpu.dma_semaphore, #tpu.memory_space<semaphore_mem>>)
      %scan3A = arith.constant 0 : i32
      %scan3A_144 = arith.constant 0 : i32
      %scan3A_145 = arith.constant 20 : i32
      %scan3A_146 = arith.addi %scan3A_144, %scan3A_145 : i32
      %scan3A_147 = arith.constant 1 : i32
      scf.for %scan3A_240 = %scan3A_144 to %scan3A_146 step %scan3A_147  : i32 {
        %mul3A_241 = arith.constant 4 : i32
        %mul3A_242 = arith.muli %mul3A_241, %scan3A_240 : i32
        %add3A_243 = arith.constant 1 : i32
        %add3A_244 = arith.addi %mul3A_242, %add3A_243 : i32
        %dma_wait3A_245 = arith.constant 0 : i32
        %dma_wait3A_246 = arith.constant 0 : i32
        %dma_wait3A_247 = tpu.memref_slice %arg4[%arg1, %add3A_244, %dma_wait3A_245, %dma_wait3A_246] : memref<16x80x2x128xi32, #tpu.memory_space<hbm>> -> memref<1x1x2x128xi32, #tpu.memory_space<hbm>>
        %dma_wait3A_248 = tpu.memref_squeeze %dma_wait3A_247 : memref<1x1x2x128xi32, #tpu.memory_space<hbm>> -> memref<2x128xi32, #tpu.memory_space<hbm>>
        %dma_wait3A_249 = arith.constant 0 : i32
        %dma_wait3A_250 = arith.constant 0 : i32
        %dma_wait3A_251 = tpu.memref_slice %arg4[%arg1, %add3A_244, %dma_wait3A_249, %dma_wait3A_250] : memref<16x80x2x128xi32, #tpu.memory_space<hbm>> -> memref<1x1x2x128xi32, #tpu.memory_space<hbm>>
        %dma_wait3A_252 = tpu.memref_squeeze %dma_wait3A_251 : memref<1x1x2x128xi32, #tpu.memory_space<hbm>> -> memref<2x128xi32, #tpu.memory_space<hbm>>
        tpu.wait_dma2 semaphore(%arg17 : memref<!tpu.dma_semaphore, #tpu.memory_space<semaphore_mem>>) src(%dma_wait3A_252 : memref<2x128xi32, #tpu.memory_space<hbm>>) dst(%arg9 : memref<2x128xi32, #tpu.memory_space<vmem>>)
        %dma_start3A_253 = arith.constant 0 : i32
        %dma_start3A_254 = arith.constant 0 : i32
        %dma_start3A_255 = tpu.memref_slice %arg9[%dma_start3A_253, %dma_start3A_254] : memref<2x128xi32, #tpu.memory_space<vmem>> -> memref<1x128xi32, #tpu.memory_space<vmem>>
        %dma_start3A_256 = tpu.memref_squeeze %dma_start3A_255 : memref<1x128xi32, #tpu.memory_space<vmem>> -> memref<128xi32, #tpu.memory_space<vmem>>
        %dma_start3A_257 = arith.constant 0 : i32
        %dma_start3A_258 = arith.constant 0 : i32
        %dma_start3A_259 = tpu.memref_slice %arg2[%dma_start3A_257, %dma_start3A_258] : memref<10112x128xf32, #tpu.memory_space<hbm>> -> memref<10112x128xf32, #tpu.memory_space<hbm>>
        tpu.enqueue_indirect_dma source(%dma_start3A_259 : memref<10112x128xf32, #tpu.memory_space<hbm>>) target(%arg13 : memref<128x128xf32, #tpu.memory_space<vmem>>) offsets(%dma_start3A_256 : memref<128xi32, #tpu.memory_space<vmem>>) semaphore(%arg15 : memref<!tpu.dma_semaphore, #tpu.memory_space<semaphore_mem>>)
        %dma_wait3A_260 = arith.constant 0 : i32
        %dma_wait3A_261 = arith.constant 0 : i32
        %dma_wait3A_262 = tpu.memref_slice %arg8[%dma_wait3A_260, %dma_wait3A_261] : memref<2x128xi32, #tpu.memory_space<vmem>> -> memref<1x128xi32, #tpu.memory_space<vmem>>
        %dma_wait3A_263 = tpu.memref_squeeze %dma_wait3A_262 : memref<1x128xi32, #tpu.memory_space<vmem>> -> memref<128xi32, #tpu.memory_space<vmem>>
        %dma_wait3A_264 = arith.constant 0 : i32
        %dma_wait3A_265 = arith.constant 0 : i32
        %dma_wait3A_266 = tpu.memref_slice %arg2[%dma_wait3A_264, %dma_wait3A_265] : memref<10112x128xf32, #tpu.memory_space<hbm>> -> memref<10112x128xf32, #tpu.memory_space<hbm>>
        tpu.wait_indirect_dma semaphore(%arg14 : memref<!tpu.dma_semaphore, #tpu.memory_space<semaphore_mem>>) src(%dma_wait3A_266 : memref<10112x128xf32, #tpu.memory_space<hbm>>) dst(%arg12 : memref<128x128xf32, #tpu.memory_space<vmem>>)
        %run_scoped3A = arith.constant 1 : i32
        "tpu.region"() ({
          %run_scoped3A_352 = tpu.sem_alloc : memref<!tpu.dma_semaphore, #tpu.memory_space<semaphore_mem>>
          %dma_start3A_353 = arith.constant 0 : i32
          %dma_start3A_354 = tpu.memref_slice %arg8[%run_scoped3A, %dma_start3A_353] : memref<2x128xi32, #tpu.memory_space<vmem>> -> memref<1x128xi32, #tpu.memory_space<vmem>>
          %dma_start3A_355 = tpu.memref_squeeze %dma_start3A_354 : memref<1x128xi32, #tpu.memory_space<vmem>> -> memref<128xi32, #tpu.memory_space<vmem>>
          %dma_start3A_356 = arith.constant 0 : i32
          %dma_start3A_357 = arith.constant 0 : i32
          %dma_start3A_358 = tpu.memref_slice %arg7[%dma_start3A_356, %dma_start3A_357] : memref<10112x128xf32, #tpu.memory_space<vmem_shared>> -> memref<10112x128xf32, #tpu.memory_space<vmem_shared>>
          tpu.enqueue_indirect_dma source(%arg12 : memref<128x128xf32, #tpu.memory_space<vmem>>) target(%dma_start3A_358 : memref<10112x128xf32, #tpu.memory_space<vmem_shared>>) offsets(%dma_start3A_355 : memref<128xi32, #tpu.memory_space<vmem>>) semaphore(%run_scoped3A_352 : memref<!tpu.dma_semaphore, #tpu.memory_space<semaphore_mem>>) {add = true}
          %dma_wait3A_359 = arith.constant 0 : i32
          %dma_wait3A_360 = tpu.memref_slice %arg8[%run_scoped3A, %dma_wait3A_359] : memref<2x128xi32, #tpu.memory_space<vmem>> -> memref<1x128xi32, #tpu.memory_space<vmem>>
          %dma_wait3A_361 = tpu.memref_squeeze %dma_wait3A_360 : memref<1x128xi32, #tpu.memory_space<vmem>> -> memref<128xi32, #tpu.memory_space<vmem>>
          %dma_wait3A_362 = arith.constant 0 : i32
          %dma_wait3A_363 = arith.constant 0 : i32
          %dma_wait3A_364 = tpu.memref_slice %arg7[%dma_wait3A_362, %dma_wait3A_363] : memref<10112x128xf32, #tpu.memory_space<vmem_shared>> -> memref<10112x128xf32, #tpu.memory_space<vmem_shared>>
          tpu.wait_indirect_dma semaphore(%run_scoped3A_352 : memref<!tpu.dma_semaphore, #tpu.memory_space<semaphore_mem>>) src(%arg12 : memref<128x128xf32, #tpu.memory_space<vmem>>) dst(%dma_wait3A_364 : memref<10112x128xf32, #tpu.memory_space<vmem_shared>>)
          tpu.yield
        }) : () -> ()
        %add3A_267 = arith.constant 2 : i32
        %add3A_268 = arith.addi %mul3A_242, %add3A_267 : i32
        %lt3A_269 = arith.constant 80 : i32
        %lt3A_270 = arith.cmpi slt, %add3A_268, %lt3A_269 : i32
        %convert_element_type3A_271 = arith.extui %lt3A_270 : i1 to i32
        %cond3A_272 = arith.constant 0 : i32
        %cond3A_273 = arith.cmpi ne, %convert_element_type3A_271, %cond3A_272 : i32
        scf.if %cond3A_273 {
          %add3A_352 = arith.constant 2 : i32
          %add3A_353 = arith.addi %mul3A_242, %add3A_352 : i32
          %dma_wait3A_354 = arith.constant 0 : i32
          %dma_wait3A_355 = arith.constant 0 : i32
          %dma_wait3A_356 = tpu.memref_slice %arg4[%arg1, %add3A_353, %dma_wait3A_354, %dma_wait3A_355] : memref<16x80x2x128xi32, #tpu.memory_space<hbm>> -> memref<1x1x2x128xi32, #tpu.memory_space<hbm>>
          %dma_wait3A_357 = tpu.memref_squeeze %dma_wait3A_356 : memref<1x1x2x128xi32, #tpu.memory_space<hbm>> -> memref<2x128xi32, #tpu.memory_space<hbm>>
          %dma_wait3A_358 = arith.constant 0 : i32
          %dma_wait3A_359 = arith.constant 0 : i32
          %dma_wait3A_360 = tpu.memref_slice %arg4[%arg1, %add3A_353, %dma_wait3A_358, %dma_wait3A_359] : memref<16x80x2x128xi32, #tpu.memory_space<hbm>> -> memref<1x1x2x128xi32, #tpu.memory_space<hbm>>
          %dma_wait3A_361 = tpu.memref_squeeze %dma_wait3A_360 : memref<1x1x2x128xi32, #tpu.memory_space<hbm>> -> memref<2x128xi32, #tpu.memory_space<hbm>>
          tpu.wait_dma2 semaphore(%arg18 : memref<!tpu.dma_semaphore, #tpu.memory_space<semaphore_mem>>) src(%dma_wait3A_361 : memref<2x128xi32, #tpu.memory_space<hbm>>) dst(%arg10 : memref<2x128xi32, #tpu.memory_space<vmem>>)
          %dma_start3A_362 = arith.constant 0 : i32
          %dma_start3A_363 = arith.constant 0 : i32
          %dma_start3A_364 = tpu.memref_slice %arg10[%dma_start3A_362, %dma_start3A_363] : memref<2x128xi32, #tpu.memory_space<vmem>> -> memref<1x128xi32, #tpu.memory_space<vmem>>
          %dma_start3A_365 = tpu.memref_squeeze %dma_start3A_364 : memref<1x128xi32, #tpu.memory_space<vmem>> -> memref<128xi32, #tpu.memory_space<vmem>>
          %dma_start3A_366 = arith.constant 0 : i32
          %dma_start3A_367 = arith.constant 0 : i32
          %dma_start3A_368 = tpu.memref_slice %arg2[%dma_start3A_366, %dma_start3A_367] : memref<10112x128xf32, #tpu.memory_space<hbm>> -> memref<10112x128xf32, #tpu.memory_space<hbm>>
          tpu.enqueue_indirect_dma source(%dma_start3A_368 : memref<10112x128xf32, #tpu.memory_space<hbm>>) target(%arg12 : memref<128x128xf32, #tpu.memory_space<vmem>>) offsets(%dma_start3A_365 : memref<128xi32, #tpu.memory_space<vmem>>) semaphore(%arg14 : memref<!tpu.dma_semaphore, #tpu.memory_space<semaphore_mem>>)
        } else {
        }
        %add3A_274 = arith.constant 4 : i32
        %add3A_275 = arith.addi %mul3A_242, %add3A_274 : i32
        %lt3A_276 = arith.constant 80 : i32
        %lt3A_277 = arith.cmpi slt, %add3A_275, %lt3A_276 : i32
        %convert_element_type3A_278 = arith.extui %lt3A_277 : i1 to i32
        %cond3A_279 = arith.constant 0 : i32
        %cond3A_280 = arith.cmpi ne, %convert_element_type3A_278, %cond3A_279 : i32
        scf.if %cond3A_280 {
          %add3A_352 = arith.constant 4 : i32
          %add3A_353 = arith.addi %mul3A_242, %add3A_352 : i32
          %dma_start3A_354 = arith.constant 0 : i32
          %dma_start3A_355 = arith.constant 0 : i32
          %dma_start3A_356 = tpu.memref_slice %arg4[%arg1, %add3A_353, %dma_start3A_354, %dma_start3A_355] : memref<16x80x2x128xi32, #tpu.memory_space<hbm>> -> memref<1x1x2x128xi32, #tpu.memory_space<hbm>>
          %dma_start3A_357 = tpu.memref_squeeze %dma_start3A_356 : memref<1x1x2x128xi32, #tpu.memory_space<hbm>> -> memref<2x128xi32, #tpu.memory_space<hbm>>
          %dma_start3A_358 = arith.constant 0 : i32
          %dma_start3A_359 = arith.constant 0 : i32
          %dma_start3A_360 = tpu.memref_slice %arg4[%arg1, %add3A_353, %dma_start3A_358, %dma_start3A_359] : memref<16x80x2x128xi32, #tpu.memory_space<hbm>> -> memref<1x1x2x128xi32, #tpu.memory_space<hbm>>
          %dma_start3A_361 = tpu.memref_squeeze %dma_start3A_360 : memref<1x1x2x128xi32, #tpu.memory_space<hbm>> -> memref<2x128xi32, #tpu.memory_space<hbm>>
          tpu.enqueue_dma source(%dma_start3A_361 : memref<2x128xi32, #tpu.memory_space<hbm>>) target(%arg8 : memref<2x128xi32, #tpu.memory_space<vmem>>) target_semaphore(%arg16 : memref<!tpu.dma_semaphore, #tpu.memory_space<semaphore_mem>>)
        } else {
        }
        %dma_wait3A_281 = arith.constant 0 : i32
        %dma_wait3A_282 = arith.constant 0 : i32
        %dma_wait3A_283 = tpu.memref_slice %arg9[%dma_wait3A_281, %dma_wait3A_282] : memref<2x128xi32, #tpu.memory_space<vmem>> -> memref<1x128xi32, #tpu.memory_space<vmem>>
        %dma_wait3A_284 = tpu.memref_squeeze %dma_wait3A_283 : memref<1x128xi32, #tpu.memory_space<vmem>> -> memref<128xi32, #tpu.memory_space<vmem>>
        %dma_wait3A_285 = arith.constant 0 : i32
        %dma_wait3A_286 = arith.constant 0 : i32
        %dma_wait3A_287 = tpu.memref_slice %arg2[%dma_wait3A_285, %dma_wait3A_286] : memref<10112x128xf32, #tpu.memory_space<hbm>> -> memref<10112x128xf32, #tpu.memory_space<hbm>>
        tpu.wait_indirect_dma semaphore(%arg15 : memref<!tpu.dma_semaphore, #tpu.memory_space<semaphore_mem>>) src(%dma_wait3A_287 : memref<10112x128xf32, #tpu.memory_space<hbm>>) dst(%arg13 : memref<128x128xf32, #tpu.memory_space<vmem>>)
        %run_scoped3A_288 = arith.constant 1 : i32
        "tpu.region"() ({
          %run_scoped3A_352 = tpu.sem_alloc : memref<!tpu.dma_semaphore, #tpu.memory_space<semaphore_mem>>
          %dma_start3A_353 = arith.constant 0 : i32
          %dma_start3A_354 = tpu.memref_slice %arg9[%run_scoped3A_288, %dma_start3A_353] : memref<2x128xi32, #tpu.memory_space<vmem>> -> memref<1x128xi32, #tpu.memory_space<vmem>>
          %dma_start3A_355 = tpu.memref_squeeze %dma_start3A_354 : memref<1x128xi32, #tpu.memory_space<vmem>> -> memref<128xi32, #tpu.memory_space<vmem>>
          %dma_start3A_356 = arith.constant 0 : i32
          %dma_start3A_357 = arith.constant 0 : i32
          %dma_start3A_358 = tpu.memref_slice %arg7[%dma_start3A_356, %dma_start3A_357] : memref<10112x128xf32, #tpu.memory_space<vmem_shared>> -> memref<10112x128xf32, #tpu.memory_space<vmem_shared>>
          tpu.enqueue_indirect_dma source(%arg13 : memref<128x128xf32, #tpu.memory_space<vmem>>) target(%dma_start3A_358 : memref<10112x128xf32, #tpu.memory_space<vmem_shared>>) offsets(%dma_start3A_355 : memref<128xi32, #tpu.memory_space<vmem>>) semaphore(%run_scoped3A_352 : memref<!tpu.dma_semaphore, #tpu.memory_space<semaphore_mem>>) {add = true}
          %dma_wait3A_359 = arith.constant 0 : i32
          %dma_wait3A_360 = tpu.memref_slice %arg9[%run_scoped3A_288, %dma_wait3A_359] : memref<2x128xi32, #tpu.memory_space<vmem>> -> memref<1x128xi32, #tpu.memory_space<vmem>>
          %dma_wait3A_361 = tpu.memref_squeeze %dma_wait3A_360 : memref<1x128xi32, #tpu.memory_space<vmem>> -> memref<128xi32, #tpu.memory_space<vmem>>
          %dma_wait3A_362 = arith.constant 0 : i32
          %dma_wait3A_363 = arith.constant 0 : i32
          %dma_wait3A_364 = tpu.memref_slice %arg7[%dma_wait3A_362, %dma_wait3A_363] : memref<10112x128xf32, #tpu.memory_space<vmem_shared>> -> memref<10112x128xf32, #tpu.memory_space<vmem_shared>>
          tpu.wait_indirect_dma semaphore(%run_scoped3A_352 : memref<!tpu.dma_semaphore, #tpu.memory_space<semaphore_mem>>) src(%arg13 : memref<128x128xf32, #tpu.memory_space<vmem>>) dst(%dma_wait3A_364 : memref<10112x128xf32, #tpu.memory_space<vmem_shared>>)
          tpu.yield
        }) : () -> ()
        %add3A_289 = arith.constant 5 : i32
        %add3A_290 = arith.addi %mul3A_242, %add3A_289 : i32
        %lt3A_291 = arith.constant 80 : i32
        %lt3A_292 = arith.cmpi slt, %add3A_290, %lt3A_291 : i32
        %convert_element_type3A_293 = arith.extui %lt3A_292 : i1 to i32
        %cond3A_294 = arith.constant 0 : i32
        %cond3A_295 = arith.cmpi ne, %convert_element_type3A_293, %cond3A_294 : i32
        scf.if %cond3A_295 {
          %add3A_352 = arith.constant 5 : i32
          %add3A_353 = arith.addi %mul3A_242, %add3A_352 : i32
          %dma_start3A_354 = arith.constant 0 : i32
          %dma_start3A_355 = arith.constant 0 : i32
          %dma_start3A_356 = tpu.memref_slice %arg4[%arg1, %add3A_353, %dma_start3A_354, %dma_start3A_355] : memref<16x80x2x128xi32, #tpu.memory_space<hbm>> -> memref<1x1x2x128xi32, #tpu.memory_space<hbm>>
          %dma_start3A_357 = tpu.memref_squeeze %dma_start3A_356 : memref<1x1x2x128xi32, #tpu.memory_space<hbm>> -> memref<2x128xi32, #tpu.memory_space<hbm>>
          %dma_start3A_358 = arith.constant 0 : i32
          %dma_start3A_359 = arith.constant 0 : i32
          %dma_start3A_360 = tpu.memref_slice %arg4[%arg1, %add3A_353, %dma_start3A_358, %dma_start3A_359] : memref<16x80x2x128xi32, #tpu.memory_space<hbm>> -> memref<1x1x2x128xi32, #tpu.memory_space<hbm>>
          %dma_start3A_361 = tpu.memref_squeeze %dma_start3A_360 : memref<1x1x2x128xi32, #tpu.memory_space<hbm>> -> memref<2x128xi32, #tpu.memory_space<hbm>>
          tpu.enqueue_dma source(%dma_start3A_361 : memref<2x128xi32, #tpu.memory_space<hbm>>) target(%arg9 : memref<2x128xi32, #tpu.memory_space<vmem>>) target_semaphore(%arg17 : memref<!tpu.dma_semaphore, #tpu.memory_space<semaphore_mem>>)
        } else {
        }
        %add3A_296 = arith.constant 2 : i32
        %add3A_297 = arith.addi %mul3A_242, %add3A_296 : i32
        %add3A_298 = arith.constant 1 : i32
        %add3A_299 = arith.addi %add3A_297, %add3A_298 : i32
        %dma_wait3A_300 = arith.constant 0 : i32
        %dma_wait3A_301 = arith.constant 0 : i32
        %dma_wait3A_302 = tpu.memref_slice %arg4[%arg1, %add3A_299, %dma_wait3A_300, %dma_wait3A_301] : memref<16x80x2x128xi32, #tpu.memory_space<hbm>> -> memref<1x1x2x128xi32, #tpu.memory_space<hbm>>
        %dma_wait3A_303 = tpu.memref_squeeze %dma_wait3A_302 : memref<1x1x2x128xi32, #tpu.memory_space<hbm>> -> memref<2x128xi32, #tpu.memory_space<hbm>>
        %dma_wait3A_304 = arith.constant 0 : i32
        %dma_wait3A_305 = arith.constant 0 : i32
        %dma_wait3A_306 = tpu.memref_slice %arg4[%arg1, %add3A_299, %dma_wait3A_304, %dma_wait3A_305] : memref<16x80x2x128xi32, #tpu.memory_space<hbm>> -> memref<1x1x2x128xi32, #tpu.memory_space<hbm>>
        %dma_wait3A_307 = tpu.memref_squeeze %dma_wait3A_306 : memref<1x1x2x128xi32, #tpu.memory_space<hbm>> -> memref<2x128xi32, #tpu.memory_space<hbm>>
        tpu.wait_dma2 semaphore(%arg19 : memref<!tpu.dma_semaphore, #tpu.memory_space<semaphore_mem>>) src(%dma_wait3A_307 : memref<2x128xi32, #tpu.memory_space<hbm>>) dst(%arg11 : memref<2x128xi32, #tpu.memory_space<vmem>>)
        %dma_start3A_308 = arith.constant 0 : i32
        %dma_start3A_309 = arith.constant 0 : i32
        %dma_start3A_310 = tpu.memref_slice %arg11[%dma_start3A_308, %dma_start3A_309] : memref<2x128xi32, #tpu.memory_space<vmem>> -> memref<1x128xi32, #tpu.memory_space<vmem>>
        %dma_start3A_311 = tpu.memref_squeeze %dma_start3A_310 : memref<1x128xi32, #tpu.memory_space<vmem>> -> memref<128xi32, #tpu.memory_space<vmem>>
        %dma_start3A_312 = arith.constant 0 : i32
        %dma_start3A_313 = arith.constant 0 : i32
        %dma_start3A_314 = tpu.memref_slice %arg2[%dma_start3A_312, %dma_start3A_313] : memref<10112x128xf32, #tpu.memory_space<hbm>> -> memref<10112x128xf32, #tpu.memory_space<hbm>>
        tpu.enqueue_indirect_dma source(%dma_start3A_314 : memref<10112x128xf32, #tpu.memory_space<hbm>>) target(%arg13 : memref<128x128xf32, #tpu.memory_space<vmem>>) offsets(%dma_start3A_311 : memref<128xi32, #tpu.memory_space<vmem>>) semaphore(%arg15 : memref<!tpu.dma_semaphore, #tpu.memory_space<semaphore_mem>>)
        %dma_wait3A_315 = arith.constant 0 : i32
        %dma_wait3A_316 = arith.constant 0 : i32
        %dma_wait3A_317 = tpu.memref_slice %arg10[%dma_wait3A_315, %dma_wait3A_316] : memref<2x128xi32, #tpu.memory_space<vmem>> -> memref<1x128xi32, #tpu.memory_space<vmem>>
        %dma_wait3A_318 = tpu.memref_squeeze %dma_wait3A_317 : memref<1x128xi32, #tpu.memory_space<vmem>> -> memref<128xi32, #tpu.memory_space<vmem>>
        %dma_wait3A_319 = arith.constant 0 : i32
        %dma_wait3A_320 = arith.constant 0 : i32
        %dma_wait3A_321 = tpu.memref_slice %arg2[%dma_wait3A_319, %dma_wait3A_320] : memref<10112x128xf32, #tpu.memory_space<hbm>> -> memref<10112x128xf32, #tpu.memory_space<hbm>>
        tpu.wait_indirect_dma semaphore(%arg14 : memref<!tpu.dma_semaphore, #tpu.memory_space<semaphore_mem>>) src(%dma_wait3A_321 : memref<10112x128xf32, #tpu.memory_space<hbm>>) dst(%arg12 : memref<128x128xf32, #tpu.memory_space<vmem>>)
        %run_scoped3A_322 = arith.constant 1 : i32
        "tpu.region"() ({
          %run_scoped3A_352 = tpu.sem_alloc : memref<!tpu.dma_semaphore, #tpu.memory_space<semaphore_mem>>
          %dma_start3A_353 = arith.constant 0 : i32
          %dma_start3A_354 = tpu.memref_slice %arg10[%run_scoped3A_322, %dma_start3A_353] : memref<2x128xi32, #tpu.memory_space<vmem>> -> memref<1x128xi32, #tpu.memory_space<vmem>>
          %dma_start3A_355 = tpu.memref_squeeze %dma_start3A_354 : memref<1x128xi32, #tpu.memory_space<vmem>> -> memref<128xi32, #tpu.memory_space<vmem>>
          %dma_start3A_356 = arith.constant 0 : i32
          %dma_start3A_357 = arith.constant 0 : i32
          %dma_start3A_358 = tpu.memref_slice %arg7[%dma_start3A_356, %dma_start3A_357] : memref<10112x128xf32, #tpu.memory_space<vmem_shared>> -> memref<10112x128xf32, #tpu.memory_space<vmem_shared>>
          tpu.enqueue_indirect_dma source(%arg12 : memref<128x128xf32, #tpu.memory_space<vmem>>) target(%dma_start3A_358 : memref<10112x128xf32, #tpu.memory_space<vmem_shared>>) offsets(%dma_start3A_355 : memref<128xi32, #tpu.memory_space<vmem>>) semaphore(%run_scoped3A_352 : memref<!tpu.dma_semaphore, #tpu.memory_space<semaphore_mem>>) {add = true}
          %dma_wait3A_359 = arith.constant 0 : i32
          %dma_wait3A_360 = tpu.memref_slice %arg10[%run_scoped3A_322, %dma_wait3A_359] : memref<2x128xi32, #tpu.memory_space<vmem>> -> memref<1x128xi32, #tpu.memory_space<vmem>>
          %dma_wait3A_361 = tpu.memref_squeeze %dma_wait3A_360 : memref<1x128xi32, #tpu.memory_space<vmem>> -> memref<128xi32, #tpu.memory_space<vmem>>
          %dma_wait3A_362 = arith.constant 0 : i32
          %dma_wait3A_363 = arith.constant 0 : i32
          %dma_wait3A_364 = tpu.memref_slice %arg7[%dma_wait3A_362, %dma_wait3A_363] : memref<10112x128xf32, #tpu.memory_space<vmem_shared>> -> memref<10112x128xf32, #tpu.memory_space<vmem_shared>>
          tpu.wait_indirect_dma semaphore(%run_scoped3A_352 : memref<!tpu.dma_semaphore, #tpu.memory_space<semaphore_mem>>) src(%arg12 : memref<128x128xf32, #tpu.memory_space<vmem>>) dst(%dma_wait3A_364 : memref<10112x128xf32, #tpu.memory_space<vmem_shared>>)
          tpu.yield
        }) : () -> ()
        %add3A_323 = arith.constant 2 : i32
        %add3A_324 = arith.addi %add3A_297, %add3A_323 : i32
        %lt3A_325 = arith.constant 80 : i32
        %lt3A_326 = arith.cmpi slt, %add3A_324, %lt3A_325 : i32
        %convert_element_type3A_327 = arith.extui %lt3A_326 : i1 to i32
        %cond3A_328 = arith.constant 0 : i32
        %cond3A_329 = arith.cmpi ne, %convert_element_type3A_327, %cond3A_328 : i32
        scf.if %cond3A_329 {
          %add3A_352 = arith.constant 2 : i32
          %add3A_353 = arith.addi %add3A_297, %add3A_352 : i32
          %dma_wait3A_354 = arith.constant 0 : i32
          %dma_wait3A_355 = arith.constant 0 : i32
          %dma_wait3A_356 = tpu.memref_slice %arg4[%arg1, %add3A_353, %dma_wait3A_354, %dma_wait3A_355] : memref<16x80x2x128xi32, #tpu.memory_space<hbm>> -> memref<1x1x2x128xi32, #tpu.memory_space<hbm>>
          %dma_wait3A_357 = tpu.memref_squeeze %dma_wait3A_356 : memref<1x1x2x128xi32, #tpu.memory_space<hbm>> -> memref<2x128xi32, #tpu.memory_space<hbm>>
          %dma_wait3A_358 = arith.constant 0 : i32
          %dma_wait3A_359 = arith.constant 0 : i32
          %dma_wait3A_360 = tpu.memref_slice %arg4[%arg1, %add3A_353, %dma_wait3A_358, %dma_wait3A_359] : memref<16x80x2x128xi32, #tpu.memory_space<hbm>> -> memref<1x1x2x128xi32, #tpu.memory_space<hbm>>
          %dma_wait3A_361 = tpu.memref_squeeze %dma_wait3A_360 : memref<1x1x2x128xi32, #tpu.memory_space<hbm>> -> memref<2x128xi32, #tpu.memory_space<hbm>>
          tpu.wait_dma2 semaphore(%arg16 : memref<!tpu.dma_semaphore, #tpu.memory_space<semaphore_mem>>) src(%dma_wait3A_361 : memref<2x128xi32, #tpu.memory_space<hbm>>) dst(%arg8 : memref<2x128xi32, #tpu.memory_space<vmem>>)
          %dma_start3A_362 = arith.constant 0 : i32
          %dma_start3A_363 = arith.constant 0 : i32
          %dma_start3A_364 = tpu.memref_slice %arg8[%dma_start3A_362, %dma_start3A_363] : memref<2x128xi32, #tpu.memory_space<vmem>> -> memref<1x128xi32, #tpu.memory_space<vmem>>
          %dma_start3A_365 = tpu.memref_squeeze %dma_start3A_364 : memref<1x128xi32, #tpu.memory_space<vmem>> -> memref<128xi32, #tpu.memory_space<vmem>>
          %dma_start3A_366 = arith.constant 0 : i32
          %dma_start3A_367 = arith.constant 0 : i32
          %dma_start3A_368 = tpu.memref_slice %arg2[%dma_start3A_366, %dma_start3A_367] : memref<10112x128xf32, #tpu.memory_space<hbm>> -> memref<10112x128xf32, #tpu.memory_space<hbm>>
          tpu.enqueue_indirect_dma source(%dma_start3A_368 : memref<10112x128xf32, #tpu.memory_space<hbm>>) target(%arg12 : memref<128x128xf32, #tpu.memory_space<vmem>>) offsets(%dma_start3A_365 : memref<128xi32, #tpu.memory_space<vmem>>) semaphore(%arg14 : memref<!tpu.dma_semaphore, #tpu.memory_space<semaphore_mem>>)
        } else {
        }
        %add3A_330 = arith.constant 4 : i32
        %add3A_331 = arith.addi %add3A_297, %add3A_330 : i32
        %lt3A_332 = arith.constant 80 : i32
        %lt3A_333 = arith.cmpi slt, %add3A_331, %lt3A_332 : i32
        %convert_element_type3A_334 = arith.extui %lt3A_333 : i1 to i32
        %cond3A_335 = arith.constant 0 : i32
        %cond3A_336 = arith.cmpi ne, %convert_element_type3A_334, %cond3A_335 : i32
        scf.if %cond3A_336 {
          %add3A_352 = arith.constant 4 : i32
          %add3A_353 = arith.addi %add3A_297, %add3A_352 : i32
          %dma_start3A_354 = arith.constant 0 : i32
          %dma_start3A_355 = arith.constant 0 : i32
          %dma_start3A_356 = tpu.memref_slice %arg4[%arg1, %add3A_353, %dma_start3A_354, %dma_start3A_355] : memref<16x80x2x128xi32, #tpu.memory_space<hbm>> -> memref<1x1x2x128xi32, #tpu.memory_space<hbm>>
          %dma_start3A_357 = tpu.memref_squeeze %dma_start3A_356 : memref<1x1x2x128xi32, #tpu.memory_space<hbm>> -> memref<2x128xi32, #tpu.memory_space<hbm>>
          %dma_start3A_358 = arith.constant 0 : i32
          %dma_start3A_359 = arith.constant 0 : i32
          %dma_start3A_360 = tpu.memref_slice %arg4[%arg1, %add3A_353, %dma_start3A_358, %dma_start3A_359] : memref<16x80x2x128xi32, #tpu.memory_space<hbm>> -> memref<1x1x2x128xi32, #tpu.memory_space<hbm>>
          %dma_start3A_361 = tpu.memref_squeeze %dma_start3A_360 : memref<1x1x2x128xi32, #tpu.memory_space<hbm>> -> memref<2x128xi32, #tpu.memory_space<hbm>>
          tpu.enqueue_dma source(%dma_start3A_361 : memref<2x128xi32, #tpu.memory_space<hbm>>) target(%arg10 : memref<2x128xi32, #tpu.memory_space<vmem>>) target_semaphore(%arg18 : memref<!tpu.dma_semaphore, #tpu.memory_space<semaphore_mem>>)
        } else {
        }
        %dma_wait3A_337 = arith.constant 0 : i32
        %dma_wait3A_338 = arith.constant 0 : i32
        %dma_wait3A_339 = tpu.memref_slice %arg11[%dma_wait3A_337, %dma_wait3A_338] : memref<2x128xi32, #tpu.memory_space<vmem>> -> memref<1x128xi32, #tpu.memory_space<vmem>>
        %dma_wait3A_340 = tpu.memref_squeeze %dma_wait3A_339 : memref<1x128xi32, #tpu.memory_space<vmem>> -> memref<128xi32, #tpu.memory_space<vmem>>
        %dma_wait3A_341 = arith.constant 0 : i32
        %dma_wait3A_342 = arith.constant 0 : i32
        %dma_wait3A_343 = tpu.memref_slice %arg2[%dma_wait3A_341, %dma_wait3A_342] : memref<10112x128xf32, #tpu.memory_space<hbm>> -> memref<10112x128xf32, #tpu.memory_space<hbm>>
        tpu.wait_indirect_dma semaphore(%arg15 : memref<!tpu.dma_semaphore, #tpu.memory_space<semaphore_mem>>) src(%dma_wait3A_343 : memref<10112x128xf32, #tpu.memory_space<hbm>>) dst(%arg13 : memref<128x128xf32, #tpu.memory_space<vmem>>)
        %run_scoped3A_344 = arith.constant 1 : i32
        "tpu.region"() ({
          %run_scoped3A_352 = tpu.sem_alloc : memref<!tpu.dma_semaphore, #tpu.memory_space<semaphore_mem>>
          %dma_start3A_353 = arith.constant 0 : i32
          %dma_start3A_354 = tpu.memref_slice %arg11[%run_scoped3A_344, %dma_start3A_353] : memref<2x128xi32, #tpu.memory_space<vmem>> -> memref<1x128xi32, #tpu.memory_space<vmem>>
          %dma_start3A_355 = tpu.memref_squeeze %dma_start3A_354 : memref<1x128xi32, #tpu.memory_space<vmem>> -> memref<128xi32, #tpu.memory_space<vmem>>
          %dma_start3A_356 = arith.constant 0 : i32
          %dma_start3A_357 = arith.constant 0 : i32
          %dma_start3A_358 = tpu.memref_slice %arg7[%dma_start3A_356, %dma_start3A_357] : memref<10112x128xf32, #tpu.memory_space<vmem_shared>> -> memref<10112x128xf32, #tpu.memory_space<vmem_shared>>
          tpu.enqueue_indirect_dma source(%arg13 : memref<128x128xf32, #tpu.memory_space<vmem>>) target(%dma_start3A_358 : memref<10112x128xf32, #tpu.memory_space<vmem_shared>>) offsets(%dma_start3A_355 : memref<128xi32, #tpu.memory_space<vmem>>) semaphore(%run_scoped3A_352 : memref<!tpu.dma_semaphore, #tpu.memory_space<semaphore_mem>>) {add = true}
          %dma_wait3A_359 = arith.constant 0 : i32
          %dma_wait3A_360 = tpu.memref_slice %arg11[%run_scoped3A_344, %dma_wait3A_359] : memref<2x128xi32, #tpu.memory_space<vmem>> -> memref<1x128xi32, #tpu.memory_space<vmem>>
          %dma_wait3A_361 = tpu.memref_squeeze %dma_wait3A_360 : memref<1x128xi32, #tpu.memory_space<vmem>> -> memref<128xi32, #tpu.memory_space<vmem>>
          %dma_wait3A_362 = arith.constant 0 : i32
          %dma_wait3A_363 = arith.constant 0 : i32
          %dma_wait3A_364 = tpu.memref_slice %arg7[%dma_wait3A_362, %dma_wait3A_363] : memref<10112x128xf32, #tpu.memory_space<vmem_shared>> -> memref<10112x128xf32, #tpu.memory_space<vmem_shared>>
          tpu.wait_indirect_dma semaphore(%run_scoped3A_352 : memref<!tpu.dma_semaphore, #tpu.memory_space<semaphore_mem>>) src(%arg13 : memref<128x128xf32, #tpu.memory_space<vmem>>) dst(%dma_wait3A_364 : memref<10112x128xf32, #tpu.memory_space<vmem_shared>>)
          tpu.yield
        }) : () -> ()
        %add3A_345 = arith.constant 5 : i32
        %add3A_346 = arith.addi %add3A_297, %add3A_345 : i32
        %lt3A_347 = arith.constant 80 : i32
        %lt3A_348 = arith.cmpi slt, %add3A_346, %lt3A_347 : i32
        %convert_element_type3A_349 = arith.extui %lt3A_348 : i1 to i32
        %cond3A_350 = arith.constant 0 : i32
        %cond3A_351 = arith.cmpi ne, %convert_element_type3A_349, %cond3A_350 : i32
        scf.if %cond3A_351 {
          %add3A_352 = arith.constant 5 : i32
          %add3A_353 = arith.addi %add3A_297, %add3A_352 : i32
          %dma_start3A_354 = arith.constant 0 : i32
          %dma_start3A_355 = arith.constant 0 : i32
          %dma_start3A_356 = tpu.memref_slice %arg4[%arg1, %add3A_353, %dma_start3A_354, %dma_start3A_355] : memref<16x80x2x128xi32, #tpu.memory_space<hbm>> -> memref<1x1x2x128xi32, #tpu.memory_space<hbm>>
          %dma_start3A_357 = tpu.memref_squeeze %dma_start3A_356 : memref<1x1x2x128xi32, #tpu.memory_space<hbm>> -> memref<2x128xi32, #tpu.memory_space<hbm>>
          %dma_start3A_358 = arith.constant 0 : i32
          %dma_start3A_359 = arith.constant 0 : i32
          %dma_start3A_360 = tpu.memref_slice %arg4[%arg1, %add3A_353, %dma_start3A_358, %dma_start3A_359] : memref<16x80x2x128xi32, #tpu.memory_space<hbm>> -> memref<1x1x2x128xi32, #tpu.memory_space<hbm>>
          %dma_start3A_361 = tpu.memref_squeeze %dma_start3A_360 : memref<1x1x2x128xi32, #tpu.memory_space<hbm>> -> memref<2x128xi32, #tpu.memory_space<hbm>>
          tpu.enqueue_dma source(%dma_start3A_361 : memref<2x128xi32, #tpu.memory_space<hbm>>) target(%arg11 : memref<2x128xi32, #tpu.memory_space<vmem>>) target_semaphore(%arg19 : memref<!tpu.dma_semaphore, #tpu.memory_space<semaphore_mem>>)
        } else {
        }
      }
      %scan3A_148 = arith.constant 20 : i32
      %barrier3A_149 = arith.constant 0 : index
      tpu.barrier barrier_id(%barrier3A_149)
      %mul3A_150 = arith.constant 5 : i32
      %mul3A_151 = arith.muli %arg1, %mul3A_150 : i32
      %add3A_152 = arith.constant 0 : i32
      %add3A_153 = arith.addi %mul3A_151, %add3A_152 : i32
      %lt3A_154 = arith.constant 79 : i32
      %lt3A_155 = arith.cmpi slt, %add3A_153, %lt3A_154 : i32
      %convert_element_type3A_156 = arith.extui %lt3A_155 : i1 to i32
      %cond3A_157 = arith.constant 0 : i32
      %cond3A_158 = arith.cmpi ne, %convert_element_type3A_156, %cond3A_157 : i32
      scf.if %cond3A_158 {
        %mul3A_240 = arith.constant 128 : i32
        %mul3A_241 = arith.muli %add3A_153, %mul3A_240 : i32
        %dma_start3A_242 = arith.constant 0 : i32
        %dma_start3A_243 = tpu.memref_slice %arg5[%mul3A_241, %dma_start3A_242] : memref<10112x128xf32, #tpu.memory_space<hbm>> -> memref<128x128xf32, #tpu.memory_space<hbm>>
        %dma_start3A_244 = arith.constant 0 : i32
        %dma_start3A_245 = tpu.memref_slice %arg7[%mul3A_241, %dma_start3A_244] : memref<10112x128xf32, #tpu.memory_space<vmem_shared>> -> memref<128x128xf32, #tpu.memory_space<vmem_shared>>
        tpu.enqueue_dma source(%dma_start3A_245 : memref<128x128xf32, #tpu.memory_space<vmem_shared>>) target(%dma_start3A_243 : memref<128x128xf32, #tpu.memory_space<hbm>>) target_semaphore(%arg14 : memref<!tpu.dma_semaphore, #tpu.memory_space<semaphore_mem>>)
      } else {
      }
      %mul3A_159 = arith.constant 5 : i32
      %mul3A_160 = arith.muli %arg1, %mul3A_159 : i32
      %add3A_161 = arith.constant 1 : i32
      %add3A_162 = arith.addi %mul3A_160, %add3A_161 : i32
      %lt3A_163 = arith.constant 79 : i32
      %lt3A_164 = arith.cmpi slt, %add3A_162, %lt3A_163 : i32
      %convert_element_type3A_165 = arith.extui %lt3A_164 : i1 to i32
      %cond3A_166 = arith.constant 0 : i32
      %cond3A_167 = arith.cmpi ne, %convert_element_type3A_165, %cond3A_166 : i32
      scf.if %cond3A_167 {
        %mul3A_240 = arith.constant 128 : i32
        %mul3A_241 = arith.muli %add3A_162, %mul3A_240 : i32
        %dma_start3A_242 = arith.constant 0 : i32
        %dma_start3A_243 = tpu.memref_slice %arg5[%mul3A_241, %dma_start3A_242] : memref<10112x128xf32, #tpu.memory_space<hbm>> -> memref<128x128xf32, #tpu.memory_space<hbm>>
        %dma_start3A_244 = arith.constant 0 : i32
        %dma_start3A_245 = tpu.memref_slice %arg7[%mul3A_241, %dma_start3A_244] : memref<10112x128xf32, #tpu.memory_space<vmem_shared>> -> memref<128x128xf32, #tpu.memory_space<vmem_shared>>
        tpu.enqueue_dma source(%dma_start3A_245 : memref<128x128xf32, #tpu.memory_space<vmem_shared>>) target(%dma_start3A_243 : memref<128x128xf32, #tpu.memory_space<hbm>>) target_semaphore(%arg14 : memref<!tpu.dma_semaphore, #tpu.memory_space<semaphore_mem>>)
      } else {
      }
      %mul3A_168 = arith.constant 5 : i32
      %mul3A_169 = arith.muli %arg1, %mul3A_168 : i32
      %add3A_170 = arith.constant 2 : i32
      %add3A_171 = arith.addi %mul3A_169, %add3A_170 : i32
      %lt3A_172 = arith.constant 79 : i32
      %lt3A_173 = arith.cmpi slt, %add3A_171, %lt3A_172 : i32
      %convert_element_type3A_174 = arith.extui %lt3A_173 : i1 to i32
      %cond3A_175 = arith.constant 0 : i32
      %cond3A_176 = arith.cmpi ne, %convert_element_type3A_174, %cond3A_175 : i32
      scf.if %cond3A_176 {
        %mul3A_240 = arith.constant 128 : i32
        %mul3A_241 = arith.muli %add3A_171, %mul3A_240 : i32
        %dma_start3A_242 = arith.constant 0 : i32
        %dma_start3A_243 = tpu.memref_slice %arg5[%mul3A_241, %dma_start3A_242] : memref<10112x128xf32, #tpu.memory_space<hbm>> -> memref<128x128xf32, #tpu.memory_space<hbm>>
        %dma_start3A_244 = arith.constant 0 : i32
        %dma_start3A_245 = tpu.memref_slice %arg7[%mul3A_241, %dma_start3A_244] : memref<10112x128xf32, #tpu.memory_space<vmem_shared>> -> memref<128x128xf32, #tpu.memory_space<vmem_shared>>
        tpu.enqueue_dma source(%dma_start3A_245 : memref<128x128xf32, #tpu.memory_space<vmem_shared>>) target(%dma_start3A_243 : memref<128x128xf32, #tpu.memory_space<hbm>>) target_semaphore(%arg14 : memref<!tpu.dma_semaphore, #tpu.memory_space<semaphore_mem>>)
      } else {
      }
      %mul3A_177 = arith.constant 5 : i32
      %mul3A_178 = arith.muli %arg1, %mul3A_177 : i32
      %add3A_179 = arith.constant 3 : i32
      %add3A_180 = arith.addi %mul3A_178, %add3A_179 : i32
      %lt3A_181 = arith.constant 79 : i32
      %lt3A_182 = arith.cmpi slt, %add3A_180, %lt3A_181 : i32
      %convert_element_type3A_183 = arith.extui %lt3A_182 : i1 to i32
      %cond3A_184 = arith.constant 0 : i32
      %cond3A_185 = arith.cmpi ne, %convert_element_type3A_183, %cond3A_184 : i32
      scf.if %cond3A_185 {
        %mul3A_240 = arith.constant 128 : i32
        %mul3A_241 = arith.muli %add3A_180, %mul3A_240 : i32
        %dma_start3A_242 = arith.constant 0 : i32
        %dma_start3A_243 = tpu.memref_slice %arg5[%mul3A_241, %dma_start3A_242] : memref<10112x128xf32, #tpu.memory_space<hbm>> -> memref<128x128xf32, #tpu.memory_space<hbm>>
        %dma_start3A_244 = arith.constant 0 : i32
        %dma_start3A_245 = tpu.memref_slice %arg7[%mul3A_241, %dma_start3A_244] : memref<10112x128xf32, #tpu.memory_space<vmem_shared>> -> memref<128x128xf32, #tpu.memory_space<vmem_shared>>
        tpu.enqueue_dma source(%dma_start3A_245 : memref<128x128xf32, #tpu.memory_space<vmem_shared>>) target(%dma_start3A_243 : memref<128x128xf32, #tpu.memory_space<hbm>>) target_semaphore(%arg14 : memref<!tpu.dma_semaphore, #tpu.memory_space<semaphore_mem>>)
      } else {
      }
      %mul3A_186 = arith.constant 5 : i32
      %mul3A_187 = arith.muli %arg1, %mul3A_186 : i32
      %add3A_188 = arith.constant 4 : i32
      %add3A_189 = arith.addi %mul3A_187, %add3A_188 : i32
      %lt3A_190 = arith.constant 79 : i32
      %lt3A_191 = arith.cmpi slt, %add3A_189, %lt3A_190 : i32
      %convert_element_type3A_192 = arith.extui %lt3A_191 : i1 to i32
      %cond3A_193 = arith.constant 0 : i32
      %cond3A_194 = arith.cmpi ne, %convert_element_type3A_192, %cond3A_193 : i32
      scf.if %cond3A_194 {
        %mul3A_240 = arith.constant 128 : i32
        %mul3A_241 = arith.muli %add3A_189, %mul3A_240 : i32
        %dma_start3A_242 = arith.constant 0 : i32
        %dma_start3A_243 = tpu.memref_slice %arg5[%mul3A_241, %dma_start3A_242] : memref<10112x128xf32, #tpu.memory_space<hbm>> -> memref<128x128xf32, #tpu.memory_space<hbm>>
        %dma_start3A_244 = arith.constant 0 : i32
        %dma_start3A_245 = tpu.memref_slice %arg7[%mul3A_241, %dma_start3A_244] : memref<10112x128xf32, #tpu.memory_space<vmem_shared>> -> memref<128x128xf32, #tpu.memory_space<vmem_shared>>
        tpu.enqueue_dma source(%dma_start3A_245 : memref<128x128xf32, #tpu.memory_space<vmem_shared>>) target(%dma_start3A_243 : memref<128x128xf32, #tpu.memory_space<hbm>>) target_semaphore(%arg14 : memref<!tpu.dma_semaphore, #tpu.memory_space<semaphore_mem>>)
      } else {
      }
      %mul3A_195 = arith.constant 5 : i32
      %mul3A_196 = arith.muli %arg1, %mul3A_195 : i32
      %add3A_197 = arith.constant 0 : i32
      %add3A_198 = arith.addi %mul3A_196, %add3A_197 : i32
      %lt3A_199 = arith.constant 79 : i32
      %lt3A_200 = arith.cmpi slt, %add3A_198, %lt3A_199 : i32
      %convert_element_type3A_201 = arith.extui %lt3A_200 : i1 to i32
      %cond3A_202 = arith.constant 0 : i32
      %cond3A_203 = arith.cmpi ne, %convert_element_type3A_201, %cond3A_202 : i32
      scf.if %cond3A_203 {
        %mul3A_240 = arith.constant 128 : i32
        %mul3A_241 = arith.muli %add3A_198, %mul3A_240 : i32
        %dma_wait3A_242 = arith.constant 0 : i32
        %dma_wait3A_243 = tpu.memref_slice %arg5[%mul3A_241, %dma_wait3A_242] : memref<10112x128xf32, #tpu.memory_space<hbm>> -> memref<128x128xf32, #tpu.memory_space<hbm>>
        %dma_wait3A_244 = arith.constant 0 : i32
        %dma_wait3A_245 = tpu.memref_slice %arg7[%mul3A_241, %dma_wait3A_244] : memref<10112x128xf32, #tpu.memory_space<vmem_shared>> -> memref<128x128xf32, #tpu.memory_space<vmem_shared>>
        tpu.wait_dma2 semaphore(%arg14 : memref<!tpu.dma_semaphore, #tpu.memory_space<semaphore_mem>>) src(%dma_wait3A_245 : memref<128x128xf32, #tpu.memory_space<vmem_shared>>) dst(%dma_wait3A_243 : memref<128x128xf32, #tpu.memory_space<hbm>>)
      } else {
      }
      %mul3A_204 = arith.constant 5 : i32
      %mul3A_205 = arith.muli %arg1, %mul3A_204 : i32
      %add3A_206 = arith.constant 1 : i32
      %add3A_207 = arith.addi %mul3A_205, %add3A_206 : i32
      %lt3A_208 = arith.constant 79 : i32
      %lt3A_209 = arith.cmpi slt, %add3A_207, %lt3A_208 : i32
      %convert_element_type3A_210 = arith.extui %lt3A_209 : i1 to i32
      %cond3A_211 = arith.constant 0 : i32
      %cond3A_212 = arith.cmpi ne, %convert_element_type3A_210, %cond3A_211 : i32
      scf.if %cond3A_212 {
        %mul3A_240 = arith.constant 128 : i32
        %mul3A_241 = arith.muli %add3A_207, %mul3A_240 : i32
        %dma_wait3A_242 = arith.constant 0 : i32
        %dma_wait3A_243 = tpu.memref_slice %arg5[%mul3A_241, %dma_wait3A_242] : memref<10112x128xf32, #tpu.memory_space<hbm>> -> memref<128x128xf32, #tpu.memory_space<hbm>>
        %dma_wait3A_244 = arith.constant 0 : i32
        %dma_wait3A_245 = tpu.memref_slice %arg7[%mul3A_241, %dma_wait3A_244] : memref<10112x128xf32, #tpu.memory_space<vmem_shared>> -> memref<128x128xf32, #tpu.memory_space<vmem_shared>>
        tpu.wait_dma2 semaphore(%arg14 : memref<!tpu.dma_semaphore, #tpu.memory_space<semaphore_mem>>) src(%dma_wait3A_245 : memref<128x128xf32, #tpu.memory_space<vmem_shared>>) dst(%dma_wait3A_243 : memref<128x128xf32, #tpu.memory_space<hbm>>)
      } else {
      }
      %mul3A_213 = arith.constant 5 : i32
      %mul3A_214 = arith.muli %arg1, %mul3A_213 : i32
      %add3A_215 = arith.constant 2 : i32
      %add3A_216 = arith.addi %mul3A_214, %add3A_215 : i32
      %lt3A_217 = arith.constant 79 : i32
      %lt3A_218 = arith.cmpi slt, %add3A_216, %lt3A_217 : i32
      %convert_element_type3A_219 = arith.extui %lt3A_218 : i1 to i32
      %cond3A_220 = arith.constant 0 : i32
      %cond3A_221 = arith.cmpi ne, %convert_element_type3A_219, %cond3A_220 : i32
      scf.if %cond3A_221 {
        %mul3A_240 = arith.constant 128 : i32
        %mul3A_241 = arith.muli %add3A_216, %mul3A_240 : i32
        %dma_wait3A_242 = arith.constant 0 : i32
        %dma_wait3A_243 = tpu.memref_slice %arg5[%mul3A_241, %dma_wait3A_242] : memref<10112x128xf32, #tpu.memory_space<hbm>> -> memref<128x128xf32, #tpu.memory_space<hbm>>
        %dma_wait3A_244 = arith.constant 0 : i32
        %dma_wait3A_245 = tpu.memref_slice %arg7[%mul3A_241, %dma_wait3A_244] : memref<10112x128xf32, #tpu.memory_space<vmem_shared>> -> memref<128x128xf32, #tpu.memory_space<vmem_shared>>
        tpu.wait_dma2 semaphore(%arg14 : memref<!tpu.dma_semaphore, #tpu.memory_space<semaphore_mem>>) src(%dma_wait3A_245 : memref<128x128xf32, #tpu.memory_space<vmem_shared>>) dst(%dma_wait3A_243 : memref<128x128xf32, #tpu.memory_space<hbm>>)
      } else {
      }
      %mul3A_222 = arith.constant 5 : i32
      %mul3A_223 = arith.muli %arg1, %mul3A_222 : i32
      %add3A_224 = arith.constant 3 : i32
      %add3A_225 = arith.addi %mul3A_223, %add3A_224 : i32
      %lt3A_226 = arith.constant 79 : i32
      %lt3A_227 = arith.cmpi slt, %add3A_225, %lt3A_226 : i32
      %convert_element_type3A_228 = arith.extui %lt3A_227 : i1 to i32
      %cond3A_229 = arith.constant 0 : i32
      %cond3A_230 = arith.cmpi ne, %convert_element_type3A_228, %cond3A_229 : i32
      scf.if %cond3A_230 {
        %mul3A_240 = arith.constant 128 : i32
        %mul3A_241 = arith.muli %add3A_225, %mul3A_240 : i32
        %dma_wait3A_242 = arith.constant 0 : i32
        %dma_wait3A_243 = tpu.memref_slice %arg5[%mul3A_241, %dma_wait3A_242] : memref<10112x128xf32, #tpu.memory_space<hbm>> -> memref<128x128xf32, #tpu.memory_space<hbm>>
        %dma_wait3A_244 = arith.constant 0 : i32
        %dma_wait3A_245 = tpu.memref_slice %arg7[%mul3A_241, %dma_wait3A_244] : memref<10112x128xf32, #tpu.memory_space<vmem_shared>> -> memref<128x128xf32, #tpu.memory_space<vmem_shared>>
        tpu.wait_dma2 semaphore(%arg14 : memref<!tpu.dma_semaphore, #tpu.memory_space<semaphore_mem>>) src(%dma_wait3A_245 : memref<128x128xf32, #tpu.memory_space<vmem_shared>>) dst(%dma_wait3A_243 : memref<128x128xf32, #tpu.memory_space<hbm>>)
      } else {
      }
      %mul3A_231 = arith.constant 5 : i32
      %mul3A_232 = arith.muli %arg1, %mul3A_231 : i32
      %add3A_233 = arith.constant 4 : i32
      %add3A_234 = arith.addi %mul3A_232, %add3A_233 : i32
      %lt3A_235 = arith.constant 79 : i32
      %lt3A_236 = arith.cmpi slt, %add3A_234, %lt3A_235 : i32
      %convert_element_type3A_237 = arith.extui %lt3A_236 : i1 to i32
      %cond3A_238 = arith.constant 0 : i32
      %cond3A_239 = arith.cmpi ne, %convert_element_type3A_237, %cond3A_238 : i32
      scf.if %cond3A_239 {
        %mul3A_240 = arith.constant 128 : i32
        %mul3A_241 = arith.muli %add3A_234, %mul3A_240 : i32
        %dma_wait3A_242 = arith.constant 0 : i32
        %dma_wait3A_243 = tpu.memref_slice %arg5[%mul3A_241, %dma_wait3A_242] : memref<10112x128xf32, #tpu.memory_space<hbm>> -> memref<128x128xf32, #tpu.memory_space<hbm>>
        %dma_wait3A_244 = arith.constant 0 : i32
        %dma_wait3A_245 = tpu.memref_slice %arg7[%mul3A_241, %dma_wait3A_244] : memref<10112x128xf32, #tpu.memory_space<vmem_shared>> -> memref<128x128xf32, #tpu.memory_space<vmem_shared>>
        tpu.wait_dma2 semaphore(%arg14 : memref<!tpu.dma_semaphore, #tpu.memory_space<semaphore_mem>>) src(%dma_wait3A_245 : memref<128x128xf32, #tpu.memory_space<vmem_shared>>) dst(%dma_wait3A_243 : memref<128x128xf32, #tpu.memory_space<hbm>>)
      } else {
      }
    } else {
    }
    %eq3A_2 = arith.constant 1 : i32
    %eq3A_3 = arith.cmpi eq, %arg0, %eq3A_2 : i32
    %convert_element_type3A_4 = arith.extui %eq3A_3 : i1 to i32
    %cond3A_5 = arith.constant 0 : i32
    %cond3A_6 = arith.cmpi ne, %convert_element_type3A_4, %cond3A_5 : i32
    scf.if %cond3A_6 {
      %mul3A = arith.constant 5 : i32
      %mul3A_7 = arith.muli %arg1, %mul3A : i32
      %add3A = arith.constant 0 : i32
      %add3A_8 = arith.addi %mul3A_7, %add3A : i32
      %lt3A = arith.constant 79 : i32
      %lt3A_9 = arith.cmpi slt, %add3A_8, %lt3A : i32
      %convert_element_type3A_10 = arith.extui %lt3A_9 : i1 to i32
      %cond3A_11 = arith.constant 0 : i32
      %cond3A_12 = arith.cmpi ne, %convert_element_type3A_10, %cond3A_11 : i32
      scf.if %cond3A_12 {
        %mul3A_240 = arith.constant 128 : i32
        %mul3A_241 = arith.muli %add3A_8, %mul3A_240 : i32
        %dma_start3A_242 = arith.constant 0 : i32
        %dma_start3A_243 = tpu.memref_slice %arg7[%mul3A_241, %dma_start3A_242] : memref<10112x128xf32, #tpu.memory_space<vmem_shared>> -> memref<128x128xf32, #tpu.memory_space<vmem_shared>>
        %dma_start3A_244 = arith.constant 0 : i32
        %dma_start3A_245 = tpu.memref_slice %arg3[%mul3A_241, %dma_start3A_244] : memref<10112x128xf32, #tpu.memory_space<hbm>> -> memref<128x128xf32, #tpu.memory_space<hbm>>
        tpu.enqueue_dma source(%dma_start3A_245 : memref<128x128xf32, #tpu.memory_space<hbm>>) target(%dma_start3A_243 : memref<128x128xf32, #tpu.memory_space<vmem_shared>>) target_semaphore(%arg14 : memref<!tpu.dma_semaphore, #tpu.memory_space<semaphore_mem>>)
      } else {
      }
      %mul3A_13 = arith.constant 5 : i32
      %mul3A_14 = arith.muli %arg1, %mul3A_13 : i32
      %add3A_15 = arith.constant 1 : i32
      %add3A_16 = arith.addi %mul3A_14, %add3A_15 : i32
      %lt3A_17 = arith.constant 79 : i32
      %lt3A_18 = arith.cmpi slt, %add3A_16, %lt3A_17 : i32
      %convert_element_type3A_19 = arith.extui %lt3A_18 : i1 to i32
      %cond3A_20 = arith.constant 0 : i32
      %cond3A_21 = arith.cmpi ne, %convert_element_type3A_19, %cond3A_20 : i32
      scf.if %cond3A_21 {
        %mul3A_240 = arith.constant 128 : i32
        %mul3A_241 = arith.muli %add3A_16, %mul3A_240 : i32
        %dma_start3A_242 = arith.constant 0 : i32
        %dma_start3A_243 = tpu.memref_slice %arg7[%mul3A_241, %dma_start3A_242] : memref<10112x128xf32, #tpu.memory_space<vmem_shared>> -> memref<128x128xf32, #tpu.memory_space<vmem_shared>>
        %dma_start3A_244 = arith.constant 0 : i32
        %dma_start3A_245 = tpu.memref_slice %arg3[%mul3A_241, %dma_start3A_244] : memref<10112x128xf32, #tpu.memory_space<hbm>> -> memref<128x128xf32, #tpu.memory_space<hbm>>
        tpu.enqueue_dma source(%dma_start3A_245 : memref<128x128xf32, #tpu.memory_space<hbm>>) target(%dma_start3A_243 : memref<128x128xf32, #tpu.memory_space<vmem_shared>>) target_semaphore(%arg14 : memref<!tpu.dma_semaphore, #tpu.memory_space<semaphore_mem>>)
      } else {
      }
      %mul3A_22 = arith.constant 5 : i32
      %mul3A_23 = arith.muli %arg1, %mul3A_22 : i32
      %add3A_24 = arith.constant 2 : i32
      %add3A_25 = arith.addi %mul3A_23, %add3A_24 : i32
      %lt3A_26 = arith.constant 79 : i32
      %lt3A_27 = arith.cmpi slt, %add3A_25, %lt3A_26 : i32
      %convert_element_type3A_28 = arith.extui %lt3A_27 : i1 to i32
      %cond3A_29 = arith.constant 0 : i32
      %cond3A_30 = arith.cmpi ne, %convert_element_type3A_28, %cond3A_29 : i32
      scf.if %cond3A_30 {
        %mul3A_240 = arith.constant 128 : i32
        %mul3A_241 = arith.muli %add3A_25, %mul3A_240 : i32
        %dma_start3A_242 = arith.constant 0 : i32
        %dma_start3A_243 = tpu.memref_slice %arg7[%mul3A_241, %dma_start3A_242] : memref<10112x128xf32, #tpu.memory_space<vmem_shared>> -> memref<128x128xf32, #tpu.memory_space<vmem_shared>>
        %dma_start3A_244 = arith.constant 0 : i32
        %dma_start3A_245 = tpu.memref_slice %arg3[%mul3A_241, %dma_start3A_244] : memref<10112x128xf32, #tpu.memory_space<hbm>> -> memref<128x128xf32, #tpu.memory_space<hbm>>
        tpu.enqueue_dma source(%dma_start3A_245 : memref<128x128xf32, #tpu.memory_space<hbm>>) target(%dma_start3A_243 : memref<128x128xf32, #tpu.memory_space<vmem_shared>>) target_semaphore(%arg14 : memref<!tpu.dma_semaphore, #tpu.memory_space<semaphore_mem>>)
      } else {
      }
      %mul3A_31 = arith.constant 5 : i32
      %mul3A_32 = arith.muli %arg1, %mul3A_31 : i32
      %add3A_33 = arith.constant 3 : i32
      %add3A_34 = arith.addi %mul3A_32, %add3A_33 : i32
      %lt3A_35 = arith.constant 79 : i32
      %lt3A_36 = arith.cmpi slt, %add3A_34, %lt3A_35 : i32
      %convert_element_type3A_37 = arith.extui %lt3A_36 : i1 to i32
      %cond3A_38 = arith.constant 0 : i32
      %cond3A_39 = arith.cmpi ne, %convert_element_type3A_37, %cond3A_38 : i32
      scf.if %cond3A_39 {
        %mul3A_240 = arith.constant 128 : i32
        %mul3A_241 = arith.muli %add3A_34, %mul3A_240 : i32
        %dma_start3A_242 = arith.constant 0 : i32
        %dma_start3A_243 = tpu.memref_slice %arg7[%mul3A_241, %dma_start3A_242] : memref<10112x128xf32, #tpu.memory_space<vmem_shared>> -> memref<128x128xf32, #tpu.memory_space<vmem_shared>>
        %dma_start3A_244 = arith.constant 0 : i32
        %dma_start3A_245 = tpu.memref_slice %arg3[%mul3A_241, %dma_start3A_244] : memref<10112x128xf32, #tpu.memory_space<hbm>> -> memref<128x128xf32, #tpu.memory_space<hbm>>
        tpu.enqueue_dma source(%dma_start3A_245 : memref<128x128xf32, #tpu.memory_space<hbm>>) target(%dma_start3A_243 : memref<128x128xf32, #tpu.memory_space<vmem_shared>>) target_semaphore(%arg14 : memref<!tpu.dma_semaphore, #tpu.memory_space<semaphore_mem>>)
      } else {
      }
      %mul3A_40 = arith.constant 5 : i32
      %mul3A_41 = arith.muli %arg1, %mul3A_40 : i32
      %add3A_42 = arith.constant 4 : i32
      %add3A_43 = arith.addi %mul3A_41, %add3A_42 : i32
      %lt3A_44 = arith.constant 79 : i32
      %lt3A_45 = arith.cmpi slt, %add3A_43, %lt3A_44 : i32
      %convert_element_type3A_46 = arith.extui %lt3A_45 : i1 to i32
      %cond3A_47 = arith.constant 0 : i32
      %cond3A_48 = arith.cmpi ne, %convert_element_type3A_46, %cond3A_47 : i32
      scf.if %cond3A_48 {
        %mul3A_240 = arith.constant 128 : i32
        %mul3A_241 = arith.muli %add3A_43, %mul3A_240 : i32
        %dma_start3A_242 = arith.constant 0 : i32
        %dma_start3A_243 = tpu.memref_slice %arg7[%mul3A_241, %dma_start3A_242] : memref<10112x128xf32, #tpu.memory_space<vmem_shared>> -> memref<128x128xf32, #tpu.memory_space<vmem_shared>>
        %dma_start3A_244 = arith.constant 0 : i32
        %dma_start3A_245 = tpu.memref_slice %arg3[%mul3A_241, %dma_start3A_244] : memref<10112x128xf32, #tpu.memory_space<hbm>> -> memref<128x128xf32, #tpu.memory_space<hbm>>
        tpu.enqueue_dma source(%dma_start3A_245 : memref<128x128xf32, #tpu.memory_space<hbm>>) target(%dma_start3A_243 : memref<128x128xf32, #tpu.memory_space<vmem_shared>>) target_semaphore(%arg14 : memref<!tpu.dma_semaphore, #tpu.memory_space<semaphore_mem>>)
      } else {
      }
      %mul3A_49 = arith.constant 5 : i32
      %mul3A_50 = arith.muli %arg1, %mul3A_49 : i32
      %add3A_51 = arith.constant 0 : i32
      %add3A_52 = arith.addi %mul3A_50, %add3A_51 : i32
      %lt3A_53 = arith.constant 79 : i32
      %lt3A_54 = arith.cmpi slt, %add3A_52, %lt3A_53 : i32
      %convert_element_type3A_55 = arith.extui %lt3A_54 : i1 to i32
      %cond3A_56 = arith.constant 0 : i32
      %cond3A_57 = arith.cmpi ne, %convert_element_type3A_55, %cond3A_56 : i32
      scf.if %cond3A_57 {
        %mul3A_240 = arith.constant 128 : i32
        %mul3A_241 = arith.muli %add3A_52, %mul3A_240 : i32
        %dma_wait3A_242 = arith.constant 0 : i32
        %dma_wait3A_243 = tpu.memref_slice %arg7[%mul3A_241, %dma_wait3A_242] : memref<10112x128xf32, #tpu.memory_space<vmem_shared>> -> memref<128x128xf32, #tpu.memory_space<vmem_shared>>
        %dma_wait3A_244 = arith.constant 0 : i32
        %dma_wait3A_245 = tpu.memref_slice %arg3[%mul3A_241, %dma_wait3A_244] : memref<10112x128xf32, #tpu.memory_space<hbm>> -> memref<128x128xf32, #tpu.memory_space<hbm>>
        tpu.wait_dma2 semaphore(%arg14 : memref<!tpu.dma_semaphore, #tpu.memory_space<semaphore_mem>>) src(%dma_wait3A_245 : memref<128x128xf32, #tpu.memory_space<hbm>>) dst(%dma_wait3A_243 : memref<128x128xf32, #tpu.memory_space<vmem_shared>>)
      } else {
      }
      %mul3A_58 = arith.constant 5 : i32
      %mul3A_59 = arith.muli %arg1, %mul3A_58 : i32
      %add3A_60 = arith.constant 1 : i32
      %add3A_61 = arith.addi %mul3A_59, %add3A_60 : i32
      %lt3A_62 = arith.constant 79 : i32
      %lt3A_63 = arith.cmpi slt, %add3A_61, %lt3A_62 : i32
      %convert_element_type3A_64 = arith.extui %lt3A_63 : i1 to i32
      %cond3A_65 = arith.constant 0 : i32
      %cond3A_66 = arith.cmpi ne, %convert_element_type3A_64, %cond3A_65 : i32
      scf.if %cond3A_66 {
        %mul3A_240 = arith.constant 128 : i32
        %mul3A_241 = arith.muli %add3A_61, %mul3A_240 : i32
        %dma_wait3A_242 = arith.constant 0 : i32
        %dma_wait3A_243 = tpu.memref_slice %arg7[%mul3A_241, %dma_wait3A_242] : memref<10112x128xf32, #tpu.memory_space<vmem_shared>> -> memref<128x128xf32, #tpu.memory_space<vmem_shared>>
        %dma_wait3A_244 = arith.constant 0 : i32
        %dma_wait3A_245 = tpu.memref_slice %arg3[%mul3A_241, %dma_wait3A_244] : memref<10112x128xf32, #tpu.memory_space<hbm>> -> memref<128x128xf32, #tpu.memory_space<hbm>>
        tpu.wait_dma2 semaphore(%arg14 : memref<!tpu.dma_semaphore, #tpu.memory_space<semaphore_mem>>) src(%dma_wait3A_245 : memref<128x128xf32, #tpu.memory_space<hbm>>) dst(%dma_wait3A_243 : memref<128x128xf32, #tpu.memory_space<vmem_shared>>)
      } else {
      }
      %mul3A_67 = arith.constant 5 : i32
      %mul3A_68 = arith.muli %arg1, %mul3A_67 : i32
      %add3A_69 = arith.constant 2 : i32
      %add3A_70 = arith.addi %mul3A_68, %add3A_69 : i32
      %lt3A_71 = arith.constant 79 : i32
      %lt3A_72 = arith.cmpi slt, %add3A_70, %lt3A_71 : i32
      %convert_element_type3A_73 = arith.extui %lt3A_72 : i1 to i32
      %cond3A_74 = arith.constant 0 : i32
      %cond3A_75 = arith.cmpi ne, %convert_element_type3A_73, %cond3A_74 : i32
      scf.if %cond3A_75 {
        %mul3A_240 = arith.constant 128 : i32
        %mul3A_241 = arith.muli %add3A_70, %mul3A_240 : i32
        %dma_wait3A_242 = arith.constant 0 : i32
        %dma_wait3A_243 = tpu.memref_slice %arg7[%mul3A_241, %dma_wait3A_242] : memref<10112x128xf32, #tpu.memory_space<vmem_shared>> -> memref<128x128xf32, #tpu.memory_space<vmem_shared>>
        %dma_wait3A_244 = arith.constant 0 : i32
        %dma_wait3A_245 = tpu.memref_slice %arg3[%mul3A_241, %dma_wait3A_244] : memref<10112x128xf32, #tpu.memory_space<hbm>> -> memref<128x128xf32, #tpu.memory_space<hbm>>
        tpu.wait_dma2 semaphore(%arg14 : memref<!tpu.dma_semaphore, #tpu.memory_space<semaphore_mem>>) src(%dma_wait3A_245 : memref<128x128xf32, #tpu.memory_space<hbm>>) dst(%dma_wait3A_243 : memref<128x128xf32, #tpu.memory_space<vmem_shared>>)
      } else {
      }
      %mul3A_76 = arith.constant 5 : i32
      %mul3A_77 = arith.muli %arg1, %mul3A_76 : i32
      %add3A_78 = arith.constant 3 : i32
      %add3A_79 = arith.addi %mul3A_77, %add3A_78 : i32
      %lt3A_80 = arith.constant 79 : i32
      %lt3A_81 = arith.cmpi slt, %add3A_79, %lt3A_80 : i32
      %convert_element_type3A_82 = arith.extui %lt3A_81 : i1 to i32
      %cond3A_83 = arith.constant 0 : i32
      %cond3A_84 = arith.cmpi ne, %convert_element_type3A_82, %cond3A_83 : i32
      scf.if %cond3A_84 {
        %mul3A_240 = arith.constant 128 : i32
        %mul3A_241 = arith.muli %add3A_79, %mul3A_240 : i32
        %dma_wait3A_242 = arith.constant 0 : i32
        %dma_wait3A_243 = tpu.memref_slice %arg7[%mul3A_241, %dma_wait3A_242] : memref<10112x128xf32, #tpu.memory_space<vmem_shared>> -> memref<128x128xf32, #tpu.memory_space<vmem_shared>>
        %dma_wait3A_244 = arith.constant 0 : i32
        %dma_wait3A_245 = tpu.memref_slice %arg3[%mul3A_241, %dma_wait3A_244] : memref<10112x128xf32, #tpu.memory_space<hbm>> -> memref<128x128xf32, #tpu.memory_space<hbm>>
        tpu.wait_dma2 semaphore(%arg14 : memref<!tpu.dma_semaphore, #tpu.memory_space<semaphore_mem>>) src(%dma_wait3A_245 : memref<128x128xf32, #tpu.memory_space<hbm>>) dst(%dma_wait3A_243 : memref<128x128xf32, #tpu.memory_space<vmem_shared>>)
      } else {
      }
      %mul3A_85 = arith.constant 5 : i32
      %mul3A_86 = arith.muli %arg1, %mul3A_85 : i32
      %add3A_87 = arith.constant 4 : i32
      %add3A_88 = arith.addi %mul3A_86, %add3A_87 : i32
      %lt3A_89 = arith.constant 79 : i32
      %lt3A_90 = arith.cmpi slt, %add3A_88, %lt3A_89 : i32
      %convert_element_type3A_91 = arith.extui %lt3A_90 : i1 to i32
      %cond3A_92 = arith.constant 0 : i32
      %cond3A_93 = arith.cmpi ne, %convert_element_type3A_91, %cond3A_92 : i32
      scf.if %cond3A_93 {
        %mul3A_240 = arith.constant 128 : i32
        %mul3A_241 = arith.muli %add3A_88, %mul3A_240 : i32
        %dma_wait3A_242 = arith.constant 0 : i32
        %dma_wait3A_243 = tpu.memref_slice %arg7[%mul3A_241, %dma_wait3A_242] : memref<10112x128xf32, #tpu.memory_space<vmem_shared>> -> memref<128x128xf32, #tpu.memory_space<vmem_shared>>
        %dma_wait3A_244 = arith.constant 0 : i32
        %dma_wait3A_245 = tpu.memref_slice %arg3[%mul3A_241, %dma_wait3A_244] : memref<10112x128xf32, #tpu.memory_space<hbm>> -> memref<128x128xf32, #tpu.memory_space<hbm>>
        tpu.wait_dma2 semaphore(%arg14 : memref<!tpu.dma_semaphore, #tpu.memory_space<semaphore_mem>>) src(%dma_wait3A_245 : memref<128x128xf32, #tpu.memory_space<hbm>>) dst(%dma_wait3A_243 : memref<128x128xf32, #tpu.memory_space<vmem_shared>>)
      } else {
      }
      %barrier3A = arith.constant 0 : index
      tpu.barrier barrier_id(%barrier3A)
      %dma_start3A = arith.constant 0 : i32
      %dma_start3A_94 = arith.constant 0 : i32
      %dma_start3A_95 = arith.constant 0 : i32
      %dma_start3A_96 = tpu.memref_slice %arg4[%arg1, %dma_start3A, %dma_start3A_94, %dma_start3A_95] : memref<16x80x2x128xi32, #tpu.memory_space<hbm>> -> memref<1x1x2x128xi32, #tpu.memory_space<hbm>>
      %dma_start3A_97 = tpu.memref_squeeze %dma_start3A_96 : memref<1x1x2x128xi32, #tpu.memory_space<hbm>> -> memref<2x128xi32, #tpu.memory_space<hbm>>
      %dma_start3A_98 = arith.constant 0 : i32
      %dma_start3A_99 = arith.constant 0 : i32
      %dma_start3A_100 = tpu.memref_slice %arg4[%arg1, %dma_start3A, %dma_start3A_98, %dma_start3A_99] : memref<16x80x2x128xi32, #tpu.memory_space<hbm>> -> memref<1x1x2x128xi32, #tpu.memory_space<hbm>>
      %dma_start3A_101 = tpu.memref_squeeze %dma_start3A_100 : memref<1x1x2x128xi32, #tpu.memory_space<hbm>> -> memref<2x128xi32, #tpu.memory_space<hbm>>
      tpu.enqueue_dma source(%dma_start3A_101 : memref<2x128xi32, #tpu.memory_space<hbm>>) target(%arg8 : memref<2x128xi32, #tpu.memory_space<vmem>>) target_semaphore(%arg16 : memref<!tpu.dma_semaphore, #tpu.memory_space<semaphore_mem>>)
      %dma_start3A_102 = arith.constant 1 : i32
      %dma_start3A_103 = arith.constant 0 : i32
      %dma_start3A_104 = arith.constant 0 : i32
      %dma_start3A_105 = tpu.memref_slice %arg4[%arg1, %dma_start3A_102, %dma_start3A_103, %dma_start3A_104] : memref<16x80x2x128xi32, #tpu.memory_space<hbm>> -> memref<1x1x2x128xi32, #tpu.memory_space<hbm>>
      %dma_start3A_106 = tpu.memref_squeeze %dma_start3A_105 : memref<1x1x2x128xi32, #tpu.memory_space<hbm>> -> memref<2x128xi32, #tpu.memory_space<hbm>>
      %dma_start3A_107 = arith.constant 0 : i32
      %dma_start3A_108 = arith.constant 0 : i32
      %dma_start3A_109 = tpu.memref_slice %arg4[%arg1, %dma_start3A_102, %dma_start3A_107, %dma_start3A_108] : memref<16x80x2x128xi32, #tpu.memory_space<hbm>> -> memref<1x1x2x128xi32, #tpu.memory_space<hbm>>
      %dma_start3A_110 = tpu.memref_squeeze %dma_start3A_109 : memref<1x1x2x128xi32, #tpu.memory_space<hbm>> -> memref<2x128xi32, #tpu.memory_space<hbm>>
      tpu.enqueue_dma source(%dma_start3A_110 : memref<2x128xi32, #tpu.memory_space<hbm>>) target(%arg9 : memref<2x128xi32, #tpu.memory_space<vmem>>) target_semaphore(%arg17 : memref<!tpu.dma_semaphore, #tpu.memory_space<semaphore_mem>>)
      %dma_start3A_111 = arith.constant 2 : i32
      %dma_start3A_112 = arith.constant 0 : i32
      %dma_start3A_113 = arith.constant 0 : i32
      %dma_start3A_114 = tpu.memref_slice %arg4[%arg1, %dma_start3A_111, %dma_start3A_112, %dma_start3A_113] : memref<16x80x2x128xi32, #tpu.memory_space<hbm>> -> memref<1x1x2x128xi32, #tpu.memory_space<hbm>>
      %dma_start3A_115 = tpu.memref_squeeze %dma_start3A_114 : memref<1x1x2x128xi32, #tpu.memory_space<hbm>> -> memref<2x128xi32, #tpu.memory_space<hbm>>
      %dma_start3A_116 = arith.constant 0 : i32
      %dma_start3A_117 = arith.constant 0 : i32
      %dma_start3A_118 = tpu.memref_slice %arg4[%arg1, %dma_start3A_111, %dma_start3A_116, %dma_start3A_117] : memref<16x80x2x128xi32, #tpu.memory_space<hbm>> -> memref<1x1x2x128xi32, #tpu.memory_space<hbm>>
      %dma_start3A_119 = tpu.memref_squeeze %dma_start3A_118 : memref<1x1x2x128xi32, #tpu.memory_space<hbm>> -> memref<2x128xi32, #tpu.memory_space<hbm>>
      tpu.enqueue_dma source(%dma_start3A_119 : memref<2x128xi32, #tpu.memory_space<hbm>>) target(%arg10 : memref<2x128xi32, #tpu.memory_space<vmem>>) target_semaphore(%arg18 : memref<!tpu.dma_semaphore, #tpu.memory_space<semaphore_mem>>)
      %dma_start3A_120 = arith.constant 3 : i32
      %dma_start3A_121 = arith.constant 0 : i32
      %dma_start3A_122 = arith.constant 0 : i32
      %dma_start3A_123 = tpu.memref_slice %arg4[%arg1, %dma_start3A_120, %dma_start3A_121, %dma_start3A_122] : memref<16x80x2x128xi32, #tpu.memory_space<hbm>> -> memref<1x1x2x128xi32, #tpu.memory_space<hbm>>
      %dma_start3A_124 = tpu.memref_squeeze %dma_start3A_123 : memref<1x1x2x128xi32, #tpu.memory_space<hbm>> -> memref<2x128xi32, #tpu.memory_space<hbm>>
      %dma_start3A_125 = arith.constant 0 : i32
      %dma_start3A_126 = arith.constant 0 : i32
      %dma_start3A_127 = tpu.memref_slice %arg4[%arg1, %dma_start3A_120, %dma_start3A_125, %dma_start3A_126] : memref<16x80x2x128xi32, #tpu.memory_space<hbm>> -> memref<1x1x2x128xi32, #tpu.memory_space<hbm>>
      %dma_start3A_128 = tpu.memref_squeeze %dma_start3A_127 : memref<1x1x2x128xi32, #tpu.memory_space<hbm>> -> memref<2x128xi32, #tpu.memory_space<hbm>>
      tpu.enqueue_dma source(%dma_start3A_128 : memref<2x128xi32, #tpu.memory_space<hbm>>) target(%arg11 : memref<2x128xi32, #tpu.memory_space<vmem>>) target_semaphore(%arg19 : memref<!tpu.dma_semaphore, #tpu.memory_space<semaphore_mem>>)
      %dma_wait3A = arith.constant 0 : i32
      %dma_wait3A_129 = arith.constant 0 : i32
      %dma_wait3A_130 = arith.constant 0 : i32
      %dma_wait3A_131 = tpu.memref_slice %arg4[%arg1, %dma_wait3A, %dma_wait3A_129, %dma_wait3A_130] : memref<16x80x2x128xi32, #tpu.memory_space<hbm>> -> memref<1x1x2x128xi32, #tpu.memory_space<hbm>>
      %dma_wait3A_132 = tpu.memref_squeeze %dma_wait3A_131 : memref<1x1x2x128xi32, #tpu.memory_space<hbm>> -> memref<2x128xi32, #tpu.memory_space<hbm>>
      %dma_wait3A_133 = arith.constant 0 : i32
      %dma_wait3A_134 = arith.constant 0 : i32
      %dma_wait3A_135 = tpu.memref_slice %arg4[%arg1, %dma_wait3A, %dma_wait3A_133, %dma_wait3A_134] : memref<16x80x2x128xi32, #tpu.memory_space<hbm>> -> memref<1x1x2x128xi32, #tpu.memory_space<hbm>>
      %dma_wait3A_136 = tpu.memref_squeeze %dma_wait3A_135 : memref<1x1x2x128xi32, #tpu.memory_space<hbm>> -> memref<2x128xi32, #tpu.memory_space<hbm>>
      tpu.wait_dma2 semaphore(%arg16 : memref<!tpu.dma_semaphore, #tpu.memory_space<semaphore_mem>>) src(%dma_wait3A_136 : memref<2x128xi32, #tpu.memory_space<hbm>>) dst(%arg8 : memref<2x128xi32, #tpu.memory_space<vmem>>)
      %dma_start3A_137 = arith.constant 0 : i32
      %dma_start3A_138 = arith.constant 0 : i32
      %dma_start3A_139 = tpu.memref_slice %arg8[%dma_start3A_137, %dma_start3A_138] : memref<2x128xi32, #tpu.memory_space<vmem>> -> memref<1x128xi32, #tpu.memory_space<vmem>>
      %dma_start3A_140 = tpu.memref_squeeze %dma_start3A_139 : memref<1x128xi32, #tpu.memory_space<vmem>> -> memref<128xi32, #tpu.memory_space<vmem>>
      %dma_start3A_141 = arith.constant 0 : i32
      %dma_start3A_142 = arith.constant 0 : i32
      %dma_start3A_143 = tpu.memref_slice %arg3[%dma_start3A_141, %dma_start3A_142] : memref<10112x128xf32, #tpu.memory_space<hbm>> -> memref<10112x128xf32, #tpu.memory_space<hbm>>
      tpu.enqueue_indirect_dma source(%dma_start3A_143 : memref<10112x128xf32, #tpu.memory_space<hbm>>) target(%arg12 : memref<128x128xf32, #tpu.memory_space<vmem>>) offsets(%dma_start3A_140 : memref<128xi32, #tpu.memory_space<vmem>>) semaphore(%arg14 : memref<!tpu.dma_semaphore, #tpu.memory_space<semaphore_mem>>)
      %scan3A = arith.constant 0 : i32
      %scan3A_144 = arith.constant 0 : i32
      %scan3A_145 = arith.constant 20 : i32
      %scan3A_146 = arith.addi %scan3A_144, %scan3A_145 : i32
      %scan3A_147 = arith.constant 1 : i32
      scf.for %scan3A_240 = %scan3A_144 to %scan3A_146 step %scan3A_147  : i32 {
        %mul3A_241 = arith.constant 4 : i32
        %mul3A_242 = arith.muli %mul3A_241, %scan3A_240 : i32
        %add3A_243 = arith.constant 1 : i32
        %add3A_244 = arith.addi %mul3A_242, %add3A_243 : i32
        %dma_wait3A_245 = arith.constant 0 : i32
        %dma_wait3A_246 = arith.constant 0 : i32
        %dma_wait3A_247 = tpu.memref_slice %arg4[%arg1, %add3A_244, %dma_wait3A_245, %dma_wait3A_246] : memref<16x80x2x128xi32, #tpu.memory_space<hbm>> -> memref<1x1x2x128xi32, #tpu.memory_space<hbm>>
        %dma_wait3A_248 = tpu.memref_squeeze %dma_wait3A_247 : memref<1x1x2x128xi32, #tpu.memory_space<hbm>> -> memref<2x128xi32, #tpu.memory_space<hbm>>
        %dma_wait3A_249 = arith.constant 0 : i32
        %dma_wait3A_250 = arith.constant 0 : i32
        %dma_wait3A_251 = tpu.memref_slice %arg4[%arg1, %add3A_244, %dma_wait3A_249, %dma_wait3A_250] : memref<16x80x2x128xi32, #tpu.memory_space<hbm>> -> memref<1x1x2x128xi32, #tpu.memory_space<hbm>>
        %dma_wait3A_252 = tpu.memref_squeeze %dma_wait3A_251 : memref<1x1x2x128xi32, #tpu.memory_space<hbm>> -> memref<2x128xi32, #tpu.memory_space<hbm>>
        tpu.wait_dma2 semaphore(%arg17 : memref<!tpu.dma_semaphore, #tpu.memory_space<semaphore_mem>>) src(%dma_wait3A_252 : memref<2x128xi32, #tpu.memory_space<hbm>>) dst(%arg9 : memref<2x128xi32, #tpu.memory_space<vmem>>)
        %dma_start3A_253 = arith.constant 0 : i32
        %dma_start3A_254 = arith.constant 0 : i32
        %dma_start3A_255 = tpu.memref_slice %arg9[%dma_start3A_253, %dma_start3A_254] : memref<2x128xi32, #tpu.memory_space<vmem>> -> memref<1x128xi32, #tpu.memory_space<vmem>>
        %dma_start3A_256 = tpu.memref_squeeze %dma_start3A_255 : memref<1x128xi32, #tpu.memory_space<vmem>> -> memref<128xi32, #tpu.memory_space<vmem>>
        %dma_start3A_257 = arith.constant 0 : i32
        %dma_start3A_258 = arith.constant 0 : i32
        %dma_start3A_259 = tpu.memref_slice %arg3[%dma_start3A_257, %dma_start3A_258] : memref<10112x128xf32, #tpu.memory_space<hbm>> -> memref<10112x128xf32, #tpu.memory_space<hbm>>
        tpu.enqueue_indirect_dma source(%dma_start3A_259 : memref<10112x128xf32, #tpu.memory_space<hbm>>) target(%arg13 : memref<128x128xf32, #tpu.memory_space<vmem>>) offsets(%dma_start3A_256 : memref<128xi32, #tpu.memory_space<vmem>>) semaphore(%arg15 : memref<!tpu.dma_semaphore, #tpu.memory_space<semaphore_mem>>)
        %dma_wait3A_260 = arith.constant 0 : i32
        %dma_wait3A_261 = arith.constant 0 : i32
        %dma_wait3A_262 = tpu.memref_slice %arg8[%dma_wait3A_260, %dma_wait3A_261] : memref<2x128xi32, #tpu.memory_space<vmem>> -> memref<1x128xi32, #tpu.memory_space<vmem>>
        %dma_wait3A_263 = tpu.memref_squeeze %dma_wait3A_262 : memref<1x128xi32, #tpu.memory_space<vmem>> -> memref<128xi32, #tpu.memory_space<vmem>>
        %dma_wait3A_264 = arith.constant 0 : i32
        %dma_wait3A_265 = arith.constant 0 : i32
        %dma_wait3A_266 = tpu.memref_slice %arg3[%dma_wait3A_264, %dma_wait3A_265] : memref<10112x128xf32, #tpu.memory_space<hbm>> -> memref<10112x128xf32, #tpu.memory_space<hbm>>
        tpu.wait_indirect_dma semaphore(%arg14 : memref<!tpu.dma_semaphore, #tpu.memory_space<semaphore_mem>>) src(%dma_wait3A_266 : memref<10112x128xf32, #tpu.memory_space<hbm>>) dst(%arg12 : memref<128x128xf32, #tpu.memory_space<vmem>>)
        %run_scoped3A = arith.constant 1 : i32
        "tpu.region"() ({
          %run_scoped3A_352 = tpu.sem_alloc : memref<!tpu.dma_semaphore, #tpu.memory_space<semaphore_mem>>
          %dma_start3A_353 = arith.constant 0 : i32
          %dma_start3A_354 = tpu.memref_slice %arg8[%run_scoped3A, %dma_start3A_353] : memref<2x128xi32, #tpu.memory_space<vmem>> -> memref<1x128xi32, #tpu.memory_space<vmem>>
          %dma_start3A_355 = tpu.memref_squeeze %dma_start3A_354 : memref<1x128xi32, #tpu.memory_space<vmem>> -> memref<128xi32, #tpu.memory_space<vmem>>
          %dma_start3A_356 = arith.constant 0 : i32
          %dma_start3A_357 = arith.constant 0 : i32
          %dma_start3A_358 = tpu.memref_slice %arg7[%dma_start3A_356, %dma_start3A_357] : memref<10112x128xf32, #tpu.memory_space<vmem_shared>> -> memref<10112x128xf32, #tpu.memory_space<vmem_shared>>
          tpu.enqueue_indirect_dma source(%arg12 : memref<128x128xf32, #tpu.memory_space<vmem>>) target(%dma_start3A_358 : memref<10112x128xf32, #tpu.memory_space<vmem_shared>>) offsets(%dma_start3A_355 : memref<128xi32, #tpu.memory_space<vmem>>) semaphore(%run_scoped3A_352 : memref<!tpu.dma_semaphore, #tpu.memory_space<semaphore_mem>>) {add = true}
          %dma_wait3A_359 = arith.constant 0 : i32
          %dma_wait3A_360 = tpu.memref_slice %arg8[%run_scoped3A, %dma_wait3A_359] : memref<2x128xi32, #tpu.memory_space<vmem>> -> memref<1x128xi32, #tpu.memory_space<vmem>>
          %dma_wait3A_361 = tpu.memref_squeeze %dma_wait3A_360 : memref<1x128xi32, #tpu.memory_space<vmem>> -> memref<128xi32, #tpu.memory_space<vmem>>
          %dma_wait3A_362 = arith.constant 0 : i32
          %dma_wait3A_363 = arith.constant 0 : i32
          %dma_wait3A_364 = tpu.memref_slice %arg7[%dma_wait3A_362, %dma_wait3A_363] : memref<10112x128xf32, #tpu.memory_space<vmem_shared>> -> memref<10112x128xf32, #tpu.memory_space<vmem_shared>>
          tpu.wait_indirect_dma semaphore(%run_scoped3A_352 : memref<!tpu.dma_semaphore, #tpu.memory_space<semaphore_mem>>) src(%arg12 : memref<128x128xf32, #tpu.memory_space<vmem>>) dst(%dma_wait3A_364 : memref<10112x128xf32, #tpu.memory_space<vmem_shared>>)
          tpu.yield
        }) : () -> ()
        %add3A_267 = arith.constant 2 : i32
        %add3A_268 = arith.addi %mul3A_242, %add3A_267 : i32
        %lt3A_269 = arith.constant 80 : i32
        %lt3A_270 = arith.cmpi slt, %add3A_268, %lt3A_269 : i32
        %convert_element_type3A_271 = arith.extui %lt3A_270 : i1 to i32
        %cond3A_272 = arith.constant 0 : i32
        %cond3A_273 = arith.cmpi ne, %convert_element_type3A_271, %cond3A_272 : i32
        scf.if %cond3A_273 {
          %add3A_352 = arith.constant 2 : i32
          %add3A_353 = arith.addi %mul3A_242, %add3A_352 : i32
          %dma_wait3A_354 = arith.constant 0 : i32
          %dma_wait3A_355 = arith.constant 0 : i32
          %dma_wait3A_356 = tpu.memref_slice %arg4[%arg1, %add3A_353, %dma_wait3A_354, %dma_wait3A_355] : memref<16x80x2x128xi32, #tpu.memory_space<hbm>> -> memref<1x1x2x128xi32, #tpu.memory_space<hbm>>
          %dma_wait3A_357 = tpu.memref_squeeze %dma_wait3A_356 : memref<1x1x2x128xi32, #tpu.memory_space<hbm>> -> memref<2x128xi32, #tpu.memory_space<hbm>>
          %dma_wait3A_358 = arith.constant 0 : i32
          %dma_wait3A_359 = arith.constant 0 : i32
          %dma_wait3A_360 = tpu.memref_slice %arg4[%arg1, %add3A_353, %dma_wait3A_358, %dma_wait3A_359] : memref<16x80x2x128xi32, #tpu.memory_space<hbm>> -> memref<1x1x2x128xi32, #tpu.memory_space<hbm>>
          %dma_wait3A_361 = tpu.memref_squeeze %dma_wait3A_360 : memref<1x1x2x128xi32, #tpu.memory_space<hbm>> -> memref<2x128xi32, #tpu.memory_space<hbm>>
          tpu.wait_dma2 semaphore(%arg18 : memref<!tpu.dma_semaphore, #tpu.memory_space<semaphore_mem>>) src(%dma_wait3A_361 : memref<2x128xi32, #tpu.memory_space<hbm>>) dst(%arg10 : memref<2x128xi32, #tpu.memory_space<vmem>>)
          %dma_start3A_362 = arith.constant 0 : i32
          %dma_start3A_363 = arith.constant 0 : i32
          %dma_start3A_364 = tpu.memref_slice %arg10[%dma_start3A_362, %dma_start3A_363] : memref<2x128xi32, #tpu.memory_space<vmem>> -> memref<1x128xi32, #tpu.memory_space<vmem>>
          %dma_start3A_365 = tpu.memref_squeeze %dma_start3A_364 : memref<1x128xi32, #tpu.memory_space<vmem>> -> memref<128xi32, #tpu.memory_space<vmem>>
          %dma_start3A_366 = arith.constant 0 : i32
          %dma_start3A_367 = arith.constant 0 : i32
          %dma_start3A_368 = tpu.memref_slice %arg3[%dma_start3A_366, %dma_start3A_367] : memref<10112x128xf32, #tpu.memory_space<hbm>> -> memref<10112x128xf32, #tpu.memory_space<hbm>>
          tpu.enqueue_indirect_dma source(%dma_start3A_368 : memref<10112x128xf32, #tpu.memory_space<hbm>>) target(%arg12 : memref<128x128xf32, #tpu.memory_space<vmem>>) offsets(%dma_start3A_365 : memref<128xi32, #tpu.memory_space<vmem>>) semaphore(%arg14 : memref<!tpu.dma_semaphore, #tpu.memory_space<semaphore_mem>>)
        } else {
        }
        %add3A_274 = arith.constant 4 : i32
        %add3A_275 = arith.addi %mul3A_242, %add3A_274 : i32
        %lt3A_276 = arith.constant 80 : i32
        %lt3A_277 = arith.cmpi slt, %add3A_275, %lt3A_276 : i32
        %convert_element_type3A_278 = arith.extui %lt3A_277 : i1 to i32
        %cond3A_279 = arith.constant 0 : i32
        %cond3A_280 = arith.cmpi ne, %convert_element_type3A_278, %cond3A_279 : i32
        scf.if %cond3A_280 {
          %add3A_352 = arith.constant 4 : i32
          %add3A_353 = arith.addi %mul3A_242, %add3A_352 : i32
          %dma_start3A_354 = arith.constant 0 : i32
          %dma_start3A_355 = arith.constant 0 : i32
          %dma_start3A_356 = tpu.memref_slice %arg4[%arg1, %add3A_353, %dma_start3A_354, %dma_start3A_355] : memref<16x80x2x128xi32, #tpu.memory_space<hbm>> -> memref<1x1x2x128xi32, #tpu.memory_space<hbm>>
          %dma_start3A_357 = tpu.memref_squeeze %dma_start3A_356 : memref<1x1x2x128xi32, #tpu.memory_space<hbm>> -> memref<2x128xi32, #tpu.memory_space<hbm>>
          %dma_start3A_358 = arith.constant 0 : i32
          %dma_start3A_359 = arith.constant 0 : i32
          %dma_start3A_360 = tpu.memref_slice %arg4[%arg1, %add3A_353, %dma_start3A_358, %dma_start3A_359] : memref<16x80x2x128xi32, #tpu.memory_space<hbm>> -> memref<1x1x2x128xi32, #tpu.memory_space<hbm>>
          %dma_start3A_361 = tpu.memref_squeeze %dma_start3A_360 : memref<1x1x2x128xi32, #tpu.memory_space<hbm>> -> memref<2x128xi32, #tpu.memory_space<hbm>>
          tpu.enqueue_dma source(%dma_start3A_361 : memref<2x128xi32, #tpu.memory_space<hbm>>) target(%arg8 : memref<2x128xi32, #tpu.memory_space<vmem>>) target_semaphore(%arg16 : memref<!tpu.dma_semaphore, #tpu.memory_space<semaphore_mem>>)
        } else {
        }
        %dma_wait3A_281 = arith.constant 0 : i32
        %dma_wait3A_282 = arith.constant 0 : i32
        %dma_wait3A_283 = tpu.memref_slice %arg9[%dma_wait3A_281, %dma_wait3A_282] : memref<2x128xi32, #tpu.memory_space<vmem>> -> memref<1x128xi32, #tpu.memory_space<vmem>>
        %dma_wait3A_284 = tpu.memref_squeeze %dma_wait3A_283 : memref<1x128xi32, #tpu.memory_space<vmem>> -> memref<128xi32, #tpu.memory_space<vmem>>
        %dma_wait3A_285 = arith.constant 0 : i32
        %dma_wait3A_286 = arith.constant 0 : i32
        %dma_wait3A_287 = tpu.memref_slice %arg3[%dma_wait3A_285, %dma_wait3A_286] : memref<10112x128xf32, #tpu.memory_space<hbm>> -> memref<10112x128xf32, #tpu.memory_space<hbm>>
        tpu.wait_indirect_dma semaphore(%arg15 : memref<!tpu.dma_semaphore, #tpu.memory_space<semaphore_mem>>) src(%dma_wait3A_287 : memref<10112x128xf32, #tpu.memory_space<hbm>>) dst(%arg13 : memref<128x128xf32, #tpu.memory_space<vmem>>)
        %run_scoped3A_288 = arith.constant 1 : i32
        "tpu.region"() ({
          %run_scoped3A_352 = tpu.sem_alloc : memref<!tpu.dma_semaphore, #tpu.memory_space<semaphore_mem>>
          %dma_start3A_353 = arith.constant 0 : i32
          %dma_start3A_354 = tpu.memref_slice %arg9[%run_scoped3A_288, %dma_start3A_353] : memref<2x128xi32, #tpu.memory_space<vmem>> -> memref<1x128xi32, #tpu.memory_space<vmem>>
          %dma_start3A_355 = tpu.memref_squeeze %dma_start3A_354 : memref<1x128xi32, #tpu.memory_space<vmem>> -> memref<128xi32, #tpu.memory_space<vmem>>
          %dma_start3A_356 = arith.constant 0 : i32
          %dma_start3A_357 = arith.constant 0 : i32
          %dma_start3A_358 = tpu.memref_slice %arg7[%dma_start3A_356, %dma_start3A_357] : memref<10112x128xf32, #tpu.memory_space<vmem_shared>> -> memref<10112x128xf32, #tpu.memory_space<vmem_shared>>
          tpu.enqueue_indirect_dma source(%arg13 : memref<128x128xf32, #tpu.memory_space<vmem>>) target(%dma_start3A_358 : memref<10112x128xf32, #tpu.memory_space<vmem_shared>>) offsets(%dma_start3A_355 : memref<128xi32, #tpu.memory_space<vmem>>) semaphore(%run_scoped3A_352 : memref<!tpu.dma_semaphore, #tpu.memory_space<semaphore_mem>>) {add = true}
          %dma_wait3A_359 = arith.constant 0 : i32
          %dma_wait3A_360 = tpu.memref_slice %arg9[%run_scoped3A_288, %dma_wait3A_359] : memref<2x128xi32, #tpu.memory_space<vmem>> -> memref<1x128xi32, #tpu.memory_space<vmem>>
          %dma_wait3A_361 = tpu.memref_squeeze %dma_wait3A_360 : memref<1x128xi32, #tpu.memory_space<vmem>> -> memref<128xi32, #tpu.memory_space<vmem>>
          %dma_wait3A_362 = arith.constant 0 : i32
          %dma_wait3A_363 = arith.constant 0 : i32
          %dma_wait3A_364 = tpu.memref_slice %arg7[%dma_wait3A_362, %dma_wait3A_363] : memref<10112x128xf32, #tpu.memory_space<vmem_shared>> -> memref<10112x128xf32, #tpu.memory_space<vmem_shared>>
          tpu.wait_indirect_dma semaphore(%run_scoped3A_352 : memref<!tpu.dma_semaphore, #tpu.memory_space<semaphore_mem>>) src(%arg13 : memref<128x128xf32, #tpu.memory_space<vmem>>) dst(%dma_wait3A_364 : memref<10112x128xf32, #tpu.memory_space<vmem_shared>>)
          tpu.yield
        }) : () -> ()
        %add3A_289 = arith.constant 5 : i32
        %add3A_290 = arith.addi %mul3A_242, %add3A_289 : i32
        %lt3A_291 = arith.constant 80 : i32
        %lt3A_292 = arith.cmpi slt, %add3A_290, %lt3A_291 : i32
        %convert_element_type3A_293 = arith.extui %lt3A_292 : i1 to i32
        %cond3A_294 = arith.constant 0 : i32
        %cond3A_295 = arith.cmpi ne, %convert_element_type3A_293, %cond3A_294 : i32
        scf.if %cond3A_295 {
          %add3A_352 = arith.constant 5 : i32
          %add3A_353 = arith.addi %mul3A_242, %add3A_352 : i32
          %dma_start3A_354 = arith.constant 0 : i32
          %dma_start3A_355 = arith.constant 0 : i32
          %dma_start3A_356 = tpu.memref_slice %arg4[%arg1, %add3A_353, %dma_start3A_354, %dma_start3A_355] : memref<16x80x2x128xi32, #tpu.memory_space<hbm>> -> memref<1x1x2x128xi32, #tpu.memory_space<hbm>>
          %dma_start3A_357 = tpu.memref_squeeze %dma_start3A_356 : memref<1x1x2x128xi32, #tpu.memory_space<hbm>> -> memref<2x128xi32, #tpu.memory_space<hbm>>
          %dma_start3A_358 = arith.constant 0 : i32
          %dma_start3A_359 = arith.constant 0 : i32
          %dma_start3A_360 = tpu.memref_slice %arg4[%arg1, %add3A_353, %dma_start3A_358, %dma_start3A_359] : memref<16x80x2x128xi32, #tpu.memory_space<hbm>> -> memref<1x1x2x128xi32, #tpu.memory_space<hbm>>
          %dma_start3A_361 = tpu.memref_squeeze %dma_start3A_360 : memref<1x1x2x128xi32, #tpu.memory_space<hbm>> -> memref<2x128xi32, #tpu.memory_space<hbm>>
          tpu.enqueue_dma source(%dma_start3A_361 : memref<2x128xi32, #tpu.memory_space<hbm>>) target(%arg9 : memref<2x128xi32, #tpu.memory_space<vmem>>) target_semaphore(%arg17 : memref<!tpu.dma_semaphore, #tpu.memory_space<semaphore_mem>>)
        } else {
        }
        %add3A_296 = arith.constant 2 : i32
        %add3A_297 = arith.addi %mul3A_242, %add3A_296 : i32
        %add3A_298 = arith.constant 1 : i32
        %add3A_299 = arith.addi %add3A_297, %add3A_298 : i32
        %dma_wait3A_300 = arith.constant 0 : i32
        %dma_wait3A_301 = arith.constant 0 : i32
        %dma_wait3A_302 = tpu.memref_slice %arg4[%arg1, %add3A_299, %dma_wait3A_300, %dma_wait3A_301] : memref<16x80x2x128xi32, #tpu.memory_space<hbm>> -> memref<1x1x2x128xi32, #tpu.memory_space<hbm>>
        %dma_wait3A_303 = tpu.memref_squeeze %dma_wait3A_302 : memref<1x1x2x128xi32, #tpu.memory_space<hbm>> -> memref<2x128xi32, #tpu.memory_space<hbm>>
        %dma_wait3A_304 = arith.constant 0 : i32
        %dma_wait3A_305 = arith.constant 0 : i32
        %dma_wait3A_306 = tpu.memref_slice %arg4[%arg1, %add3A_299, %dma_wait3A_304, %dma_wait3A_305] : memref<16x80x2x128xi32, #tpu.memory_space<hbm>> -> memref<1x1x2x128xi32, #tpu.memory_space<hbm>>
        %dma_wait3A_307 = tpu.memref_squeeze %dma_wait3A_306 : memref<1x1x2x128xi32, #tpu.memory_space<hbm>> -> memref<2x128xi32, #tpu.memory_space<hbm>>
        tpu.wait_dma2 semaphore(%arg19 : memref<!tpu.dma_semaphore, #tpu.memory_space<semaphore_mem>>) src(%dma_wait3A_307 : memref<2x128xi32, #tpu.memory_space<hbm>>) dst(%arg11 : memref<2x128xi32, #tpu.memory_space<vmem>>)
        %dma_start3A_308 = arith.constant 0 : i32
        %dma_start3A_309 = arith.constant 0 : i32
        %dma_start3A_310 = tpu.memref_slice %arg11[%dma_start3A_308, %dma_start3A_309] : memref<2x128xi32, #tpu.memory_space<vmem>> -> memref<1x128xi32, #tpu.memory_space<vmem>>
        %dma_start3A_311 = tpu.memref_squeeze %dma_start3A_310 : memref<1x128xi32, #tpu.memory_space<vmem>> -> memref<128xi32, #tpu.memory_space<vmem>>
        %dma_start3A_312 = arith.constant 0 : i32
        %dma_start3A_313 = arith.constant 0 : i32
        %dma_start3A_314 = tpu.memref_slice %arg3[%dma_start3A_312, %dma_start3A_313] : memref<10112x128xf32, #tpu.memory_space<hbm>> -> memref<10112x128xf32, #tpu.memory_space<hbm>>
        tpu.enqueue_indirect_dma source(%dma_start3A_314 : memref<10112x128xf32, #tpu.memory_space<hbm>>) target(%arg13 : memref<128x128xf32, #tpu.memory_space<vmem>>) offsets(%dma_start3A_311 : memref<128xi32, #tpu.memory_space<vmem>>) semaphore(%arg15 : memref<!tpu.dma_semaphore, #tpu.memory_space<semaphore_mem>>)
        %dma_wait3A_315 = arith.constant 0 : i32
        %dma_wait3A_316 = arith.constant 0 : i32
        %dma_wait3A_317 = tpu.memref_slice %arg10[%dma_wait3A_315, %dma_wait3A_316] : memref<2x128xi32, #tpu.memory_space<vmem>> -> memref<1x128xi32, #tpu.memory_space<vmem>>
        %dma_wait3A_318 = tpu.memref_squeeze %dma_wait3A_317 : memref<1x128xi32, #tpu.memory_space<vmem>> -> memref<128xi32, #tpu.memory_space<vmem>>
        %dma_wait3A_319 = arith.constant 0 : i32
        %dma_wait3A_320 = arith.constant 0 : i32
        %dma_wait3A_321 = tpu.memref_slice %arg3[%dma_wait3A_319, %dma_wait3A_320] : memref<10112x128xf32, #tpu.memory_space<hbm>> -> memref<10112x128xf32, #tpu.memory_space<hbm>>
        tpu.wait_indirect_dma semaphore(%arg14 : memref<!tpu.dma_semaphore, #tpu.memory_space<semaphore_mem>>) src(%dma_wait3A_321 : memref<10112x128xf32, #tpu.memory_space<hbm>>) dst(%arg12 : memref<128x128xf32, #tpu.memory_space<vmem>>)
        %run_scoped3A_322 = arith.constant 1 : i32
        "tpu.region"() ({
          %run_scoped3A_352 = tpu.sem_alloc : memref<!tpu.dma_semaphore, #tpu.memory_space<semaphore_mem>>
          %dma_start3A_353 = arith.constant 0 : i32
          %dma_start3A_354 = tpu.memref_slice %arg10[%run_scoped3A_322, %dma_start3A_353] : memref<2x128xi32, #tpu.memory_space<vmem>> -> memref<1x128xi32, #tpu.memory_space<vmem>>
          %dma_start3A_355 = tpu.memref_squeeze %dma_start3A_354 : memref<1x128xi32, #tpu.memory_space<vmem>> -> memref<128xi32, #tpu.memory_space<vmem>>
          %dma_start3A_356 = arith.constant 0 : i32
          %dma_start3A_357 = arith.constant 0 : i32
          %dma_start3A_358 = tpu.memref_slice %arg7[%dma_start3A_356, %dma_start3A_357] : memref<10112x128xf32, #tpu.memory_space<vmem_shared>> -> memref<10112x128xf32, #tpu.memory_space<vmem_shared>>
          tpu.enqueue_indirect_dma source(%arg12 : memref<128x128xf32, #tpu.memory_space<vmem>>) target(%dma_start3A_358 : memref<10112x128xf32, #tpu.memory_space<vmem_shared>>) offsets(%dma_start3A_355 : memref<128xi32, #tpu.memory_space<vmem>>) semaphore(%run_scoped3A_352 : memref<!tpu.dma_semaphore, #tpu.memory_space<semaphore_mem>>) {add = true}
          %dma_wait3A_359 = arith.constant 0 : i32
          %dma_wait3A_360 = tpu.memref_slice %arg10[%run_scoped3A_322, %dma_wait3A_359] : memref<2x128xi32, #tpu.memory_space<vmem>> -> memref<1x128xi32, #tpu.memory_space<vmem>>
          %dma_wait3A_361 = tpu.memref_squeeze %dma_wait3A_360 : memref<1x128xi32, #tpu.memory_space<vmem>> -> memref<128xi32, #tpu.memory_space<vmem>>
          %dma_wait3A_362 = arith.constant 0 : i32
          %dma_wait3A_363 = arith.constant 0 : i32
          %dma_wait3A_364 = tpu.memref_slice %arg7[%dma_wait3A_362, %dma_wait3A_363] : memref<10112x128xf32, #tpu.memory_space<vmem_shared>> -> memref<10112x128xf32, #tpu.memory_space<vmem_shared>>
          tpu.wait_indirect_dma semaphore(%run_scoped3A_352 : memref<!tpu.dma_semaphore, #tpu.memory_space<semaphore_mem>>) src(%arg12 : memref<128x128xf32, #tpu.memory_space<vmem>>) dst(%dma_wait3A_364 : memref<10112x128xf32, #tpu.memory_space<vmem_shared>>)
          tpu.yield
        }) : () -> ()
        %add3A_323 = arith.constant 2 : i32
        %add3A_324 = arith.addi %add3A_297, %add3A_323 : i32
        %lt3A_325 = arith.constant 80 : i32
        %lt3A_326 = arith.cmpi slt, %add3A_324, %lt3A_325 : i32
        %convert_element_type3A_327 = arith.extui %lt3A_326 : i1 to i32
        %cond3A_328 = arith.constant 0 : i32
        %cond3A_329 = arith.cmpi ne, %convert_element_type3A_327, %cond3A_328 : i32
        scf.if %cond3A_329 {
          %add3A_352 = arith.constant 2 : i32
          %add3A_353 = arith.addi %add3A_297, %add3A_352 : i32
          %dma_wait3A_354 = arith.constant 0 : i32
          %dma_wait3A_355 = arith.constant 0 : i32
          %dma_wait3A_356 = tpu.memref_slice %arg4[%arg1, %add3A_353, %dma_wait3A_354, %dma_wait3A_355] : memref<16x80x2x128xi32, #tpu.memory_space<hbm>> -> memref<1x1x2x128xi32, #tpu.memory_space<hbm>>
          %dma_wait3A_357 = tpu.memref_squeeze %dma_wait3A_356 : memref<1x1x2x128xi32, #tpu.memory_space<hbm>> -> memref<2x128xi32, #tpu.memory_space<hbm>>
          %dma_wait3A_358 = arith.constant 0 : i32
          %dma_wait3A_359 = arith.constant 0 : i32
          %dma_wait3A_360 = tpu.memref_slice %arg4[%arg1, %add3A_353, %dma_wait3A_358, %dma_wait3A_359] : memref<16x80x2x128xi32, #tpu.memory_space<hbm>> -> memref<1x1x2x128xi32, #tpu.memory_space<hbm>>
          %dma_wait3A_361 = tpu.memref_squeeze %dma_wait3A_360 : memref<1x1x2x128xi32, #tpu.memory_space<hbm>> -> memref<2x128xi32, #tpu.memory_space<hbm>>
          tpu.wait_dma2 semaphore(%arg16 : memref<!tpu.dma_semaphore, #tpu.memory_space<semaphore_mem>>) src(%dma_wait3A_361 : memref<2x128xi32, #tpu.memory_space<hbm>>) dst(%arg8 : memref<2x128xi32, #tpu.memory_space<vmem>>)
          %dma_start3A_362 = arith.constant 0 : i32
          %dma_start3A_363 = arith.constant 0 : i32
          %dma_start3A_364 = tpu.memref_slice %arg8[%dma_start3A_362, %dma_start3A_363] : memref<2x128xi32, #tpu.memory_space<vmem>> -> memref<1x128xi32, #tpu.memory_space<vmem>>
          %dma_start3A_365 = tpu.memref_squeeze %dma_start3A_364 : memref<1x128xi32, #tpu.memory_space<vmem>> -> memref<128xi32, #tpu.memory_space<vmem>>
          %dma_start3A_366 = arith.constant 0 : i32
          %dma_start3A_367 = arith.constant 0 : i32
          %dma_start3A_368 = tpu.memref_slice %arg3[%dma_start3A_366, %dma_start3A_367] : memref<10112x128xf32, #tpu.memory_space<hbm>> -> memref<10112x128xf32, #tpu.memory_space<hbm>>
          tpu.enqueue_indirect_dma source(%dma_start3A_368 : memref<10112x128xf32, #tpu.memory_space<hbm>>) target(%arg12 : memref<128x128xf32, #tpu.memory_space<vmem>>) offsets(%dma_start3A_365 : memref<128xi32, #tpu.memory_space<vmem>>) semaphore(%arg14 : memref<!tpu.dma_semaphore, #tpu.memory_space<semaphore_mem>>)
        } else {
        }
        %add3A_330 = arith.constant 4 : i32
        %add3A_331 = arith.addi %add3A_297, %add3A_330 : i32
        %lt3A_332 = arith.constant 80 : i32
        %lt3A_333 = arith.cmpi slt, %add3A_331, %lt3A_332 : i32
        %convert_element_type3A_334 = arith.extui %lt3A_333 : i1 to i32
        %cond3A_335 = arith.constant 0 : i32
        %cond3A_336 = arith.cmpi ne, %convert_element_type3A_334, %cond3A_335 : i32
        scf.if %cond3A_336 {
          %add3A_352 = arith.constant 4 : i32
          %add3A_353 = arith.addi %add3A_297, %add3A_352 : i32
          %dma_start3A_354 = arith.constant 0 : i32
          %dma_start3A_355 = arith.constant 0 : i32
          %dma_start3A_356 = tpu.memref_slice %arg4[%arg1, %add3A_353, %dma_start3A_354, %dma_start3A_355] : memref<16x80x2x128xi32, #tpu.memory_space<hbm>> -> memref<1x1x2x128xi32, #tpu.memory_space<hbm>>
          %dma_start3A_357 = tpu.memref_squeeze %dma_start3A_356 : memref<1x1x2x128xi32, #tpu.memory_space<hbm>> -> memref<2x128xi32, #tpu.memory_space<hbm>>
          %dma_start3A_358 = arith.constant 0 : i32
          %dma_start3A_359 = arith.constant 0 : i32
          %dma_start3A_360 = tpu.memref_slice %arg4[%arg1, %add3A_353, %dma_start3A_358, %dma_start3A_359] : memref<16x80x2x128xi32, #tpu.memory_space<hbm>> -> memref<1x1x2x128xi32, #tpu.memory_space<hbm>>
          %dma_start3A_361 = tpu.memref_squeeze %dma_start3A_360 : memref<1x1x2x128xi32, #tpu.memory_space<hbm>> -> memref<2x128xi32, #tpu.memory_space<hbm>>
          tpu.enqueue_dma source(%dma_start3A_361 : memref<2x128xi32, #tpu.memory_space<hbm>>) target(%arg10 : memref<2x128xi32, #tpu.memory_space<vmem>>) target_semaphore(%arg18 : memref<!tpu.dma_semaphore, #tpu.memory_space<semaphore_mem>>)
        } else {
        }
        %dma_wait3A_337 = arith.constant 0 : i32
        %dma_wait3A_338 = arith.constant 0 : i32
        %dma_wait3A_339 = tpu.memref_slice %arg11[%dma_wait3A_337, %dma_wait3A_338] : memref<2x128xi32, #tpu.memory_space<vmem>> -> memref<1x128xi32, #tpu.memory_space<vmem>>
        %dma_wait3A_340 = tpu.memref_squeeze %dma_wait3A_339 : memref<1x128xi32, #tpu.memory_space<vmem>> -> memref<128xi32, #tpu.memory_space<vmem>>
        %dma_wait3A_341 = arith.constant 0 : i32
        %dma_wait3A_342 = arith.constant 0 : i32
        %dma_wait3A_343 = tpu.memref_slice %arg3[%dma_wait3A_341, %dma_wait3A_342] : memref<10112x128xf32, #tpu.memory_space<hbm>> -> memref<10112x128xf32, #tpu.memory_space<hbm>>
        tpu.wait_indirect_dma semaphore(%arg15 : memref<!tpu.dma_semaphore, #tpu.memory_space<semaphore_mem>>) src(%dma_wait3A_343 : memref<10112x128xf32, #tpu.memory_space<hbm>>) dst(%arg13 : memref<128x128xf32, #tpu.memory_space<vmem>>)
        %run_scoped3A_344 = arith.constant 1 : i32
        "tpu.region"() ({
          %run_scoped3A_352 = tpu.sem_alloc : memref<!tpu.dma_semaphore, #tpu.memory_space<semaphore_mem>>
          %dma_start3A_353 = arith.constant 0 : i32
          %dma_start3A_354 = tpu.memref_slice %arg11[%run_scoped3A_344, %dma_start3A_353] : memref<2x128xi32, #tpu.memory_space<vmem>> -> memref<1x128xi32, #tpu.memory_space<vmem>>
          %dma_start3A_355 = tpu.memref_squeeze %dma_start3A_354 : memref<1x128xi32, #tpu.memory_space<vmem>> -> memref<128xi32, #tpu.memory_space<vmem>>
          %dma_start3A_356 = arith.constant 0 : i32
          %dma_start3A_357 = arith.constant 0 : i32
          %dma_start3A_358 = tpu.memref_slice %arg7[%dma_start3A_356, %dma_start3A_357] : memref<10112x128xf32, #tpu.memory_space<vmem_shared>> -> memref<10112x128xf32, #tpu.memory_space<vmem_shared>>
          tpu.enqueue_indirect_dma source(%arg13 : memref<128x128xf32, #tpu.memory_space<vmem>>) target(%dma_start3A_358 : memref<10112x128xf32, #tpu.memory_space<vmem_shared>>) offsets(%dma_start3A_355 : memref<128xi32, #tpu.memory_space<vmem>>) semaphore(%run_scoped3A_352 : memref<!tpu.dma_semaphore, #tpu.memory_space<semaphore_mem>>) {add = true}
          %dma_wait3A_359 = arith.constant 0 : i32
          %dma_wait3A_360 = tpu.memref_slice %arg11[%run_scoped3A_344, %dma_wait3A_359] : memref<2x128xi32, #tpu.memory_space<vmem>> -> memref<1x128xi32, #tpu.memory_space<vmem>>
          %dma_wait3A_361 = tpu.memref_squeeze %dma_wait3A_360 : memref<1x128xi32, #tpu.memory_space<vmem>> -> memref<128xi32, #tpu.memory_space<vmem>>
          %dma_wait3A_362 = arith.constant 0 : i32
          %dma_wait3A_363 = arith.constant 0 : i32
          %dma_wait3A_364 = tpu.memref_slice %arg7[%dma_wait3A_362, %dma_wait3A_363] : memref<10112x128xf32, #tpu.memory_space<vmem_shared>> -> memref<10112x128xf32, #tpu.memory_space<vmem_shared>>
          tpu.wait_indirect_dma semaphore(%run_scoped3A_352 : memref<!tpu.dma_semaphore, #tpu.memory_space<semaphore_mem>>) src(%arg13 : memref<128x128xf32, #tpu.memory_space<vmem>>) dst(%dma_wait3A_364 : memref<10112x128xf32, #tpu.memory_space<vmem_shared>>)
          tpu.yield
        }) : () -> ()
        %add3A_345 = arith.constant 5 : i32
        %add3A_346 = arith.addi %add3A_297, %add3A_345 : i32
        %lt3A_347 = arith.constant 80 : i32
        %lt3A_348 = arith.cmpi slt, %add3A_346, %lt3A_347 : i32
        %convert_element_type3A_349 = arith.extui %lt3A_348 : i1 to i32
        %cond3A_350 = arith.constant 0 : i32
        %cond3A_351 = arith.cmpi ne, %convert_element_type3A_349, %cond3A_350 : i32
        scf.if %cond3A_351 {
          %add3A_352 = arith.constant 5 : i32
          %add3A_353 = arith.addi %add3A_297, %add3A_352 : i32
          %dma_start3A_354 = arith.constant 0 : i32
          %dma_start3A_355 = arith.constant 0 : i32
          %dma_start3A_356 = tpu.memref_slice %arg4[%arg1, %add3A_353, %dma_start3A_354, %dma_start3A_355] : memref<16x80x2x128xi32, #tpu.memory_space<hbm>> -> memref<1x1x2x128xi32, #tpu.memory_space<hbm>>
          %dma_start3A_357 = tpu.memref_squeeze %dma_start3A_356 : memref<1x1x2x128xi32, #tpu.memory_space<hbm>> -> memref<2x128xi32, #tpu.memory_space<hbm>>
          %dma_start3A_358 = arith.constant 0 : i32
          %dma_start3A_359 = arith.constant 0 : i32
          %dma_start3A_360 = tpu.memref_slice %arg4[%arg1, %add3A_353, %dma_start3A_358, %dma_start3A_359] : memref<16x80x2x128xi32, #tpu.memory_space<hbm>> -> memref<1x1x2x128xi32, #tpu.memory_space<hbm>>
          %dma_start3A_361 = tpu.memref_squeeze %dma_start3A_360 : memref<1x1x2x128xi32, #tpu.memory_space<hbm>> -> memref<2x128xi32, #tpu.memory_space<hbm>>
          tpu.enqueue_dma source(%dma_start3A_361 : memref<2x128xi32, #tpu.memory_space<hbm>>) target(%arg11 : memref<2x128xi32, #tpu.memory_space<vmem>>) target_semaphore(%arg19 : memref<!tpu.dma_semaphore, #tpu.memory_space<semaphore_mem>>)
        } else {
        }
      }
      %scan3A_148 = arith.constant 20 : i32
      %barrier3A_149 = arith.constant 0 : index
      tpu.barrier barrier_id(%barrier3A_149)
      %mul3A_150 = arith.constant 5 : i32
      %mul3A_151 = arith.muli %arg1, %mul3A_150 : i32
      %add3A_152 = arith.constant 0 : i32
      %add3A_153 = arith.addi %mul3A_151, %add3A_152 : i32
      %lt3A_154 = arith.constant 79 : i32
      %lt3A_155 = arith.cmpi slt, %add3A_153, %lt3A_154 : i32
      %convert_element_type3A_156 = arith.extui %lt3A_155 : i1 to i32
      %cond3A_157 = arith.constant 0 : i32
      %cond3A_158 = arith.cmpi ne, %convert_element_type3A_156, %cond3A_157 : i32
      scf.if %cond3A_158 {
        %mul3A_240 = arith.constant 128 : i32
        %mul3A_241 = arith.muli %add3A_153, %mul3A_240 : i32
        %dma_start3A_242 = arith.constant 0 : i32
        %dma_start3A_243 = tpu.memref_slice %arg6[%mul3A_241, %dma_start3A_242] : memref<10112x128xf32, #tpu.memory_space<hbm>> -> memref<128x128xf32, #tpu.memory_space<hbm>>
        %dma_start3A_244 = arith.constant 0 : i32
        %dma_start3A_245 = tpu.memref_slice %arg7[%mul3A_241, %dma_start3A_244] : memref<10112x128xf32, #tpu.memory_space<vmem_shared>> -> memref<128x128xf32, #tpu.memory_space<vmem_shared>>
        tpu.enqueue_dma source(%dma_start3A_245 : memref<128x128xf32, #tpu.memory_space<vmem_shared>>) target(%dma_start3A_243 : memref<128x128xf32, #tpu.memory_space<hbm>>) target_semaphore(%arg14 : memref<!tpu.dma_semaphore, #tpu.memory_space<semaphore_mem>>)
      } else {
      }
      %mul3A_159 = arith.constant 5 : i32
      %mul3A_160 = arith.muli %arg1, %mul3A_159 : i32
      %add3A_161 = arith.constant 1 : i32
      %add3A_162 = arith.addi %mul3A_160, %add3A_161 : i32
      %lt3A_163 = arith.constant 79 : i32
      %lt3A_164 = arith.cmpi slt, %add3A_162, %lt3A_163 : i32
      %convert_element_type3A_165 = arith.extui %lt3A_164 : i1 to i32
      %cond3A_166 = arith.constant 0 : i32
      %cond3A_167 = arith.cmpi ne, %convert_element_type3A_165, %cond3A_166 : i32
      scf.if %cond3A_167 {
        %mul3A_240 = arith.constant 128 : i32
        %mul3A_241 = arith.muli %add3A_162, %mul3A_240 : i32
        %dma_start3A_242 = arith.constant 0 : i32
        %dma_start3A_243 = tpu.memref_slice %arg6[%mul3A_241, %dma_start3A_242] : memref<10112x128xf32, #tpu.memory_space<hbm>> -> memref<128x128xf32, #tpu.memory_space<hbm>>
        %dma_start3A_244 = arith.constant 0 : i32
        %dma_start3A_245 = tpu.memref_slice %arg7[%mul3A_241, %dma_start3A_244] : memref<10112x128xf32, #tpu.memory_space<vmem_shared>> -> memref<128x128xf32, #tpu.memory_space<vmem_shared>>
        tpu.enqueue_dma source(%dma_start3A_245 : memref<128x128xf32, #tpu.memory_space<vmem_shared>>) target(%dma_start3A_243 : memref<128x128xf32, #tpu.memory_space<hbm>>) target_semaphore(%arg14 : memref<!tpu.dma_semaphore, #tpu.memory_space<semaphore_mem>>)
      } else {
      }
      %mul3A_168 = arith.constant 5 : i32
      %mul3A_169 = arith.muli %arg1, %mul3A_168 : i32
      %add3A_170 = arith.constant 2 : i32
      %add3A_171 = arith.addi %mul3A_169, %add3A_170 : i32
      %lt3A_172 = arith.constant 79 : i32
      %lt3A_173 = arith.cmpi slt, %add3A_171, %lt3A_172 : i32
      %convert_element_type3A_174 = arith.extui %lt3A_173 : i1 to i32
      %cond3A_175 = arith.constant 0 : i32
      %cond3A_176 = arith.cmpi ne, %convert_element_type3A_174, %cond3A_175 : i32
      scf.if %cond3A_176 {
        %mul3A_240 = arith.constant 128 : i32
        %mul3A_241 = arith.muli %add3A_171, %mul3A_240 : i32
        %dma_start3A_242 = arith.constant 0 : i32
        %dma_start3A_243 = tpu.memref_slice %arg6[%mul3A_241, %dma_start3A_242] : memref<10112x128xf32, #tpu.memory_space<hbm>> -> memref<128x128xf32, #tpu.memory_space<hbm>>
        %dma_start3A_244 = arith.constant 0 : i32
        %dma_start3A_245 = tpu.memref_slice %arg7[%mul3A_241, %dma_start3A_244] : memref<10112x128xf32, #tpu.memory_space<vmem_shared>> -> memref<128x128xf32, #tpu.memory_space<vmem_shared>>
        tpu.enqueue_dma source(%dma_start3A_245 : memref<128x128xf32, #tpu.memory_space<vmem_shared>>) target(%dma_start3A_243 : memref<128x128xf32, #tpu.memory_space<hbm>>) target_semaphore(%arg14 : memref<!tpu.dma_semaphore, #tpu.memory_space<semaphore_mem>>)
      } else {
      }
      %mul3A_177 = arith.constant 5 : i32
      %mul3A_178 = arith.muli %arg1, %mul3A_177 : i32
      %add3A_179 = arith.constant 3 : i32
      %add3A_180 = arith.addi %mul3A_178, %add3A_179 : i32
      %lt3A_181 = arith.constant 79 : i32
      %lt3A_182 = arith.cmpi slt, %add3A_180, %lt3A_181 : i32
      %convert_element_type3A_183 = arith.extui %lt3A_182 : i1 to i32
      %cond3A_184 = arith.constant 0 : i32
      %cond3A_185 = arith.cmpi ne, %convert_element_type3A_183, %cond3A_184 : i32
      scf.if %cond3A_185 {
        %mul3A_240 = arith.constant 128 : i32
        %mul3A_241 = arith.muli %add3A_180, %mul3A_240 : i32
        %dma_start3A_242 = arith.constant 0 : i32
        %dma_start3A_243 = tpu.memref_slice %arg6[%mul3A_241, %dma_start3A_242] : memref<10112x128xf32, #tpu.memory_space<hbm>> -> memref<128x128xf32, #tpu.memory_space<hbm>>
        %dma_start3A_244 = arith.constant 0 : i32
        %dma_start3A_245 = tpu.memref_slice %arg7[%mul3A_241, %dma_start3A_244] : memref<10112x128xf32, #tpu.memory_space<vmem_shared>> -> memref<128x128xf32, #tpu.memory_space<vmem_shared>>
        tpu.enqueue_dma source(%dma_start3A_245 : memref<128x128xf32, #tpu.memory_space<vmem_shared>>) target(%dma_start3A_243 : memref<128x128xf32, #tpu.memory_space<hbm>>) target_semaphore(%arg14 : memref<!tpu.dma_semaphore, #tpu.memory_space<semaphore_mem>>)
      } else {
      }
      %mul3A_186 = arith.constant 5 : i32
      %mul3A_187 = arith.muli %arg1, %mul3A_186 : i32
      %add3A_188 = arith.constant 4 : i32
      %add3A_189 = arith.addi %mul3A_187, %add3A_188 : i32
      %lt3A_190 = arith.constant 79 : i32
      %lt3A_191 = arith.cmpi slt, %add3A_189, %lt3A_190 : i32
      %convert_element_type3A_192 = arith.extui %lt3A_191 : i1 to i32
      %cond3A_193 = arith.constant 0 : i32
      %cond3A_194 = arith.cmpi ne, %convert_element_type3A_192, %cond3A_193 : i32
      scf.if %cond3A_194 {
        %mul3A_240 = arith.constant 128 : i32
        %mul3A_241 = arith.muli %add3A_189, %mul3A_240 : i32
        %dma_start3A_242 = arith.constant 0 : i32
        %dma_start3A_243 = tpu.memref_slice %arg6[%mul3A_241, %dma_start3A_242] : memref<10112x128xf32, #tpu.memory_space<hbm>> -> memref<128x128xf32, #tpu.memory_space<hbm>>
        %dma_start3A_244 = arith.constant 0 : i32
        %dma_start3A_245 = tpu.memref_slice %arg7[%mul3A_241, %dma_start3A_244] : memref<10112x128xf32, #tpu.memory_space<vmem_shared>> -> memref<128x128xf32, #tpu.memory_space<vmem_shared>>
        tpu.enqueue_dma source(%dma_start3A_245 : memref<128x128xf32, #tpu.memory_space<vmem_shared>>) target(%dma_start3A_243 : memref<128x128xf32, #tpu.memory_space<hbm>>) target_semaphore(%arg14 : memref<!tpu.dma_semaphore, #tpu.memory_space<semaphore_mem>>)
      } else {
      }
      %mul3A_195 = arith.constant 5 : i32
      %mul3A_196 = arith.muli %arg1, %mul3A_195 : i32
      %add3A_197 = arith.constant 0 : i32
      %add3A_198 = arith.addi %mul3A_196, %add3A_197 : i32
      %lt3A_199 = arith.constant 79 : i32
      %lt3A_200 = arith.cmpi slt, %add3A_198, %lt3A_199 : i32
      %convert_element_type3A_201 = arith.extui %lt3A_200 : i1 to i32
      %cond3A_202 = arith.constant 0 : i32
      %cond3A_203 = arith.cmpi ne, %convert_element_type3A_201, %cond3A_202 : i32
      scf.if %cond3A_203 {
        %mul3A_240 = arith.constant 128 : i32
        %mul3A_241 = arith.muli %add3A_198, %mul3A_240 : i32
        %dma_wait3A_242 = arith.constant 0 : i32
        %dma_wait3A_243 = tpu.memref_slice %arg6[%mul3A_241, %dma_wait3A_242] : memref<10112x128xf32, #tpu.memory_space<hbm>> -> memref<128x128xf32, #tpu.memory_space<hbm>>
        %dma_wait3A_244 = arith.constant 0 : i32
        %dma_wait3A_245 = tpu.memref_slice %arg7[%mul3A_241, %dma_wait3A_244] : memref<10112x128xf32, #tpu.memory_space<vmem_shared>> -> memref<128x128xf32, #tpu.memory_space<vmem_shared>>
        tpu.wait_dma2 semaphore(%arg14 : memref<!tpu.dma_semaphore, #tpu.memory_space<semaphore_mem>>) src(%dma_wait3A_245 : memref<128x128xf32, #tpu.memory_space<vmem_shared>>) dst(%dma_wait3A_243 : memref<128x128xf32, #tpu.memory_space<hbm>>)
      } else {
      }
      %mul3A_204 = arith.constant 5 : i32
      %mul3A_205 = arith.muli %arg1, %mul3A_204 : i32
      %add3A_206 = arith.constant 1 : i32
      %add3A_207 = arith.addi %mul3A_205, %add3A_206 : i32
      %lt3A_208 = arith.constant 79 : i32
      %lt3A_209 = arith.cmpi slt, %add3A_207, %lt3A_208 : i32
      %convert_element_type3A_210 = arith.extui %lt3A_209 : i1 to i32
      %cond3A_211 = arith.constant 0 : i32
      %cond3A_212 = arith.cmpi ne, %convert_element_type3A_210, %cond3A_211 : i32
      scf.if %cond3A_212 {
        %mul3A_240 = arith.constant 128 : i32
        %mul3A_241 = arith.muli %add3A_207, %mul3A_240 : i32
        %dma_wait3A_242 = arith.constant 0 : i32
        %dma_wait3A_243 = tpu.memref_slice %arg6[%mul3A_241, %dma_wait3A_242] : memref<10112x128xf32, #tpu.memory_space<hbm>> -> memref<128x128xf32, #tpu.memory_space<hbm>>
        %dma_wait3A_244 = arith.constant 0 : i32
        %dma_wait3A_245 = tpu.memref_slice %arg7[%mul3A_241, %dma_wait3A_244] : memref<10112x128xf32, #tpu.memory_space<vmem_shared>> -> memref<128x128xf32, #tpu.memory_space<vmem_shared>>
        tpu.wait_dma2 semaphore(%arg14 : memref<!tpu.dma_semaphore, #tpu.memory_space<semaphore_mem>>) src(%dma_wait3A_245 : memref<128x128xf32, #tpu.memory_space<vmem_shared>>) dst(%dma_wait3A_243 : memref<128x128xf32, #tpu.memory_space<hbm>>)
      } else {
      }
      %mul3A_213 = arith.constant 5 : i32
      %mul3A_214 = arith.muli %arg1, %mul3A_213 : i32
      %add3A_215 = arith.constant 2 : i32
      %add3A_216 = arith.addi %mul3A_214, %add3A_215 : i32
      %lt3A_217 = arith.constant 79 : i32
      %lt3A_218 = arith.cmpi slt, %add3A_216, %lt3A_217 : i32
      %convert_element_type3A_219 = arith.extui %lt3A_218 : i1 to i32
      %cond3A_220 = arith.constant 0 : i32
      %cond3A_221 = arith.cmpi ne, %convert_element_type3A_219, %cond3A_220 : i32
      scf.if %cond3A_221 {
        %mul3A_240 = arith.constant 128 : i32
        %mul3A_241 = arith.muli %add3A_216, %mul3A_240 : i32
        %dma_wait3A_242 = arith.constant 0 : i32
        %dma_wait3A_243 = tpu.memref_slice %arg6[%mul3A_241, %dma_wait3A_242] : memref<10112x128xf32, #tpu.memory_space<hbm>> -> memref<128x128xf32, #tpu.memory_space<hbm>>
        %dma_wait3A_244 = arith.constant 0 : i32
        %dma_wait3A_245 = tpu.memref_slice %arg7[%mul3A_241, %dma_wait3A_244] : memref<10112x128xf32, #tpu.memory_space<vmem_shared>> -> memref<128x128xf32, #tpu.memory_space<vmem_shared>>
        tpu.wait_dma2 semaphore(%arg14 : memref<!tpu.dma_semaphore, #tpu.memory_space<semaphore_mem>>) src(%dma_wait3A_245 : memref<128x128xf32, #tpu.memory_space<vmem_shared>>) dst(%dma_wait3A_243 : memref<128x128xf32, #tpu.memory_space<hbm>>)
      } else {
      }
      %mul3A_222 = arith.constant 5 : i32
      %mul3A_223 = arith.muli %arg1, %mul3A_222 : i32
      %add3A_224 = arith.constant 3 : i32
      %add3A_225 = arith.addi %mul3A_223, %add3A_224 : i32
      %lt3A_226 = arith.constant 79 : i32
      %lt3A_227 = arith.cmpi slt, %add3A_225, %lt3A_226 : i32
      %convert_element_type3A_228 = arith.extui %lt3A_227 : i1 to i32
      %cond3A_229 = arith.constant 0 : i32
      %cond3A_230 = arith.cmpi ne, %convert_element_type3A_228, %cond3A_229 : i32
      scf.if %cond3A_230 {
        %mul3A_240 = arith.constant 128 : i32
        %mul3A_241 = arith.muli %add3A_225, %mul3A_240 : i32
        %dma_wait3A_242 = arith.constant 0 : i32
        %dma_wait3A_243 = tpu.memref_slice %arg6[%mul3A_241, %dma_wait3A_242] : memref<10112x128xf32, #tpu.memory_space<hbm>> -> memref<128x128xf32, #tpu.memory_space<hbm>>
        %dma_wait3A_244 = arith.constant 0 : i32
        %dma_wait3A_245 = tpu.memref_slice %arg7[%mul3A_241, %dma_wait3A_244] : memref<10112x128xf32, #tpu.memory_space<vmem_shared>> -> memref<128x128xf32, #tpu.memory_space<vmem_shared>>
        tpu.wait_dma2 semaphore(%arg14 : memref<!tpu.dma_semaphore, #tpu.memory_space<semaphore_mem>>) src(%dma_wait3A_245 : memref<128x128xf32, #tpu.memory_space<vmem_shared>>) dst(%dma_wait3A_243 : memref<128x128xf32, #tpu.memory_space<hbm>>)
      } else {
      }
      %mul3A_231 = arith.constant 5 : i32
      %mul3A_232 = arith.muli %arg1, %mul3A_231 : i32
      %add3A_233 = arith.constant 4 : i32
      %add3A_234 = arith.addi %mul3A_232, %add3A_233 : i32
      %lt3A_235 = arith.constant 79 : i32
      %lt3A_236 = arith.cmpi slt, %add3A_234, %lt3A_235 : i32
      %convert_element_type3A_237 = arith.extui %lt3A_236 : i1 to i32
      %cond3A_238 = arith.constant 0 : i32
      %cond3A_239 = arith.cmpi ne, %convert_element_type3A_237, %cond3A_238 : i32
      scf.if %cond3A_239 {
        %mul3A_240 = arith.constant 128 : i32
        %mul3A_241 = arith.muli %add3A_234, %mul3A_240 : i32
        %dma_wait3A_242 = arith.constant 0 : i32
        %dma_wait3A_243 = tpu.memref_slice %arg6[%mul3A_241, %dma_wait3A_242] : memref<10112x128xf32, #tpu.memory_space<hbm>> -> memref<128x128xf32, #tpu.memory_space<hbm>>
        %dma_wait3A_244 = arith.constant 0 : i32
        %dma_wait3A_245 = tpu.memref_slice %arg7[%mul3A_241, %dma_wait3A_244] : memref<10112x128xf32, #tpu.memory_space<vmem_shared>> -> memref<128x128xf32, #tpu.memory_space<vmem_shared>>
        tpu.wait_dma2 semaphore(%arg14 : memref<!tpu.dma_semaphore, #tpu.memory_space<semaphore_mem>>) src(%dma_wait3A_245 : memref<128x128xf32, #tpu.memory_space<vmem_shared>>) dst(%dma_wait3A_243 : memref<128x128xf32, #tpu.memory_space<hbm>>)
      } else {
      }
    } else {
    }
    return
  }
}

module attributes {stable_mosaic.version = 14 : i64} {
  func.func @_tc1_body(%arg0: i32, %arg1: memref<632x256xf32, #tpu.memory_space<vmem>>, %arg2: memref<256x256xf32, #tpu.memory_space<vmem>>, %arg3: memref<632x1xf32, #tpu.memory_space<vmem>>, %arg4: memref<632x1xf32, #tpu.memory_space<vmem>>, %arg5: memref<632x128xf32, #tpu.memory_space<vmem>>, %arg6: memref<632x128xf32, #tpu.memory_space<vmem>>, %arg7: memref<632x1xf32, #tpu.memory_space<vmem>>) attributes {dimension_semantics = [#tpu.dimension_semantics<arbitrary>], iteration_bounds = array<i64: 16>, scalar_prefetch = 0 : i64, scratch_operands = 0 : i64, tpu.core_type = #tpu.core_type<tc>, window_params = [{transform_indices = @transform_0, window_bounds = array<i64: 632, 256>}, {pipeline_mode = #tpu.pipeline_mode<synchronous>, transform_indices = @transform_1, window_bounds = array<i64: 256, 256>}, {transform_indices = @transform_2, window_bounds = array<i64: 632, 1>}, {transform_indices = @transform_3, window_bounds = array<i64: 632, 1>}, {transform_indices = @transform_4, window_bounds = array<i64: 632, 128>}, {transform_indices = @transform_5, window_bounds = array<i64: 632, 128>}, {transform_indices = @transform_6, window_bounds = array<i64: 632, 1>}]} {
    %get3A = arith.constant 0 : index
    %get3A_0 = arith.constant 0 : index
    %get3A_1 = vector.load %arg3[%get3A, %get3A_0] : memref<632x1xf32, #tpu.memory_space<vmem>>, vector<632x1xf32>
    %add3A = arith.constant 1.000000e+00 : f32
    %add3A_2 = vector.broadcast %add3A : f32 to vector<632x1xf32>
    %add3A_3 = arith.addf %add3A_2, %get3A_1 : vector<632x1xf32>
    %get3A_4 = arith.constant 0 : index
    %get3A_5 = arith.constant 0 : index
    %get3A_6 = vector.load %arg4[%get3A_4, %get3A_5] : memref<632x1xf32, #tpu.memory_space<vmem>>, vector<632x1xf32>
    %add3A_7 = arith.addf %add3A_3, %get3A_6 : vector<632x1xf32>
    %rsqrt3A = math.rsqrt %add3A_7 : vector<632x1xf32>
    %get3A_8 = arith.constant 0 : index
    %get3A_9 = arith.constant 0 : index
    %get3A_10 = vector.load %arg1[%get3A_8, %get3A_9] : memref<632x256xf32, #tpu.memory_space<vmem>>, vector<632x256xf32>
    %get3A_11 = arith.constant 0 : index
    %get3A_12 = arith.constant 0 : index
    %get3A_13 = vector.load %arg2[%get3A_11, %get3A_12] : memref<256x256xf32, #tpu.memory_space<vmem>>, vector<256x256xf32>
    %dot_general3A = arith.constant dense<0.000000e+00> : vector<632x256xf32>
    %dot_general3A_14 = tpu.matmul %get3A_10, %get3A_13, %dot_general3A {dimension_numbers = #tpu.dot_dimension_numbers<[1], [0], [0], [1], [0, 0, 1, 1], [], []>, transpose_lhs_hint = false} : vector<632x256xf32>, vector<256x256xf32>, vector<632x256xf32> -> vector<632x256xf32>
    %mul3A = vector.broadcast %rsqrt3A : vector<632x1xf32> to vector<632x256xf32>
    %mul3A_15 = arith.mulf %dot_general3A_14, %mul3A : vector<632x256xf32>
    %slice3A = vector.extract_strided_slice %mul3A_15 {offsets = [0, 0], sizes = [632, 128], strides = [1, 1]} : vector<632x256xf32> to vector<632x128xf32>
    %swap3A = arith.constant 0 : index
    %swap3A_16 = arith.constant 0 : index
    %swap3A_17 = vector.load %arg5[%swap3A, %swap3A_16] : memref<632x128xf32, #tpu.memory_space<vmem>>, vector<632x128xf32>
    tpu.vector_store %arg5[%swap3A, %swap3A_16], %slice3A {strides = array<i32>} : memref<632x128xf32, #tpu.memory_space<vmem>>, vector<632x128xf32>,
    %slice3A_18 = vector.extract_strided_slice %mul3A_15 {offsets = [0, 128], sizes = [632, 128], strides = [1, 1]} : vector<632x256xf32> to vector<632x128xf32>
    %swap3A_19 = arith.constant 0 : index
    %swap3A_20 = arith.constant 0 : index
    %swap3A_21 = vector.load %arg6[%swap3A_19, %swap3A_20] : memref<632x128xf32, #tpu.memory_space<vmem>>, vector<632x128xf32>
    tpu.vector_store %arg6[%swap3A_19, %swap3A_20], %slice3A_18 {strides = array<i32>} : memref<632x128xf32, #tpu.memory_space<vmem>>, vector<632x128xf32>,
    %swap3A_22 = arith.constant 0 : index
    %swap3A_23 = arith.constant 0 : index
    %swap3A_24 = vector.load %arg7[%swap3A_22, %swap3A_23] : memref<632x1xf32, #tpu.memory_space<vmem>>, vector<632x1xf32>
    tpu.vector_store %arg7[%swap3A_22, %swap3A_23], %rsqrt3A {strides = array<i32>} : memref<632x1xf32, #tpu.memory_space<vmem>>, vector<632x1xf32>,
    return
  }
  func.func @transform_0(%arg0: i32) -> (i32, i32) {
    %c0_i32 = arith.constant 0 : i32
    %c0_i32_0 = arith.constant 0 : i32
    return %arg0, %c0_i32 : i32, i32
  }
  func.func @transform_1(%arg0: i32) -> (i32, i32) {
    %c0_i32 = arith.constant 0 : i32
    %c0_i32_0 = arith.constant 0 : i32
    %c0_i32_1 = arith.constant 0 : i32
    return %c0_i32, %c0_i32_0 : i32, i32
  }
  func.func @transform_2(%arg0: i32) -> (i32, i32) {
    %c0_i32 = arith.constant 0 : i32
    %c0_i32_0 = arith.constant 0 : i32
    return %arg0, %c0_i32 : i32, i32
  }
  func.func @transform_3(%arg0: i32) -> (i32, i32) {
    %c0_i32 = arith.constant 0 : i32
    %c0_i32_0 = arith.constant 0 : i32
    return %arg0, %c0_i32 : i32, i32
  }
  func.func @transform_4(%arg0: i32) -> (i32, i32) {
    %c0_i32 = arith.constant 0 : i32
    %c0_i32_0 = arith.constant 0 : i32
    return %arg0, %c0_i32 : i32, i32
  }
  func.func @transform_5(%arg0: i32) -> (i32, i32) {
    %c0_i32 = arith.constant 0 : i32
    %c0_i32_0 = arith.constant 0 : i32
    return %arg0, %c0_i32 : i32, i32
  }
  func.func @transform_6(%arg0: i32) -> (i32, i32) {
    %c0_i32 = arith.constant 0 : i32
    %c0_i32_0 = arith.constant 0 : i32
    return %arg0, %c0_i32 : i32, i32
  }
}

module attributes {stable_mosaic.version = 14 : i64} {
  func.func @_tc2_body(%arg0: i32, %arg1: memref<632x128xf32, #tpu.memory_space<vmem>>, %arg2: memref<632x128xf32, #tpu.memory_space<vmem>>, %arg3: memref<632x1xf32, #tpu.memory_space<vmem>>, %arg4: memref<1x256xf32, #tpu.memory_space<vmem>>, %arg5: memref<256x256xf32, #tpu.memory_space<vmem>>, %arg6: memref<632x128xf32, #tpu.memory_space<vmem>>, %arg7: memref<632x128xf32, #tpu.memory_space<vmem>>) attributes {dimension_semantics = [#tpu.dimension_semantics<arbitrary>], iteration_bounds = array<i64: 16>, scalar_prefetch = 0 : i64, scratch_operands = 0 : i64, tpu.core_type = #tpu.core_type<tc>, window_params = [{transform_indices = @transform_0, window_bounds = array<i64: 632, 128>}, {transform_indices = @transform_1, window_bounds = array<i64: 632, 128>}, {transform_indices = @transform_2, window_bounds = array<i64: 632, 1>}, {pipeline_mode = #tpu.pipeline_mode<synchronous>, transform_indices = @transform_3, window_bounds = array<i64: 1, 256>}, {pipeline_mode = #tpu.pipeline_mode<synchronous>, transform_indices = @transform_4, window_bounds = array<i64: 256, 256>}, {transform_indices = @transform_5, window_bounds = array<i64: 632, 128>}, {transform_indices = @transform_6, window_bounds = array<i64: 632, 128>}]} {
    %get3A = arith.constant 0 : index
    %get3A_0 = arith.constant 0 : index
    %get3A_1 = vector.load %arg3[%get3A, %get3A_0] : memref<632x1xf32, #tpu.memory_space<vmem>>, vector<632x1xf32>
    %get3A_2 = arith.constant 0 : index
    %get3A_3 = arith.constant 0 : index
    %get3A_4 = vector.load %arg1[%get3A_2, %get3A_3] : memref<632x128xf32, #tpu.memory_space<vmem>>, vector<632x128xf32>
    %get3A_5 = arith.constant 0 : index
    %get3A_6 = arith.constant 0 : index
    %get3A_7 = vector.load %arg2[%get3A_5, %get3A_6] : memref<632x128xf32, #tpu.memory_space<vmem>>, vector<632x128xf32>
    %concatenate3A = tpu.concatenate %get3A_4, %get3A_7 in 1 : vector<632x128xf32>, vector<632x128xf32> -> vector<632x256xf32>
    %mul3A = vector.broadcast %get3A_1 : vector<632x1xf32> to vector<632x256xf32>
    %mul3A_8 = arith.mulf %concatenate3A, %mul3A : vector<632x256xf32>
    %get3A_9 = arith.constant 0 : index
    %get3A_10 = arith.constant 0 : index
    %get3A_11 = vector.load %arg4[%get3A_9, %get3A_10] : memref<1x256xf32, #tpu.memory_space<vmem>>, vector<1x256xf32>
    %add3A = vector.broadcast %get3A_11 : vector<1x256xf32> to vector<632x256xf32>
    %add3A_12 = arith.addf %mul3A_8, %add3A : vector<632x256xf32>
    %max3A = arith.constant 0.000000e+00 : f32
    %max3A_13 = vector.broadcast %max3A : f32 to vector<632x256xf32>
    %max3A_14 = arith.maximumf %add3A_12, %max3A_13 : vector<632x256xf32>
    %get3A_15 = arith.constant 0 : index
    %get3A_16 = arith.constant 0 : index
    %get3A_17 = vector.load %arg5[%get3A_15, %get3A_16] : memref<256x256xf32, #tpu.memory_space<vmem>>, vector<256x256xf32>
    %dot_general3A = arith.constant dense<0.000000e+00> : vector<632x256xf32>
    %dot_general3A_18 = tpu.matmul %max3A_14, %get3A_17, %dot_general3A {dimension_numbers = #tpu.dot_dimension_numbers<[1], [0], [0], [1], [0, 0, 1, 1], [], []>, transpose_lhs_hint = false} : vector<632x256xf32>, vector<256x256xf32>, vector<632x256xf32> -> vector<632x256xf32>
    %mul3A_19 = vector.broadcast %get3A_1 : vector<632x1xf32> to vector<632x256xf32>
    %mul3A_20 = arith.mulf %dot_general3A_18, %mul3A_19 : vector<632x256xf32>
    %slice3A = vector.extract_strided_slice %mul3A_20 {offsets = [0, 0], sizes = [632, 128], strides = [1, 1]} : vector<632x256xf32> to vector<632x128xf32>
    %swap3A = arith.constant 0 : index
    %swap3A_21 = arith.constant 0 : index
    %swap3A_22 = vector.load %arg6[%swap3A, %swap3A_21] : memref<632x128xf32, #tpu.memory_space<vmem>>, vector<632x128xf32>
    tpu.vector_store %arg6[%swap3A, %swap3A_21], %slice3A {strides = array<i32>} : memref<632x128xf32, #tpu.memory_space<vmem>>, vector<632x128xf32>,
    %slice3A_23 = vector.extract_strided_slice %mul3A_20 {offsets = [0, 128], sizes = [632, 128], strides = [1, 1]} : vector<632x256xf32> to vector<632x128xf32>
    %swap3A_24 = arith.constant 0 : index
    %swap3A_25 = arith.constant 0 : index
    %swap3A_26 = vector.load %arg7[%swap3A_24, %swap3A_25] : memref<632x128xf32, #tpu.memory_space<vmem>>, vector<632x128xf32>
    tpu.vector_store %arg7[%swap3A_24, %swap3A_25], %slice3A_23 {strides = array<i32>} : memref<632x128xf32, #tpu.memory_space<vmem>>, vector<632x128xf32>,
    return
  }
  func.func @transform_0(%arg0: i32) -> (i32, i32) {
    %c0_i32 = arith.constant 0 : i32
    %c0_i32_0 = arith.constant 0 : i32
    return %arg0, %c0_i32 : i32, i32
  }
  func.func @transform_1(%arg0: i32) -> (i32, i32) {
    %c0_i32 = arith.constant 0 : i32
    %c0_i32_0 = arith.constant 0 : i32
    return %arg0, %c0_i32 : i32, i32
  }
  func.func @transform_2(%arg0: i32) -> (i32, i32) {
    %c0_i32 = arith.constant 0 : i32
    %c0_i32_0 = arith.constant 0 : i32
    return %arg0, %c0_i32 : i32, i32
  }
  func.func @transform_3(%arg0: i32) -> (i32, i32) {
    %c0_i32 = arith.constant 0 : i32
    %c0_i32_0 = arith.constant 0 : i32
    %c0_i32_1 = arith.constant 0 : i32
    return %c0_i32, %c0_i32_0 : i32, i32
  }
  func.func @transform_4(%arg0: i32) -> (i32, i32) {
    %c0_i32 = arith.constant 0 : i32
    %c0_i32_0 = arith.constant 0 : i32
    %c0_i32_1 = arith.constant 0 : i32
    return %c0_i32, %c0_i32_0 : i32, i32
  }
  func.func @transform_5(%arg0: i32) -> (i32, i32) {
    %c0_i32 = arith.constant 0 : i32
    %c0_i32_0 = arith.constant 0 : i32
    return %arg0, %c0_i32 : i32, i32
  }
  func.func @transform_6(%arg0: i32) -> (i32, i32) {
    %c0_i32 = arith.constant 0 : i32
    %c0_i32_0 = arith.constant 0 : i32
    return %arg0, %c0_i32 : i32, i32
  }
}

module attributes {stable_mosaic.version = 14 : i64} {
  func.func @_tc3_body(%arg0: i32, %arg1: memref<632x128xf32, #tpu.memory_space<vmem>>, %arg2: memref<632x128xf32, #tpu.memory_space<vmem>>, %arg3: memref<632x1xf32, #tpu.memory_space<vmem>>, %arg4: memref<1x256xf32, #tpu.memory_space<vmem>>, %arg5: memref<632x256xf32, #tpu.memory_space<vmem>>) attributes {dimension_semantics = [#tpu.dimension_semantics<arbitrary>], iteration_bounds = array<i64: 16>, scalar_prefetch = 0 : i64, scratch_operands = 0 : i64, tpu.core_type = #tpu.core_type<tc>, window_params = [{transform_indices = @transform_0, window_bounds = array<i64: 632, 128>}, {transform_indices = @transform_1, window_bounds = array<i64: 632, 128>}, {transform_indices = @transform_2, window_bounds = array<i64: 632, 1>}, {pipeline_mode = #tpu.pipeline_mode<synchronous>, transform_indices = @transform_3, window_bounds = array<i64: 1, 256>}, {transform_indices = @transform_4, window_bounds = array<i64: 632, 256>}]} {
    %get3A = arith.constant 0 : index
    %get3A_0 = arith.constant 0 : index
    %get3A_1 = vector.load %arg1[%get3A, %get3A_0] : memref<632x128xf32, #tpu.memory_space<vmem>>, vector<632x128xf32>
    %get3A_2 = arith.constant 0 : index
    %get3A_3 = arith.constant 0 : index
    %get3A_4 = vector.load %arg2[%get3A_2, %get3A_3] : memref<632x128xf32, #tpu.memory_space<vmem>>, vector<632x128xf32>
    %concatenate3A = tpu.concatenate %get3A_1, %get3A_4 in 1 : vector<632x128xf32>, vector<632x128xf32> -> vector<632x256xf32>
    %get3A_5 = arith.constant 0 : index
    %get3A_6 = arith.constant 0 : index
    %get3A_7 = vector.load %arg3[%get3A_5, %get3A_6] : memref<632x1xf32, #tpu.memory_space<vmem>>, vector<632x1xf32>
    %mul3A = vector.broadcast %get3A_7 : vector<632x1xf32> to vector<632x256xf32>
    %mul3A_8 = arith.mulf %concatenate3A, %mul3A : vector<632x256xf32>
    %get3A_9 = arith.constant 0 : index
    %get3A_10 = arith.constant 0 : index
    %get3A_11 = vector.load %arg4[%get3A_9, %get3A_10] : memref<1x256xf32, #tpu.memory_space<vmem>>, vector<1x256xf32>
    %add3A = vector.broadcast %get3A_11 : vector<1x256xf32> to vector<632x256xf32>
    %add3A_12 = arith.addf %mul3A_8, %add3A : vector<632x256xf32>
    %swap3A = arith.constant 0 : index
    %swap3A_13 = arith.constant 0 : index
    %swap3A_14 = vector.load %arg5[%swap3A, %swap3A_13] : memref<632x256xf32, #tpu.memory_space<vmem>>, vector<632x256xf32>
    tpu.vector_store %arg5[%swap3A, %swap3A_13], %add3A_12 {strides = array<i32>} : memref<632x256xf32, #tpu.memory_space<vmem>>, vector<632x256xf32>,
    return
  }
  func.func @transform_0(%arg0: i32) -> (i32, i32) {
    %c0_i32 = arith.constant 0 : i32
    %c0_i32_0 = arith.constant 0 : i32
    return %arg0, %c0_i32 : i32, i32
  }
  func.func @transform_1(%arg0: i32) -> (i32, i32) {
    %c0_i32 = arith.constant 0 : i32
    %c0_i32_0 = arith.constant 0 : i32
    return %arg0, %c0_i32 : i32, i32
  }
  func.func @transform_2(%arg0: i32) -> (i32, i32) {
    %c0_i32 = arith.constant 0 : i32
    %c0_i32_0 = arith.constant 0 : i32
    return %arg0, %c0_i32 : i32, i32
  }
  func.func @transform_3(%arg0: i32) -> (i32, i32) {
    %c0_i32 = arith.constant 0 : i32
    %c0_i32_0 = arith.constant 0 : i32
    %c0_i32_1 = arith.constant 0 : i32
    return %c0_i32, %c0_i32_0 : i32, i32
  }
  func.func @transform_4(%arg0: i32) -> (i32, i32) {
    %c0_i32 = arith.constant 0 : i32
    %c0_i32_0 = arith.constant 0 : i32
    return %arg0, %c0_i32 : i32, i32
  }
}

</mosaic_0001>

<sc_bundles>
// kernel: _run.11.cloned.1.call-start
scs
__scs_entry_jumppad:
0x0: {  	(pc) =	sbr.rel $0x88, $3  }
0x1: {  	(tag) =	ssettag $0x0;
	lr =	simm.s32 $0x1  }
0x2: {  	[smem:$0x3F9B] =	sst lr;
	_ =	strace $0xD0000000  }
0x3: {  	_ = 	snop  }
0x4: {  	_ = 	snop  }
0x5: {  	_ = 	snop  }
0x6: {  	_ = 	snop  }
0x7: {  	_ = 	snop  }
__scs_overlays_trampoline_lowered:
0x8: {  	[smem:$0x3FAA] =	sst s0  }
0x9: {  	[smem:$0x3FAB] =	sst s1  }
0xa: {  	[smem:$0x3FAC] =	sst s2  }
0xb: {  	[smem:$0x3FAD] =	sst s3  }
0xc: {  	[smem:$0x3FAE] =	sst s4  }
0xd: {  	[smem:$0x3FAF] =	sst s5  }
0xe: {  	[smem:$0x3FB0] =	sst s6  }
0xf: {  	[smem:$0x3FB1] =	sst s7  }
0x10: {  	[smem:$0x3FB2] =	sst s8  }
0x11: {  	[smem:$0x3FB3] =	sst s9;
	s0 =	simm.s32 @!p0 $0x0  }
0x12: {  	s1 =	sld [smem:$0x3F99];
	s0 =	simm.s32 @p0 $0x1  }
0x13: {  	[smem:$0x3FB4] =	sst s0;
	s0 =	simm.s32 @!p1 $0x0  }
0x14: {  	s2 =	sld [smem:$0x3F98];
	s0 =	simm.s32 @p1 $0x1  }
0x15: {  	[smem:$0x3FB5] =	sst s0;
	s0 =	simm.s32 @!p2 $0x0  }
0x16: {  	s3 =	sld [smem:$0x3FDB];
	s0 =	simm.s32 @p2 $0x1  }
0x17: {  	s4 =	simm.s32 $0x1BF5;
	[smem:$0x3FB7] =	sst s0  }
0x18: {  	s0 =	sld [smem:$0x3F9A];
	_ =	swait.ge [sflag:s4], $0x0  }
0x19: {  	s7 =	sld [smem:$0x3F9B]  }
0x1a: {  	s8 =	sadd.s32 $0xFFFFE003, lr  }
0x1b: {  	s9 =	sadd.s32 $0xFFFFFEF7, lr;
	s5 =	simm.s32 $0xFFFFFFFF;
	p2 =	slt.u32 s8, $0xFFFFF086  }
0x1c: {  	p1 =	slt.u32 s9, $0xF7A;
	s5 =	simm.s32 @!p2 $0x0  }
0x1d: {  	s5 =	simm.s32 @p1 $0x1;
	p0 =	seq.s32 s7, s2  }
0x1e: {  	s7 =	smul.u32 @!p0 $0xF7A, s2;
	p2 =	seq.s32 @!p0 s5, $0x0  }
0x1f: {  	s9 =	smul.u32 $0xF7A, s1;
	s8 =	simm.s32 @!p0 $0x1BF5;
	p2 =	por !p2, p0  }
0x20: {  	[sflag:s8] =	ssyncset.s32 @!p0 $0xFFFFF086;
	s6 =	sadd.s32 @!p0 s3, s7;
	s7 =	simm.s32 @!p0 $0x108  }
0x21: {  	s3 =	sadd.s32 s3, s9;
	s6 =	sadd.s32 @!p0 $0x88, s6;
	s7 =	simm.s32 @p2 $0x1082  }
0x22: {  	[simem:s7], [sflag:s8] =	dma.local @!p0 [hbm:s6], $0xF7A  }
0x23: {  	s9 =	sor.u32 $0xD0000000, s2;
	s6 =	simm.s32 $0x108;
	_ =	swait.ge @!p0 [sflag:s8], $0x0  }
0x24: {  	s3 =	sadd.s32 $0x88, s3;
	s6 =	simm.s32 @!p1 $0x1082;
	[sflag:s4] =	ssyncset.s32 $0xFFFFF086  }
0x25: {  	[simem:s6], [sflag:s4] =	dma.local [hbm:s3], $0xF7A  }
0x26: {  	[smem:$0x3F9B] =	sst s1;
	(tag) =	ssettag s2;
	_ =	strace s9  }
0x27: {  	s1 =	sld [smem:$0x3FAB]  }
0x28: {  	s2 =	sld [smem:$0x3FAC]  }
0x29: {  	s4 =	sld [smem:$0x3FAE]  }
0x2a: {  	p0 =	seq.s32 s5, $0x0;
	s5 =	sld [smem:$0x3FAF]  }
0x2b: {  	s6 =	sld [smem:$0x3FB0]  }
0x2c: {  	s7 =	sld [smem:$0x3FB1]  }
0x2d: {  	s3 =	simm.s32 $0x108;
	s8 =	sld [smem:$0x3FB2]  }
0x2e: {  	s3 =	simm.s32 @!p0 $0x1082;
	s9 =	sld [smem:$0x3FB3]  }
0x2f: {  	lr =	sadd.s32 s0, s3;
	s0 =	sld [smem:$0x3FAA]  }
0x30: {  	s3 =	sld [smem:$0x3FAD]  }
0x31: {  	[smem:$0x3FB6] =	sst s10  }
0x32: {  	s10 =	sld [smem:$0x3FB4];
	_ =	sdelay $0x3  }
0x33: {  	p0 =	seq.s32 s10, $0x1;
	s10 =	sld [smem:$0x3FB6];
	_ =	sdelay $0x3  }
0x34: {  	[smem:$0x3FB6] =	sst s10  }
0x35: {  	s10 =	sld [smem:$0x3FB5];
	_ =	sdelay $0x3  }
0x36: {  	p1 =	seq.s32 s10, $0x1;
	s10 =	sld [smem:$0x3FB6];
	_ =	sdelay $0x3  }
0x37: {  	[smem:$0x3FB6] =	sst s10  }
0x38: {  	s10 =	sld [smem:$0x3FB7]  }
0x39: {  	_ = 	snop;
	(pc) =	sbr.ind lr, $3  }
0x3a: {  	_ = 	snop  }
0x3b: {  	_ = 	snop  }
0x3c: {  	p2 =	seq.s32 s10, $0x1;
	s10 =	sld [smem:$0x3FB6]  }
0x3d: {  	_ =	shalt  }
0x3e: {  	_ =	shalt  }
0x3f: {  	_ =	shalt  }
0x40: {  	_ =	shalt  }
0x41: {  	_ =	shalt  }
0x42: {  	_ =	shalt  }
0x43: {  	_ =	shalt  }
0x44: {  	_ =	shalt  }
0x45: {  	_ =	shalt  }
0x46: {  	_ =	shalt  }
0x47: {  	_ =	shalt  }
0x48: {  	_ =	shalt  }
0x49: {  	_ =	shalt  }
0x4a: {  	_ =	shalt  }
0x4b: {  	_ =	shalt  }
0x4c: {  	_ =	shalt  }
0x4d: {  	_ =	shalt  }
0x4e: {  	_ =	shalt  }
0x4f: {  	_ =	shalt  }
0x50: {  	_ =	shalt  }
0x51: {  	_ =	shalt  }
0x52: {  	_ =	shalt  }
0x53: {  	_ =	shalt  }
0x54: {  	_ =	shalt  }
0x55: {  	_ =	shalt  }
0x56: {  	_ =	shalt  }
0x57: {  	_ =	shalt  }
0x58: {  	_ =	shalt  }
0x59: {  	_ =	shalt  }
0x5a: {  	_ =	shalt  }
0x5b: {  	_ =	shalt  }
0x5c: {  	_ =	shalt  }
0x5d: {  	_ =	shalt  }
0x5e: {  	_ =	shalt  }
0x5f: {  	_ =	shalt  }
0x60: {  	_ =	shalt  }
0x61: {  	_ =	shalt  }
0x62: {  	_ =	shalt  }
0x63: {  	_ =	shalt  }
0x64: {  	_ =	shalt  }
0x65: {  	_ =	shalt  }
0x66: {  	_ =	shalt  }
0x67: {  	_ =	shalt  }
0x68: {  	_ =	shalt  }
0x69: {  	_ =	shalt  }
0x6a: {  	_ =	shalt  }
0x6b: {  	_ =	shalt  }
0x6c: {  	_ =	shalt  }
0x6d: {  	_ =	shalt  }
0x6e: {  	_ =	shalt  }
0x6f: {  	_ =	shalt  }
0x70: {  	_ =	shalt  }
0x71: {  	_ =	shalt  }
0x72: {  	_ =	shalt  }
0x73: {  	_ =	shalt  }
0x74: {  	_ =	shalt  }
0x75: {  	_ =	shalt  }
0x76: {  	_ =	shalt  }
0x77: {  	_ =	shalt  }
0x78: {  	_ =	shalt  }
0x79: {  	_ =	shalt  }
0x7a: {  	_ =	shalt  }
0x7b: {  	_ =	shalt  }
0x7c: {  	_ =	shalt  }
0x7d: {  	_ =	shalt  }
0x7e: {  	_ =	shalt  }
0x7f: {  	_ =	shalt  }
0x80: {  	_ =	shalt  }
0x81: {  	_ =	shalt  }
0x82: {  	_ =	shalt  }
0x83: {  	_ =	shalt  }
0x84: {  	_ =	shalt  }
0x85: {  	_ =	shalt  }
0x86: {  	_ =	shalt  }
0x87: {  	_ =	shalt  }
.Lfunc_end0:
.L_simem_size_0:
called_computation.1_lowered:
.L_overlay_start_0:
0x88: {  	s2 =	sld [smem:$0x3FD9]  }
0x89: {  	s3 =	sld [smem:$0x3FFE];
	_ =	sdelay $0x1  }
0x8a: {  	s1 =	srdreg.scid  }
0x8b: {  	s0 =	sand.u32 $0x1, s1  }
0x8c: {  	s17 =	sshll.u32 s0, $0xA;
	s2 =	sadd.s32 s3, s2  }
0x8d: {  	s2 =	sadd.s32 s2, s17  }
0x8e: {  	[smem:$0x3FC2] =	sst s2  }
0x8f: {  	_ = 	snop  }
0x90: {  	s2 =	sld [smem:$0x3FD0];
	(tm) =	ssettm $0x1  }
0x91: {  	s18 =	sld [smem:$0x3FFB];
	_ =	sdelay $0x3  }
0x92: {  	_ =	strace s18  }
0x93: {  	s3 =	sld [smem:$0x3FFC];
	_ =	sdelay $0x3  }
0x94: {  	_ =	strace s3  }
0x95: {  	s3 =	sld [smem:$0x3FFD];
	_ =	sdelay $0x3  }
0x96: {  	_ =	strace s3  }
0x97: {  	_ =	strace $0x8FFFFFFF  }
0x98: {  	s19 =	sld [smem:$0x3FDB];
	_ =	sdelay $0x1  }
0x99: {  	s4 =	simm.s32 $_scs_section_size  }
0x9a: {  	s5 =	simm.s32 $_size__tile_overlayer_lowered;
	s6 =	simm.s32 $_tile_overlayer_lowered  }
0x9b: {  	s22 =	simm.s32 $0x1BFF;
	s21 =	sshll.u32 s6, $0x1;
	s3 =	sadd.s32 s4, s19  }
0x9c: {  	s7 =	simm.s32 $0x0;
	s20 =	sshll.u32 s5, $0x1;
	s5 =	sadd.s32 s21, s3  }
0x9d: {  	[timem:s7], [sflag:s22] =	dma.local [hbm:s5], s20  }
0x9e: {  	_ =	swait.ge [sflag:s22], s20  }
0x9f: {  	s4 =	ssub.s32 $0x0, s20;
	[sflag:s22] =	ssyncset.done $0x0  }
0xa0: {  	[sflag:s22] =	ssyncadd.s32 s4;
	_ =	sdelay $0x1  }
0xa1: {  	s23 =	simm.s32 $0x1B8B  }
0xa2: {  	_ =	swait.ge [sflag:s23], $0x1  }
0xa3: {  	[sflag:s23] =	ssyncset.done $0x0  }
0xa4: {  	s25 =	simm.s32 $0x1B8E;
	s24 =	sld [smem:$0x3FFE];
	[sflag:s23] =	ssyncadd.s32 $0xFFFFFFFF  }
0xa5: {  	s26 =	simm.s32 $execute0_lowered;
	[smem:$0x3FD2] =	sst s25  }
0xa6: {  	s5 =	sshll.u32 s26, $0x1;
	_ =	strace $0x80000049;
	[dreg:$0x1] =	wrdreg $0xFFFFFFFF  }
0xa7: {  	s28 =	simm.s32 $_size_execute0_lowered;
	s3 =	sadd.s32 s3, s5;
	[dreg:$0x0] =	wrdreg $0x0  }
0xa8: {  	s5 =	sshll.u32 s28, $0x1;
	[dreg:$0x2] =	wrdreg s3  }
0xa9: {  	[dreg:$0x3] =	wrdreg s5  }
0xaa: {  	[dreg:$0x4] =	wrdreg $0xC0  }
0xab: {  	_ =	task [dreg:s7], $0x5FFFF  }
0xac: {  	[dreg:$0x1] =	wrdreg $0xFFFFFFFF  }
0xad: {  	[dreg:$0x0] =	wrdreg $0x60  }
0xae: {  	[dreg:$0x2] =	wrdreg s2  }
0xaf: {  	[dreg:$0x3] =	wrdreg s24  }
0xb0: {  	[dreg:$0x4] =	wrdreg $0x0  }
0xb1: {  	[dreg:$0x5] =	wrdreg $0x9  }
0xb2: {  	_ =	task.clear_ibuf [dreg:s7], $0x6FFFF;
	_ =	strace $0x90000049  }
0xb3: {  	s29 =	simm.s32 $0x9;
	_ =	strace $0x8000004B  }
0xb4: {  	_ =	swait.ge [sflag:s29], $0x1  }
0xb5: {  	[sflag:s29] =	ssyncadd.s32 $0xFFFFFFFF  }
0xb6: {  	_ =	strace $0x9000004B  }
0xb7: {  	_ =	sfence  }
0xb8: {  	s30 =	sld [smem:$0x0];
	_ =	sdelay $0x2  }
0xb9: {  	s31 =	sshll.u32 s1, $0xD;
	s1 =	sshrl.u32 s1, $0x2  }
0xba: {  	s3 =	sand.u32 $0x4000, s31;
	s1 =	sadd.s32 s1, s30  }
0xbb: {  	s0 =	sor.u32 s3, s0;
	s1 =	sshll.u32 s1, $0x11  }
0xbc: {  	s0 =	sor.u32 s1, s0  }
0xbd: {  	s0 =	sadd.s32 $0x8F2B, s0  }
0xbe: {  	[sflag:s0] =	ssyncadd.remote.s32 $0x1  }
0xbf: {  	_ =	sfence.sel $0xFFFF  }
0xc0: {  	[dreg:$0x0] =	wrdreg $0xFFFFFFFF;
	(pc) =	sbr.abs _section_cstart, $3  }
0xc1: {  	[dreg:$0x1] =	wrdreg $0xFFFFFFFF  }
0xc2: {  	_ =	task.clear_ibuf [dreg:s7], $0x2FFFF;
	_ =	strace $0x9FFFFFFF  }
0xc3: {  	(tm) =	ssettm $0x7FFFFFFF  }
tec
execute0_lowered:
.L_overlay_start_1:
0x0: {  	(tag) =	ssettag $0x1  }
0x1: {  	s1 =	rddreg [dreg:$0x0]  }
0x2: {  	s0 =	rddreg [dreg:$0x1]  }
0x3: {  	s2 =	rddreg [dreg:$0x2]  }
0x4: {  	s3 =	simm.s32 $0x0;
	s4 =	srdreg.scid;
	s15 =	stileid.u32  }
0x5: {  	s28 =	simm.s32 $0x18000;
	[smem:$0x7FF] =	sst s3;
	s5 =	sadd.s32 $0x3E00, s0  }
0x6: {  	s6 =	sadd.s32 $0x53C00, s0;
	s4 =	sand.u32 $0x1, s4;
	s9 =	smul.u32 $0x50000, s15  }
0x7: {  	s7 =	sadd.s32 $0x5DC00, s0;
	s0 =	sadd.s32 $0x85400, s0;
	s11 =	smul.u32 $0x5, s15  }
0x8: {  	_ =	strace $0x8000004A;
	s8 =	ssub.s32 $0x2, s4;
	p0 =	seq.s32 s4, $0x1  }
0x9: {  	s10 =	sshrl.u32 s8, $0x1;
	s9 =	sshrl.u32 s9, $0x2;
	s26 =	sadd.s32 $0x1, s11  }
0xa: {  	s8 =	ssub.s32 s8, s10;
	s25 =	sadd.s32 s9, s2;
	s13 =	sshll.u32 s26, $0xE  }
0xb: {  	s4 =	sshll.u32 s26, $0xB;
	[dreg:$0x4] =	wrdreg s25;
	s9 =	sadd.s32 s13, s2  }
0xc: {  	s10 =	smul.u32 $0x2800, s15;
	s20 =	sadd.s32 s7, s4;
	[dreg:$0x6] =	wrdreg s9  }
0xd: {  	s16 =	sadd.s32 $0x3, s11;
	s26 =	sadd.s32 s1, s4;
	[dreg:$0xc] =	wrdreg s20  }
0xe: {  	s13 =	sshll.u32 s16, $0xE;
	s12 =	sadd.s32 s1, s10;
	[dreg:$0x12] =	wrdreg s26  }
0xf: {  	s19 =	smul.u32 $0xA00, s15;
	s13 =	sadd.s32 s13, s2;
	[dreg:$0x5] =	wrdreg s12  }
0x10: {  	s24 =	sadd.s32 s5, s10;
	s25 =	sadd.s32 s0, s10;
	[dreg:$0x8] =	wrdreg s13  }
0x11: {  	s12 =	sadd.s32 $0x2, s11;
	s11 =	sadd.s32 $0x4, s11;
	[dreg:$0x10] =	wrdreg s24  }
0x12: {  	s13 =	sshll.u32 s16, $0xB;
	s16 =	sadd.s32 s7, s10;
	[dreg:$0x11] =	wrdreg s25  }
0x13: {  	s14 =	sshll.u32 s12, $0xE;
	[dreg:$0xb] =	wrdreg s16;
	s22 =	sadd.s32 s7, s13  }
0x14: {  	s16 =	sadd.s32 s19, s6;
	s19 =	sadd.s32 s5, s13;
	[dreg:$0xe] =	wrdreg s22  }
0x15: {  	s17 =	sshll.u32 s11, $0xE;
	s20 =	sadd.s32 s0, s13;
	[dreg:$0x19] =	wrdreg s19  }
0x16: {  	s11 =	sshll.u32 s11, $0xB;
	s9 =	sadd.s32 s14, s2;
	[dreg:$0x1a] =	wrdreg s20  }
0x17: {  	s29 =	simm.s32 $0x13C80;
	s23 =	sadd.s32 s7, s11;
	[dreg:$0x7] =	wrdreg s9  }
0x18: {  	s30 =	simm.s32 $0x7;
	s22 =	sadd.s32 s5, s11;
	[dreg:$0xf] =	wrdreg s23  }
0x19: {  	s9 =	sshll.u32 s12, $0xB;
	s12 =	sadd.s32 s17, s2;
	[dreg:$0x1d] =	wrdreg s22  }
0x1a: {  	s31 =	simm.s32 $0x5;
	s23 =	smax.u32 s8, $0x1;
	[dreg:$0x9] =	wrdreg s12  }
0x1b: {  	p1 =	seq.s32 s15, $0xF;
	s21 =	sadd.s32 s7, s9;
	[dreg:$0x1e] =	wrdreg s23  }
0x1c: {  	s14 =	smul.u32 $0x5000, s15;
	s7 =	sadd.s32 s5, s4;
	[dreg:$0xd] =	wrdreg s21  }
0x1d: {  	s19 =	simm.s32 $0x13C00;
	s4 =	sadd.s32 s0, s4;
	[dreg:$0x13] =	wrdreg s7  }
0x1e: {  	s20 =	simm.s32 $0x13D00;
	s10 =	sadd.s32 s1, s9;
	[dreg:$0x14] =	wrdreg s4  }
0x1f: {  	s18 =	sshrl.u32 s14, $0x3;
	s14 =	sadd.s32 s5, s9;
	[dreg:$0x15] =	wrdreg s10  }
0x20: {  	s22 =	simm.s32 $0x13F00;
	s17 =	sadd.s32 s0, s9;
	[dreg:$0x16] =	wrdreg s14  }
0x21: {  	s8 =	simm.s32 $0x0;
	s0 =	sadd.s32 s0, s11;
	[dreg:$0x17] =	wrdreg s17  }
0x22: {  	s12 =	sadd.s32 s6, s18;
	s18 =	sadd.s32 s1, s13;
	[dreg:$0x1b] =	wrdreg s0  }
0x23: {  	s23 =	simm.s32 $0x3;
	s21 =	sadd.s32 s1, s11;
	[dreg:$0x18] =	wrdreg s18  }
0x24: {  	s0 =	simm.s32 $0x6;
	s7 =	simm.s32 $0x13E80;
	[dreg:$0x1c] =	wrdreg s21  }
.Ltmp0:
0x25: {  	s24 =	sadd.s32 $0x20, s12;
	[dreg:$0xa] =	wrdreg s12;
	(pc) =	sbr.rel .LBB2_1-.Ltmp0, $4  }
0x26: {  	s4 =	simm.s32 $0x2;
	s25 =	sadd.s32 $0x40, s12;
	[dreg:$0x1f] =	wrdreg s24  }
0x27: {  	s6 =	simm.s32 $0x13F80;
	s26 =	sadd.s32 $0x60, s12;
	[smem:$0x7FC] =	sst s25  }
0x28: {  	s18 =	simm.s32 $0x1;
	s21 =	simm.s32 $0x13E00;
	[smem:$0x7FD] =	sst s26  }
0x29: {  	s24 =	simm.s32 $0x80;
	s25 =	simm.s32 $0x14000;
	s26 =	simm.s32 $0x4  }
.LBB2_10:
0x2a: {  	_ =	swait.ge [sflag:s18], $0x800  }
0x2b: {  	[sflag:s18] =	ssyncset.done $0x0  }
0x2c: {  	[sflag:s18] =	ssyncadd.s32 $0xFFFFF800  }
.LBB2_11:
0x2d: {  	s8 =	sadd.s32 $0x1, s8;
	s9 =	rddreg [dreg:$0x1e]  }
0x2e: {  	p2 =	sne.s32 s8, s9  }
.Ltmp1:
0x2f: {  	_ = 	snop;
	(pc) =	sbr.rel @!p2 .LBB2_12-.Ltmp1, $1  }
0x30: {  	_ =	sdelay $0x3  }
.LBB2_1:
.Ltmp2:
0x31: {  	s15 =	rddreg [dreg:$0x4];
	(pc) =	sbr.rel @!p0 .LBB2_2-.Ltmp2, $4  }
0x32: {  	s9 =	stileid.u32;
	s17 =	rddreg [dreg:$0x6]  }
0x33: {  	s10 =	sshll.u32 s9, $0x6;
	s12 =	sshrl.u32 s15, $0x3;
	s9 =	rddreg [dreg:$0x9]  }
0x34: {  	s11 =	sshrl.u32 @!p1 s9, $0x3;
	[smem:$0x7FB] =	sst s12  }
0x35: {  	s13 =	sshrl.u32 s17, $0x3;
	s10 =	sor.u32 $0x1C01, s10;
	[smem:$0x7FA] =	sst s11  }
0x36: {  	s9 =	rddreg [dreg:$0x10]  }
0x37: {  	[spmem:s12], [sflag:s10] =	dma.local [hbm:s9], $0x800  }
0x38: {  	s9 =	rddreg [dreg:$0x13]  }
0x39: {  	[spmem:s13], [sflag:s10] =	dma.local [hbm:s9], $0x800  }
0x3a: {  	s9 =	rddreg [dreg:$0x7]  }
0x3b: {  	s14 =	rddreg [dreg:$0x16];
	s9 =	sshrl.u32 s9, $0x3  }
0x3c: {  	[smem:$0x7F6] =	sst s9  }
0x3d: {  	[spmem:s9], [sflag:s10] =	dma.local [hbm:s14], $0x800  }
0x3e: {  	s9 =	rddreg [dreg:$0x8]  }
0x3f: {  	s17 =	rddreg [dreg:$0x19];
	s15 =	sshrl.u32 s9, $0x3  }
0x40: {  	[smem:$0x7F7] =	sst s15  }
0x41: {  	[spmem:s15], [sflag:s10] =	dma.local [hbm:s17], $0x800  }
0x42: {  	s9 =	rddreg [dreg:$0x1d]  }
0x43: {  	[spmem:s11], [sflag:s10] =	dma.local @!p1 [hbm:s9], $0x800  }
0x44: {  	_ =	swait.ge [sflag:s18], $0x800  }
0x45: {  	[sflag:s18] =	ssyncset.done $0x0  }
0x46: {  	[sflag:s18] =	ssyncadd.s32 $0xFFFFF800  }
0x47: {  	_ =	swait.ge [sflag:s18], $0x800  }
0x48: {  	[sflag:s18] =	ssyncset.done $0x0  }
0x49: {  	[sflag:s18] =	ssyncadd.s32 $0xFFFFF800  }
0x4a: {  	_ =	swait.ge [sflag:s18], $0x800  }
0x4b: {  	[sflag:s18] =	ssyncset.done $0x0  }
0x4c: {  	[sflag:s18] =	ssyncadd.s32 $0xFFFFF800  }
0x4d: {  	_ =	swait.ge [sflag:s18], $0x800  }
0x4e: {  	[sflag:s18] =	ssyncset.done $0x0  }
0x4f: {  	s9 =	simm.s32 @!p1 $0x1;
	[sflag:s18] =	ssyncadd.s32 $0xFFFFF800  }
0x50: {  	_ =	swait.ge @!p1 [sflag:s9], $0x800  }
0x51: {  	[sflag:s9] =	ssyncset.done @!p1 $0x0  }
0x52: {  	[sflag:s9] =	ssyncadd.s32 @!p1 $0xFFFFF800  }
0x53: {  	[bflag:$0x0] =	sbarrier.arrive $0xFFFF  }
0x54: {  	s12 =	rddreg [dreg:$0xa]  }
0x55: {  	s14 =	rddreg [dreg:$0x1f]  }
0x56: {  	[tilespmem:s19], [sflag:$0x3] =	stream.linear.gather [hbm4b:s12+s3], $0x100, $0x38;
	[tilespmem:$0x1C000] =	vst v63  }
0x57: {  	s15 =	sld [smem:$0x7FC]  }
0x58: {  	[tilespmem:s20], [sflag:$0x4] =	stream.linear.gather [hbm4b:s14+s3], $0x100, $0x38;
	[tilespmem:$0x1C000] =	vst v63  }
0x59: {  	s17 =	sld [smem:$0x7FD]  }
0x5a: {  	[tilespmem:s21], [sflag:$0x5] =	stream.linear.gather [hbm4b:s15+s3], $0x100, $0x38;
	[tilespmem:$0x1C000] =	vst v63  }
0x5b: {  	_ = 	snop  }
0x5c: {  	[tilespmem:s22], [sflag:$0x6] =	stream.linear.gather [hbm4b:s17+s3], $0x100, $0x38;
	[tilespmem:$0x1C000] =	vst v63  }
0x5d: {  	_ =	swait.ge [sflag:s23], $0x100  }
0x5e: {  	[sflag:s23] =	ssyncset.done $0x0  }
0x5f: {  	s17 =	simm.s32 $0xFFFFF680;
	[sflag:s23] =	ssyncadd.s32 $0xFFFFFF00  }
0x60: {  	[tilespmem:s25], [sflag:$0x1] =	stream.indirect.gather [hbm4b:s5+s24], $0x80, s19, s24, $0xb8;
	[tilespmem:$0x1C000] =	vst v63  }
.LBB2_7:
0x61: {  	_ =	swait.ge [sflag:s26], $0x100  }
0x62: {  	[sflag:s26] =	ssyncset.done $0x0  }
0x63: {  	[sflag:s26] =	ssyncadd.s32 $0xFFFFFF00  }
0x64: {  	[tilespmem:s28], [sflag:$0x2] =	stream.indirect.gather [hbm4b:s5+s24], $0x80, s20, s24, $0xb8;
	[tilespmem:$0x1C000] =	vst v63  }
0x65: {  	_ =	swait.ge [sflag:s18], $0x4000  }
0x66: {  	[sflag:s18] =	ssyncset.done $0x0  }
0x67: {  	[sflag:s18] =	ssyncadd.s32 $0xFFFFC000  }
0x68: {  	[spmem:s2] =	stream.indirect.scatter.add.f32 [tilespmem:s25], [sflag:$0x7], $0x80, s29, s24, $0xb8;
	[tilespmem:$0x1C000] =	vst v63  }
0x69: {  	_ =	swait.ge [sflag:s30], $0x4000  }
0x6a: {  	[sflag:s30] =	ssyncset.done $0x0  }
0x6b: {  	[sflag:s30] =	ssyncadd.s32 $0xFFFFC000  }
0x6c: {  	_ =	swait.ge [sflag:s31], $0x100  }
0x6d: {  	p2 =	seq.s32 s17, $0x0;
	[sflag:s31] =	ssyncset.done $0x0  }
0x6e: {  	s9 =	simm.s32 @p2 $0x2;
	[sflag:s31] =	ssyncadd.s32 $0xFFFFFF00  }
0x6f: {  	[tilespmem:s25], [sflag:$0x1] =	stream.indirect.gather [hbm4b:s5+s24], $0x80, s21, s24, $0xb8;
	[tilespmem:$0x1C000] =	vst v63  }
0x70: {  	_ =	swait.ge @p2 [sflag:s9], $0x4000  }
0x71: {  	s11 =	simm.s32 @p2 $0x13D80;
	[sflag:s9] =	ssyncset.done @p2 $0x0  }
0x72: {  	s12 =	simm.s32 @p2 $0x18000;
	[sflag:s9] =	ssyncadd.s32 @p2 $0xFFFFC000;
	s9 =	simm.s32 @p2 $0x80  }
0x73: {  	[spmem:s2] =	stream.indirect.scatter.add.f32 @p2 [tilespmem:s12], [sflag:$0x7], $0x80, s11, s9, $0xb8;
	[tilespmem:$0x1C000] =	vst v63  }
0x74: {  	s9 =	simm.s32 @p2 $0x7  }
0x75: {  	_ =	swait.ge @p2 [sflag:s9], $0x4000  }
0x76: {  	[sflag:s9] =	ssyncset.done @p2 $0x0  }
0x77: {  	[sflag:s9] =	ssyncadd.s32 @p2 $0xFFFFC000;
	s9 =	sadd.s32 @!p2 s17, s16  }
0x78: {  	s14 =	simm.s32 @!p2 $0x13C00;
	s12 =	simm.s32 @!p2 $0x0;
	s11 =	sadd.s32 @!p2 $0xA00, s9  }
0x79: {  	[tilespmem:s14], [sflag:$0x3] =	stream.linear.gather @!p2 [hbm4b:s11+s12], $0x100, $0x38;
	[tilespmem:$0x1C000] =	vst v63  }
0x7a: {  	s11 =	simm.s32 @!p2 $0x2  }
0x7b: {  	_ =	swait.ge @!p2 [sflag:s11], $0x4000  }
0x7c: {  	s15 =	simm.s32 @!p2 $0x18000;
	[sflag:s11] =	ssyncset.done @!p2 $0x0  }
0x7d: {  	s14 =	simm.s32 @!p2 $0x13D80;
	[sflag:s11] =	ssyncadd.s32 @!p2 $0xFFFFC000;
	s11 =	simm.s32 @!p2 $0x80  }
0x7e: {  	[spmem:s2] =	stream.indirect.scatter.add.f32 @!p2 [tilespmem:s15], [sflag:$0x7], $0x80, s14, s11, $0xb8;
	[tilespmem:$0x1C000] =	vst v63  }
0x7f: {  	s11 =	simm.s32 @!p2 $0x7  }
0x80: {  	_ =	swait.ge @!p2 [sflag:s11], $0x4000  }
0x81: {  	[sflag:s11] =	ssyncset.done @!p2 $0x0  }
0x82: {  	s9 =	sadd.s32 @!p2 $0xA20, s9;
	[sflag:s11] =	ssyncadd.s32 @!p2 $0xFFFFC000;
	s11 =	simm.s32 @!p2 $0x13D00  }
0x83: {  	[tilespmem:s11], [sflag:$0x4] =	stream.linear.gather @!p2 [hbm4b:s9+s12], $0x100, $0x38;
	[tilespmem:$0x1C000] =	vst v63  }
0x84: {  	_ =	swait.ge [sflag:s0], $0x100  }
0x85: {  	[sflag:s0] =	ssyncset.done $0x0  }
0x86: {  	[sflag:s0] =	ssyncadd.s32 $0xFFFFFF00  }
0x87: {  	[tilespmem:s28], [sflag:$0x2] =	stream.indirect.gather [hbm4b:s5+s24], $0x80, s22, s24, $0xb8;
	[tilespmem:$0x1C000] =	vst v63  }
0x88: {  	_ =	swait.ge [sflag:s18], $0x4000  }
0x89: {  	[sflag:s18] =	ssyncset.done $0x0  }
.Ltmp3:
0x8a: {  	[sflag:s18] =	ssyncadd.s32 $0xFFFFC000;
	(pc) =	sbr.rel @p2 .LBB2_9-.Ltmp3, $4  }
0x8b: {  	[spmem:s2] =	stream.indirect.scatter.add.f32 [tilespmem:s25], [sflag:$0x7], $0x80, s7, s24, $0xb8;
	[tilespmem:$0x1C000] =	vst v63  }
0x8c: {  	_ =	swait.ge [sflag:s30], $0x4000  }
0x8d: {  	[sflag:s30] =	ssyncset.done $0x0  }
0x8e: {  	[sflag:s30] =	ssyncadd.s32 $0xFFFFC000  }
0x8f: {  	_ =	swait.ge [sflag:s23], $0x100  }
0x90: {  	[sflag:s23] =	ssyncset.done $0x0  }
0x91: {  	s9 =	sadd.s32 s17, s16;
	[sflag:s23] =	ssyncadd.s32 $0xFFFFFF00  }
0x92: {  	[tilespmem:s25], [sflag:$0x1] =	stream.indirect.gather [hbm4b:s5+s24], $0x80, s19, s24, $0xb8;
	[tilespmem:$0x1C000] =	vst v63  }
0x93: {  	s11 =	sadd.s32 $0xA40, s9  }
0x94: {  	[tilespmem:s21], [sflag:$0x5] =	stream.linear.gather [hbm4b:s11+s3], $0x100, $0x38;
	[tilespmem:$0x1C000] =	vst v63  }
0x95: {  	_ =	swait.ge [sflag:s4], $0x4000  }
0x96: {  	[sflag:s4] =	ssyncset.done $0x0  }
0x97: {  	[sflag:s4] =	ssyncadd.s32 $0xFFFFC000  }
0x98: {  	[spmem:s2] =	stream.indirect.scatter.add.f32 [tilespmem:s28], [sflag:$0x7], $0x80, s6, s24, $0xb8;
	[tilespmem:$0x1C000] =	vst v63  }
.Ltmp4:
0x99: {  	_ = 	snop;
	(pc) =	sbr.rel .LBB2_7-.Ltmp4, $4  }
0x9a: {  	_ =	swait.ge [sflag:s30], $0x4000  }
0x9b: {  	[sflag:s30] =	ssyncset.done $0x0  }
0x9c: {  	s17 =	sadd.s32 $0x80, s17;
	s9 =	sadd.s32 $0xA60, s9;
	[sflag:s30] =	ssyncadd.s32 $0xFFFFC000  }
0x9d: {  	[tilespmem:s22], [sflag:$0x6] =	stream.linear.gather [hbm4b:s9+s3], $0x100, $0x38;
	[tilespmem:$0x1C000] =	vst v63  }
.LBB2_2:
0x9e: {  	s9 =	rddreg [dreg:$0x5]  }
0x9f: {  	[spmem:s12], [sflag:s10] =	dma.local [hbm:s9], $0x800  }
0xa0: {  	s9 =	rddreg [dreg:$0x12]  }
0xa1: {  	[spmem:s13], [sflag:s10] =	dma.local [hbm:s9], $0x800  }
0xa2: {  	s9 =	rddreg [dreg:$0x7]  }
0xa3: {  	s14 =	rddreg [dreg:$0x15];
	s9 =	sshrl.u32 s9, $0x3  }
0xa4: {  	[smem:$0x7F8] =	sst s9  }
0xa5: {  	[spmem:s9], [sflag:s10] =	dma.local [hbm:s14], $0x800  }
0xa6: {  	s9 =	rddreg [dreg:$0x8]  }
0xa7: {  	s17 =	rddreg [dreg:$0x18];
	s15 =	sshrl.u32 s9, $0x3  }
0xa8: {  	[smem:$0x7F9] =	sst s15  }
0xa9: {  	[spmem:s15], [sflag:s10] =	dma.local [hbm:s17], $0x800  }
0xaa: {  	s9 =	rddreg [dreg:$0x1c]  }
0xab: {  	[spmem:s11], [sflag:s10] =	dma.local @!p1 [hbm:s9], $0x800  }
0xac: {  	_ =	swait.ge [sflag:s18], $0x800  }
0xad: {  	[sflag:s18] =	ssyncset.done $0x0  }
0xae: {  	[sflag:s18] =	ssyncadd.s32 $0xFFFFF800  }
0xaf: {  	_ =	swait.ge [sflag:s18], $0x800  }
0xb0: {  	[sflag:s18] =	ssyncset.done $0x0  }
0xb1: {  	[sflag:s18] =	ssyncadd.s32 $0xFFFFF800  }
0xb2: {  	_ =	swait.ge [sflag:s18], $0x800  }
0xb3: {  	[sflag:s18] =	ssyncset.done $0x0  }
0xb4: {  	[sflag:s18] =	ssyncadd.s32 $0xFFFFF800  }
0xb5: {  	_ =	swait.ge [sflag:s18], $0x800  }
0xb6: {  	[sflag:s18] =	ssyncset.done $0x0  }
0xb7: {  	s17 =	simm.s32 @!p1 $0x1;
	[sflag:s18] =	ssyncadd.s32 $0xFFFFF800  }
0xb8: {  	_ =	swait.ge @!p1 [sflag:s17], $0x800  }
0xb9: {  	[sflag:s17] =	ssyncset.done @!p1 $0x0  }
0xba: {  	[sflag:s17] =	ssyncadd.s32 @!p1 $0xFFFFF800  }
0xbb: {  	[bflag:$0x0] =	sbarrier.arrive $0xFFFF  }
0xbc: {  	s12 =	rddreg [dreg:$0xa]  }
0xbd: {  	s14 =	rddreg [dreg:$0x1f]  }
0xbe: {  	[tilespmem:s19], [sflag:$0x3] =	stream.linear.gather [hbm4b:s12+s3], $0x100, $0x38;
	[tilespmem:$0x1C000] =	vst v63  }
0xbf: {  	s15 =	sld [smem:$0x7FC]  }
0xc0: {  	[tilespmem:s20], [sflag:$0x4] =	stream.linear.gather [hbm4b:s14+s3], $0x100, $0x38;
	[tilespmem:$0x1C000] =	vst v63  }
0xc1: {  	s17 =	sld [smem:$0x7FD]  }
0xc2: {  	[tilespmem:s21], [sflag:$0x5] =	stream.linear.gather [hbm4b:s15+s3], $0x100, $0x38;
	[tilespmem:$0x1C000] =	vst v63  }
0xc3: {  	_ = 	snop  }
0xc4: {  	[tilespmem:s22], [sflag:$0x6] =	stream.linear.gather [hbm4b:s17+s3], $0x100, $0x38;
	[tilespmem:$0x1C000] =	vst v63  }
0xc5: {  	_ =	swait.ge [sflag:s23], $0x100  }
0xc6: {  	[sflag:s23] =	ssyncset.done $0x0  }
0xc7: {  	s17 =	simm.s32 $0xFFFFF680;
	[sflag:s23] =	ssyncadd.s32 $0xFFFFFF00  }
0xc8: {  	[tilespmem:s25], [sflag:$0x1] =	stream.indirect.gather [hbm4b:s1+s24], $0x80, s19, s24, $0xb8;
	[tilespmem:$0x1C000] =	vst v63  }
.LBB2_3:
0xc9: {  	_ =	swait.ge [sflag:s26], $0x100  }
0xca: {  	[sflag:s26] =	ssyncset.done $0x0  }
0xcb: {  	[sflag:s26] =	ssyncadd.s32 $0xFFFFFF00  }
0xcc: {  	[tilespmem:s28], [sflag:$0x2] =	stream.indirect.gather [hbm4b:s1+s24], $0x80, s20, s24, $0xb8;
	[tilespmem:$0x1C000] =	vst v63  }
0xcd: {  	_ =	swait.ge [sflag:s18], $0x4000  }
0xce: {  	[sflag:s18] =	ssyncset.done $0x0  }
0xcf: {  	[sflag:s18] =	ssyncadd.s32 $0xFFFFC000  }
0xd0: {  	[spmem:s2] =	stream.indirect.scatter.add.f32 [tilespmem:s25], [sflag:$0x7], $0x80, s29, s24, $0xb8;
	[tilespmem:$0x1C000] =	vst v63  }
0xd1: {  	_ =	swait.ge [sflag:s30], $0x4000  }
0xd2: {  	[sflag:s30] =	ssyncset.done $0x0  }
0xd3: {  	[sflag:s30] =	ssyncadd.s32 $0xFFFFC000  }
0xd4: {  	_ =	swait.ge [sflag:s31], $0x100  }
0xd5: {  	p2 =	seq.s32 s17, $0x0;
	[sflag:s31] =	ssyncset.done $0x0  }
0xd6: {  	s12 =	simm.s32 @p2 $0x2;
	[sflag:s31] =	ssyncadd.s32 $0xFFFFFF00  }
0xd7: {  	[tilespmem:s25], [sflag:$0x1] =	stream.indirect.gather [hbm4b:s1+s24], $0x80, s21, s24, $0xb8;
	[tilespmem:$0x1C000] =	vst v63  }
0xd8: {  	_ =	swait.ge @p2 [sflag:s12], $0x4000  }
0xd9: {  	s14 =	simm.s32 @p2 $0x13D80;
	[sflag:s12] =	ssyncset.done @p2 $0x0  }
0xda: {  	s15 =	simm.s32 @p2 $0x18000;
	[sflag:s12] =	ssyncadd.s32 @p2 $0xFFFFC000;
	s12 =	simm.s32 @p2 $0x80  }
0xdb: {  	[spmem:s2] =	stream.indirect.scatter.add.f32 @p2 [tilespmem:s15], [sflag:$0x7], $0x80, s14, s12, $0xb8;
	[tilespmem:$0x1C000] =	vst v63  }
0xdc: {  	s12 =	simm.s32 @p2 $0x7  }
0xdd: {  	_ =	swait.ge @p2 [sflag:s12], $0x4000  }
0xde: {  	[sflag:s12] =	ssyncset.done @p2 $0x0  }
0xdf: {  	[sflag:s12] =	ssyncadd.s32 @p2 $0xFFFFC000;
	s12 =	sadd.s32 @!p2 s17, s16  }
0xe0: {  	s9 =	simm.s32 @!p2 $0x13C00;
	s15 =	simm.s32 @!p2 $0x0;
	s14 =	sadd.s32 @!p2 $0xA00, s12  }
0xe1: {  	[tilespmem:s9], [sflag:$0x3] =	stream.linear.gather @!p2 [hbm4b:s14+s15], $0x100, $0x38;
	[tilespmem:$0x1C000] =	vst v63  }
0xe2: {  	s9 =	simm.s32 @!p2 $0x2  }
0xe3: {  	_ =	swait.ge @!p2 [sflag:s9], $0x4000  }
0xe4: {  	s11 =	simm.s32 @!p2 $0x18000;
	[sflag:s9] =	ssyncset.done @!p2 $0x0  }
0xe5: {  	s14 =	simm.s32 @!p2 $0x13D80;
	[sflag:s9] =	ssyncadd.s32 @!p2 $0xFFFFC000;
	s9 =	simm.s32 @!p2 $0x80  }
0xe6: {  	[spmem:s2] =	stream.indirect.scatter.add.f32 @!p2 [tilespmem:s11], [sflag:$0x7], $0x80, s14, s9, $0xb8;
	[tilespmem:$0x1C000] =	vst v63  }
0xe7: {  	s9 =	simm.s32 @!p2 $0x7  }
0xe8: {  	_ =	swait.ge @!p2 [sflag:s9], $0x4000  }
0xe9: {  	[sflag:s9] =	ssyncset.done @!p2 $0x0  }
0xea: {  	s11 =	simm.s32 @!p2 $0x13D00;
	[sflag:s9] =	ssyncadd.s32 @!p2 $0xFFFFC000;
	s9 =	sadd.s32 @!p2 $0xA20, s12  }
0xeb: {  	[tilespmem:s11], [sflag:$0x4] =	stream.linear.gather @!p2 [hbm4b:s9+s15], $0x100, $0x38;
	[tilespmem:$0x1C000] =	vst v63  }
0xec: {  	_ =	swait.ge [sflag:s0], $0x100  }
0xed: {  	[sflag:s0] =	ssyncset.done $0x0  }
0xee: {  	[sflag:s0] =	ssyncadd.s32 $0xFFFFFF00  }
0xef: {  	[tilespmem:s28], [sflag:$0x2] =	stream.indirect.gather [hbm4b:s1+s24], $0x80, s22, s24, $0xb8;
	[tilespmem:$0x1C000] =	vst v63  }
0xf0: {  	_ =	swait.ge [sflag:s18], $0x4000  }
0xf1: {  	[sflag:s18] =	ssyncset.done $0x0  }
.Ltmp5:
0xf2: {  	[sflag:s18] =	ssyncadd.s32 $0xFFFFC000;
	(pc) =	sbr.rel @p2 .LBB2_5-.Ltmp5, $4  }
0xf3: {  	[spmem:s2] =	stream.indirect.scatter.add.f32 [tilespmem:s25], [sflag:$0x7], $0x80, s7, s24, $0xb8;
	[tilespmem:$0x1C000] =	vst v63  }
0xf4: {  	_ =	swait.ge [sflag:s30], $0x4000  }
0xf5: {  	[sflag:s30] =	ssyncset.done $0x0  }
0xf6: {  	[sflag:s30] =	ssyncadd.s32 $0xFFFFC000  }
0xf7: {  	_ =	swait.ge [sflag:s23], $0x100  }
0xf8: {  	[sflag:s23] =	ssyncset.done $0x0  }
0xf9: {  	s9 =	sadd.s32 s17, s16;
	[sflag:s23] =	ssyncadd.s32 $0xFFFFFF00  }
0xfa: {  	[tilespmem:s25], [sflag:$0x1] =	stream.indirect.gather [hbm4b:s1+s24], $0x80, s19, s24, $0xb8;
	[tilespmem:$0x1C000] =	vst v63  }
0xfb: {  	s11 =	sadd.s32 $0xA40, s9  }
0xfc: {  	[tilespmem:s21], [sflag:$0x5] =	stream.linear.gather [hbm4b:s11+s3], $0x100, $0x38;
	[tilespmem:$0x1C000] =	vst v63  }
0xfd: {  	_ =	swait.ge [sflag:s4], $0x4000  }
0xfe: {  	[sflag:s4] =	ssyncset.done $0x0  }
0xff: {  	[sflag:s4] =	ssyncadd.s32 $0xFFFFC000  }
0x100: {  	[spmem:s2] =	stream.indirect.scatter.add.f32 [tilespmem:s28], [sflag:$0x7], $0x80, s6, s24, $0xb8;
	[tilespmem:$0x1C000] =	vst v63  }
.Ltmp6:
0x101: {  	_ = 	snop;
	(pc) =	sbr.rel .LBB2_3-.Ltmp6, $4  }
0x102: {  	_ =	swait.ge [sflag:s30], $0x4000  }
0x103: {  	[sflag:s30] =	ssyncset.done $0x0  }
0x104: {  	s17 =	sadd.s32 $0x80, s17;
	s9 =	sadd.s32 $0xA60, s9;
	[sflag:s30] =	ssyncadd.s32 $0xFFFFC000  }
0x105: {  	[tilespmem:s22], [sflag:$0x6] =	stream.linear.gather [hbm4b:s9+s3], $0x100, $0x38;
	[tilespmem:$0x1C000] =	vst v63  }
.LBB2_9:
0x106: {  	_ =	swait.ge [sflag:s4], $0x4000  }
0x107: {  	[sflag:s4] =	ssyncset.done $0x0  }
0x108: {  	[sflag:s4] =	ssyncadd.s32 $0xFFFFC000  }
0x109: {  	[spmem:s2] =	stream.indirect.scatter.add.f32 [tilespmem:s28], [sflag:$0x7], $0x80, s6, s24, $0xb8;
	[tilespmem:$0x1C000] =	vst v63  }
0x10a: {  	_ =	swait.ge [sflag:s30], $0x4000  }
0x10b: {  	[sflag:s30] =	ssyncset.done $0x0  }
0x10c: {  	[sflag:s30] =	ssyncadd.s32 $0xFFFFC000  }
0x10d: {  	[bflag:$0x0] =	sbarrier.arrive $0xFFFF  }
0x10e: {  	s11 =	sld [smem:$0x7FB];
	_ =	sdelay $0x1  }
0x10f: {  	s9 =	rddreg [dreg:$0x11]  }
0x110: {  	[hbm:s9], [sflag:s10] =	dma.local [spmem:s11], $0x800  }
0x111: {  	s9 =	rddreg [dreg:$0x14]  }
0x112: {  	[hbm:s9], [sflag:s10] =	dma.local [spmem:s13], $0x800  }
0x113: {  	s17 =	sld [smem:$0x7F6];
	_ =	sdelay $0x1  }
0x114: {  	s9 =	rddreg [dreg:$0x17]  }
0x115: {  	[hbm:s9], [sflag:s10] =	dma.local [spmem:s17], $0x800  }
0x116: {  	s11 =	sld [smem:$0x7F7];
	_ =	sdelay $0x1  }
0x117: {  	s9 =	rddreg [dreg:$0x1a]  }
0x118: {  	[hbm:s9], [sflag:s10] =	dma.local [spmem:s11], $0x800  }
0x119: {  	s11 =	sld [smem:$0x7FA];
	_ =	sdelay $0x1  }
0x11a: {  	s9 =	rddreg [dreg:$0x1b]  }
0x11b: {  	[hbm:s9], [sflag:s10] =	dma.local @!p1 [spmem:s11], $0x800  }
0x11c: {  	_ =	swait.ge [sflag:s18], $0x800  }
0x11d: {  	[sflag:s18] =	ssyncset.done $0x0  }
0x11e: {  	[sflag:s18] =	ssyncadd.s32 $0xFFFFF800  }
0x11f: {  	_ =	swait.ge [sflag:s18], $0x800  }
0x120: {  	[sflag:s18] =	ssyncset.done $0x0  }
0x121: {  	[sflag:s18] =	ssyncadd.s32 $0xFFFFF800  }
0x122: {  	_ =	swait.ge [sflag:s18], $0x800  }
.Ltmp7:
0x123: {  	[sflag:s18] =	ssyncset.done $0x0;
	(pc) =	sbr.rel @p1 .LBB2_11-.Ltmp7, $4  }
.Ltmp8:
0x124: {  	[sflag:s18] =	ssyncadd.s32 $0xFFFFF800;
	(pc) =	sbr.rel @!p1 .LBB2_10-.Ltmp8, $4  }
0x125: {  	_ =	swait.ge [sflag:s18], $0x800  }
0x126: {  	[sflag:s18] =	ssyncset.done $0x0  }
0x127: {  	[sflag:s18] =	ssyncadd.s32 $0xFFFFF800  }
0x128: {  	_ = 	snop  }
.LBB2_5:
0x129: {  	_ =	swait.ge [sflag:s4], $0x4000  }
0x12a: {  	[sflag:s4] =	ssyncset.done $0x0  }
0x12b: {  	[sflag:s4] =	ssyncadd.s32 $0xFFFFC000  }
0x12c: {  	[spmem:s2] =	stream.indirect.scatter.add.f32 [tilespmem:s28], [sflag:$0x7], $0x80, s6, s24, $0xb8;
	[tilespmem:$0x1C000] =	vst v63  }
0x12d: {  	_ =	swait.ge [sflag:s30], $0x4000  }
0x12e: {  	[sflag:s30] =	ssyncset.done $0x0  }
0x12f: {  	[sflag:s30] =	ssyncadd.s32 $0xFFFFC000  }
0x130: {  	[bflag:$0x0] =	sbarrier.arrive $0xFFFF  }
0x131: {  	s11 =	sld [smem:$0x7FB];
	_ =	sdelay $0x1  }
0x132: {  	s9 =	rddreg [dreg:$0xb]  }
0x133: {  	[hbm:s9], [sflag:s10] =	dma.local [spmem:s11], $0x800  }
0x134: {  	s9 =	rddreg [dreg:$0xc]  }
0x135: {  	[hbm:s9], [sflag:s10] =	dma.local [spmem:s13], $0x800  }
0x136: {  	s17 =	sld [smem:$0x7F8];
	_ =	sdelay $0x1  }
0x137: {  	s9 =	rddreg [dreg:$0xd]  }
0x138: {  	[hbm:s9], [sflag:s10] =	dma.local [spmem:s17], $0x800  }
0x139: {  	s11 =	sld [smem:$0x7F9];
	_ =	sdelay $0x1  }
0x13a: {  	s9 =	rddreg [dreg:$0xe]  }
0x13b: {  	[hbm:s9], [sflag:s10] =	dma.local [spmem:s11], $0x800  }
0x13c: {  	s11 =	sld [smem:$0x7FA];
	_ =	sdelay $0x1  }
0x13d: {  	s9 =	rddreg [dreg:$0xf]  }
0x13e: {  	[hbm:s9], [sflag:s10] =	dma.local @!p1 [spmem:s11], $0x800  }
0x13f: {  	_ =	swait.ge [sflag:s18], $0x800  }
0x140: {  	[sflag:s18] =	ssyncset.done $0x0  }
0x141: {  	[sflag:s18] =	ssyncadd.s32 $0xFFFFF800  }
0x142: {  	_ =	swait.ge [sflag:s18], $0x800  }
0x143: {  	[sflag:s18] =	ssyncset.done $0x0  }
0x144: {  	[sflag:s18] =	ssyncadd.s32 $0xFFFFF800  }
0x145: {  	_ =	swait.ge [sflag:s18], $0x800  }
.Ltmp9:
0x146: {  	[sflag:s18] =	ssyncset.done $0x0;
	(pc) =	sbr.rel @p1 .LBB2_11-.Ltmp9, $4  }
.Ltmp10:
0x147: {  	[sflag:s18] =	ssyncadd.s32 $0xFFFFF800;
	(pc) =	sbr.rel @!p1 .LBB2_10-.Ltmp10, $4  }
0x148: {  	_ =	swait.ge [sflag:s18], $0x800  }
0x149: {  	[sflag:s18] =	ssyncset.done $0x0  }
0x14a: {  	[sflag:s18] =	ssyncadd.s32 $0xFFFFF800  }
0x14b: {  	_ = 	snop  }
.LBB2_12:
0x14c: {  	_ =	sfence.sel $0x180000  }
0x14d: {  	[bflag:$0x0] =	sbarrier.arrive $0xFFFF  }
0x14e: {  	_ =	strace $0x9000004A  }
0x14f: {  	s0 =	stileid.u32;
	[bflag:$0x2] =	sbarrier.arrive $0xFFFF  }
0x150: {  	p0 =	sne.s32 s0, $0x0;
	s0 =	rddreg [dreg:$0x3]  }
0x151: {  	s0 =	sadd.s32 @!p0 $0x100000, s0  }
0x152: {  	[sflag:s0] =	ssyncadd.tile.s32 @!p0 $0x1;
	_ =	shalt  }
.Lfunc_end2:
_tile_overlayer_lowered:
.L_overlay_start_2:
0x153: {  	(tag) =	ssettag $0x2  }
0x154: {  	s0 =	rddreg [dreg:$0x0];
	s2 =	stileid.u32  }
0x155: {  	s1 =	rddreg [dreg:$0x1];
	p0 =	sne.s32 s2, $0x0  }
0x156: {  	s3 =	rddreg [dreg:$0x2];
	[bflag:$0x3] =	sbarrier.arrive $0xFFFF;
	s2 =	simm.s32 @!p0 $0x1C07  }
0x157: {  	[timem:s3], [sflag:s2] =	dma.local @!p0 [hbm:s0], s1  }
0x158: {  	s0 =	simm.s32 @!p0 $0x7  }
0x159: {  	_ =	swait.ge @!p0 [sflag:s0], s1  }
0x15a: {  	s1 =	ssub.s32 @!p0 $0x0, s1;
	[sflag:s0] =	ssyncset.done @!p0 $0x0  }
0x15b: {  	[sflag:s0] =	ssyncadd.s32 @!p0 s1  }
0x15c: {  	[bflag:$0x3] =	sbarrier.arrive $0xFFFF  }
0x15d: {  	_ =	shalt  }

// kernel: _run.14.cloned.1.call-start
scs
__scs_entry_jumppad:
0x0: {  	(pc) =	sbr.rel $0x88, $3  }
0x1: {  	(tag) =	ssettag $0x0;
	lr =	simm.s32 $0x1  }
0x2: {  	[smem:$0x3F9B] =	sst lr;
	_ =	strace $0xD0000000  }
0x3: {  	_ = 	snop  }
0x4: {  	_ = 	snop  }
0x5: {  	_ = 	snop  }
0x6: {  	_ = 	snop  }
0x7: {  	_ = 	snop  }
__scs_overlays_trampoline_lowered:
0x8: {  	[smem:$0x3FAA] =	sst s0  }
0x9: {  	[smem:$0x3FAB] =	sst s1  }
0xa: {  	[smem:$0x3FAC] =	sst s2  }
0xb: {  	[smem:$0x3FAD] =	sst s3  }
0xc: {  	[smem:$0x3FAE] =	sst s4  }
0xd: {  	[smem:$0x3FAF] =	sst s5  }
0xe: {  	[smem:$0x3FB0] =	sst s6  }
0xf: {  	[smem:$0x3FB1] =	sst s7  }
0x10: {  	[smem:$0x3FB2] =	sst s8  }
0x11: {  	[smem:$0x3FB3] =	sst s9;
	s0 =	simm.s32 @!p0 $0x0  }
0x12: {  	s1 =	sld [smem:$0x3F99];
	s0 =	simm.s32 @p0 $0x1  }
0x13: {  	[smem:$0x3FB4] =	sst s0;
	s0 =	simm.s32 @!p1 $0x0  }
0x14: {  	s2 =	sld [smem:$0x3F98];
	s0 =	simm.s32 @p1 $0x1  }
0x15: {  	[smem:$0x3FB5] =	sst s0;
	s0 =	simm.s32 @!p2 $0x0  }
0x16: {  	s3 =	sld [smem:$0x3FDB];
	s0 =	simm.s32 @p2 $0x1  }
0x17: {  	s4 =	simm.s32 $0x1BF5;
	[smem:$0x3FB7] =	sst s0  }
0x18: {  	s0 =	sld [smem:$0x3F9A];
	_ =	swait.ge [sflag:s4], $0x0  }
0x19: {  	s7 =	sld [smem:$0x3F9B]  }
0x1a: {  	s8 =	sadd.s32 $0xFFFFE003, lr  }
0x1b: {  	s9 =	sadd.s32 $0xFFFFFEF7, lr;
	s5 =	simm.s32 $0xFFFFFFFF;
	p2 =	slt.u32 s8, $0xFFFFF086  }
0x1c: {  	p1 =	slt.u32 s9, $0xF7A;
	s5 =	simm.s32 @!p2 $0x0  }
0x1d: {  	s5 =	simm.s32 @p1 $0x1;
	p0 =	seq.s32 s7, s2  }
0x1e: {  	s7 =	smul.u32 @!p0 $0xF7A, s2;
	p2 =	seq.s32 @!p0 s5, $0x0  }
0x1f: {  	s9 =	smul.u32 $0xF7A, s1;
	s8 =	simm.s32 @!p0 $0x1BF5;
	p2 =	por !p2, p0  }
0x20: {  	[sflag:s8] =	ssyncset.s32 @!p0 $0xFFFFF086;
	s6 =	sadd.s32 @!p0 s3, s7;
	s7 =	simm.s32 @!p0 $0x108  }
0x21: {  	s3 =	sadd.s32 s3, s9;
	s6 =	sadd.s32 @!p0 $0x88, s6;
	s7 =	simm.s32 @p2 $0x1082  }
0x22: {  	[simem:s7], [sflag:s8] =	dma.local @!p0 [hbm:s6], $0xF7A  }
0x23: {  	s9 =	sor.u32 $0xD0000000, s2;
	s6 =	simm.s32 $0x108;
	_ =	swait.ge @!p0 [sflag:s8], $0x0  }
0x24: {  	s3 =	sadd.s32 $0x88, s3;
	s6 =	simm.s32 @!p1 $0x1082;
	[sflag:s4] =	ssyncset.s32 $0xFFFFF086  }
0x25: {  	[simem:s6], [sflag:s4] =	dma.local [hbm:s3], $0xF7A  }
0x26: {  	[smem:$0x3F9B] =	sst s1;
	(tag) =	ssettag s2;
	_ =	strace s9  }
0x27: {  	s1 =	sld [smem:$0x3FAB]  }
0x28: {  	s2 =	sld [smem:$0x3FAC]  }
0x29: {  	s4 =	sld [smem:$0x3FAE]  }
0x2a: {  	p0 =	seq.s32 s5, $0x0;
	s5 =	sld [smem:$0x3FAF]  }
0x2b: {  	s6 =	sld [smem:$0x3FB0]  }
0x2c: {  	s7 =	sld [smem:$0x3FB1]  }
0x2d: {  	s3 =	simm.s32 $0x108;
	s8 =	sld [smem:$0x3FB2]  }
0x2e: {  	s3 =	simm.s32 @!p0 $0x1082;
	s9 =	sld [smem:$0x3FB3]  }
0x2f: {  	lr =	sadd.s32 s0, s3;
	s0 =	sld [smem:$0x3FAA]  }
0x30: {  	s3 =	sld [smem:$0x3FAD]  }
0x31: {  	[smem:$0x3FB6] =	sst s10  }
0x32: {  	s10 =	sld [smem:$0x3FB4];
	_ =	sdelay $0x3  }
0x33: {  	p0 =	seq.s32 s10, $0x1;
	s10 =	sld [smem:$0x3FB6];
	_ =	sdelay $0x3  }
0x34: {  	[smem:$0x3FB6] =	sst s10  }
0x35: {  	s10 =	sld [smem:$0x3FB5];
	_ =	sdelay $0x3  }
0x36: {  	p1 =	seq.s32 s10, $0x1;
	s10 =	sld [smem:$0x3FB6];
	_ =	sdelay $0x3  }
0x37: {  	[smem:$0x3FB6] =	sst s10  }
0x38: {  	s10 =	sld [smem:$0x3FB7]  }
0x39: {  	_ = 	snop;
	(pc) =	sbr.ind lr, $3  }
0x3a: {  	_ = 	snop  }
0x3b: {  	_ = 	snop  }
0x3c: {  	p2 =	seq.s32 s10, $0x1;
	s10 =	sld [smem:$0x3FB6]  }
0x3d: {  	_ =	shalt  }
0x3e: {  	_ =	shalt  }
0x3f: {  	_ =	shalt  }
0x40: {  	_ =	shalt  }
0x41: {  	_ =	shalt  }
0x42: {  	_ =	shalt  }
0x43: {  	_ =	shalt  }
0x44: {  	_ =	shalt  }
0x45: {  	_ =	shalt  }
0x46: {  	_ =	shalt  }
0x47: {  	_ =	shalt  }
0x48: {  	_ =	shalt  }
0x49: {  	_ =	shalt  }
0x4a: {  	_ =	shalt  }
0x4b: {  	_ =	shalt  }
0x4c: {  	_ =	shalt  }
0x4d: {  	_ =	shalt  }
0x4e: {  	_ =	shalt  }
0x4f: {  	_ =	shalt  }
0x50: {  	_ =	shalt  }
0x51: {  	_ =	shalt  }
0x52: {  	_ =	shalt  }
0x53: {  	_ =	shalt  }
0x54: {  	_ =	shalt  }
0x55: {  	_ =	shalt  }
0x56: {  	_ =	shalt  }
0x57: {  	_ =	shalt  }
0x58: {  	_ =	shalt  }
0x59: {  	_ =	shalt  }
0x5a: {  	_ =	shalt  }
0x5b: {  	_ =	shalt  }
0x5c: {  	_ =	shalt  }
0x5d: {  	_ =	shalt  }
0x5e: {  	_ =	shalt  }
0x5f: {  	_ =	shalt  }
0x60: {  	_ =	shalt  }
0x61: {  	_ =	shalt  }
0x62: {  	_ =	shalt  }
0x63: {  	_ =	shalt  }
0x64: {  	_ =	shalt  }
0x65: {  	_ =	shalt  }
0x66: {  	_ =	shalt  }
0x67: {  	_ =	shalt  }
0x68: {  	_ =	shalt  }
0x69: {  	_ =	shalt  }
0x6a: {  	_ =	shalt  }
0x6b: {  	_ =	shalt  }
0x6c: {  	_ =	shalt  }
0x6d: {  	_ =	shalt  }
0x6e: {  	_ =	shalt  }
0x6f: {  	_ =	shalt  }
0x70: {  	_ =	shalt  }
0x71: {  	_ =	shalt  }
0x72: {  	_ =	shalt  }
0x73: {  	_ =	shalt  }
0x74: {  	_ =	shalt  }
0x75: {  	_ =	shalt  }
0x76: {  	_ =	shalt  }
0x77: {  	_ =	shalt  }
0x78: {  	_ =	shalt  }
0x79: {  	_ =	shalt  }
0x7a: {  	_ =	shalt  }
0x7b: {  	_ =	shalt  }
0x7c: {  	_ =	shalt  }
0x7d: {  	_ =	shalt  }
0x7e: {  	_ =	shalt  }
0x7f: {  	_ =	shalt  }
0x80: {  	_ =	shalt  }
0x81: {  	_ =	shalt  }
0x82: {  	_ =	shalt  }
0x83: {  	_ =	shalt  }
0x84: {  	_ =	shalt  }
0x85: {  	_ =	shalt  }
0x86: {  	_ =	shalt  }
0x87: {  	_ =	shalt  }
.Lfunc_end0:
.L_simem_size_0:
called_computation.2_lowered:
.L_overlay_start_0:
0x88: {  	s2 =	sld [smem:$0x3FD9]  }
0x89: {  	s3 =	sld [smem:$0x3FFE];
	_ =	sdelay $0x1  }
0x8a: {  	s1 =	srdreg.scid  }
0x8b: {  	s0 =	sand.u32 $0x1, s1  }
0x8c: {  	s17 =	sshll.u32 s0, $0xA;
	s2 =	sadd.s32 s3, s2  }
0x8d: {  	s2 =	sadd.s32 s2, s17  }
0x8e: {  	[smem:$0x3FC2] =	sst s2  }
0x8f: {  	_ = 	snop  }
0x90: {  	s2 =	sld [smem:$0x3FD0];
	(tm) =	ssettm $0x1  }
0x91: {  	s18 =	sld [smem:$0x3FFB];
	_ =	sdelay $0x3  }
0x92: {  	_ =	strace s18  }
0x93: {  	s3 =	sld [smem:$0x3FFC];
	_ =	sdelay $0x3  }
0x94: {  	_ =	strace s3  }
0x95: {  	s3 =	sld [smem:$0x3FFD];
	_ =	sdelay $0x3  }
0x96: {  	_ =	strace s3  }
0x97: {  	_ =	strace $0x8FFFFFFF  }
0x98: {  	s19 =	sld [smem:$0x3FDB];
	_ =	sdelay $0x1  }
0x99: {  	s4 =	simm.s32 $_scs_section_size  }
0x9a: {  	s5 =	simm.s32 $_size__tile_overlayer_lowered;
	s6 =	simm.s32 $_tile_overlayer_lowered  }
0x9b: {  	s22 =	simm.s32 $0x1BFF;
	s21 =	sshll.u32 s6, $0x1;
	s3 =	sadd.s32 s4, s19  }
0x9c: {  	s7 =	simm.s32 $0x0;
	s20 =	sshll.u32 s5, $0x1;
	s5 =	sadd.s32 s21, s3  }
0x9d: {  	[timem:s7], [sflag:s22] =	dma.local [hbm:s5], s20  }
0x9e: {  	_ =	swait.ge [sflag:s22], s20  }
0x9f: {  	s4 =	ssub.s32 $0x0, s20;
	[sflag:s22] =	ssyncset.done $0x0  }
0xa0: {  	[sflag:s22] =	ssyncadd.s32 s4;
	_ =	sdelay $0x1  }
0xa1: {  	s23 =	simm.s32 $0x1B8B  }
0xa2: {  	_ =	swait.ge [sflag:s23], $0x1  }
0xa3: {  	[sflag:s23] =	ssyncset.done $0x0  }
0xa4: {  	s25 =	simm.s32 $0x1B8E;
	s24 =	sld [smem:$0x3FFE];
	[sflag:s23] =	ssyncadd.s32 $0xFFFFFFFF  }
0xa5: {  	s26 =	simm.s32 $execute0_lowered;
	[smem:$0x3FD2] =	sst s25  }
0xa6: {  	s5 =	sshll.u32 s26, $0x1;
	_ =	strace $0x8000004C;
	[dreg:$0x1] =	wrdreg $0xFFFFFFFF  }
0xa7: {  	s28 =	simm.s32 $_size_execute0_lowered;
	s3 =	sadd.s32 s3, s5;
	[dreg:$0x0] =	wrdreg $0x0  }
0xa8: {  	s5 =	sshll.u32 s28, $0x1;
	[dreg:$0x2] =	wrdreg s3  }
0xa9: {  	[dreg:$0x3] =	wrdreg s5  }
0xaa: {  	[dreg:$0x4] =	wrdreg $0xC0  }
0xab: {  	_ =	task [dreg:s7], $0x5FFFF  }
0xac: {  	[dreg:$0x1] =	wrdreg $0xFFFFFFFF  }
0xad: {  	[dreg:$0x0] =	wrdreg $0x60  }
0xae: {  	[dreg:$0x2] =	wrdreg s2  }
0xaf: {  	[dreg:$0x3] =	wrdreg s24  }
0xb0: {  	[dreg:$0x4] =	wrdreg $0x0  }
0xb1: {  	[dreg:$0x5] =	wrdreg $0x9  }
0xb2: {  	_ =	task.clear_ibuf [dreg:s7], $0x6FFFF;
	_ =	strace $0x9000004C  }
0xb3: {  	s29 =	simm.s32 $0x9;
	_ =	strace $0x8000004E  }
0xb4: {  	_ =	swait.ge [sflag:s29], $0x1  }
0xb5: {  	[sflag:s29] =	ssyncadd.s32 $0xFFFFFFFF  }
0xb6: {  	_ =	strace $0x9000004E  }
0xb7: {  	_ =	sfence  }
0xb8: {  	s30 =	sld [smem:$0x0];
	_ =	sdelay $0x2  }
0xb9: {  	s31 =	sshll.u32 s1, $0xD;
	s1 =	sshrl.u32 s1, $0x2  }
0xba: {  	s3 =	sand.u32 $0x4000, s31;
	s1 =	sadd.s32 s1, s30  }
0xbb: {  	s0 =	sor.u32 s3, s0;
	s1 =	sshll.u32 s1, $0x11  }
0xbc: {  	s0 =	sor.u32 s1, s0  }
0xbd: {  	s0 =	sadd.s32 $0x8F2B, s0  }
0xbe: {  	[sflag:s0] =	ssyncadd.remote.s32 $0x1  }
0xbf: {  	_ =	sfence.sel $0xFFFF  }
0xc0: {  	[dreg:$0x0] =	wrdreg $0xFFFFFFFF;
	(pc) =	sbr.abs _section_cstart, $3  }
0xc1: {  	[dreg:$0x1] =	wrdreg $0xFFFFFFFF  }
0xc2: {  	_ =	task.clear_ibuf [dreg:s7], $0x2FFFF;
	_ =	strace $0x9FFFFFFF  }
0xc3: {  	(tm) =	ssettm $0x7FFFFFFF  }
tec
execute0_lowered:
.L_overlay_start_1:
0x0: {  	(tag) =	ssettag $0x1  }
0x1: {  	s1 =	rddreg [dreg:$0x0]  }
0x2: {  	s0 =	rddreg [dreg:$0x1]  }
0x3: {  	s2 =	rddreg [dreg:$0x2]  }
0x4: {  	s3 =	simm.s32 $0x0;
	s4 =	srdreg.scid;
	s15 =	stileid.u32  }
0x5: {  	s28 =	simm.s32 $0x18000;
	[smem:$0x7FF] =	sst s3;
	s5 =	sadd.s32 $0x3E00, s0  }
0x6: {  	s6 =	sadd.s32 $0x53C00, s0;
	s4 =	sand.u32 $0x1, s4;
	s9 =	smul.u32 $0x50000, s15  }
0x7: {  	s7 =	sadd.s32 $0x5DC00, s0;
	s0 =	sadd.s32 $0x85400, s0;
	s11 =	smul.u32 $0x5, s15  }
0x8: {  	_ =	strace $0x8000004D;
	s8 =	ssub.s32 $0x2, s4;
	p0 =	seq.s32 s4, $0x1  }
0x9: {  	s10 =	sshrl.u32 s8, $0x1;
	s9 =	sshrl.u32 s9, $0x2;
	s26 =	sadd.s32 $0x1, s11  }
0xa: {  	s8 =	ssub.s32 s8, s10;
	s25 =	sadd.s32 s9, s2;
	s13 =	sshll.u32 s26, $0xE  }
0xb: {  	s4 =	sshll.u32 s26, $0xB;
	[dreg:$0x4] =	wrdreg s25;
	s9 =	sadd.s32 s13, s2  }
0xc: {  	s10 =	smul.u32 $0x2800, s15;
	s20 =	sadd.s32 s7, s4;
	[dreg:$0x6] =	wrdreg s9  }
0xd: {  	s16 =	sadd.s32 $0x3, s11;
	s26 =	sadd.s32 s1, s4;
	[dreg:$0xc] =	wrdreg s20  }
0xe: {  	s13 =	sshll.u32 s16, $0xE;
	s12 =	sadd.s32 s1, s10;
	[dreg:$0x12] =	wrdreg s26  }
0xf: {  	s19 =	smul.u32 $0xA00, s15;
	s13 =	sadd.s32 s13, s2;
	[dreg:$0x5] =	wrdreg s12  }
0x10: {  	s24 =	sadd.s32 s5, s10;
	s25 =	sadd.s32 s0, s10;
	[dreg:$0x8] =	wrdreg s13  }
0x11: {  	s12 =	sadd.s32 $0x2, s11;
	s11 =	sadd.s32 $0x4, s11;
	[dreg:$0x10] =	wrdreg s24  }
0x12: {  	s13 =	sshll.u32 s16, $0xB;
	s16 =	sadd.s32 s7, s10;
	[dreg:$0x11] =	wrdreg s25  }
0x13: {  	s14 =	sshll.u32 s12, $0xE;
	[dreg:$0xb] =	wrdreg s16;
	s22 =	sadd.s32 s7, s13  }
0x14: {  	s16 =	sadd.s32 s19, s6;
	s19 =	sadd.s32 s5, s13;
	[dreg:$0xe] =	wrdreg s22  }
0x15: {  	s17 =	sshll.u32 s11, $0xE;
	s20 =	sadd.s32 s0, s13;
	[dreg:$0x19] =	wrdreg s19  }
0x16: {  	s11 =	sshll.u32 s11, $0xB;
	s9 =	sadd.s32 s14, s2;
	[dreg:$0x1a] =	wrdreg s20  }
0x17: {  	s29 =	simm.s32 $0x13C80;
	s23 =	sadd.s32 s7, s11;
	[dreg:$0x7] =	wrdreg s9  }
0x18: {  	s30 =	simm.s32 $0x7;
	s22 =	sadd.s32 s5, s11;
	[dreg:$0xf] =	wrdreg s23  }
0x19: {  	s9 =	sshll.u32 s12, $0xB;
	s12 =	sadd.s32 s17, s2;
	[dreg:$0x1d] =	wrdreg s22  }
0x1a: {  	s31 =	simm.s32 $0x5;
	s23 =	smax.u32 s8, $0x1;
	[dreg:$0x9] =	wrdreg s12  }
0x1b: {  	p1 =	seq.s32 s15, $0xF;
	s21 =	sadd.s32 s7, s9;
	[dreg:$0x1e] =	wrdreg s23  }
0x1c: {  	s14 =	smul.u32 $0x5000, s15;
	s7 =	sadd.s32 s5, s4;
	[dreg:$0xd] =	wrdreg s21  }
0x1d: {  	s19 =	simm.s32 $0x13C00;
	s4 =	sadd.s32 s0, s4;
	[dreg:$0x13] =	wrdreg s7  }
0x1e: {  	s20 =	simm.s32 $0x13D00;
	s10 =	sadd.s32 s1, s9;
	[dreg:$0x14] =	wrdreg s4  }
0x1f: {  	s18 =	sshrl.u32 s14, $0x3;
	s14 =	sadd.s32 s5, s9;
	[dreg:$0x15] =	wrdreg s10  }
0x20: {  	s22 =	simm.s32 $0x13F00;
	s17 =	sadd.s32 s0, s9;
	[dreg:$0x16] =	wrdreg s14  }
0x21: {  	s8 =	simm.s32 $0x0;
	s0 =	sadd.s32 s0, s11;
	[dreg:$0x17] =	wrdreg s17  }
0x22: {  	s12 =	sadd.s32 s6, s18;
	s18 =	sadd.s32 s1, s13;
	[dreg:$0x1b] =	wrdreg s0  }
0x23: {  	s23 =	simm.s32 $0x3;
	s21 =	sadd.s32 s1, s11;
	[dreg:$0x18] =	wrdreg s18  }
0x24: {  	s0 =	simm.s32 $0x6;
	s7 =	simm.s32 $0x13E80;
	[dreg:$0x1c] =	wrdreg s21  }
.Ltmp0:
0x25: {  	s24 =	sadd.s32 $0x20, s12;
	[dreg:$0xa] =	wrdreg s12;
	(pc) =	sbr.rel .LBB2_1-.Ltmp0, $4  }
0x26: {  	s4 =	simm.s32 $0x2;
	s25 =	sadd.s32 $0x40, s12;
	[dreg:$0x1f] =	wrdreg s24  }
0x27: {  	s6 =	simm.s32 $0x13F80;
	s26 =	sadd.s32 $0x60, s12;
	[smem:$0x7FC] =	sst s25  }
0x28: {  	s18 =	simm.s32 $0x1;
	s21 =	simm.s32 $0x13E00;
	[smem:$0x7FD] =	sst s26  }
0x29: {  	s24 =	simm.s32 $0x80;
	s25 =	simm.s32 $0x14000;
	s26 =	simm.s32 $0x4  }
.LBB2_10:
0x2a: {  	_ =	swait.ge [sflag:s18], $0x800  }
0x2b: {  	[sflag:s18] =	ssyncset.done $0x0  }
0x2c: {  	[sflag:s18] =	ssyncadd.s32 $0xFFFFF800  }
.LBB2_11:
0x2d: {  	s8 =	sadd.s32 $0x1, s8;
	s9 =	rddreg [dreg:$0x1e]  }
0x2e: {  	p2 =	sne.s32 s8, s9  }
.Ltmp1:
0x2f: {  	_ = 	snop;
	(pc) =	sbr.rel @!p2 .LBB2_12-.Ltmp1, $1  }
0x30: {  	_ =	sdelay $0x3  }
.LBB2_1:
.Ltmp2:
0x31: {  	s15 =	rddreg [dreg:$0x4];
	(pc) =	sbr.rel @!p0 .LBB2_2-.Ltmp2, $4  }
0x32: {  	s9 =	stileid.u32;
	s17 =	rddreg [dreg:$0x6]  }
0x33: {  	s10 =	sshll.u32 s9, $0x6;
	s12 =	sshrl.u32 s15, $0x3;
	s9 =	rddreg [dreg:$0x9]  }
0x34: {  	s11 =	sshrl.u32 @!p1 s9, $0x3;
	[smem:$0x7FB] =	sst s12  }
0x35: {  	s13 =	sshrl.u32 s17, $0x3;
	s10 =	sor.u32 $0x1C01, s10;
	[smem:$0x7FA] =	sst s11  }
0x36: {  	s9 =	rddreg [dreg:$0x10]  }
0x37: {  	[spmem:s12], [sflag:s10] =	dma.local [hbm:s9], $0x800  }
0x38: {  	s9 =	rddreg [dreg:$0x13]  }
0x39: {  	[spmem:s13], [sflag:s10] =	dma.local [hbm:s9], $0x800  }
0x3a: {  	s9 =	rddreg [dreg:$0x7]  }
0x3b: {  	s14 =	rddreg [dreg:$0x16];
	s9 =	sshrl.u32 s9, $0x3  }
0x3c: {  	[smem:$0x7F6] =	sst s9  }
0x3d: {  	[spmem:s9], [sflag:s10] =	dma.local [hbm:s14], $0x800  }
0x3e: {  	s9 =	rddreg [dreg:$0x8]  }
0x3f: {  	s17 =	rddreg [dreg:$0x19];
	s15 =	sshrl.u32 s9, $0x3  }
0x40: {  	[smem:$0x7F7] =	sst s15  }
0x41: {  	[spmem:s15], [sflag:s10] =	dma.local [hbm:s17], $0x800  }
0x42: {  	s9 =	rddreg [dreg:$0x1d]  }
0x43: {  	[spmem:s11], [sflag:s10] =	dma.local @!p1 [hbm:s9], $0x800  }
0x44: {  	_ =	swait.ge [sflag:s18], $0x800  }
0x45: {  	[sflag:s18] =	ssyncset.done $0x0  }
0x46: {  	[sflag:s18] =	ssyncadd.s32 $0xFFFFF800  }
0x47: {  	_ =	swait.ge [sflag:s18], $0x800  }
0x48: {  	[sflag:s18] =	ssyncset.done $0x0  }
0x49: {  	[sflag:s18] =	ssyncadd.s32 $0xFFFFF800  }
0x4a: {  	_ =	swait.ge [sflag:s18], $0x800  }
0x4b: {  	[sflag:s18] =	ssyncset.done $0x0  }
0x4c: {  	[sflag:s18] =	ssyncadd.s32 $0xFFFFF800  }
0x4d: {  	_ =	swait.ge [sflag:s18], $0x800  }
0x4e: {  	[sflag:s18] =	ssyncset.done $0x0  }
0x4f: {  	s9 =	simm.s32 @!p1 $0x1;
	[sflag:s18] =	ssyncadd.s32 $0xFFFFF800  }
0x50: {  	_ =	swait.ge @!p1 [sflag:s9], $0x800  }
0x51: {  	[sflag:s9] =	ssyncset.done @!p1 $0x0  }
0x52: {  	[sflag:s9] =	ssyncadd.s32 @!p1 $0xFFFFF800  }
0x53: {  	[bflag:$0x0] =	sbarrier.arrive $0xFFFF  }
0x54: {  	s12 =	rddreg [dreg:$0xa]  }
0x55: {  	s14 =	rddreg [dreg:$0x1f]  }
0x56: {  	[tilespmem:s19], [sflag:$0x3] =	stream.linear.gather [hbm4b:s12+s3], $0x100, $0x38;
	[tilespmem:$0x1C000] =	vst v63  }
0x57: {  	s15 =	sld [smem:$0x7FC]  }
0x58: {  	[tilespmem:s20], [sflag:$0x4] =	stream.linear.gather [hbm4b:s14+s3], $0x100, $0x38;
	[tilespmem:$0x1C000] =	vst v63  }
0x59: {  	s17 =	sld [smem:$0x7FD]  }
0x5a: {  	[tilespmem:s21], [sflag:$0x5] =	stream.linear.gather [hbm4b:s15+s3], $0x100, $0x38;
	[tilespmem:$0x1C000] =	vst v63  }
0x5b: {  	_ = 	snop  }
0x5c: {  	[tilespmem:s22], [sflag:$0x6] =	stream.linear.gather [hbm4b:s17+s3], $0x100, $0x38;
	[tilespmem:$0x1C000] =	vst v63  }
0x5d: {  	_ =	swait.ge [sflag:s23], $0x100  }
0x5e: {  	[sflag:s23] =	ssyncset.done $0x0  }
0x5f: {  	s17 =	simm.s32 $0xFFFFF680;
	[sflag:s23] =	ssyncadd.s32 $0xFFFFFF00  }
0x60: {  	[tilespmem:s25], [sflag:$0x1] =	stream.indirect.gather [hbm4b:s5+s24], $0x80, s19, s24, $0xb8;
	[tilespmem:$0x1C000] =	vst v63  }
.LBB2_7:
0x61: {  	_ =	swait.ge [sflag:s26], $0x100  }
0x62: {  	[sflag:s26] =	ssyncset.done $0x0  }
0x63: {  	[sflag:s26] =	ssyncadd.s32 $0xFFFFFF00  }
0x64: {  	[tilespmem:s28], [sflag:$0x2] =	stream.indirect.gather [hbm4b:s5+s24], $0x80, s20, s24, $0xb8;
	[tilespmem:$0x1C000] =	vst v63  }
0x65: {  	_ =	swait.ge [sflag:s18], $0x4000  }
0x66: {  	[sflag:s18] =	ssyncset.done $0x0  }
0x67: {  	[sflag:s18] =	ssyncadd.s32 $0xFFFFC000  }
0x68: {  	[spmem:s2] =	stream.indirect.scatter.add.f32 [tilespmem:s25], [sflag:$0x7], $0x80, s29, s24, $0xb8;
	[tilespmem:$0x1C000] =	vst v63  }
0x69: {  	_ =	swait.ge [sflag:s30], $0x4000  }
0x6a: {  	[sflag:s30] =	ssyncset.done $0x0  }
0x6b: {  	[sflag:s30] =	ssyncadd.s32 $0xFFFFC000  }
0x6c: {  	_ =	swait.ge [sflag:s31], $0x100  }
0x6d: {  	p2 =	seq.s32 s17, $0x0;
	[sflag:s31] =	ssyncset.done $0x0  }
0x6e: {  	s9 =	simm.s32 @p2 $0x2;
	[sflag:s31] =	ssyncadd.s32 $0xFFFFFF00  }
0x6f: {  	[tilespmem:s25], [sflag:$0x1] =	stream.indirect.gather [hbm4b:s5+s24], $0x80, s21, s24, $0xb8;
	[tilespmem:$0x1C000] =	vst v63  }
0x70: {  	_ =	swait.ge @p2 [sflag:s9], $0x4000  }
0x71: {  	s11 =	simm.s32 @p2 $0x13D80;
	[sflag:s9] =	ssyncset.done @p2 $0x0  }
0x72: {  	s12 =	simm.s32 @p2 $0x18000;
	[sflag:s9] =	ssyncadd.s32 @p2 $0xFFFFC000;
	s9 =	simm.s32 @p2 $0x80  }
0x73: {  	[spmem:s2] =	stream.indirect.scatter.add.f32 @p2 [tilespmem:s12], [sflag:$0x7], $0x80, s11, s9, $0xb8;
	[tilespmem:$0x1C000] =	vst v63  }
0x74: {  	s9 =	simm.s32 @p2 $0x7  }
0x75: {  	_ =	swait.ge @p2 [sflag:s9], $0x4000  }
0x76: {  	[sflag:s9] =	ssyncset.done @p2 $0x0  }
0x77: {  	[sflag:s9] =	ssyncadd.s32 @p2 $0xFFFFC000;
	s9 =	sadd.s32 @!p2 s17, s16  }
0x78: {  	s14 =	simm.s32 @!p2 $0x13C00;
	s12 =	simm.s32 @!p2 $0x0;
	s11 =	sadd.s32 @!p2 $0xA00, s9  }
0x79: {  	[tilespmem:s14], [sflag:$0x3] =	stream.linear.gather @!p2 [hbm4b:s11+s12], $0x100, $0x38;
	[tilespmem:$0x1C000] =	vst v63  }
0x7a: {  	s11 =	simm.s32 @!p2 $0x2  }
0x7b: {  	_ =	swait.ge @!p2 [sflag:s11], $0x4000  }
0x7c: {  	s15 =	simm.s32 @!p2 $0x18000;
	[sflag:s11] =	ssyncset.done @!p2 $0x0  }
0x7d: {  	s14 =	simm.s32 @!p2 $0x13D80;
	[sflag:s11] =	ssyncadd.s32 @!p2 $0xFFFFC000;
	s11 =	simm.s32 @!p2 $0x80  }
0x7e: {  	[spmem:s2] =	stream.indirect.scatter.add.f32 @!p2 [tilespmem:s15], [sflag:$0x7], $0x80, s14, s11, $0xb8;
	[tilespmem:$0x1C000] =	vst v63  }
0x7f: {  	s11 =	simm.s32 @!p2 $0x7  }
0x80: {  	_ =	swait.ge @!p2 [sflag:s11], $0x4000  }
0x81: {  	[sflag:s11] =	ssyncset.done @!p2 $0x0  }
0x82: {  	s9 =	sadd.s32 @!p2 $0xA20, s9;
	[sflag:s11] =	ssyncadd.s32 @!p2 $0xFFFFC000;
	s11 =	simm.s32 @!p2 $0x13D00  }
0x83: {  	[tilespmem:s11], [sflag:$0x4] =	stream.linear.gather @!p2 [hbm4b:s9+s12], $0x100, $0x38;
	[tilespmem:$0x1C000] =	vst v63  }
0x84: {  	_ =	swait.ge [sflag:s0], $0x100  }
0x85: {  	[sflag:s0] =	ssyncset.done $0x0  }
0x86: {  	[sflag:s0] =	ssyncadd.s32 $0xFFFFFF00  }
0x87: {  	[tilespmem:s28], [sflag:$0x2] =	stream.indirect.gather [hbm4b:s5+s24], $0x80, s22, s24, $0xb8;
	[tilespmem:$0x1C000] =	vst v63  }
0x88: {  	_ =	swait.ge [sflag:s18], $0x4000  }
0x89: {  	[sflag:s18] =	ssyncset.done $0x0  }
.Ltmp3:
0x8a: {  	[sflag:s18] =	ssyncadd.s32 $0xFFFFC000;
	(pc) =	sbr.rel @p2 .LBB2_9-.Ltmp3, $4  }
0x8b: {  	[spmem:s2] =	stream.indirect.scatter.add.f32 [tilespmem:s25], [sflag:$0x7], $0x80, s7, s24, $0xb8;
	[tilespmem:$0x1C000] =	vst v63  }
0x8c: {  	_ =	swait.ge [sflag:s30], $0x4000  }
0x8d: {  	[sflag:s30] =	ssyncset.done $0x0  }
0x8e: {  	[sflag:s30] =	ssyncadd.s32 $0xFFFFC000  }
0x8f: {  	_ =	swait.ge [sflag:s23], $0x100  }
0x90: {  	[sflag:s23] =	ssyncset.done $0x0  }
0x91: {  	s9 =	sadd.s32 s17, s16;
	[sflag:s23] =	ssyncadd.s32 $0xFFFFFF00  }
0x92: {  	[tilespmem:s25], [sflag:$0x1] =	stream.indirect.gather [hbm4b:s5+s24], $0x80, s19, s24, $0xb8;
	[tilespmem:$0x1C000] =	vst v63  }
0x93: {  	s11 =	sadd.s32 $0xA40, s9  }
0x94: {  	[tilespmem:s21], [sflag:$0x5] =	stream.linear.gather [hbm4b:s11+s3], $0x100, $0x38;
	[tilespmem:$0x1C000] =	vst v63  }
0x95: {  	_ =	swait.ge [sflag:s4], $0x4000  }
0x96: {  	[sflag:s4] =	ssyncset.done $0x0  }
0x97: {  	[sflag:s4] =	ssyncadd.s32 $0xFFFFC000  }
0x98: {  	[spmem:s2] =	stream.indirect.scatter.add.f32 [tilespmem:s28], [sflag:$0x7], $0x80, s6, s24, $0xb8;
	[tilespmem:$0x1C000] =	vst v63  }
.Ltmp4:
0x99: {  	_ = 	snop;
	(pc) =	sbr.rel .LBB2_7-.Ltmp4, $4  }
0x9a: {  	_ =	swait.ge [sflag:s30], $0x4000  }
0x9b: {  	[sflag:s30] =	ssyncset.done $0x0  }
0x9c: {  	s17 =	sadd.s32 $0x80, s17;
	s9 =	sadd.s32 $0xA60, s9;
	[sflag:s30] =	ssyncadd.s32 $0xFFFFC000  }
0x9d: {  	[tilespmem:s22], [sflag:$0x6] =	stream.linear.gather [hbm4b:s9+s3], $0x100, $0x38;
	[tilespmem:$0x1C000] =	vst v63  }
.LBB2_2:
0x9e: {  	s9 =	rddreg [dreg:$0x5]  }
0x9f: {  	[spmem:s12], [sflag:s10] =	dma.local [hbm:s9], $0x800  }
0xa0: {  	s9 =	rddreg [dreg:$0x12]  }
0xa1: {  	[spmem:s13], [sflag:s10] =	dma.local [hbm:s9], $0x800  }
0xa2: {  	s9 =	rddreg [dreg:$0x7]  }
0xa3: {  	s14 =	rddreg [dreg:$0x15];
	s9 =	sshrl.u32 s9, $0x3  }
0xa4: {  	[smem:$0x7F8] =	sst s9  }
0xa5: {  	[spmem:s9], [sflag:s10] =	dma.local [hbm:s14], $0x800  }
0xa6: {  	s9 =	rddreg [dreg:$0x8]  }
0xa7: {  	s17 =	rddreg [dreg:$0x18];
	s15 =	sshrl.u32 s9, $0x3  }
0xa8: {  	[smem:$0x7F9] =	sst s15  }
0xa9: {  	[spmem:s15], [sflag:s10] =	dma.local [hbm:s17], $0x800  }
0xaa: {  	s9 =	rddreg [dreg:$0x1c]  }
0xab: {  	[spmem:s11], [sflag:s10] =	dma.local @!p1 [hbm:s9], $0x800  }
0xac: {  	_ =	swait.ge [sflag:s18], $0x800  }
0xad: {  	[sflag:s18] =	ssyncset.done $0x0  }
0xae: {  	[sflag:s18] =	ssyncadd.s32 $0xFFFFF800  }
0xaf: {  	_ =	swait.ge [sflag:s18], $0x800  }
0xb0: {  	[sflag:s18] =	ssyncset.done $0x0  }
0xb1: {  	[sflag:s18] =	ssyncadd.s32 $0xFFFFF800  }
0xb2: {  	_ =	swait.ge [sflag:s18], $0x800  }
0xb3: {  	[sflag:s18] =	ssyncset.done $0x0  }
0xb4: {  	[sflag:s18] =	ssyncadd.s32 $0xFFFFF800  }
0xb5: {  	_ =	swait.ge [sflag:s18], $0x800  }
0xb6: {  	[sflag:s18] =	ssyncset.done $0x0  }
0xb7: {  	s17 =	simm.s32 @!p1 $0x1;
	[sflag:s18] =	ssyncadd.s32 $0xFFFFF800  }
0xb8: {  	_ =	swait.ge @!p1 [sflag:s17], $0x800  }
0xb9: {  	[sflag:s17] =	ssyncset.done @!p1 $0x0  }
0xba: {  	[sflag:s17] =	ssyncadd.s32 @!p1 $0xFFFFF800  }
0xbb: {  	[bflag:$0x0] =	sbarrier.arrive $0xFFFF  }
0xbc: {  	s12 =	rddreg [dreg:$0xa]  }
0xbd: {  	s14 =	rddreg [dreg:$0x1f]  }
0xbe: {  	[tilespmem:s19], [sflag:$0x3] =	stream.linear.gather [hbm4b:s12+s3], $0x100, $0x38;
	[tilespmem:$0x1C000] =	vst v63  }
0xbf: {  	s15 =	sld [smem:$0x7FC]  }
0xc0: {  	[tilespmem:s20], [sflag:$0x4] =	stream.linear.gather [hbm4b:s14+s3], $0x100, $0x38;
	[tilespmem:$0x1C000] =	vst v63  }
0xc1: {  	s17 =	sld [smem:$0x7FD]  }
0xc2: {  	[tilespmem:s21], [sflag:$0x5] =	stream.linear.gather [hbm4b:s15+s3], $0x100, $0x38;
	[tilespmem:$0x1C000] =	vst v63  }
0xc3: {  	_ = 	snop  }
0xc4: {  	[tilespmem:s22], [sflag:$0x6] =	stream.linear.gather [hbm4b:s17+s3], $0x100, $0x38;
	[tilespmem:$0x1C000] =	vst v63  }
0xc5: {  	_ =	swait.ge [sflag:s23], $0x100  }
0xc6: {  	[sflag:s23] =	ssyncset.done $0x0  }
0xc7: {  	s17 =	simm.s32 $0xFFFFF680;
	[sflag:s23] =	ssyncadd.s32 $0xFFFFFF00  }
0xc8: {  	[tilespmem:s25], [sflag:$0x1] =	stream.indirect.gather [hbm4b:s1+s24], $0x80, s19, s24, $0xb8;
	[tilespmem:$0x1C000] =	vst v63  }
.LBB2_3:
0xc9: {  	_ =	swait.ge [sflag:s26], $0x100  }
0xca: {  	[sflag:s26] =	ssyncset.done $0x0  }
0xcb: {  	[sflag:s26] =	ssyncadd.s32 $0xFFFFFF00  }
0xcc: {  	[tilespmem:s28], [sflag:$0x2] =	stream.indirect.gather [hbm4b:s1+s24], $0x80, s20, s24, $0xb8;
	[tilespmem:$0x1C000] =	vst v63  }
0xcd: {  	_ =	swait.ge [sflag:s18], $0x4000  }
0xce: {  	[sflag:s18] =	ssyncset.done $0x0  }
0xcf: {  	[sflag:s18] =	ssyncadd.s32 $0xFFFFC000  }
0xd0: {  	[spmem:s2] =	stream.indirect.scatter.add.f32 [tilespmem:s25], [sflag:$0x7], $0x80, s29, s24, $0xb8;
	[tilespmem:$0x1C000] =	vst v63  }
0xd1: {  	_ =	swait.ge [sflag:s30], $0x4000  }
0xd2: {  	[sflag:s30] =	ssyncset.done $0x0  }
0xd3: {  	[sflag:s30] =	ssyncadd.s32 $0xFFFFC000  }
0xd4: {  	_ =	swait.ge [sflag:s31], $0x100  }
0xd5: {  	p2 =	seq.s32 s17, $0x0;
	[sflag:s31] =	ssyncset.done $0x0  }
0xd6: {  	s12 =	simm.s32 @p2 $0x2;
	[sflag:s31] =	ssyncadd.s32 $0xFFFFFF00  }
0xd7: {  	[tilespmem:s25], [sflag:$0x1] =	stream.indirect.gather [hbm4b:s1+s24], $0x80, s21, s24, $0xb8;
	[tilespmem:$0x1C000] =	vst v63  }
0xd8: {  	_ =	swait.ge @p2 [sflag:s12], $0x4000  }
0xd9: {  	s14 =	simm.s32 @p2 $0x13D80;
	[sflag:s12] =	ssyncset.done @p2 $0x0  }
0xda: {  	s15 =	simm.s32 @p2 $0x18000;
	[sflag:s12] =	ssyncadd.s32 @p2 $0xFFFFC000;
	s12 =	simm.s32 @p2 $0x80  }
0xdb: {  	[spmem:s2] =	stream.indirect.scatter.add.f32 @p2 [tilespmem:s15], [sflag:$0x7], $0x80, s14, s12, $0xb8;
	[tilespmem:$0x1C000] =	vst v63  }
0xdc: {  	s12 =	simm.s32 @p2 $0x7  }
0xdd: {  	_ =	swait.ge @p2 [sflag:s12], $0x4000  }
0xde: {  	[sflag:s12] =	ssyncset.done @p2 $0x0  }
0xdf: {  	[sflag:s12] =	ssyncadd.s32 @p2 $0xFFFFC000;
	s12 =	sadd.s32 @!p2 s17, s16  }
0xe0: {  	s9 =	simm.s32 @!p2 $0x13C00;
	s15 =	simm.s32 @!p2 $0x0;
	s14 =	sadd.s32 @!p2 $0xA00, s12  }
0xe1: {  	[tilespmem:s9], [sflag:$0x3] =	stream.linear.gather @!p2 [hbm4b:s14+s15], $0x100, $0x38;
	[tilespmem:$0x1C000] =	vst v63  }
0xe2: {  	s9 =	simm.s32 @!p2 $0x2  }
0xe3: {  	_ =	swait.ge @!p2 [sflag:s9], $0x4000  }
0xe4: {  	s11 =	simm.s32 @!p2 $0x18000;
	[sflag:s9] =	ssyncset.done @!p2 $0x0  }
0xe5: {  	s14 =	simm.s32 @!p2 $0x13D80;
	[sflag:s9] =	ssyncadd.s32 @!p2 $0xFFFFC000;
	s9 =	simm.s32 @!p2 $0x80  }
0xe6: {  	[spmem:s2] =	stream.indirect.scatter.add.f32 @!p2 [tilespmem:s11], [sflag:$0x7], $0x80, s14, s9, $0xb8;
	[tilespmem:$0x1C000] =	vst v63  }
0xe7: {  	s9 =	simm.s32 @!p2 $0x7  }
0xe8: {  	_ =	swait.ge @!p2 [sflag:s9], $0x4000  }
0xe9: {  	[sflag:s9] =	ssyncset.done @!p2 $0x0  }
0xea: {  	s11 =	simm.s32 @!p2 $0x13D00;
	[sflag:s9] =	ssyncadd.s32 @!p2 $0xFFFFC000;
	s9 =	sadd.s32 @!p2 $0xA20, s12  }
0xeb: {  	[tilespmem:s11], [sflag:$0x4] =	stream.linear.gather @!p2 [hbm4b:s9+s15], $0x100, $0x38;
	[tilespmem:$0x1C000] =	vst v63  }
0xec: {  	_ =	swait.ge [sflag:s0], $0x100  }
0xed: {  	[sflag:s0] =	ssyncset.done $0x0  }
0xee: {  	[sflag:s0] =	ssyncadd.s32 $0xFFFFFF00  }
0xef: {  	[tilespmem:s28], [sflag:$0x2] =	stream.indirect.gather [hbm4b:s1+s24], $0x80, s22, s24, $0xb8;
	[tilespmem:$0x1C000] =	vst v63  }
0xf0: {  	_ =	swait.ge [sflag:s18], $0x4000  }
0xf1: {  	[sflag:s18] =	ssyncset.done $0x0  }
.Ltmp5:
0xf2: {  	[sflag:s18] =	ssyncadd.s32 $0xFFFFC000;
	(pc) =	sbr.rel @p2 .LBB2_5-.Ltmp5, $4  }
0xf3: {  	[spmem:s2] =	stream.indirect.scatter.add.f32 [tilespmem:s25], [sflag:$0x7], $0x80, s7, s24, $0xb8;
	[tilespmem:$0x1C000] =	vst v63  }
0xf4: {  	_ =	swait.ge [sflag:s30], $0x4000  }
0xf5: {  	[sflag:s30] =	ssyncset.done $0x0  }
0xf6: {  	[sflag:s30] =	ssyncadd.s32 $0xFFFFC000  }
0xf7: {  	_ =	swait.ge [sflag:s23], $0x100  }
0xf8: {  	[sflag:s23] =	ssyncset.done $0x0  }
0xf9: {  	s9 =	sadd.s32 s17, s16;
	[sflag:s23] =	ssyncadd.s32 $0xFFFFFF00  }
0xfa: {  	[tilespmem:s25], [sflag:$0x1] =	stream.indirect.gather [hbm4b:s1+s24], $0x80, s19, s24, $0xb8;
	[tilespmem:$0x1C000] =	vst v63  }
0xfb: {  	s11 =	sadd.s32 $0xA40, s9  }
0xfc: {  	[tilespmem:s21], [sflag:$0x5] =	stream.linear.gather [hbm4b:s11+s3], $0x100, $0x38;
	[tilespmem:$0x1C000] =	vst v63  }
0xfd: {  	_ =	swait.ge [sflag:s4], $0x4000  }
0xfe: {  	[sflag:s4] =	ssyncset.done $0x0  }
0xff: {  	[sflag:s4] =	ssyncadd.s32 $0xFFFFC000  }
0x100: {  	[spmem:s2] =	stream.indirect.scatter.add.f32 [tilespmem:s28], [sflag:$0x7], $0x80, s6, s24, $0xb8;
	[tilespmem:$0x1C000] =	vst v63  }
.Ltmp6:
0x101: {  	_ = 	snop;
	(pc) =	sbr.rel .LBB2_3-.Ltmp6, $4  }
0x102: {  	_ =	swait.ge [sflag:s30], $0x4000  }
0x103: {  	[sflag:s30] =	ssyncset.done $0x0  }
0x104: {  	s17 =	sadd.s32 $0x80, s17;
	s9 =	sadd.s32 $0xA60, s9;
	[sflag:s30] =	ssyncadd.s32 $0xFFFFC000  }
0x105: {  	[tilespmem:s22], [sflag:$0x6] =	stream.linear.gather [hbm4b:s9+s3], $0x100, $0x38;
	[tilespmem:$0x1C000] =	vst v63  }
.LBB2_9:
0x106: {  	_ =	swait.ge [sflag:s4], $0x4000  }
0x107: {  	[sflag:s4] =	ssyncset.done $0x0  }
0x108: {  	[sflag:s4] =	ssyncadd.s32 $0xFFFFC000  }
0x109: {  	[spmem:s2] =	stream.indirect.scatter.add.f32 [tilespmem:s28], [sflag:$0x7], $0x80, s6, s24, $0xb8;
	[tilespmem:$0x1C000] =	vst v63  }
0x10a: {  	_ =	swait.ge [sflag:s30], $0x4000  }
0x10b: {  	[sflag:s30] =	ssyncset.done $0x0  }
0x10c: {  	[sflag:s30] =	ssyncadd.s32 $0xFFFFC000  }
0x10d: {  	[bflag:$0x0] =	sbarrier.arrive $0xFFFF  }
0x10e: {  	s11 =	sld [smem:$0x7FB];
	_ =	sdelay $0x1  }
0x10f: {  	s9 =	rddreg [dreg:$0x11]  }
0x110: {  	[hbm:s9], [sflag:s10] =	dma.local [spmem:s11], $0x800  }
0x111: {  	s9 =	rddreg [dreg:$0x14]  }
0x112: {  	[hbm:s9], [sflag:s10] =	dma.local [spmem:s13], $0x800  }
0x113: {  	s17 =	sld [smem:$0x7F6];
	_ =	sdelay $0x1  }
0x114: {  	s9 =	rddreg [dreg:$0x17]  }
0x115: {  	[hbm:s9], [sflag:s10] =	dma.local [spmem:s17], $0x800  }
0x116: {  	s11 =	sld [smem:$0x7F7];
	_ =	sdelay $0x1  }
0x117: {  	s9 =	rddreg [dreg:$0x1a]  }
0x118: {  	[hbm:s9], [sflag:s10] =	dma.local [spmem:s11], $0x800  }
0x119: {  	s11 =	sld [smem:$0x7FA];
	_ =	sdelay $0x1  }
0x11a: {  	s9 =	rddreg [dreg:$0x1b]  }
0x11b: {  	[hbm:s9], [sflag:s10] =	dma.local @!p1 [spmem:s11], $0x800  }
0x11c: {  	_ =	swait.ge [sflag:s18], $0x800  }
0x11d: {  	[sflag:s18] =	ssyncset.done $0x0  }
0x11e: {  	[sflag:s18] =	ssyncadd.s32 $0xFFFFF800  }
0x11f: {  	_ =	swait.ge [sflag:s18], $0x800  }
0x120: {  	[sflag:s18] =	ssyncset.done $0x0  }
0x121: {  	[sflag:s18] =	ssyncadd.s32 $0xFFFFF800  }
0x122: {  	_ =	swait.ge [sflag:s18], $0x800  }
.Ltmp7:
0x123: {  	[sflag:s18] =	ssyncset.done $0x0;
	(pc) =	sbr.rel @p1 .LBB2_11-.Ltmp7, $4  }
.Ltmp8:
0x124: {  	[sflag:s18] =	ssyncadd.s32 $0xFFFFF800;
	(pc) =	sbr.rel @!p1 .LBB2_10-.Ltmp8, $4  }
0x125: {  	_ =	swait.ge [sflag:s18], $0x800  }
0x126: {  	[sflag:s18] =	ssyncset.done $0x0  }
0x127: {  	[sflag:s18] =	ssyncadd.s32 $0xFFFFF800  }
0x128: {  	_ = 	snop  }
.LBB2_5:
0x129: {  	_ =	swait.ge [sflag:s4], $0x4000  }
0x12a: {  	[sflag:s4] =	ssyncset.done $0x0  }
0x12b: {  	[sflag:s4] =	ssyncadd.s32 $0xFFFFC000  }
0x12c: {  	[spmem:s2] =	stream.indirect.scatter.add.f32 [tilespmem:s28], [sflag:$0x7], $0x80, s6, s24, $0xb8;
	[tilespmem:$0x1C000] =	vst v63  }
0x12d: {  	_ =	swait.ge [sflag:s30], $0x4000  }
0x12e: {  	[sflag:s30] =	ssyncset.done $0x0  }
0x12f: {  	[sflag:s30] =	ssyncadd.s32 $0xFFFFC000  }
0x130: {  	[bflag:$0x0] =	sbarrier.arrive $0xFFFF  }
0x131: {  	s11 =	sld [smem:$0x7FB];
	_ =	sdelay $0x1  }
0x132: {  	s9 =	rddreg [dreg:$0xb]  }
0x133: {  	[hbm:s9], [sflag:s10] =	dma.local [spmem:s11], $0x800  }
0x134: {  	s9 =	rddreg [dreg:$0xc]  }
0x135: {  	[hbm:s9], [sflag:s10] =	dma.local [spmem:s13], $0x800  }
0x136: {  	s17 =	sld [smem:$0x7F8];
	_ =	sdelay $0x1  }
0x137: {  	s9 =	rddreg [dreg:$0xd]  }
0x138: {  	[hbm:s9], [sflag:s10] =	dma.local [spmem:s17], $0x800  }
0x139: {  	s11 =	sld [smem:$0x7F9];
	_ =	sdelay $0x1  }
0x13a: {  	s9 =	rddreg [dreg:$0xe]  }
0x13b: {  	[hbm:s9], [sflag:s10] =	dma.local [spmem:s11], $0x800  }
0x13c: {  	s11 =	sld [smem:$0x7FA];
	_ =	sdelay $0x1  }
0x13d: {  	s9 =	rddreg [dreg:$0xf]  }
0x13e: {  	[hbm:s9], [sflag:s10] =	dma.local @!p1 [spmem:s11], $0x800  }
0x13f: {  	_ =	swait.ge [sflag:s18], $0x800  }
0x140: {  	[sflag:s18] =	ssyncset.done $0x0  }
0x141: {  	[sflag:s18] =	ssyncadd.s32 $0xFFFFF800  }
0x142: {  	_ =	swait.ge [sflag:s18], $0x800  }
0x143: {  	[sflag:s18] =	ssyncset.done $0x0  }
0x144: {  	[sflag:s18] =	ssyncadd.s32 $0xFFFFF800  }
0x145: {  	_ =	swait.ge [sflag:s18], $0x800  }
.Ltmp9:
0x146: {  	[sflag:s18] =	ssyncset.done $0x0;
	(pc) =	sbr.rel @p1 .LBB2_11-.Ltmp9, $4  }
.Ltmp10:
0x147: {  	[sflag:s18] =	ssyncadd.s32 $0xFFFFF800;
	(pc) =	sbr.rel @!p1 .LBB2_10-.Ltmp10, $4  }
0x148: {  	_ =	swait.ge [sflag:s18], $0x800  }
0x149: {  	[sflag:s18] =	ssyncset.done $0x0  }
0x14a: {  	[sflag:s18] =	ssyncadd.s32 $0xFFFFF800  }
0x14b: {  	_ = 	snop  }
.LBB2_12:
0x14c: {  	_ =	sfence.sel $0x180000  }
0x14d: {  	[bflag:$0x0] =	sbarrier.arrive $0xFFFF  }
0x14e: {  	_ =	strace $0x9000004D  }
0x14f: {  	s0 =	stileid.u32;
	[bflag:$0x2] =	sbarrier.arrive $0xFFFF  }
0x150: {  	p0 =	sne.s32 s0, $0x0;
	s0 =	rddreg [dreg:$0x3]  }
0x151: {  	s0 =	sadd.s32 @!p0 $0x100000, s0  }
0x152: {  	[sflag:s0] =	ssyncadd.tile.s32 @!p0 $0x1;
	_ =	shalt  }
.Lfunc_end2:
_tile_overlayer_lowered:
.L_overlay_start_2:
0x153: {  	(tag) =	ssettag $0x2  }
0x154: {  	s0 =	rddreg [dreg:$0x0];
	s2 =	stileid.u32  }
0x155: {  	s1 =	rddreg [dreg:$0x1];
	p0 =	sne.s32 s2, $0x0  }
0x156: {  	s3 =	rddreg [dreg:$0x2];
	[bflag:$0x3] =	sbarrier.arrive $0xFFFF;
	s2 =	simm.s32 @!p0 $0x1C07  }
0x157: {  	[timem:s3], [sflag:s2] =	dma.local @!p0 [hbm:s0], s1  }
0x158: {  	s0 =	simm.s32 @!p0 $0x7  }
0x159: {  	_ =	swait.ge @!p0 [sflag:s0], s1  }
0x15a: {  	s1 =	ssub.s32 @!p0 $0x0, s1;
	[sflag:s0] =	ssyncset.done @!p0 $0x0  }
0x15b: {  	[sflag:s0] =	ssyncadd.s32 @!p0 s1  }
0x15c: {  	[bflag:$0x3] =	sbarrier.arrive $0xFFFF  }
0x15d: {  	_ =	shalt  }

// kernel: _run.8.cloned.1.call-start
scs
__scs_entry_jumppad:
0x0: {  	(pc) =	sbr.rel $0x88, $3  }
0x1: {  	(tag) =	ssettag $0x0;
	lr =	simm.s32 $0x1  }
0x2: {  	[smem:$0x3F9B] =	sst lr;
	_ =	strace $0xD0000000  }
0x3: {  	_ = 	snop  }
0x4: {  	_ = 	snop  }
0x5: {  	_ = 	snop  }
0x6: {  	_ = 	snop  }
0x7: {  	_ = 	snop  }
__scs_overlays_trampoline_lowered:
0x8: {  	[smem:$0x3FAA] =	sst s0  }
0x9: {  	[smem:$0x3FAB] =	sst s1  }
0xa: {  	[smem:$0x3FAC] =	sst s2  }
0xb: {  	[smem:$0x3FAD] =	sst s3  }
0xc: {  	[smem:$0x3FAE] =	sst s4  }
0xd: {  	[smem:$0x3FAF] =	sst s5  }
0xe: {  	[smem:$0x3FB0] =	sst s6  }
0xf: {  	[smem:$0x3FB1] =	sst s7  }
0x10: {  	[smem:$0x3FB2] =	sst s8  }
0x11: {  	[smem:$0x3FB3] =	sst s9;
	s0 =	simm.s32 @!p0 $0x0  }
0x12: {  	s1 =	sld [smem:$0x3F99];
	s0 =	simm.s32 @p0 $0x1  }
0x13: {  	[smem:$0x3FB4] =	sst s0;
	s0 =	simm.s32 @!p1 $0x0  }
0x14: {  	s2 =	sld [smem:$0x3F98];
	s0 =	simm.s32 @p1 $0x1  }
0x15: {  	[smem:$0x3FB5] =	sst s0;
	s0 =	simm.s32 @!p2 $0x0  }
0x16: {  	s3 =	sld [smem:$0x3FDB];
	s0 =	simm.s32 @p2 $0x1  }
0x17: {  	s4 =	simm.s32 $0x1BF5;
	[smem:$0x3FB7] =	sst s0  }
0x18: {  	s0 =	sld [smem:$0x3F9A];
	_ =	swait.ge [sflag:s4], $0x0  }
0x19: {  	s7 =	sld [smem:$0x3F9B]  }
0x1a: {  	s8 =	sadd.s32 $0xFFFFE003, lr  }
0x1b: {  	s9 =	sadd.s32 $0xFFFFFEF7, lr;
	s5 =	simm.s32 $0xFFFFFFFF;
	p2 =	slt.u32 s8, $0xFFFFF086  }
0x1c: {  	p1 =	slt.u32 s9, $0xF7A;
	s5 =	simm.s32 @!p2 $0x0  }
0x1d: {  	s5 =	simm.s32 @p1 $0x1;
	p0 =	seq.s32 s7, s2  }
0x1e: {  	s7 =	smul.u32 @!p0 $0xF7A, s2;
	p2 =	seq.s32 @!p0 s5, $0x0  }
0x1f: {  	s9 =	smul.u32 $0xF7A, s1;
	s8 =	simm.s32 @!p0 $0x1BF5;
	p2 =	por !p2, p0  }
0x20: {  	[sflag:s8] =	ssyncset.s32 @!p0 $0xFFFFF086;
	s6 =	sadd.s32 @!p0 s3, s7;
	s7 =	simm.s32 @!p0 $0x108  }
0x21: {  	s3 =	sadd.s32 s3, s9;
	s6 =	sadd.s32 @!p0 $0x88, s6;
	s7 =	simm.s32 @p2 $0x1082  }
0x22: {  	[simem:s7], [sflag:s8] =	dma.local @!p0 [hbm:s6], $0xF7A  }
0x23: {  	s9 =	sor.u32 $0xD0000000, s2;
	s6 =	simm.s32 $0x108;
	_ =	swait.ge @!p0 [sflag:s8], $0x0  }
0x24: {  	s3 =	sadd.s32 $0x88, s3;
	s6 =	simm.s32 @!p1 $0x1082;
	[sflag:s4] =	ssyncset.s32 $0xFFFFF086  }
0x25: {  	[simem:s6], [sflag:s4] =	dma.local [hbm:s3], $0xF7A  }
0x26: {  	[smem:$0x3F9B] =	sst s1;
	(tag) =	ssettag s2;
	_ =	strace s9  }
0x27: {  	s1 =	sld [smem:$0x3FAB]  }
0x28: {  	s2 =	sld [smem:$0x3FAC]  }
0x29: {  	s4 =	sld [smem:$0x3FAE]  }
0x2a: {  	p0 =	seq.s32 s5, $0x0;
	s5 =	sld [smem:$0x3FAF]  }
0x2b: {  	s6 =	sld [smem:$0x3FB0]  }
0x2c: {  	s7 =	sld [smem:$0x3FB1]  }
0x2d: {  	s3 =	simm.s32 $0x108;
	s8 =	sld [smem:$0x3FB2]  }
0x2e: {  	s3 =	simm.s32 @!p0 $0x1082;
	s9 =	sld [smem:$0x3FB3]  }
0x2f: {  	lr =	sadd.s32 s0, s3;
	s0 =	sld [smem:$0x3FAA]  }
0x30: {  	s3 =	sld [smem:$0x3FAD]  }
0x31: {  	[smem:$0x3FB6] =	sst s10  }
0x32: {  	s10 =	sld [smem:$0x3FB4];
	_ =	sdelay $0x3  }
0x33: {  	p0 =	seq.s32 s10, $0x1;
	s10 =	sld [smem:$0x3FB6];
	_ =	sdelay $0x3  }
0x34: {  	[smem:$0x3FB6] =	sst s10  }
0x35: {  	s10 =	sld [smem:$0x3FB5];
	_ =	sdelay $0x3  }
0x36: {  	p1 =	seq.s32 s10, $0x1;
	s10 =	sld [smem:$0x3FB6];
	_ =	sdelay $0x3  }
0x37: {  	[smem:$0x3FB6] =	sst s10  }
0x38: {  	s10 =	sld [smem:$0x3FB7]  }
0x39: {  	_ = 	snop;
	(pc) =	sbr.ind lr, $3  }
0x3a: {  	_ = 	snop  }
0x3b: {  	_ = 	snop  }
0x3c: {  	p2 =	seq.s32 s10, $0x1;
	s10 =	sld [smem:$0x3FB6]  }
0x3d: {  	_ =	shalt  }
0x3e: {  	_ =	shalt  }
0x3f: {  	_ =	shalt  }
0x40: {  	_ =	shalt  }
0x41: {  	_ =	shalt  }
0x42: {  	_ =	shalt  }
0x43: {  	_ =	shalt  }
0x44: {  	_ =	shalt  }
0x45: {  	_ =	shalt  }
0x46: {  	_ =	shalt  }
0x47: {  	_ =	shalt  }
0x48: {  	_ =	shalt  }
0x49: {  	_ =	shalt  }
0x4a: {  	_ =	shalt  }
0x4b: {  	_ =	shalt  }
0x4c: {  	_ =	shalt  }
0x4d: {  	_ =	shalt  }
0x4e: {  	_ =	shalt  }
0x4f: {  	_ =	shalt  }
0x50: {  	_ =	shalt  }
0x51: {  	_ =	shalt  }
0x52: {  	_ =	shalt  }
0x53: {  	_ =	shalt  }
0x54: {  	_ =	shalt  }
0x55: {  	_ =	shalt  }
0x56: {  	_ =	shalt  }
0x57: {  	_ =	shalt  }
0x58: {  	_ =	shalt  }
0x59: {  	_ =	shalt  }
0x5a: {  	_ =	shalt  }
0x5b: {  	_ =	shalt  }
0x5c: {  	_ =	shalt  }
0x5d: {  	_ =	shalt  }
0x5e: {  	_ =	shalt  }
0x5f: {  	_ =	shalt  }
0x60: {  	_ =	shalt  }
0x61: {  	_ =	shalt  }
0x62: {  	_ =	shalt  }
0x63: {  	_ =	shalt  }
0x64: {  	_ =	shalt  }
0x65: {  	_ =	shalt  }
0x66: {  	_ =	shalt  }
0x67: {  	_ =	shalt  }
0x68: {  	_ =	shalt  }
0x69: {  	_ =	shalt  }
0x6a: {  	_ =	shalt  }
0x6b: {  	_ =	shalt  }
0x6c: {  	_ =	shalt  }
0x6d: {  	_ =	shalt  }
0x6e: {  	_ =	shalt  }
0x6f: {  	_ =	shalt  }
0x70: {  	_ =	shalt  }
0x71: {  	_ =	shalt  }
0x72: {  	_ =	shalt  }
0x73: {  	_ =	shalt  }
0x74: {  	_ =	shalt  }
0x75: {  	_ =	shalt  }
0x76: {  	_ =	shalt  }
0x77: {  	_ =	shalt  }
0x78: {  	_ =	shalt  }
0x79: {  	_ =	shalt  }
0x7a: {  	_ =	shalt  }
0x7b: {  	_ =	shalt  }
0x7c: {  	_ =	shalt  }
0x7d: {  	_ =	shalt  }
0x7e: {  	_ =	shalt  }
0x7f: {  	_ =	shalt  }
0x80: {  	_ =	shalt  }
0x81: {  	_ =	shalt  }
0x82: {  	_ =	shalt  }
0x83: {  	_ =	shalt  }
0x84: {  	_ =	shalt  }
0x85: {  	_ =	shalt  }
0x86: {  	_ =	shalt  }
0x87: {  	_ =	shalt  }
.Lfunc_end0:
.L_simem_size_0:
called_computation_lowered:
.L_overlay_start_0:
0x88: {  	s2 =	sld [smem:$0x3FD9]  }
0x89: {  	s3 =	sld [smem:$0x3FFE];
	_ =	sdelay $0x1  }
0x8a: {  	s1 =	srdreg.scid  }
0x8b: {  	s0 =	sand.u32 $0x1, s1  }
0x8c: {  	s17 =	sshll.u32 s0, $0xA;
	s2 =	sadd.s32 s3, s2  }
0x8d: {  	s2 =	sadd.s32 s2, s17  }
0x8e: {  	[smem:$0x3FC2] =	sst s2  }
0x8f: {  	_ = 	snop  }
0x90: {  	s2 =	sld [smem:$0x3FD0];
	(tm) =	ssettm $0x1  }
0x91: {  	s18 =	sld [smem:$0x3FFB];
	_ =	sdelay $0x3  }
0x92: {  	_ =	strace s18  }
0x93: {  	s3 =	sld [smem:$0x3FFC];
	_ =	sdelay $0x3  }
0x94: {  	_ =	strace s3  }
0x95: {  	s3 =	sld [smem:$0x3FFD];
	_ =	sdelay $0x3  }
0x96: {  	_ =	strace s3  }
0x97: {  	_ =	strace $0x8FFFFFFF  }
0x98: {  	s19 =	sld [smem:$0x3FDB];
	_ =	sdelay $0x1  }
0x99: {  	s4 =	simm.s32 $_scs_section_size  }
0x9a: {  	s5 =	simm.s32 $_size__tile_overlayer_lowered;
	s6 =	simm.s32 $_tile_overlayer_lowered  }
0x9b: {  	s22 =	simm.s32 $0x1BFF;
	s21 =	sshll.u32 s6, $0x1;
	s3 =	sadd.s32 s4, s19  }
0x9c: {  	s7 =	simm.s32 $0x0;
	s20 =	sshll.u32 s5, $0x1;
	s5 =	sadd.s32 s21, s3  }
0x9d: {  	[timem:s7], [sflag:s22] =	dma.local [hbm:s5], s20  }
0x9e: {  	_ =	swait.ge [sflag:s22], s20  }
0x9f: {  	s4 =	ssub.s32 $0x0, s20;
	[sflag:s22] =	ssyncset.done $0x0  }
0xa0: {  	[sflag:s22] =	ssyncadd.s32 s4;
	_ =	sdelay $0x1  }
0xa1: {  	s23 =	simm.s32 $0x1B8B  }
0xa2: {  	_ =	swait.ge [sflag:s23], $0x1  }
0xa3: {  	[sflag:s23] =	ssyncset.done $0x0  }
0xa4: {  	s25 =	simm.s32 $0x1B8E;
	s24 =	sld [smem:$0x3FFE];
	[sflag:s23] =	ssyncadd.s32 $0xFFFFFFFF  }
0xa5: {  	s26 =	simm.s32 $execute0_lowered;
	[smem:$0x3FD2] =	sst s25  }
0xa6: {  	s5 =	sshll.u32 s26, $0x1;
	_ =	strace $0x80000046;
	[dreg:$0x1] =	wrdreg $0xFFFFFFFF  }
0xa7: {  	s28 =	simm.s32 $_size_execute0_lowered;
	s3 =	sadd.s32 s3, s5;
	[dreg:$0x0] =	wrdreg $0x0  }
0xa8: {  	s5 =	sshll.u32 s28, $0x1;
	[dreg:$0x2] =	wrdreg s3  }
0xa9: {  	[dreg:$0x3] =	wrdreg s5  }
0xaa: {  	[dreg:$0x4] =	wrdreg $0xC0  }
0xab: {  	_ =	task [dreg:s7], $0x5FFFF  }
0xac: {  	[dreg:$0x1] =	wrdreg $0xFFFFFFFF  }
0xad: {  	[dreg:$0x0] =	wrdreg $0x60  }
0xae: {  	[dreg:$0x2] =	wrdreg s2  }
0xaf: {  	[dreg:$0x3] =	wrdreg s24  }
0xb0: {  	[dreg:$0x4] =	wrdreg $0x0  }
0xb1: {  	[dreg:$0x5] =	wrdreg $0x9  }
0xb2: {  	_ =	task.clear_ibuf [dreg:s7], $0x6FFFF;
	_ =	strace $0x90000046  }
0xb3: {  	s29 =	simm.s32 $0x9;
	_ =	strace $0x80000048  }
0xb4: {  	_ =	swait.ge [sflag:s29], $0x1  }
0xb5: {  	[sflag:s29] =	ssyncadd.s32 $0xFFFFFFFF  }
0xb6: {  	_ =	strace $0x90000048  }
0xb7: {  	_ =	sfence  }
0xb8: {  	s30 =	sld [smem:$0x0];
	_ =	sdelay $0x2  }
0xb9: {  	s31 =	sshll.u32 s1, $0xD;
	s1 =	sshrl.u32 s1, $0x2  }
0xba: {  	s3 =	sand.u32 $0x4000, s31;
	s1 =	sadd.s32 s1, s30  }
0xbb: {  	s0 =	sor.u32 s3, s0;
	s1 =	sshll.u32 s1, $0x11  }
0xbc: {  	s0 =	sor.u32 s1, s0  }
0xbd: {  	s0 =	sadd.s32 $0x8F2B, s0  }
0xbe: {  	[sflag:s0] =	ssyncadd.remote.s32 $0x1  }
0xbf: {  	_ =	sfence.sel $0xFFFF  }
0xc0: {  	[dreg:$0x0] =	wrdreg $0xFFFFFFFF;
	(pc) =	sbr.abs _section_cstart, $3  }
0xc1: {  	[dreg:$0x1] =	wrdreg $0xFFFFFFFF  }
0xc2: {  	_ =	task.clear_ibuf [dreg:s7], $0x2FFFF;
	_ =	strace $0x9FFFFFFF  }
0xc3: {  	(tm) =	ssettm $0x7FFFFFFF  }
tec
execute0_lowered:
.L_overlay_start_1:
0x0: {  	(tag) =	ssettag $0x1  }
0x1: {  	s0 =	rddreg [dreg:$0x0]  }
0x2: {  	s1 =	rddreg [dreg:$0x1]  }
0x3: {  	s2 =	rddreg [dreg:$0x2];
	s4 =	srdreg.scid  }
0x4: {  	s19 =	stileid.u32;
	s3 =	simm.s32 $0x0;
	s28 =	simm.s32 $0x16F8  }
0x5: {  	s29 =	simm.s32 $0x1678;
	s30 =	simm.s32 $0x80;
	s31 =	simm.s32 $0x15F8  }
0x6: {  	s5 =	sand.u32 $0x1, s4;
	s23 =	sshll.u32 s19, $0x1;
	s12 =	smul.u32 $0x5, s19  }
0x7: {  	[smem:$0x7FF] =	sst s3;
	s4 =	sadd.s32 $0x3E00, s1;
	s9 =	smul.u32 $0xA00, s19  }
0x8: {  	s20 =	sadd.s32 $0x4000, s1;
	s21 =	sadd.s32 $0x4600, s1;
	s15 =	smul.u32 $0x280, s19  }
0x9: {  	p1 =	seq.s32 s19, $0xF;
	s19 =	simm.s32 $0x1378;
	s6 =	sor.u32 s5, s23  }
0xa: {  	_ =	strace $0x80000047;
	s7 =	ssub.s32 $0x2, s5;
	[dreg:$0x4] =	wrdreg s20  }
0xb: {  	p0 =	seq.s32 s5, $0x1;
	[dreg:$0x5] =	wrdreg s21;
	s6 =	smul.u32 $0x280, s6  }
0xc: {  	s8 =	sshrl.u32 s7, $0x1;
	s24 =	sshrl.u32 s9, $0x2;
	s26 =	sadd.s32 $0x2, s12  }
0xd: {  	s16 =	sadd.s32 $0x3, s12;
	s17 =	sadd.s32 $0x4, s12;
	s18 =	sshrl.u32 s15, $0x3  }
0xe: {  	s15 =	sadd.s32 s15, s2;
	s14 =	ssub.s32 s7, s8;
	s8 =	sadd.s32 $0x3E10, s1  }
0xf: {  	s9 =	sadd.s32 s24, s2;
	s22 =	sshll.u32 s26, $0x7;
	s23 =	sshll.u32 s16, $0x7  }
0x10: {  	s24 =	sshll.u32 s17, $0x7;
	s1 =	sshll.u32 s26, $0x4;
	s16 =	sshll.u32 s16, $0x4  }
0x11: {  	s7 =	sadd.s32 s0, s6;
	s0 =	sadd.s32 $0x1, s12;
	s11 =	sadd.s32 s22, s2  }
0x12: {  	s12 =	sadd.s32 s23, s2;
	s13 =	sadd.s32 s24, s2;
	s6 =	sadd.s32 s20, s1  }
0x13: {  	s22 =	sadd.s32 s20, s16;
	s23 =	sshll.u32 s17, $0x4;
	[dreg:$0x8] =	wrdreg s6  }
0x14: {  	s24 =	sadd.s32 s21, s18;
	s17 =	simm.s32 $0x1278;
	[dreg:$0x9] =	wrdreg s22  }
0x15: {  	s25 =	sshll.u32 s0, $0x7;
	s0 =	sshll.u32 s0, $0x4;
	[dreg:$0xa] =	wrdreg s23  }
0x16: {  	[dreg:$0xb] =	wrdreg s24;
	s24 =	smax.u32 s14, $0x1;
	s6 =	simm.s32 $0x11F8  }
0x17: {  	s22 =	simm.s32 $0x14F8;
	s10 =	sadd.s32 s25, s2;
	s25 =	sadd.s32 s20, s18  }
0x18: {  	s23 =	simm.s32 $0x1578;
	s26 =	sadd.s32 s20, s0;
	[dreg:$0x6] =	wrdreg s25  }
.Ltmp0:
0x19: {  	s0 =	sadd.s32 s21, s0;
	[dreg:$0x7] =	wrdreg s26;
	(pc) =	sbr.rel .LBB2_1-.Ltmp0, $4  }
0x1a: {  	s18 =	simm.s32 $0x12F8;
	s20 =	simm.s32 $0x13F8;
	[dreg:$0xc] =	wrdreg s0  }
0x1b: {  	s25 =	sadd.s32 s21, s1;
	s26 =	sadd.s32 s21, s16;
	s21 =	simm.s32 $0x1478  }
0x1c: {  	s0 =	simm.s32 $0x1;
	s1 =	simm.s32 $0x0;
	[dreg:$0xd] =	wrdreg s25  }
0x1d: {  	[dreg:$0xe] =	wrdreg s26;
	s25 =	simm.s32 $0x278;
	s26 =	simm.s32 $0x2  }
.LBB2_6:
0x1e: {  	s16 =	rddreg [dreg:$0xa]  }
0x1f: {  	s14 =	sadd.s32 s14, s16;
	s16 =	sshrl.u32 s13, $0x3  }
0x20: {  	[hbm:s14], [sflag:s5] =	dma.local [spmem:s16], $0x10  }
0x21: {  	_ =	swait.ge [sflag:s26], $0x10  }
0x22: {  	[sflag:s26] =	ssyncset.done $0x0  }
0x23: {  	[sflag:s26] =	ssyncadd.s32 $0xFFFFFFF0  }
.LBB2_7:
0x24: {  	s1 =	sadd.s32 $0x1, s1  }
0x25: {  	p2 =	sne.s32 s1, s24  }
.Ltmp1:
0x26: {  	_ = 	snop;
	(pc) =	sbr.rel @!p2 .LBB2_8-.Ltmp1, $1  }
0x27: {  	_ =	sdelay $0x3  }
.LBB2_1:
0x28: {  	[tilespmem:s25], [sflag:$0x2] =	stream.linear.gather [hbm4b:s7+s3], $0x1400, $0x38;
	[tilespmem:$0x1778] =	vst v63  }
0x29: {  	_ =	swait.ge [sflag:s26], $0x1400  }
0x2a: {  	[sflag:s26] =	ssyncset.done $0x0  }
0x2b: {  	[sflag:s26] =	ssyncadd.s32 $0xFFFFEC00  }
0x2c: {  	[tilespmem:s28], [sflag:$0x2] =	stream.linear.gather [hbm4b:s4+s3], $0x80, $0x38;
	[tilespmem:$0x1778] =	vst v63  }
0x2d: {  	_ =	swait.ge [sflag:s26], $0x80  }
0x2e: {  	[sflag:s26] =	ssyncset.done $0x0  }
0x2f: {  	[sflag:s26] =	ssyncadd.s32 $0xFFFFFF80  }
0x30: {  	[tilespmem:s29], [sflag:$0x2] =	stream.linear.gather [hbm4b:s8+s3], $0x80, $0x38;
	[tilespmem:$0x1778] =	vst v63  }
0x31: {  	_ =	swait.ge [sflag:s26], $0x80  }
0x32: {  	[sflag:s26] =	ssyncset.done $0x0  }
0x33: {  	[sflag:s26] =	ssyncadd.s32 $0xFFFFFF80  }
0x34: {  	[spmem:s9] =	stream.linear.scatter [tilespmem:s28], [sflag:$0x2], $0x80, $0x38;
	[tilespmem:$0x1778] =	vst v63  }
0x35: {  	_ =	swait.ge [sflag:s26], $0x80  }
0x36: {  	[sflag:s26] =	ssyncset.done $0x0  }
0x37: {  	[sflag:s26] =	ssyncadd.s32 $0xFFFFFF80  }
0x38: {  	[spmem:s10] =	stream.linear.scatter [tilespmem:s28], [sflag:$0x2], $0x80, $0x38;
	[tilespmem:$0x1778] =	vst v63  }
0x39: {  	_ =	swait.ge [sflag:s26], $0x80  }
0x3a: {  	[sflag:s26] =	ssyncset.done $0x0  }
0x3b: {  	[sflag:s26] =	ssyncadd.s32 $0xFFFFFF80  }
0x3c: {  	[spmem:s11] =	stream.linear.scatter [tilespmem:s28], [sflag:$0x2], $0x80, $0x38;
	[tilespmem:$0x1778] =	vst v63  }
0x3d: {  	_ =	swait.ge [sflag:s26], $0x80  }
0x3e: {  	[sflag:s26] =	ssyncset.done $0x0  }
0x3f: {  	[sflag:s26] =	ssyncadd.s32 $0xFFFFFF80  }
0x40: {  	[spmem:s12] =	stream.linear.scatter [tilespmem:s28], [sflag:$0x2], $0x80, $0x38;
	[tilespmem:$0x1778] =	vst v63  }
0x41: {  	_ =	swait.ge [sflag:s26], $0x80  }
0x42: {  	[sflag:s26] =	ssyncset.done $0x0  }
0x43: {  	s5 =	simm.s32 @!p1 $0x16F8;
	[sflag:s26] =	ssyncadd.s32 $0xFFFFFF80  }
0x44: {  	[spmem:s13] =	stream.linear.scatter @!p1 [tilespmem:s5], [sflag:$0x2], $0x80, $0x38;
	[tilespmem:$0x1778] =	vst v63  }
0x45: {  	s5 =	simm.s32 @!p1 $0x2  }
0x46: {  	_ =	swait.ge @!p1 [sflag:s5], $0x80  }
0x47: {  	[sflag:s5] =	ssyncset.done @!p1 $0x0  }
0x48: {  	[sflag:s5] =	ssyncadd.s32 @!p1 $0xFFFFFF80  }
0x49: {  	[bflag:$0x0] =	sbarrier.arrive $0xFFFF  }
0x4a: {  	[spmem:s2] =	stream.indirect.scatter.add.f32 [tilespmem:s29], [sflag:$0x1], $0x1, s25, s30, $0xb8;
	[tilespmem:$0x1778] =	vst v63  }
0x4b: {  	s14 =	simm.s32 $0x2F8  }
0x4c: {  	[spmem:s2] =	stream.indirect.scatter.add.f32 [tilespmem:s29], [sflag:$0x1], $0x1, s14, s30, $0xb8;
	[tilespmem:$0x1778] =	vst v63  }
0x4d: {  	s16 =	simm.s32 $0x378  }
0x4e: {  	[spmem:s2] =	stream.indirect.scatter.add.f32 [tilespmem:s29], [sflag:$0x1], $0x1, s16, s30, $0xb8;
	[tilespmem:$0x1778] =	vst v63  }
0x4f: {  	s14 =	simm.s32 $0x3F8  }
0x50: {  	[spmem:s2] =	stream.indirect.scatter.add.f32 [tilespmem:s29], [sflag:$0x1], $0x1, s14, s30, $0xb8;
	[tilespmem:$0x1778] =	vst v63  }
0x51: {  	s16 =	simm.s32 $0x478  }
0x52: {  	[spmem:s2] =	stream.indirect.scatter.add.f32 [tilespmem:s29], [sflag:$0x1], $0x1, s16, s30, $0xb8;
	[tilespmem:$0x1778] =	vst v63  }
0x53: {  	s14 =	simm.s32 $0x4F8  }
0x54: {  	[spmem:s2] =	stream.indirect.scatter.add.f32 [tilespmem:s29], [sflag:$0x1], $0x1, s14, s30, $0xb8;
	[tilespmem:$0x1778] =	vst v63  }
0x55: {  	s16 =	simm.s32 $0x578  }
0x56: {  	[spmem:s2] =	stream.indirect.scatter.add.f32 [tilespmem:s29], [sflag:$0x1], $0x1, s16, s30, $0xb8;
	[tilespmem:$0x1778] =	vst v63  }
0x57: {  	s14 =	simm.s32 $0x5F8  }
0x58: {  	[spmem:s2] =	stream.indirect.scatter.add.f32 [tilespmem:s29], [sflag:$0x1], $0x1, s14, s30, $0xb8;
	[tilespmem:$0x1778] =	vst v63  }
0x59: {  	s16 =	simm.s32 $0x678  }
0x5a: {  	[spmem:s2] =	stream.indirect.scatter.add.f32 [tilespmem:s29], [sflag:$0x1], $0x1, s16, s30, $0xb8;
	[tilespmem:$0x1778] =	vst v63  }
0x5b: {  	s14 =	simm.s32 $0x6F8  }
0x5c: {  	[spmem:s2] =	stream.indirect.scatter.add.f32 [tilespmem:s29], [sflag:$0x1], $0x1, s14, s30, $0xb8;
	[tilespmem:$0x1778] =	vst v63  }
0x5d: {  	s16 =	simm.s32 $0x778  }
0x5e: {  	[spmem:s2] =	stream.indirect.scatter.add.f32 [tilespmem:s29], [sflag:$0x1], $0x1, s16, s30, $0xb8;
	[tilespmem:$0x1778] =	vst v63  }
0x5f: {  	s14 =	simm.s32 $0x7F8  }
0x60: {  	[spmem:s2] =	stream.indirect.scatter.add.f32 [tilespmem:s29], [sflag:$0x1], $0x1, s14, s30, $0xb8;
	[tilespmem:$0x1778] =	vst v63  }
0x61: {  	s16 =	simm.s32 $0x878  }
0x62: {  	[spmem:s2] =	stream.indirect.scatter.add.f32 [tilespmem:s29], [sflag:$0x1], $0x1, s16, s30, $0xb8;
	[tilespmem:$0x1778] =	vst v63  }
0x63: {  	s14 =	simm.s32 $0x8F8  }
0x64: {  	[spmem:s2] =	stream.indirect.scatter.add.f32 [tilespmem:s29], [sflag:$0x1], $0x1, s14, s30, $0xb8;
	[tilespmem:$0x1778] =	vst v63  }
0x65: {  	s16 =	simm.s32 $0x978  }
0x66: {  	[spmem:s2] =	stream.indirect.scatter.add.f32 [tilespmem:s29], [sflag:$0x1], $0x1, s16, s30, $0xb8;
	[tilespmem:$0x1778] =	vst v63  }
0x67: {  	s14 =	simm.s32 $0x9F8  }
0x68: {  	[spmem:s2] =	stream.indirect.scatter.add.f32 [tilespmem:s29], [sflag:$0x1], $0x1, s14, s30, $0xb8;
	[tilespmem:$0x1778] =	vst v63  }
0x69: {  	s16 =	simm.s32 $0xA78  }
0x6a: {  	[spmem:s2] =	stream.indirect.scatter.add.f32 [tilespmem:s29], [sflag:$0x1], $0x1, s16, s30, $0xb8;
	[tilespmem:$0x1778] =	vst v63  }
0x6b: {  	s14 =	simm.s32 $0xAF8  }
0x6c: {  	[spmem:s2] =	stream.indirect.scatter.add.f32 [tilespmem:s29], [sflag:$0x1], $0x1, s14, s30, $0xb8;
	[tilespmem:$0x1778] =	vst v63  }
0x6d: {  	s16 =	simm.s32 $0xB78  }
0x6e: {  	[spmem:s2] =	stream.indirect.scatter.add.f32 [tilespmem:s29], [sflag:$0x1], $0x1, s16, s30, $0xb8;
	[tilespmem:$0x1778] =	vst v63  }
0x6f: {  	s14 =	simm.s32 $0xBF8  }
0x70: {  	[spmem:s2] =	stream.indirect.scatter.add.f32 [tilespmem:s29], [sflag:$0x1], $0x1, s14, s30, $0xb8;
	[tilespmem:$0x1778] =	vst v63  }
0x71: {  	s16 =	simm.s32 $0xC78  }
0x72: {  	[spmem:s2] =	stream.indirect.scatter.add.f32 [tilespmem:s29], [sflag:$0x1], $0x1, s16, s30, $0xb8;
	[tilespmem:$0x1778] =	vst v63  }
0x73: {  	s14 =	simm.s32 $0xCF8  }
0x74: {  	[spmem:s2] =	stream.indirect.scatter.add.f32 [tilespmem:s29], [sflag:$0x1], $0x1, s14, s30, $0xb8;
	[tilespmem:$0x1778] =	vst v63  }
0x75: {  	s16 =	simm.s32 $0xD78  }
0x76: {  	[spmem:s2] =	stream.indirect.scatter.add.f32 [tilespmem:s29], [sflag:$0x1], $0x1, s16, s30, $0xb8;
	[tilespmem:$0x1778] =	vst v63  }
0x77: {  	s14 =	simm.s32 $0xDF8  }
0x78: {  	[spmem:s2] =	stream.indirect.scatter.add.f32 [tilespmem:s29], [sflag:$0x1], $0x1, s14, s30, $0xb8;
	[tilespmem:$0x1778] =	vst v63  }
0x79: {  	s16 =	simm.s32 $0xE78  }
0x7a: {  	[spmem:s2] =	stream.indirect.scatter.add.f32 [tilespmem:s29], [sflag:$0x1], $0x1, s16, s30, $0xb8;
	[tilespmem:$0x1778] =	vst v63  }
0x7b: {  	s14 =	simm.s32 $0xEF8  }
0x7c: {  	[spmem:s2] =	stream.indirect.scatter.add.f32 [tilespmem:s29], [sflag:$0x1], $0x1, s14, s30, $0xb8;
	[tilespmem:$0x1778] =	vst v63  }
0x7d: {  	s16 =	simm.s32 $0xF78  }
0x7e: {  	[spmem:s2] =	stream.indirect.scatter.add.f32 [tilespmem:s29], [sflag:$0x1], $0x1, s16, s30, $0xb8;
	[tilespmem:$0x1778] =	vst v63  }
0x7f: {  	s14 =	simm.s32 $0xFF8  }
0x80: {  	[spmem:s2] =	stream.indirect.scatter.add.f32 [tilespmem:s29], [sflag:$0x1], $0x1, s14, s30, $0xb8;
	[tilespmem:$0x1778] =	vst v63  }
0x81: {  	s16 =	simm.s32 $0x1078  }
0x82: {  	[spmem:s2] =	stream.indirect.scatter.add.f32 [tilespmem:s29], [sflag:$0x1], $0x1, s16, s30, $0xb8;
	[tilespmem:$0x1778] =	vst v63  }
0x83: {  	s14 =	simm.s32 $0x10F8  }
0x84: {  	[spmem:s2] =	stream.indirect.scatter.add.f32 [tilespmem:s29], [sflag:$0x1], $0x1, s14, s30, $0xb8;
	[tilespmem:$0x1778] =	vst v63  }
0x85: {  	s16 =	simm.s32 $0x1178  }
0x86: {  	[spmem:s2] =	stream.indirect.scatter.add.f32 [tilespmem:s29], [sflag:$0x1], $0x1, s16, s30, $0xb8;
	[tilespmem:$0x1778] =	vst v63  }
0x87: {  	_ = 	snop  }
0x88: {  	[spmem:s2] =	stream.indirect.scatter.add.f32 [tilespmem:s29], [sflag:$0x1], $0x1, s6, s30, $0xb8;
	[tilespmem:$0x1778] =	vst v63  }
0x89: {  	_ = 	snop  }
0x8a: {  	[spmem:s2] =	stream.indirect.scatter.add.f32 [tilespmem:s29], [sflag:$0x1], $0x1, s17, s30, $0xb8;
	[tilespmem:$0x1778] =	vst v63  }
0x8b: {  	_ = 	snop  }
0x8c: {  	[spmem:s2] =	stream.indirect.scatter.add.f32 [tilespmem:s29], [sflag:$0x1], $0x1, s18, s30, $0xb8;
	[tilespmem:$0x1778] =	vst v63  }
0x8d: {  	_ = 	snop  }
0x8e: {  	[spmem:s2] =	stream.indirect.scatter.add.f32 [tilespmem:s29], [sflag:$0x1], $0x1, s19, s30, $0xb8;
	[tilespmem:$0x1778] =	vst v63  }
0x8f: {  	_ = 	snop  }
0x90: {  	[spmem:s2] =	stream.indirect.scatter.add.f32 [tilespmem:s29], [sflag:$0x1], $0x1, s20, s30, $0xb8;
	[tilespmem:$0x1778] =	vst v63  }
0x91: {  	_ = 	snop  }
0x92: {  	[spmem:s2] =	stream.indirect.scatter.add.f32 [tilespmem:s29], [sflag:$0x1], $0x1, s21, s30, $0xb8;
	[tilespmem:$0x1778] =	vst v63  }
0x93: {  	_ = 	snop  }
0x94: {  	[spmem:s2] =	stream.indirect.scatter.add.f32 [tilespmem:s29], [sflag:$0x1], $0x1, s22, s30, $0xb8;
	[tilespmem:$0x1778] =	vst v63  }
0x95: {  	_ = 	snop  }
0x96: {  	[spmem:s2] =	stream.indirect.scatter.add.f32 [tilespmem:s29], [sflag:$0x1], $0x1, s23, s30, $0xb8;
	[tilespmem:$0x1778] =	vst v63  }
0x97: {  	_ = 	snop  }
0x98: {  	[spmem:s2] =	stream.indirect.scatter.add.f32 [tilespmem:s29], [sflag:$0x1], $0x1, s31, s30, $0xb8;
	[tilespmem:$0x1778] =	vst v63  }
0x99: {  	_ =	swait.ge [sflag:s0], $0x80  }
0x9a: {  	s5 =	simm.s32 $0x27;
	[sflag:s0] =	ssyncset.done $0x0  }
.LBB2_2:
0x9b: {  	p2 =	sne.s32 s5, $0x1;
	s5 =	sadd.s32 $0xFFFFFFFF, s5;
	[sflag:s0] =	ssyncadd.s32 $0xFFFFFF80  }
.Ltmp2:
0x9c: {  	(pc) =	sbr.rel @p2 .LBB2_2-.Ltmp2, $3  }
0x9d: {  	_ =	sdelay $0x1  }
0x9e: {  	_ =	swait.ge [sflag:s0], $0x80  }
0x9f: {  	[sflag:s0] =	ssyncset.done $0x0  }
.Ltmp3:
0xa0: {  	(pc) =	sbr.rel @!p0 .LBB2_4-.Ltmp3, $4  }
0xa1: {  	_ = 	snop  }
0xa2: {  	[sflag:s0] =	ssyncadd.s32 $0xFFFFFF80;
	s5 =	stileid.u32  }
0xa3: {  	s16 =	sshll.u32 s5, $0x6;
	[bflag:$0x0] =	sbarrier.arrive $0xFFFF  }
0xa4: {  	s14 =	sshrl.u32 s15, $0x3;
	s5 =	sor.u32 $0x1C02, s16  }
0xa5: {  	s5 =	sor.u32 $0x1C02, s16;
	s16 =	rddreg [dreg:$0xb]  }
0xa6: {  	[hbm:s16], [sflag:s5] =	dma.local [spmem:s14], $0x10  }
0xa7: {  	_ =	swait.ge [sflag:s26], $0x10  }
0xa8: {  	[sflag:s26] =	ssyncset.done $0x0  }
0xa9: {  	s14 =	sshrl.u32 s10, $0x3;
	s16 =	rddreg [dreg:$0xc];
	[sflag:s26] =	ssyncadd.s32 $0xFFFFFFF0  }
0xaa: {  	[hbm:s16], [sflag:s5] =	dma.local [spmem:s14], $0x10  }
0xab: {  	_ =	swait.ge [sflag:s26], $0x10  }
0xac: {  	[sflag:s26] =	ssyncset.done $0x0  }
0xad: {  	s14 =	sshrl.u32 s11, $0x3;
	s16 =	rddreg [dreg:$0xd];
	[sflag:s26] =	ssyncadd.s32 $0xFFFFFFF0  }
0xae: {  	[hbm:s16], [sflag:s5] =	dma.local [spmem:s14], $0x10  }
0xaf: {  	_ =	swait.ge [sflag:s26], $0x10  }
0xb0: {  	[sflag:s26] =	ssyncset.done $0x0  }
0xb1: {  	s14 =	sshrl.u32 s12, $0x3;
	s16 =	rddreg [dreg:$0xe];
	[sflag:s26] =	ssyncadd.s32 $0xFFFFFFF0  }
0xb2: {  	[hbm:s16], [sflag:s5] =	dma.local [spmem:s14], $0x10  }
.Ltmp4:
0xb3: {  	_ = 	snop;
	(pc) =	sbr.rel @p1 .LBB2_7-.Ltmp4, $4  }
.Ltmp5:
0xb4: {  	_ = 	snop;
	(pc) =	sbr.rel @!p1 .LBB2_6-.Ltmp5, $4  }
0xb5: {  	_ =	swait.ge [sflag:s26], $0x10  }
0xb6: {  	[sflag:s26] =	ssyncset.done $0x0  }
0xb7: {  	s14 =	rddreg [dreg:$0x5];
	[sflag:s26] =	ssyncadd.s32 $0xFFFFFFF0  }
0xb8: {  	_ = 	snop  }
.LBB2_4:
0xb9: {  	s16 =	rddreg [dreg:$0x6]  }
0xba: {  	[hbm:s16], [sflag:s5] =	dma.local [spmem:s14], $0x10  }
0xbb: {  	_ =	swait.ge [sflag:s26], $0x10  }
0xbc: {  	[sflag:s26] =	ssyncset.done $0x0  }
0xbd: {  	s14 =	sshrl.u32 s10, $0x3;
	s16 =	rddreg [dreg:$0x7];
	[sflag:s26] =	ssyncadd.s32 $0xFFFFFFF0  }
0xbe: {  	[hbm:s16], [sflag:s5] =	dma.local [spmem:s14], $0x10  }
0xbf: {  	_ =	swait.ge [sflag:s26], $0x10  }
0xc0: {  	[sflag:s26] =	ssyncset.done $0x0  }
0xc1: {  	s14 =	sshrl.u32 s11, $0x3;
	s16 =	rddreg [dreg:$0x8];
	[sflag:s26] =	ssyncadd.s32 $0xFFFFFFF0  }
0xc2: {  	[hbm:s16], [sflag:s5] =	dma.local [spmem:s14], $0x10  }
0xc3: {  	_ =	swait.ge [sflag:s26], $0x10  }
0xc4: {  	[sflag:s26] =	ssyncset.done $0x0  }
0xc5: {  	s14 =	sshrl.u32 s12, $0x3;
	s16 =	rddreg [dreg:$0x9];
	[sflag:s26] =	ssyncadd.s32 $0xFFFFFFF0  }
0xc6: {  	[hbm:s16], [sflag:s5] =	dma.local [spmem:s14], $0x10  }
.Ltmp6:
0xc7: {  	_ = 	snop;
	(pc) =	sbr.rel @p1 .LBB2_7-.Ltmp6, $4  }
.Ltmp7:
0xc8: {  	_ = 	snop;
	(pc) =	sbr.rel @!p1 .LBB2_6-.Ltmp7, $4  }
0xc9: {  	_ =	swait.ge [sflag:s26], $0x10  }
0xca: {  	[sflag:s26] =	ssyncset.done $0x0  }
0xcb: {  	s14 =	rddreg [dreg:$0x4];
	[sflag:s26] =	ssyncadd.s32 $0xFFFFFFF0  }
0xcc: {  	_ = 	snop  }
.LBB2_8:
0xcd: {  	_ =	sfence.sel $0x180000  }
0xce: {  	[bflag:$0x0] =	sbarrier.arrive $0xFFFF  }
0xcf: {  	_ =	strace $0x90000047  }
0xd0: {  	s0 =	stileid.u32;
	[bflag:$0x2] =	sbarrier.arrive $0xFFFF  }
0xd1: {  	p0 =	sne.s32 s0, $0x0;
	s0 =	rddreg [dreg:$0x3]  }
0xd2: {  	s0 =	sadd.s32 @!p0 $0x100000, s0  }
0xd3: {  	[sflag:s0] =	ssyncadd.tile.s32 @!p0 $0x1;
	_ =	shalt  }
.Lfunc_end2:
_tile_overlayer_lowered:
.L_overlay_start_2:
0xd4: {  	(tag) =	ssettag $0x2  }
0xd5: {  	s0 =	rddreg [dreg:$0x0];
	s2 =	stileid.u32  }
0xd6: {  	s1 =	rddreg [dreg:$0x1];
	p0 =	sne.s32 s2, $0x0  }
0xd7: {  	s3 =	rddreg [dreg:$0x2];
	[bflag:$0x3] =	sbarrier.arrive $0xFFFF;
	s2 =	simm.s32 @!p0 $0x1C02  }
0xd8: {  	[timem:s3], [sflag:s2] =	dma.local @!p0 [hbm:s0], s1  }
0xd9: {  	s0 =	simm.s32 @!p0 $0x2  }
0xda: {  	_ =	swait.ge @!p0 [sflag:s0], s1  }
0xdb: {  	s1 =	ssub.s32 @!p0 $0x0, s1;
	[sflag:s0] =	ssyncset.done @!p0 $0x0  }
0xdc: {  	[sflag:s0] =	ssyncadd.s32 @!p0 s1  }
0xdd: {  	[bflag:$0x3] =	sbarrier.arrive $0xFFFF  }
0xde: {  	_ =	shalt  }

</sc_bundles>
